<compile_context>
chip_gen: v7x
topology: tpu7x:2x2x1
jax: 0.10.2.dev20260603
libtpu: 0.0.44.dev20260713+nightly
codegen_flags: <defaults>
</compile_context>

<pallas_src>
import functools

import jax
import jax.numpy as jnp
from jax import lax
from jax.experimental import pallas as pl
from jax.experimental.pallas import tpu as pltpu
from jax.experimental.pallas import tpu_sc as plsc

NC = 1
NS = 16
NW = NC * NS
K = 128
NBUF = 8


def _mm1_body(h_ref, w1_ref, wv_ref, b1_ref, x1b_ref, xs_ref, wm_ref):
    x1 = jnp.dot(h_ref[...], w1_ref[...], preferred_element_type=jnp.float32)
    wv = wv_ref[...]
    x1b_ref[...] = x1 + b1_ref[...]
    xs_ref[...] = x1 * wv
    wm_ref[...] = jnp.broadcast_to(wv, x1.shape)


def _out_body(agg_ref, h1_ref, w2_ref, b2_ref, o_ref):
    z = agg_ref[...] + h1_ref[...]
    z = jnp.dot(z, w2_ref[...], preferred_element_type=jnp.float32) + b2_ref[...]
    z = z - jnp.max(z, axis=1, keepdims=True)
    o_ref[...] = z - jnp.log(jnp.sum(jnp.exp(z), axis=1, keepdims=True))


def _edge_loop(nec, table, sidx, didx, rows, acc, semg, sems_):
    for b in range(NBUF):
        pltpu.async_copy(table.at[sidx.at[b]], rows.at[b], semg[b])

    def outer(o, carry):
        base = o * NBUF
        for b in range(NBUF):
            j = base + b
            pltpu.make_async_copy(table.at[sidx.at[j]], rows.at[b],
                                  semg[b]).wait()
            pltpu.async_copy(rows.at[b], acc.at[didx.at[j]], sems_[b],
                             add=True)
        for b in range(NBUF):
            j = base + b
            pltpu.make_async_copy(rows.at[b], acc.at[didx.at[j]],
                                  sems_[b]).wait()
            jn = j + NBUF

            @pl.when(jn < nec)
            def _():
                pltpu.async_copy(table.at[sidx.at[jn]], rows.at[b], semg[b])
        return carry

    lax.fori_loop(0, nec // NBUF, outer, 0)


def _mega_body(nec, npt, hid, xs, x1b, wm, srcr, dstr, h1_out, agg2_out,
               sidx, didx, rows, zbuf, av, bv, cv, acc, tbl1, tbl2, *sems):
    semg, sems_ = sems[:NBUF], sems[NBUF:]
    sid = lax.axis_index("s")
    r0 = sid * npt
    cps = [
        pltpu.async_copy(srcr.at[0, sid], sidx, semg[0]),
        pltpu.async_copy(dstr.at[0, sid], didx, semg[1]),
        pltpu.async_copy(xs.at[pl.ds(r0, npt)], tbl1.at[pl.ds(r0, npt)],
                         semg[2]),
    ]
    zero = jnp.zeros((hid,), jnp.float32)
    for i in range(K):
        zbuf[i, :] = zero
    for k in range(npt // K):
        pltpu.sync_copy(zbuf, acc.at[pl.ds(r0 + k * K, K)])
    for cp in cps:
        cp.wait()
    plsc.subcore_barrier()

    _edge_loop(nec, tbl1, sidx, didx, rows, acc, semg, sems_)
    plsc.subcore_barrier()

    nh = npt // 2

    def mrow(i, carry):
        for u in range(8):
            r = i * 8 + u
            h = jnp.maximum(av[r, :] + bv[r, :], 0.0)
            bv[r, :] = h
            cv[r, :] = h * cv[r, :]
        return carry

    for half in range(2):
        rh = r0 + half * nh
        pltpu.sync_copy(acc.at[pl.ds(rh, nh)], av)
        pltpu.sync_copy(x1b.at[pl.ds(rh, nh)], bv)
        pltpu.sync_copy(wm.at[pl.ds(rh, nh)], cv)
        lax.fori_loop(0, nh // 8, mrow, 0)
        pltpu.sync_copy(bv, h1_out.at[pl.ds(rh, nh)])
        pltpu.sync_copy(cv, tbl2.at[pl.ds(rh, nh)])
    for k in range(npt // K):
        pltpu.sync_copy(zbuf, acc.at[pl.ds(r0 + k * K, K)])
    plsc.subcore_barrier()

    _edge_loop(nec, tbl2, sidx, didx, rows, acc, semg, sems_)
    plsc.subcore_barrier()
    pltpu.sync_copy(acc.at[pl.ds(r0, npt)], agg2_out.at[pl.ds(r0, npt)])


@jax.jit
def kernel(structure, H, input_weight, W1, b1, W2, b2):
    N, D = H.shape
    HID = W1.shape[1]
    C = W2.shape[1]
    E = structure.shape[1]

    NP = ((N + 1 + NS * K - 1) // (NS * K)) * (NS * K)
    EPW = -(-E // (NW * K * NBUF)) * (K * NBUF)
    NEC = EPW // K
    NPT = NP // NS

    wv = jnp.pad(input_weight, (0, NP - N))[:, None]
    edges = jnp.pad(structure, ((0, 0), (0, EPW * NW - E)),
                    constant_values=N)
    srcr = edges[0].reshape(NC, NS, NEC, K)
    dstr = edges[1].reshape(NC, NS, NEC, K)

    B = 2048
    grid = NP // B

    x1b, xs, wm = pl.pallas_call(
        _mm1_body,
        grid=(grid,),
        in_specs=[
            pl.BlockSpec((B, D), lambda i: (i, 0)),
            pl.BlockSpec((D, HID), lambda i: (0, 0)),
            pl.BlockSpec((B, 1), lambda i: (i, 0)),
            pl.BlockSpec((1, HID), lambda i: (0, 0)),
        ],
        out_specs=[
            pl.BlockSpec((B, HID), lambda i: (i, 0)),
            pl.BlockSpec((B, HID), lambda i: (i, 0)),
            pl.BlockSpec((B, HID), lambda i: (i, 0)),
        ],
        out_shape=[
            jax.ShapeDtypeStruct((NP, HID), jnp.float32),
            jax.ShapeDtypeStruct((NP, HID), jnp.float32),
            jax.ShapeDtypeStruct((NP, HID), jnp.float32),
        ],
    )(H, W1, wv, b1[None, :])

    h1, agg2 = pl.kernel(
        functools.partial(_mega_body, NEC, NPT, HID),
        out_type=[
            jax.ShapeDtypeStruct((NP, HID), jnp.float32),
            jax.ShapeDtypeStruct((NP, HID), jnp.float32),
        ],
        mesh=plsc.VectorSubcoreMesh(
            core_axis_name="c", subcore_axis_name="s",
            num_cores=NC, num_subcores=NS),
        scratch_types=[
            pltpu.VMEM((NEC, K), jnp.int32),
            pltpu.VMEM((NEC, K), jnp.int32),
            pltpu.VMEM((NBUF, K, HID), jnp.float32),
            pltpu.VMEM((K, HID), jnp.float32),
            pltpu.VMEM((NPT // 2, HID), jnp.float32),
            pltpu.VMEM((NPT // 2, HID), jnp.float32),
            pltpu.VMEM((NPT // 2, HID), jnp.float32),
            pltpu.VMEM_SHARED((NP, HID), jnp.float32),
            pltpu.VMEM_SHARED((NP, HID), jnp.float32),
            pltpu.VMEM_SHARED((NP, HID), jnp.float32),
        ] + [pltpu.SemaphoreType.DMA] * (2 * NBUF),
        compiler_params=pltpu.CompilerParams(use_tc_tiling_on_sc=False),
    )(xs, x1b, wm, srcr, dstr)

    out = pl.pallas_call(
        _out_body,
        grid=(grid,),
        in_specs=[
            pl.BlockSpec((B, HID), lambda i: (i, 0)),
            pl.BlockSpec((B, HID), lambda i: (i, 0)),
            pl.BlockSpec((HID, C), lambda i: (0, 0)),
            pl.BlockSpec((1, C), lambda i: (0, 0)),
        ],
        out_specs=pl.BlockSpec((B, C), lambda i: (i, 0)),
        out_shape=jax.ShapeDtypeStruct((N, C), jnp.float32),
    )(agg2, h1, W2, b2[None, :])

    return out

# --- scband reference (transcript-rebuilt; emitter-appended) ---
"""Pipeline reference for scband-hyper-msg-46136538694225 (READ-ONLY COPY).

The authoritative reference and input builder live on the scoring server;
editing this copy changes nothing except your own understanding.
"""

import jax, jax.numpy as jnp
import numpy as np

N = 10000
E = 320000
D = 128
HID = 16
C = 40


def setup_inputs(seed: int = 0) -> dict:
    key = jax.random.key(seed)
    k1, k2, k3, k4, k5 = jax.random.split(key, 5)
    H = jax.random.normal(k1, (N, D), dtype=jnp.float32)
    structure = jax.random.randint(k2, (2, E), 0, N, dtype=jnp.int32)
    input_weight = jax.random.uniform(k3, (N,), dtype=jnp.float32)
    W1 = jax.random.normal(k4, (D, HID), dtype=jnp.float32) * 0.05
    b1 = jnp.zeros((HID,), dtype=jnp.float32)
    W2 = jax.random.normal(k5, (HID, C), dtype=jnp.float32) * 0.05
    b2 = jnp.zeros((C,), dtype=jnp.float32)
    return {"structure": structure, "H": H, "input_weight": input_weight,
            "W1": W1, "b1": b1, "W2": W2, "b2": b2}


def _hypermsg_conv(structure, H, input_weight, W, b):
    # HyperMSGConvolution: weighted message passing over the (hyper)graph
    # followed by a linear transform. Messages from src nodes are scaled
    # by learned/provided per-node input weights and scatter-added to dst.
    src = structure[0]
    dst = structure[1]
    msg = H[src] * input_weight[src][:, None]          # gather + scale
    agg = jnp.zeros_like(H).at[dst].add(msg)           # scatter-add
    out = (agg + H) @ W + b                            # self + neighbor, linear
    return out


def reference(structure, H, input_weight, W1, b1, W2, b2):
    # layer 1 + ReLU (dropout is a no-op in eval mode)
    h = jax.nn.relu(_hypermsg_conv(structure, H, input_weight, W1, b1))
    # layer 2
    h = _hypermsg_conv(structure, h, input_weight, W2, b2)
    return jax.nn.log_softmax(h, axis=1)

if __name__ == "__main__":
    import jax
    _d = setup_inputs()
    print(jax.jit(kernel)(*tuple(_d.values())))

</pallas_src>

<mosaic_0001>
#map = affine_map<(d0, d1) -> (0, 0)>
#map1 = affine_map<(d0, d1) -> (0, 0, 0, 0)>
module attributes {stable_mosaic.version = 14 : i64} {
  func.func @_mega_body(%arg0: i32, %arg1: i32, %arg2: memref<10240x16xf32, #tpu.memory_space<hbm>>, %arg3: memref<10240x16xf32, #tpu.memory_space<hbm>>, %arg4: memref<10240x16xf32, #tpu.memory_space<hbm>>, %arg5: memref<1x16x160x128xi32, #tpu.memory_space<hbm>>, %arg6: memref<1x16x160x128xi32, #tpu.memory_space<hbm>>, %arg7: memref<10240x16xf32, #tpu.memory_space<hbm>>, %arg8: memref<10240x16xf32, #tpu.memory_space<hbm>>, %arg9: memref<160x128xi32, #tpu.memory_space<vmem>>, %arg10: memref<160x128xi32, #tpu.memory_space<vmem>>, %arg11: memref<8x128x16xf32, #tpu.memory_space<vmem>>, %arg12: memref<128x16xf32, #tpu.memory_space<vmem>>, %arg13: memref<320x16xf32, #tpu.memory_space<vmem>>, %arg14: memref<320x16xf32, #tpu.memory_space<vmem>>, %arg15: memref<320x16xf32, #tpu.memory_space<vmem>>, %arg16: memref<10240x16xf32, #tpu.memory_space<vmem_shared>>, %arg17: memref<10240x16xf32, #tpu.memory_space<vmem_shared>>, %arg18: memref<10240x16xf32, #tpu.memory_space<vmem_shared>>, %arg19: memref<!tpu.dma_semaphore, #tpu.memory_space<semaphore_mem>>, %arg20: memref<!tpu.dma_semaphore, #tpu.memory_space<semaphore_mem>>, %arg21: memref<!tpu.dma_semaphore, #tpu.memory_space<semaphore_mem>>, %arg22: memref<!tpu.dma_semaphore, #tpu.memory_space<semaphore_mem>>, %arg23: memref<!tpu.dma_semaphore, #tpu.memory_space<semaphore_mem>>, %arg24: memref<!tpu.dma_semaphore, #tpu.memory_space<semaphore_mem>>, %arg25: memref<!tpu.dma_semaphore, #tpu.memory_space<semaphore_mem>>, %arg26: memref<!tpu.dma_semaphore, #tpu.memory_space<semaphore_mem>>, %arg27: memref<!tpu.dma_semaphore, #tpu.memory_space<semaphore_mem>>, %arg28: memref<!tpu.dma_semaphore, #tpu.memory_space<semaphore_mem>>, %arg29: memref<!tpu.dma_semaphore, #tpu.memory_space<semaphore_mem>>, %arg30: memref<!tpu.dma_semaphore, #tpu.memory_space<semaphore_mem>>, %arg31: memref<!tpu.dma_semaphore, #tpu.memory_space<semaphore_mem>>, %arg32: memref<!tpu.dma_semaphore, #tpu.memory_space<semaphore_mem>>, %arg33: memref<!tpu.dma_semaphore, #tpu.memory_space<semaphore_mem>>, %arg34: memref<!tpu.dma_semaphore, #tpu.memory_space<semaphore_mem>>) attributes {dimension_semantics = [#tpu.dimension_semantics<core_parallel>, #tpu.dimension_semantics<subcore_parallel>], iteration_bounds = array<i64: 1, 16>, scalar_prefetch = 0 : i64, scratch_operands = 26 : i64, tpu.core_type = #tpu.core_type<sc_vector_subcore>, window_params = [{transform_indices = #map}, {transform_indices = #map}, {transform_indices = #map}, {transform_indices = #map1}, {transform_indices = #map1}, {transform_indices = #map}, {transform_indices = #map}]} {
    %mul3A = arith.constant 640 : i32
    %mul3A_0 = arith.muli %arg1, %mul3A : i32
    %dma_start3A = arith.constant 0 : i32
    %dma_start3A_1 = arith.constant 0 : i32
    %dma_start3A_2 = arith.constant 0 : i32
    %dma_start3A_3 = tpu.memref_slice %arg5[%dma_start3A, %arg1, %dma_start3A_1, %dma_start3A_2] : memref<1x16x160x128xi32, #tpu.memory_space<hbm>> -> memref<1x1x160x128xi32, #tpu.memory_space<hbm>>
    %dma_start3A_4 = tpu.memref_squeeze %dma_start3A_3 : memref<1x1x160x128xi32, #tpu.memory_space<hbm>> -> memref<160x128xi32, #tpu.memory_space<hbm>>
    %dma_start3A_5 = arith.constant 0 : i32
    %dma_start3A_6 = arith.constant 0 : i32
    %dma_start3A_7 = tpu.memref_slice %arg5[%dma_start3A, %arg1, %dma_start3A_5, %dma_start3A_6] : memref<1x16x160x128xi32, #tpu.memory_space<hbm>> -> memref<1x1x160x128xi32, #tpu.memory_space<hbm>>
    %dma_start3A_8 = tpu.memref_squeeze %dma_start3A_7 : memref<1x1x160x128xi32, #tpu.memory_space<hbm>> -> memref<160x128xi32, #tpu.memory_space<hbm>>
    tpu.enqueue_dma source(%dma_start3A_8 : memref<160x128xi32, #tpu.memory_space<hbm>>) target(%arg9 : memref<160x128xi32, #tpu.memory_space<vmem>>) target_semaphore(%arg19 : memref<!tpu.dma_semaphore, #tpu.memory_space<semaphore_mem>>)
    %dma_start3A_9 = arith.constant 0 : i32
    %dma_start3A_10 = arith.constant 0 : i32
    %dma_start3A_11 = arith.constant 0 : i32
    %dma_start3A_12 = tpu.memref_slice %arg6[%dma_start3A_9, %arg1, %dma_start3A_10, %dma_start3A_11] : memref<1x16x160x128xi32, #tpu.memory_space<hbm>> -> memref<1x1x160x128xi32, #tpu.memory_space<hbm>>
    %dma_start3A_13 = tpu.memref_squeeze %dma_start3A_12 : memref<1x1x160x128xi32, #tpu.memory_space<hbm>> -> memref<160x128xi32, #tpu.memory_space<hbm>>
    %dma_start3A_14 = arith.constant 0 : i32
    %dma_start3A_15 = arith.constant 0 : i32
    %dma_start3A_16 = tpu.memref_slice %arg6[%dma_start3A_9, %arg1, %dma_start3A_14, %dma_start3A_15] : memref<1x16x160x128xi32, #tpu.memory_space<hbm>> -> memref<1x1x160x128xi32, #tpu.memory_space<hbm>>
    %dma_start3A_17 = tpu.memref_squeeze %dma_start3A_16 : memref<1x1x160x128xi32, #tpu.memory_space<hbm>> -> memref<160x128xi32, #tpu.memory_space<hbm>>
    tpu.enqueue_dma source(%dma_start3A_17 : memref<160x128xi32, #tpu.memory_space<hbm>>) target(%arg10 : memref<160x128xi32, #tpu.memory_space<vmem>>) target_semaphore(%arg20 : memref<!tpu.dma_semaphore, #tpu.memory_space<semaphore_mem>>)
    %dma_start3A_18 = arith.constant 0 : i32
    %dma_start3A_19 = tpu.memref_slice %arg17[%mul3A_0, %dma_start3A_18] : memref<10240x16xf32, #tpu.memory_space<vmem_shared>> -> memref<640x16xf32, #tpu.memory_space<vmem_shared>>
    %dma_start3A_20 = arith.constant 0 : i32
    %dma_start3A_21 = tpu.memref_slice %arg2[%mul3A_0, %dma_start3A_20] : memref<10240x16xf32, #tpu.memory_space<hbm>> -> memref<640x16xf32, #tpu.memory_space<hbm>>
    tpu.enqueue_dma source(%dma_start3A_21 : memref<640x16xf32, #tpu.memory_space<hbm>>) target(%dma_start3A_19 : memref<640x16xf32, #tpu.memory_space<vmem_shared>>) target_semaphore(%arg21 : memref<!tpu.dma_semaphore, #tpu.memory_space<semaphore_mem>>)
    %broadcast_in_dim3A = arith.constant 0.000000e+00 : f32
    %broadcast_in_dim3A_22 = vector.broadcast %broadcast_in_dim3A : f32 to vector<16xf32>
    %swap3A = arith.constant 0 : i32
    %swap3A_23 = arith.index_cast %swap3A : i32 to index
    %swap3A_24 = arith.constant 0 : index
    %swap3A_25 = tpu.vector_load %arg12[%swap3A_23, %swap3A_24] {strides = array<i32>} : memref<128x16xf32, #tpu.memory_space<vmem>>, vector<1x16xf32>,
    %swap3A_26 = vector.shape_cast %swap3A_25 : vector<1x16xf32> to vector<16xf32>
    %swap3A_27 = vector.shape_cast %broadcast_in_dim3A_22 : vector<16xf32> to vector<1x16xf32>
    tpu.vector_store %arg12[%swap3A_23, %swap3A_24], %swap3A_27 {strides = array<i32>} : memref<128x16xf32, #tpu.memory_space<vmem>>, vector<1x16xf32>,
    %swap3A_28 = arith.constant 1 : i32
    %swap3A_29 = arith.index_cast %swap3A_28 : i32 to index
    %swap3A_30 = arith.constant 0 : index
    %swap3A_31 = tpu.vector_load %arg12[%swap3A_29, %swap3A_30] {strides = array<i32>} : memref<128x16xf32, #tpu.memory_space<vmem>>, vector<1x16xf32>,
    %swap3A_32 = vector.shape_cast %swap3A_31 : vector<1x16xf32> to vector<16xf32>
    %swap3A_33 = vector.shape_cast %broadcast_in_dim3A_22 : vector<16xf32> to vector<1x16xf32>
    tpu.vector_store %arg12[%swap3A_29, %swap3A_30], %swap3A_33 {strides = array<i32>} : memref<128x16xf32, #tpu.memory_space<vmem>>, vector<1x16xf32>,
    %swap3A_34 = arith.constant 2 : i32
    %swap3A_35 = arith.index_cast %swap3A_34 : i32 to index
    %swap3A_36 = arith.constant 0 : index
    %swap3A_37 = tpu.vector_load %arg12[%swap3A_35, %swap3A_36] {strides = array<i32>} : memref<128x16xf32, #tpu.memory_space<vmem>>, vector<1x16xf32>,
    %swap3A_38 = vector.shape_cast %swap3A_37 : vector<1x16xf32> to vector<16xf32>
    %swap3A_39 = vector.shape_cast %broadcast_in_dim3A_22 : vector<16xf32> to vector<1x16xf32>
    tpu.vector_store %arg12[%swap3A_35, %swap3A_36], %swap3A_39 {strides = array<i32>} : memref<128x16xf32, #tpu.memory_space<vmem>>, vector<1x16xf32>,
    %swap3A_40 = arith.constant 3 : i32
    %swap3A_41 = arith.index_cast %swap3A_40 : i32 to index
    %swap3A_42 = arith.constant 0 : index
    %swap3A_43 = tpu.vector_load %arg12[%swap3A_41, %swap3A_42] {strides = array<i32>} : memref<128x16xf32, #tpu.memory_space<vmem>>, vector<1x16xf32>,
    %swap3A_44 = vector.shape_cast %swap3A_43 : vector<1x16xf32> to vector<16xf32>
    %swap3A_45 = vector.shape_cast %broadcast_in_dim3A_22 : vector<16xf32> to vector<1x16xf32>
    tpu.vector_store %arg12[%swap3A_41, %swap3A_42], %swap3A_45 {strides = array<i32>} : memref<128x16xf32, #tpu.memory_space<vmem>>, vector<1x16xf32>,
    %swap3A_46 = arith.constant 4 : i32
    %swap3A_47 = arith.index_cast %swap3A_46 : i32 to index
    %swap3A_48 = arith.constant 0 : index
    %swap3A_49 = tpu.vector_load %arg12[%swap3A_47, %swap3A_48] {strides = array<i32>} : memref<128x16xf32, #tpu.memory_space<vmem>>, vector<1x16xf32>,
    %swap3A_50 = vector.shape_cast %swap3A_49 : vector<1x16xf32> to vector<16xf32>
    %swap3A_51 = vector.shape_cast %broadcast_in_dim3A_22 : vector<16xf32> to vector<1x16xf32>
    tpu.vector_store %arg12[%swap3A_47, %swap3A_48], %swap3A_51 {strides = array<i32>} : memref<128x16xf32, #tpu.memory_space<vmem>>, vector<1x16xf32>,
    %swap3A_52 = arith.constant 5 : i32
    %swap3A_53 = arith.index_cast %swap3A_52 : i32 to index
    %swap3A_54 = arith.constant 0 : index
    %swap3A_55 = tpu.vector_load %arg12[%swap3A_53, %swap3A_54] {strides = array<i32>} : memref<128x16xf32, #tpu.memory_space<vmem>>, vector<1x16xf32>,
    %swap3A_56 = vector.shape_cast %swap3A_55 : vector<1x16xf32> to vector<16xf32>
    %swap3A_57 = vector.shape_cast %broadcast_in_dim3A_22 : vector<16xf32> to vector<1x16xf32>
    tpu.vector_store %arg12[%swap3A_53, %swap3A_54], %swap3A_57 {strides = array<i32>} : memref<128x16xf32, #tpu.memory_space<vmem>>, vector<1x16xf32>,
    %swap3A_58 = arith.constant 6 : i32
    %swap3A_59 = arith.index_cast %swap3A_58 : i32 to index
    %swap3A_60 = arith.constant 0 : index
    %swap3A_61 = tpu.vector_load %arg12[%swap3A_59, %swap3A_60] {strides = array<i32>} : memref<128x16xf32, #tpu.memory_space<vmem>>, vector<1x16xf32>,
    %swap3A_62 = vector.shape_cast %swap3A_61 : vector<1x16xf32> to vector<16xf32>
    %swap3A_63 = vector.shape_cast %broadcast_in_dim3A_22 : vector<16xf32> to vector<1x16xf32>
    tpu.vector_store %arg12[%swap3A_59, %swap3A_60], %swap3A_63 {strides = array<i32>} : memref<128x16xf32, #tpu.memory_space<vmem>>, vector<1x16xf32>,
    %swap3A_64 = arith.constant 7 : i32
    %swap3A_65 = arith.index_cast %swap3A_64 : i32 to index
    %swap3A_66 = arith.constant 0 : index
    %swap3A_67 = tpu.vector_load %arg12[%swap3A_65, %swap3A_66] {strides = array<i32>} : memref<128x16xf32, #tpu.memory_space<vmem>>, vector<1x16xf32>,
    %swap3A_68 = vector.shape_cast %swap3A_67 : vector<1x16xf32> to vector<16xf32>
    %swap3A_69 = vector.shape_cast %broadcast_in_dim3A_22 : vector<16xf32> to vector<1x16xf32>
    tpu.vector_store %arg12[%swap3A_65, %swap3A_66], %swap3A_69 {strides = array<i32>} : memref<128x16xf32, #tpu.memory_space<vmem>>, vector<1x16xf32>,
    %swap3A_70 = arith.constant 8 : i32
    %swap3A_71 = arith.index_cast %swap3A_70 : i32 to index
    %swap3A_72 = arith.constant 0 : index
    %swap3A_73 = tpu.vector_load %arg12[%swap3A_71, %swap3A_72] {strides = array<i32>} : memref<128x16xf32, #tpu.memory_space<vmem>>, vector<1x16xf32>,
    %swap3A_74 = vector.shape_cast %swap3A_73 : vector<1x16xf32> to vector<16xf32>
    %swap3A_75 = vector.shape_cast %broadcast_in_dim3A_22 : vector<16xf32> to vector<1x16xf32>
    tpu.vector_store %arg12[%swap3A_71, %swap3A_72], %swap3A_75 {strides = array<i32>} : memref<128x16xf32, #tpu.memory_space<vmem>>, vector<1x16xf32>,
    %swap3A_76 = arith.constant 9 : i32
    %swap3A_77 = arith.index_cast %swap3A_76 : i32 to index
    %swap3A_78 = arith.constant 0 : index
    %swap3A_79 = tpu.vector_load %arg12[%swap3A_77, %swap3A_78] {strides = array<i32>} : memref<128x16xf32, #tpu.memory_space<vmem>>, vector<1x16xf32>,
    %swap3A_80 = vector.shape_cast %swap3A_79 : vector<1x16xf32> to vector<16xf32>
    %swap3A_81 = vector.shape_cast %broadcast_in_dim3A_22 : vector<16xf32> to vector<1x16xf32>
    tpu.vector_store %arg12[%swap3A_77, %swap3A_78], %swap3A_81 {strides = array<i32>} : memref<128x16xf32, #tpu.memory_space<vmem>>, vector<1x16xf32>,
    %swap3A_82 = arith.constant 10 : i32
    %swap3A_83 = arith.index_cast %swap3A_82 : i32 to index
    %swap3A_84 = arith.constant 0 : index
    %swap3A_85 = tpu.vector_load %arg12[%swap3A_83, %swap3A_84] {strides = array<i32>} : memref<128x16xf32, #tpu.memory_space<vmem>>, vector<1x16xf32>,
    %swap3A_86 = vector.shape_cast %swap3A_85 : vector<1x16xf32> to vector<16xf32>
    %swap3A_87 = vector.shape_cast %broadcast_in_dim3A_22 : vector<16xf32> to vector<1x16xf32>
    tpu.vector_store %arg12[%swap3A_83, %swap3A_84], %swap3A_87 {strides = array<i32>} : memref<128x16xf32, #tpu.memory_space<vmem>>, vector<1x16xf32>,
    %swap3A_88 = arith.constant 11 : i32
    %swap3A_89 = arith.index_cast %swap3A_88 : i32 to index
    %swap3A_90 = arith.constant 0 : index
    %swap3A_91 = tpu.vector_load %arg12[%swap3A_89, %swap3A_90] {strides = array<i32>} : memref<128x16xf32, #tpu.memory_space<vmem>>, vector<1x16xf32>,
    %swap3A_92 = vector.shape_cast %swap3A_91 : vector<1x16xf32> to vector<16xf32>
    %swap3A_93 = vector.shape_cast %broadcast_in_dim3A_22 : vector<16xf32> to vector<1x16xf32>
    tpu.vector_store %arg12[%swap3A_89, %swap3A_90], %swap3A_93 {strides = array<i32>} : memref<128x16xf32, #tpu.memory_space<vmem>>, vector<1x16xf32>,
    %swap3A_94 = arith.constant 12 : i32
    %swap3A_95 = arith.index_cast %swap3A_94 : i32 to index
    %swap3A_96 = arith.constant 0 : index
    %swap3A_97 = tpu.vector_load %arg12[%swap3A_95, %swap3A_96] {strides = array<i32>} : memref<128x16xf32, #tpu.memory_space<vmem>>, vector<1x16xf32>,
    %swap3A_98 = vector.shape_cast %swap3A_97 : vector<1x16xf32> to vector<16xf32>
    %swap3A_99 = vector.shape_cast %broadcast_in_dim3A_22 : vector<16xf32> to vector<1x16xf32>
    tpu.vector_store %arg12[%swap3A_95, %swap3A_96], %swap3A_99 {strides = array<i32>} : memref<128x16xf32, #tpu.memory_space<vmem>>, vector<1x16xf32>,
    %swap3A_100 = arith.constant 13 : i32
    %swap3A_101 = arith.index_cast %swap3A_100 : i32 to index
    %swap3A_102 = arith.constant 0 : index
    %swap3A_103 = tpu.vector_load %arg12[%swap3A_101, %swap3A_102] {strides = array<i32>} : memref<128x16xf32, #tpu.memory_space<vmem>>, vector<1x16xf32>,
    %swap3A_104 = vector.shape_cast %swap3A_103 : vector<1x16xf32> to vector<16xf32>
    %swap3A_105 = vector.shape_cast %broadcast_in_dim3A_22 : vector<16xf32> to vector<1x16xf32>
    tpu.vector_store %arg12[%swap3A_101, %swap3A_102], %swap3A_105 {strides = array<i32>} : memref<128x16xf32, #tpu.memory_space<vmem>>, vector<1x16xf32>,
    %swap3A_106 = arith.constant 14 : i32
    %swap3A_107 = arith.index_cast %swap3A_106 : i32 to index
    %swap3A_108 = arith.constant 0 : index
    %swap3A_109 = tpu.vector_load %arg12[%swap3A_107, %swap3A_108] {strides = array<i32>} : memref<128x16xf32, #tpu.memory_space<vmem>>, vector<1x16xf32>,
    %swap3A_110 = vector.shape_cast %swap3A_109 : vector<1x16xf32> to vector<16xf32>
    %swap3A_111 = vector.shape_cast %broadcast_in_dim3A_22 : vector<16xf32> to vector<1x16xf32>
    tpu.vector_store %arg12[%swap3A_107, %swap3A_108], %swap3A_111 {strides = array<i32>} : memref<128x16xf32, #tpu.memory_space<vmem>>, vector<1x16xf32>,
    %swap3A_112 = arith.constant 15 : i32
    %swap3A_113 = arith.index_cast %swap3A_112 : i32 to index
    %swap3A_114 = arith.constant 0 : index
    %swap3A_115 = tpu.vector_load %arg12[%swap3A_113, %swap3A_114] {strides = array<i32>} : memref<128x16xf32, #tpu.memory_space<vmem>>, vector<1x16xf32>,
    %swap3A_116 = vector.shape_cast %swap3A_115 : vector<1x16xf32> to vector<16xf32>
    %swap3A_117 = vector.shape_cast %broadcast_in_dim3A_22 : vector<16xf32> to vector<1x16xf32>
    tpu.vector_store %arg12[%swap3A_113, %swap3A_114], %swap3A_117 {strides = array<i32>} : memref<128x16xf32, #tpu.memory_space<vmem>>, vector<1x16xf32>,
    %swap3A_118 = arith.constant 16 : i32
    %swap3A_119 = arith.index_cast %swap3A_118 : i32 to index
    %swap3A_120 = arith.constant 0 : index
    %swap3A_121 = tpu.vector_load %arg12[%swap3A_119, %swap3A_120] {strides = array<i32>} : memref<128x16xf32, #tpu.memory_space<vmem>>, vector<1x16xf32>,
    %swap3A_122 = vector.shape_cast %swap3A_121 : vector<1x16xf32> to vector<16xf32>
    %swap3A_123 = vector.shape_cast %broadcast_in_dim3A_22 : vector<16xf32> to vector<1x16xf32>
    tpu.vector_store %arg12[%swap3A_119, %swap3A_120], %swap3A_123 {strides = array<i32>} : memref<128x16xf32, #tpu.memory_space<vmem>>, vector<1x16xf32>,
    %swap3A_124 = arith.constant 17 : i32
    %swap3A_125 = arith.index_cast %swap3A_124 : i32 to index
    %swap3A_126 = arith.constant 0 : index
    %swap3A_127 = tpu.vector_load %arg12[%swap3A_125, %swap3A_126] {strides = array<i32>} : memref<128x16xf32, #tpu.memory_space<vmem>>, vector<1x16xf32>,
    %swap3A_128 = vector.shape_cast %swap3A_127 : vector<1x16xf32> to vector<16xf32>
    %swap3A_129 = vector.shape_cast %broadcast_in_dim3A_22 : vector<16xf32> to vector<1x16xf32>
    tpu.vector_store %arg12[%swap3A_125, %swap3A_126], %swap3A_129 {strides = array<i32>} : memref<128x16xf32, #tpu.memory_space<vmem>>, vector<1x16xf32>,
    %swap3A_130 = arith.constant 18 : i32
    %swap3A_131 = arith.index_cast %swap3A_130 : i32 to index
    %swap3A_132 = arith.constant 0 : index
    %swap3A_133 = tpu.vector_load %arg12[%swap3A_131, %swap3A_132] {strides = array<i32>} : memref<128x16xf32, #tpu.memory_space<vmem>>, vector<1x16xf32>,
    %swap3A_134 = vector.shape_cast %swap3A_133 : vector<1x16xf32> to vector<16xf32>
    %swap3A_135 = vector.shape_cast %broadcast_in_dim3A_22 : vector<16xf32> to vector<1x16xf32>
    tpu.vector_store %arg12[%swap3A_131, %swap3A_132], %swap3A_135 {strides = array<i32>} : memref<128x16xf32, #tpu.memory_space<vmem>>, vector<1x16xf32>,
    %swap3A_136 = arith.constant 19 : i32
    %swap3A_137 = arith.index_cast %swap3A_136 : i32 to index
    %swap3A_138 = arith.constant 0 : index
    %swap3A_139 = tpu.vector_load %arg12[%swap3A_137, %swap3A_138] {strides = array<i32>} : memref<128x16xf32, #tpu.memory_space<vmem>>, vector<1x16xf32>,
    %swap3A_140 = vector.shape_cast %swap3A_139 : vector<1x16xf32> to vector<16xf32>
    %swap3A_141 = vector.shape_cast %broadcast_in_dim3A_22 : vector<16xf32> to vector<1x16xf32>
    tpu.vector_store %arg12[%swap3A_137, %swap3A_138], %swap3A_141 {strides = array<i32>} : memref<128x16xf32, #tpu.memory_space<vmem>>, vector<1x16xf32>,
    %swap3A_142 = arith.constant 20 : i32
    %swap3A_143 = arith.index_cast %swap3A_142 : i32 to index
    %swap3A_144 = arith.constant 0 : index
    %swap3A_145 = tpu.vector_load %arg12[%swap3A_143, %swap3A_144] {strides = array<i32>} : memref<128x16xf32, #tpu.memory_space<vmem>>, vector<1x16xf32>,
    %swap3A_146 = vector.shape_cast %swap3A_145 : vector<1x16xf32> to vector<16xf32>
    %swap3A_147 = vector.shape_cast %broadcast_in_dim3A_22 : vector<16xf32> to vector<1x16xf32>
    tpu.vector_store %arg12[%swap3A_143, %swap3A_144], %swap3A_147 {strides = array<i32>} : memref<128x16xf32, #tpu.memory_space<vmem>>, vector<1x16xf32>,
    %swap3A_148 = arith.constant 21 : i32
    %swap3A_149 = arith.index_cast %swap3A_148 : i32 to index
    %swap3A_150 = arith.constant 0 : index
    %swap3A_151 = tpu.vector_load %arg12[%swap3A_149, %swap3A_150] {strides = array<i32>} : memref<128x16xf32, #tpu.memory_space<vmem>>, vector<1x16xf32>,
    %swap3A_152 = vector.shape_cast %swap3A_151 : vector<1x16xf32> to vector<16xf32>
    %swap3A_153 = vector.shape_cast %broadcast_in_dim3A_22 : vector<16xf32> to vector<1x16xf32>
    tpu.vector_store %arg12[%swap3A_149, %swap3A_150], %swap3A_153 {strides = array<i32>} : memref<128x16xf32, #tpu.memory_space<vmem>>, vector<1x16xf32>,
    %swap3A_154 = arith.constant 22 : i32
    %swap3A_155 = arith.index_cast %swap3A_154 : i32 to index
    %swap3A_156 = arith.constant 0 : index
    %swap3A_157 = tpu.vector_load %arg12[%swap3A_155, %swap3A_156] {strides = array<i32>} : memref<128x16xf32, #tpu.memory_space<vmem>>, vector<1x16xf32>,
    %swap3A_158 = vector.shape_cast %swap3A_157 : vector<1x16xf32> to vector<16xf32>
    %swap3A_159 = vector.shape_cast %broadcast_in_dim3A_22 : vector<16xf32> to vector<1x16xf32>
    tpu.vector_store %arg12[%swap3A_155, %swap3A_156], %swap3A_159 {strides = array<i32>} : memref<128x16xf32, #tpu.memory_space<vmem>>, vector<1x16xf32>,
    %swap3A_160 = arith.constant 23 : i32
    %swap3A_161 = arith.index_cast %swap3A_160 : i32 to index
    %swap3A_162 = arith.constant 0 : index
    %swap3A_163 = tpu.vector_load %arg12[%swap3A_161, %swap3A_162] {strides = array<i32>} : memref<128x16xf32, #tpu.memory_space<vmem>>, vector<1x16xf32>,
    %swap3A_164 = vector.shape_cast %swap3A_163 : vector<1x16xf32> to vector<16xf32>
    %swap3A_165 = vector.shape_cast %broadcast_in_dim3A_22 : vector<16xf32> to vector<1x16xf32>
    tpu.vector_store %arg12[%swap3A_161, %swap3A_162], %swap3A_165 {strides = array<i32>} : memref<128x16xf32, #tpu.memory_space<vmem>>, vector<1x16xf32>,
    %swap3A_166 = arith.constant 24 : i32
    %swap3A_167 = arith.index_cast %swap3A_166 : i32 to index
    %swap3A_168 = arith.constant 0 : index
    %swap3A_169 = tpu.vector_load %arg12[%swap3A_167, %swap3A_168] {strides = array<i32>} : memref<128x16xf32, #tpu.memory_space<vmem>>, vector<1x16xf32>,
    %swap3A_170 = vector.shape_cast %swap3A_169 : vector<1x16xf32> to vector<16xf32>
    %swap3A_171 = vector.shape_cast %broadcast_in_dim3A_22 : vector<16xf32> to vector<1x16xf32>
    tpu.vector_store %arg12[%swap3A_167, %swap3A_168], %swap3A_171 {strides = array<i32>} : memref<128x16xf32, #tpu.memory_space<vmem>>, vector<1x16xf32>,
    %swap3A_172 = arith.constant 25 : i32
    %swap3A_173 = arith.index_cast %swap3A_172 : i32 to index
    %swap3A_174 = arith.constant 0 : index
    %swap3A_175 = tpu.vector_load %arg12[%swap3A_173, %swap3A_174] {strides = array<i32>} : memref<128x16xf32, #tpu.memory_space<vmem>>, vector<1x16xf32>,
    %swap3A_176 = vector.shape_cast %swap3A_175 : vector<1x16xf32> to vector<16xf32>
    %swap3A_177 = vector.shape_cast %broadcast_in_dim3A_22 : vector<16xf32> to vector<1x16xf32>
    tpu.vector_store %arg12[%swap3A_173, %swap3A_174], %swap3A_177 {strides = array<i32>} : memref<128x16xf32, #tpu.memory_space<vmem>>, vector<1x16xf32>,
    %swap3A_178 = arith.constant 26 : i32
    %swap3A_179 = arith.index_cast %swap3A_178 : i32 to index
    %swap3A_180 = arith.constant 0 : index
    %swap3A_181 = tpu.vector_load %arg12[%swap3A_179, %swap3A_180] {strides = array<i32>} : memref<128x16xf32, #tpu.memory_space<vmem>>, vector<1x16xf32>,
    %swap3A_182 = vector.shape_cast %swap3A_181 : vector<1x16xf32> to vector<16xf32>
    %swap3A_183 = vector.shape_cast %broadcast_in_dim3A_22 : vector<16xf32> to vector<1x16xf32>
    tpu.vector_store %arg12[%swap3A_179, %swap3A_180], %swap3A_183 {strides = array<i32>} : memref<128x16xf32, #tpu.memory_space<vmem>>, vector<1x16xf32>,
    %swap3A_184 = arith.constant 27 : i32
    %swap3A_185 = arith.index_cast %swap3A_184 : i32 to index
    %swap3A_186 = arith.constant 0 : index
    %swap3A_187 = tpu.vector_load %arg12[%swap3A_185, %swap3A_186] {strides = array<i32>} : memref<128x16xf32, #tpu.memory_space<vmem>>, vector<1x16xf32>,
    %swap3A_188 = vector.shape_cast %swap3A_187 : vector<1x16xf32> to vector<16xf32>
    %swap3A_189 = vector.shape_cast %broadcast_in_dim3A_22 : vector<16xf32> to vector<1x16xf32>
    tpu.vector_store %arg12[%swap3A_185, %swap3A_186], %swap3A_189 {strides = array<i32>} : memref<128x16xf32, #tpu.memory_space<vmem>>, vector<1x16xf32>,
    %swap3A_190 = arith.constant 28 : i32
    %swap3A_191 = arith.index_cast %swap3A_190 : i32 to index
    %swap3A_192 = arith.constant 0 : index
    %swap3A_193 = tpu.vector_load %arg12[%swap3A_191, %swap3A_192] {strides = array<i32>} : memref<128x16xf32, #tpu.memory_space<vmem>>, vector<1x16xf32>,
    %swap3A_194 = vector.shape_cast %swap3A_193 : vector<1x16xf32> to vector<16xf32>
    %swap3A_195 = vector.shape_cast %broadcast_in_dim3A_22 : vector<16xf32> to vector<1x16xf32>
    tpu.vector_store %arg12[%swap3A_191, %swap3A_192], %swap3A_195 {strides = array<i32>} : memref<128x16xf32, #tpu.memory_space<vmem>>, vector<1x16xf32>,
    %swap3A_196 = arith.constant 29 : i32
    %swap3A_197 = arith.index_cast %swap3A_196 : i32 to index
    %swap3A_198 = arith.constant 0 : index
    %swap3A_199 = tpu.vector_load %arg12[%swap3A_197, %swap3A_198] {strides = array<i32>} : memref<128x16xf32, #tpu.memory_space<vmem>>, vector<1x16xf32>,
    %swap3A_200 = vector.shape_cast %swap3A_199 : vector<1x16xf32> to vector<16xf32>
    %swap3A_201 = vector.shape_cast %broadcast_in_dim3A_22 : vector<16xf32> to vector<1x16xf32>
    tpu.vector_store %arg12[%swap3A_197, %swap3A_198], %swap3A_201 {strides = array<i32>} : memref<128x16xf32, #tpu.memory_space<vmem>>, vector<1x16xf32>,
    %swap3A_202 = arith.constant 30 : i32
    %swap3A_203 = arith.index_cast %swap3A_202 : i32 to index
    %swap3A_204 = arith.constant 0 : index
    %swap3A_205 = tpu.vector_load %arg12[%swap3A_203, %swap3A_204] {strides = array<i32>} : memref<128x16xf32, #tpu.memory_space<vmem>>, vector<1x16xf32>,
    %swap3A_206 = vector.shape_cast %swap3A_205 : vector<1x16xf32> to vector<16xf32>
    %swap3A_207 = vector.shape_cast %broadcast_in_dim3A_22 : vector<16xf32> to vector<1x16xf32>
    tpu.vector_store %arg12[%swap3A_203, %swap3A_204], %swap3A_207 {strides = array<i32>} : memref<128x16xf32, #tpu.memory_space<vmem>>, vector<1x16xf32>,
    %swap3A_208 = arith.constant 31 : i32
    %swap3A_209 = arith.index_cast %swap3A_208 : i32 to index
    %swap3A_210 = arith.constant 0 : index
    %swap3A_211 = tpu.vector_load %arg12[%swap3A_209, %swap3A_210] {strides = array<i32>} : memref<128x16xf32, #tpu.memory_space<vmem>>, vector<1x16xf32>,
    %swap3A_212 = vector.shape_cast %swap3A_211 : vector<1x16xf32> to vector<16xf32>
    %swap3A_213 = vector.shape_cast %broadcast_in_dim3A_22 : vector<16xf32> to vector<1x16xf32>
    tpu.vector_store %arg12[%swap3A_209, %swap3A_210], %swap3A_213 {strides = array<i32>} : memref<128x16xf32, #tpu.memory_space<vmem>>, vector<1x16xf32>,
    %swap3A_214 = arith.constant 32 : i32
    %swap3A_215 = arith.index_cast %swap3A_214 : i32 to index
    %swap3A_216 = arith.constant 0 : index
    %swap3A_217 = tpu.vector_load %arg12[%swap3A_215, %swap3A_216] {strides = array<i32>} : memref<128x16xf32, #tpu.memory_space<vmem>>, vector<1x16xf32>,
    %swap3A_218 = vector.shape_cast %swap3A_217 : vector<1x16xf32> to vector<16xf32>
    %swap3A_219 = vector.shape_cast %broadcast_in_dim3A_22 : vector<16xf32> to vector<1x16xf32>
    tpu.vector_store %arg12[%swap3A_215, %swap3A_216], %swap3A_219 {strides = array<i32>} : memref<128x16xf32, #tpu.memory_space<vmem>>, vector<1x16xf32>,
    %swap3A_220 = arith.constant 33 : i32
    %swap3A_221 = arith.index_cast %swap3A_220 : i32 to index
    %swap3A_222 = arith.constant 0 : index
    %swap3A_223 = tpu.vector_load %arg12[%swap3A_221, %swap3A_222] {strides = array<i32>} : memref<128x16xf32, #tpu.memory_space<vmem>>, vector<1x16xf32>,
    %swap3A_224 = vector.shape_cast %swap3A_223 : vector<1x16xf32> to vector<16xf32>
    %swap3A_225 = vector.shape_cast %broadcast_in_dim3A_22 : vector<16xf32> to vector<1x16xf32>
    tpu.vector_store %arg12[%swap3A_221, %swap3A_222], %swap3A_225 {strides = array<i32>} : memref<128x16xf32, #tpu.memory_space<vmem>>, vector<1x16xf32>,
    %swap3A_226 = arith.constant 34 : i32
    %swap3A_227 = arith.index_cast %swap3A_226 : i32 to index
    %swap3A_228 = arith.constant 0 : index
    %swap3A_229 = tpu.vector_load %arg12[%swap3A_227, %swap3A_228] {strides = array<i32>} : memref<128x16xf32, #tpu.memory_space<vmem>>, vector<1x16xf32>,
    %swap3A_230 = vector.shape_cast %swap3A_229 : vector<1x16xf32> to vector<16xf32>
    %swap3A_231 = vector.shape_cast %broadcast_in_dim3A_22 : vector<16xf32> to vector<1x16xf32>
    tpu.vector_store %arg12[%swap3A_227, %swap3A_228], %swap3A_231 {strides = array<i32>} : memref<128x16xf32, #tpu.memory_space<vmem>>, vector<1x16xf32>,
    %swap3A_232 = arith.constant 35 : i32
    %swap3A_233 = arith.index_cast %swap3A_232 : i32 to index
    %swap3A_234 = arith.constant 0 : index
    %swap3A_235 = tpu.vector_load %arg12[%swap3A_233, %swap3A_234] {strides = array<i32>} : memref<128x16xf32, #tpu.memory_space<vmem>>, vector<1x16xf32>,
    %swap3A_236 = vector.shape_cast %swap3A_235 : vector<1x16xf32> to vector<16xf32>
    %swap3A_237 = vector.shape_cast %broadcast_in_dim3A_22 : vector<16xf32> to vector<1x16xf32>
    tpu.vector_store %arg12[%swap3A_233, %swap3A_234], %swap3A_237 {strides = array<i32>} : memref<128x16xf32, #tpu.memory_space<vmem>>, vector<1x16xf32>,
    %swap3A_238 = arith.constant 36 : i32
    %swap3A_239 = arith.index_cast %swap3A_238 : i32 to index
    %swap3A_240 = arith.constant 0 : index
    %swap3A_241 = tpu.vector_load %arg12[%swap3A_239, %swap3A_240] {strides = array<i32>} : memref<128x16xf32, #tpu.memory_space<vmem>>, vector<1x16xf32>,
    %swap3A_242 = vector.shape_cast %swap3A_241 : vector<1x16xf32> to vector<16xf32>
    %swap3A_243 = vector.shape_cast %broadcast_in_dim3A_22 : vector<16xf32> to vector<1x16xf32>
    tpu.vector_store %arg12[%swap3A_239, %swap3A_240], %swap3A_243 {strides = array<i32>} : memref<128x16xf32, #tpu.memory_space<vmem>>, vector<1x16xf32>,
    %swap3A_244 = arith.constant 37 : i32
    %swap3A_245 = arith.index_cast %swap3A_244 : i32 to index
    %swap3A_246 = arith.constant 0 : index
    %swap3A_247 = tpu.vector_load %arg12[%swap3A_245, %swap3A_246] {strides = array<i32>} : memref<128x16xf32, #tpu.memory_space<vmem>>, vector<1x16xf32>,
    %swap3A_248 = vector.shape_cast %swap3A_247 : vector<1x16xf32> to vector<16xf32>
    %swap3A_249 = vector.shape_cast %broadcast_in_dim3A_22 : vector<16xf32> to vector<1x16xf32>
    tpu.vector_store %arg12[%swap3A_245, %swap3A_246], %swap3A_249 {strides = array<i32>} : memref<128x16xf32, #tpu.memory_space<vmem>>, vector<1x16xf32>,
    %swap3A_250 = arith.constant 38 : i32
    %swap3A_251 = arith.index_cast %swap3A_250 : i32 to index
    %swap3A_252 = arith.constant 0 : index
    %swap3A_253 = tpu.vector_load %arg12[%swap3A_251, %swap3A_252] {strides = array<i32>} : memref<128x16xf32, #tpu.memory_space<vmem>>, vector<1x16xf32>,
    %swap3A_254 = vector.shape_cast %swap3A_253 : vector<1x16xf32> to vector<16xf32>
    %swap3A_255 = vector.shape_cast %broadcast_in_dim3A_22 : vector<16xf32> to vector<1x16xf32>
    tpu.vector_store %arg12[%swap3A_251, %swap3A_252], %swap3A_255 {strides = array<i32>} : memref<128x16xf32, #tpu.memory_space<vmem>>, vector<1x16xf32>,
    %swap3A_256 = arith.constant 39 : i32
    %swap3A_257 = arith.index_cast %swap3A_256 : i32 to index
    %swap3A_258 = arith.constant 0 : index
    %swap3A_259 = tpu.vector_load %arg12[%swap3A_257, %swap3A_258] {strides = array<i32>} : memref<128x16xf32, #tpu.memory_space<vmem>>, vector<1x16xf32>,
    %swap3A_260 = vector.shape_cast %swap3A_259 : vector<1x16xf32> to vector<16xf32>
    %swap3A_261 = vector.shape_cast %broadcast_in_dim3A_22 : vector<16xf32> to vector<1x16xf32>
    tpu.vector_store %arg12[%swap3A_257, %swap3A_258], %swap3A_261 {strides = array<i32>} : memref<128x16xf32, #tpu.memory_space<vmem>>, vector<1x16xf32>,
    %swap3A_262 = arith.constant 40 : i32
    %swap3A_263 = arith.index_cast %swap3A_262 : i32 to index
    %swap3A_264 = arith.constant 0 : index
    %swap3A_265 = tpu.vector_load %arg12[%swap3A_263, %swap3A_264] {strides = array<i32>} : memref<128x16xf32, #tpu.memory_space<vmem>>, vector<1x16xf32>,
    %swap3A_266 = vector.shape_cast %swap3A_265 : vector<1x16xf32> to vector<16xf32>
    %swap3A_267 = vector.shape_cast %broadcast_in_dim3A_22 : vector<16xf32> to vector<1x16xf32>
    tpu.vector_store %arg12[%swap3A_263, %swap3A_264], %swap3A_267 {strides = array<i32>} : memref<128x16xf32, #tpu.memory_space<vmem>>, vector<1x16xf32>,
    %swap3A_268 = arith.constant 41 : i32
    %swap3A_269 = arith.index_cast %swap3A_268 : i32 to index
    %swap3A_270 = arith.constant 0 : index
    %swap3A_271 = tpu.vector_load %arg12[%swap3A_269, %swap3A_270] {strides = array<i32>} : memref<128x16xf32, #tpu.memory_space<vmem>>, vector<1x16xf32>,
    %swap3A_272 = vector.shape_cast %swap3A_271 : vector<1x16xf32> to vector<16xf32>
    %swap3A_273 = vector.shape_cast %broadcast_in_dim3A_22 : vector<16xf32> to vector<1x16xf32>
    tpu.vector_store %arg12[%swap3A_269, %swap3A_270], %swap3A_273 {strides = array<i32>} : memref<128x16xf32, #tpu.memory_space<vmem>>, vector<1x16xf32>,
    %swap3A_274 = arith.constant 42 : i32
    %swap3A_275 = arith.index_cast %swap3A_274 : i32 to index
    %swap3A_276 = arith.constant 0 : index
    %swap3A_277 = tpu.vector_load %arg12[%swap3A_275, %swap3A_276] {strides = array<i32>} : memref<128x16xf32, #tpu.memory_space<vmem>>, vector<1x16xf32>,
    %swap3A_278 = vector.shape_cast %swap3A_277 : vector<1x16xf32> to vector<16xf32>
    %swap3A_279 = vector.shape_cast %broadcast_in_dim3A_22 : vector<16xf32> to vector<1x16xf32>
    tpu.vector_store %arg12[%swap3A_275, %swap3A_276], %swap3A_279 {strides = array<i32>} : memref<128x16xf32, #tpu.memory_space<vmem>>, vector<1x16xf32>,
    %swap3A_280 = arith.constant 43 : i32
    %swap3A_281 = arith.index_cast %swap3A_280 : i32 to index
    %swap3A_282 = arith.constant 0 : index
    %swap3A_283 = tpu.vector_load %arg12[%swap3A_281, %swap3A_282] {strides = array<i32>} : memref<128x16xf32, #tpu.memory_space<vmem>>, vector<1x16xf32>,
    %swap3A_284 = vector.shape_cast %swap3A_283 : vector<1x16xf32> to vector<16xf32>
    %swap3A_285 = vector.shape_cast %broadcast_in_dim3A_22 : vector<16xf32> to vector<1x16xf32>
    tpu.vector_store %arg12[%swap3A_281, %swap3A_282], %swap3A_285 {strides = array<i32>} : memref<128x16xf32, #tpu.memory_space<vmem>>, vector<1x16xf32>,
    %swap3A_286 = arith.constant 44 : i32
    %swap3A_287 = arith.index_cast %swap3A_286 : i32 to index
    %swap3A_288 = arith.constant 0 : index
    %swap3A_289 = tpu.vector_load %arg12[%swap3A_287, %swap3A_288] {strides = array<i32>} : memref<128x16xf32, #tpu.memory_space<vmem>>, vector<1x16xf32>,
    %swap3A_290 = vector.shape_cast %swap3A_289 : vector<1x16xf32> to vector<16xf32>
    %swap3A_291 = vector.shape_cast %broadcast_in_dim3A_22 : vector<16xf32> to vector<1x16xf32>
    tpu.vector_store %arg12[%swap3A_287, %swap3A_288], %swap3A_291 {strides = array<i32>} : memref<128x16xf32, #tpu.memory_space<vmem>>, vector<1x16xf32>,
    %swap3A_292 = arith.constant 45 : i32
    %swap3A_293 = arith.index_cast %swap3A_292 : i32 to index
    %swap3A_294 = arith.constant 0 : index
    %swap3A_295 = tpu.vector_load %arg12[%swap3A_293, %swap3A_294] {strides = array<i32>} : memref<128x16xf32, #tpu.memory_space<vmem>>, vector<1x16xf32>,
    %swap3A_296 = vector.shape_cast %swap3A_295 : vector<1x16xf32> to vector<16xf32>
    %swap3A_297 = vector.shape_cast %broadcast_in_dim3A_22 : vector<16xf32> to vector<1x16xf32>
    tpu.vector_store %arg12[%swap3A_293, %swap3A_294], %swap3A_297 {strides = array<i32>} : memref<128x16xf32, #tpu.memory_space<vmem>>, vector<1x16xf32>,
    %swap3A_298 = arith.constant 46 : i32
    %swap3A_299 = arith.index_cast %swap3A_298 : i32 to index
    %swap3A_300 = arith.constant 0 : index
    %swap3A_301 = tpu.vector_load %arg12[%swap3A_299, %swap3A_300] {strides = array<i32>} : memref<128x16xf32, #tpu.memory_space<vmem>>, vector<1x16xf32>,
    %swap3A_302 = vector.shape_cast %swap3A_301 : vector<1x16xf32> to vector<16xf32>
    %swap3A_303 = vector.shape_cast %broadcast_in_dim3A_22 : vector<16xf32> to vector<1x16xf32>
    tpu.vector_store %arg12[%swap3A_299, %swap3A_300], %swap3A_303 {strides = array<i32>} : memref<128x16xf32, #tpu.memory_space<vmem>>, vector<1x16xf32>,
    %swap3A_304 = arith.constant 47 : i32
    %swap3A_305 = arith.index_cast %swap3A_304 : i32 to index
    %swap3A_306 = arith.constant 0 : index
    %swap3A_307 = tpu.vector_load %arg12[%swap3A_305, %swap3A_306] {strides = array<i32>} : memref<128x16xf32, #tpu.memory_space<vmem>>, vector<1x16xf32>,
    %swap3A_308 = vector.shape_cast %swap3A_307 : vector<1x16xf32> to vector<16xf32>
    %swap3A_309 = vector.shape_cast %broadcast_in_dim3A_22 : vector<16xf32> to vector<1x16xf32>
    tpu.vector_store %arg12[%swap3A_305, %swap3A_306], %swap3A_309 {strides = array<i32>} : memref<128x16xf32, #tpu.memory_space<vmem>>, vector<1x16xf32>,
    %swap3A_310 = arith.constant 48 : i32
    %swap3A_311 = arith.index_cast %swap3A_310 : i32 to index
    %swap3A_312 = arith.constant 0 : index
    %swap3A_313 = tpu.vector_load %arg12[%swap3A_311, %swap3A_312] {strides = array<i32>} : memref<128x16xf32, #tpu.memory_space<vmem>>, vector<1x16xf32>,
    %swap3A_314 = vector.shape_cast %swap3A_313 : vector<1x16xf32> to vector<16xf32>
    %swap3A_315 = vector.shape_cast %broadcast_in_dim3A_22 : vector<16xf32> to vector<1x16xf32>
    tpu.vector_store %arg12[%swap3A_311, %swap3A_312], %swap3A_315 {strides = array<i32>} : memref<128x16xf32, #tpu.memory_space<vmem>>, vector<1x16xf32>,
    %swap3A_316 = arith.constant 49 : i32
    %swap3A_317 = arith.index_cast %swap3A_316 : i32 to index
    %swap3A_318 = arith.constant 0 : index
    %swap3A_319 = tpu.vector_load %arg12[%swap3A_317, %swap3A_318] {strides = array<i32>} : memref<128x16xf32, #tpu.memory_space<vmem>>, vector<1x16xf32>,
    %swap3A_320 = vector.shape_cast %swap3A_319 : vector<1x16xf32> to vector<16xf32>
    %swap3A_321 = vector.shape_cast %broadcast_in_dim3A_22 : vector<16xf32> to vector<1x16xf32>
    tpu.vector_store %arg12[%swap3A_317, %swap3A_318], %swap3A_321 {strides = array<i32>} : memref<128x16xf32, #tpu.memory_space<vmem>>, vector<1x16xf32>,
    %swap3A_322 = arith.constant 50 : i32
    %swap3A_323 = arith.index_cast %swap3A_322 : i32 to index
    %swap3A_324 = arith.constant 0 : index
    %swap3A_325 = tpu.vector_load %arg12[%swap3A_323, %swap3A_324] {strides = array<i32>} : memref<128x16xf32, #tpu.memory_space<vmem>>, vector<1x16xf32>,
    %swap3A_326 = vector.shape_cast %swap3A_325 : vector<1x16xf32> to vector<16xf32>
    %swap3A_327 = vector.shape_cast %broadcast_in_dim3A_22 : vector<16xf32> to vector<1x16xf32>
    tpu.vector_store %arg12[%swap3A_323, %swap3A_324], %swap3A_327 {strides = array<i32>} : memref<128x16xf32, #tpu.memory_space<vmem>>, vector<1x16xf32>,
    %swap3A_328 = arith.constant 51 : i32
    %swap3A_329 = arith.index_cast %swap3A_328 : i32 to index
    %swap3A_330 = arith.constant 0 : index
    %swap3A_331 = tpu.vector_load %arg12[%swap3A_329, %swap3A_330] {strides = array<i32>} : memref<128x16xf32, #tpu.memory_space<vmem>>, vector<1x16xf32>,
    %swap3A_332 = vector.shape_cast %swap3A_331 : vector<1x16xf32> to vector<16xf32>
    %swap3A_333 = vector.shape_cast %broadcast_in_dim3A_22 : vector<16xf32> to vector<1x16xf32>
    tpu.vector_store %arg12[%swap3A_329, %swap3A_330], %swap3A_333 {strides = array<i32>} : memref<128x16xf32, #tpu.memory_space<vmem>>, vector<1x16xf32>,
    %swap3A_334 = arith.constant 52 : i32
    %swap3A_335 = arith.index_cast %swap3A_334 : i32 to index
    %swap3A_336 = arith.constant 0 : index
    %swap3A_337 = tpu.vector_load %arg12[%swap3A_335, %swap3A_336] {strides = array<i32>} : memref<128x16xf32, #tpu.memory_space<vmem>>, vector<1x16xf32>,
    %swap3A_338 = vector.shape_cast %swap3A_337 : vector<1x16xf32> to vector<16xf32>
    %swap3A_339 = vector.shape_cast %broadcast_in_dim3A_22 : vector<16xf32> to vector<1x16xf32>
    tpu.vector_store %arg12[%swap3A_335, %swap3A_336], %swap3A_339 {strides = array<i32>} : memref<128x16xf32, #tpu.memory_space<vmem>>, vector<1x16xf32>,
    %swap3A_340 = arith.constant 53 : i32
    %swap3A_341 = arith.index_cast %swap3A_340 : i32 to index
    %swap3A_342 = arith.constant 0 : index
    %swap3A_343 = tpu.vector_load %arg12[%swap3A_341, %swap3A_342] {strides = array<i32>} : memref<128x16xf32, #tpu.memory_space<vmem>>, vector<1x16xf32>,
    %swap3A_344 = vector.shape_cast %swap3A_343 : vector<1x16xf32> to vector<16xf32>
    %swap3A_345 = vector.shape_cast %broadcast_in_dim3A_22 : vector<16xf32> to vector<1x16xf32>
    tpu.vector_store %arg12[%swap3A_341, %swap3A_342], %swap3A_345 {strides = array<i32>} : memref<128x16xf32, #tpu.memory_space<vmem>>, vector<1x16xf32>,
    %swap3A_346 = arith.constant 54 : i32
    %swap3A_347 = arith.index_cast %swap3A_346 : i32 to index
    %swap3A_348 = arith.constant 0 : index
    %swap3A_349 = tpu.vector_load %arg12[%swap3A_347, %swap3A_348] {strides = array<i32>} : memref<128x16xf32, #tpu.memory_space<vmem>>, vector<1x16xf32>,
    %swap3A_350 = vector.shape_cast %swap3A_349 : vector<1x16xf32> to vector<16xf32>
    %swap3A_351 = vector.shape_cast %broadcast_in_dim3A_22 : vector<16xf32> to vector<1x16xf32>
    tpu.vector_store %arg12[%swap3A_347, %swap3A_348], %swap3A_351 {strides = array<i32>} : memref<128x16xf32, #tpu.memory_space<vmem>>, vector<1x16xf32>,
    %swap3A_352 = arith.constant 55 : i32
    %swap3A_353 = arith.index_cast %swap3A_352 : i32 to index
    %swap3A_354 = arith.constant 0 : index
    %swap3A_355 = tpu.vector_load %arg12[%swap3A_353, %swap3A_354] {strides = array<i32>} : memref<128x16xf32, #tpu.memory_space<vmem>>, vector<1x16xf32>,
    %swap3A_356 = vector.shape_cast %swap3A_355 : vector<1x16xf32> to vector<16xf32>
    %swap3A_357 = vector.shape_cast %broadcast_in_dim3A_22 : vector<16xf32> to vector<1x16xf32>
    tpu.vector_store %arg12[%swap3A_353, %swap3A_354], %swap3A_357 {strides = array<i32>} : memref<128x16xf32, #tpu.memory_space<vmem>>, vector<1x16xf32>,
    %swap3A_358 = arith.constant 56 : i32
    %swap3A_359 = arith.index_cast %swap3A_358 : i32 to index
    %swap3A_360 = arith.constant 0 : index
    %swap3A_361 = tpu.vector_load %arg12[%swap3A_359, %swap3A_360] {strides = array<i32>} : memref<128x16xf32, #tpu.memory_space<vmem>>, vector<1x16xf32>,
    %swap3A_362 = vector.shape_cast %swap3A_361 : vector<1x16xf32> to vector<16xf32>
    %swap3A_363 = vector.shape_cast %broadcast_in_dim3A_22 : vector<16xf32> to vector<1x16xf32>
    tpu.vector_store %arg12[%swap3A_359, %swap3A_360], %swap3A_363 {strides = array<i32>} : memref<128x16xf32, #tpu.memory_space<vmem>>, vector<1x16xf32>,
    %swap3A_364 = arith.constant 57 : i32
    %swap3A_365 = arith.index_cast %swap3A_364 : i32 to index
    %swap3A_366 = arith.constant 0 : index
    %swap3A_367 = tpu.vector_load %arg12[%swap3A_365, %swap3A_366] {strides = array<i32>} : memref<128x16xf32, #tpu.memory_space<vmem>>, vector<1x16xf32>,
    %swap3A_368 = vector.shape_cast %swap3A_367 : vector<1x16xf32> to vector<16xf32>
    %swap3A_369 = vector.shape_cast %broadcast_in_dim3A_22 : vector<16xf32> to vector<1x16xf32>
    tpu.vector_store %arg12[%swap3A_365, %swap3A_366], %swap3A_369 {strides = array<i32>} : memref<128x16xf32, #tpu.memory_space<vmem>>, vector<1x16xf32>,
    %swap3A_370 = arith.constant 58 : i32
    %swap3A_371 = arith.index_cast %swap3A_370 : i32 to index
    %swap3A_372 = arith.constant 0 : index
    %swap3A_373 = tpu.vector_load %arg12[%swap3A_371, %swap3A_372] {strides = array<i32>} : memref<128x16xf32, #tpu.memory_space<vmem>>, vector<1x16xf32>,
    %swap3A_374 = vector.shape_cast %swap3A_373 : vector<1x16xf32> to vector<16xf32>
    %swap3A_375 = vector.shape_cast %broadcast_in_dim3A_22 : vector<16xf32> to vector<1x16xf32>
    tpu.vector_store %arg12[%swap3A_371, %swap3A_372], %swap3A_375 {strides = array<i32>} : memref<128x16xf32, #tpu.memory_space<vmem>>, vector<1x16xf32>,
    %swap3A_376 = arith.constant 59 : i32
    %swap3A_377 = arith.index_cast %swap3A_376 : i32 to index
    %swap3A_378 = arith.constant 0 : index
    %swap3A_379 = tpu.vector_load %arg12[%swap3A_377, %swap3A_378] {strides = array<i32>} : memref<128x16xf32, #tpu.memory_space<vmem>>, vector<1x16xf32>,
    %swap3A_380 = vector.shape_cast %swap3A_379 : vector<1x16xf32> to vector<16xf32>
    %swap3A_381 = vector.shape_cast %broadcast_in_dim3A_22 : vector<16xf32> to vector<1x16xf32>
    tpu.vector_store %arg12[%swap3A_377, %swap3A_378], %swap3A_381 {strides = array<i32>} : memref<128x16xf32, #tpu.memory_space<vmem>>, vector<1x16xf32>,
    %swap3A_382 = arith.constant 60 : i32
    %swap3A_383 = arith.index_cast %swap3A_382 : i32 to index
    %swap3A_384 = arith.constant 0 : index
    %swap3A_385 = tpu.vector_load %arg12[%swap3A_383, %swap3A_384] {strides = array<i32>} : memref<128x16xf32, #tpu.memory_space<vmem>>, vector<1x16xf32>,
    %swap3A_386 = vector.shape_cast %swap3A_385 : vector<1x16xf32> to vector<16xf32>
    %swap3A_387 = vector.shape_cast %broadcast_in_dim3A_22 : vector<16xf32> to vector<1x16xf32>
    tpu.vector_store %arg12[%swap3A_383, %swap3A_384], %swap3A_387 {strides = array<i32>} : memref<128x16xf32, #tpu.memory_space<vmem>>, vector<1x16xf32>,
    %swap3A_388 = arith.constant 61 : i32
    %swap3A_389 = arith.index_cast %swap3A_388 : i32 to index
    %swap3A_390 = arith.constant 0 : index
    %swap3A_391 = tpu.vector_load %arg12[%swap3A_389, %swap3A_390] {strides = array<i32>} : memref<128x16xf32, #tpu.memory_space<vmem>>, vector<1x16xf32>,
    %swap3A_392 = vector.shape_cast %swap3A_391 : vector<1x16xf32> to vector<16xf32>
    %swap3A_393 = vector.shape_cast %broadcast_in_dim3A_22 : vector<16xf32> to vector<1x16xf32>
    tpu.vector_store %arg12[%swap3A_389, %swap3A_390], %swap3A_393 {strides = array<i32>} : memref<128x16xf32, #tpu.memory_space<vmem>>, vector<1x16xf32>,
    %swap3A_394 = arith.constant 62 : i32
    %swap3A_395 = arith.index_cast %swap3A_394 : i32 to index
    %swap3A_396 = arith.constant 0 : index
    %swap3A_397 = tpu.vector_load %arg12[%swap3A_395, %swap3A_396] {strides = array<i32>} : memref<128x16xf32, #tpu.memory_space<vmem>>, vector<1x16xf32>,
    %swap3A_398 = vector.shape_cast %swap3A_397 : vector<1x16xf32> to vector<16xf32>
    %swap3A_399 = vector.shape_cast %broadcast_in_dim3A_22 : vector<16xf32> to vector<1x16xf32>
    tpu.vector_store %arg12[%swap3A_395, %swap3A_396], %swap3A_399 {strides = array<i32>} : memref<128x16xf32, #tpu.memory_space<vmem>>, vector<1x16xf32>,
    %swap3A_400 = arith.constant 63 : i32
    %swap3A_401 = arith.index_cast %swap3A_400 : i32 to index
    %swap3A_402 = arith.constant 0 : index
    %swap3A_403 = tpu.vector_load %arg12[%swap3A_401, %swap3A_402] {strides = array<i32>} : memref<128x16xf32, #tpu.memory_space<vmem>>, vector<1x16xf32>,
    %swap3A_404 = vector.shape_cast %swap3A_403 : vector<1x16xf32> to vector<16xf32>
    %swap3A_405 = vector.shape_cast %broadcast_in_dim3A_22 : vector<16xf32> to vector<1x16xf32>
    tpu.vector_store %arg12[%swap3A_401, %swap3A_402], %swap3A_405 {strides = array<i32>} : memref<128x16xf32, #tpu.memory_space<vmem>>, vector<1x16xf32>,
    %swap3A_406 = arith.constant 64 : i32
    %swap3A_407 = arith.index_cast %swap3A_406 : i32 to index
    %swap3A_408 = arith.constant 0 : index
    %swap3A_409 = tpu.vector_load %arg12[%swap3A_407, %swap3A_408] {strides = array<i32>} : memref<128x16xf32, #tpu.memory_space<vmem>>, vector<1x16xf32>,
    %swap3A_410 = vector.shape_cast %swap3A_409 : vector<1x16xf32> to vector<16xf32>
    %swap3A_411 = vector.shape_cast %broadcast_in_dim3A_22 : vector<16xf32> to vector<1x16xf32>
    tpu.vector_store %arg12[%swap3A_407, %swap3A_408], %swap3A_411 {strides = array<i32>} : memref<128x16xf32, #tpu.memory_space<vmem>>, vector<1x16xf32>,
    %swap3A_412 = arith.constant 65 : i32
    %swap3A_413 = arith.index_cast %swap3A_412 : i32 to index
    %swap3A_414 = arith.constant 0 : index
    %swap3A_415 = tpu.vector_load %arg12[%swap3A_413, %swap3A_414] {strides = array<i32>} : memref<128x16xf32, #tpu.memory_space<vmem>>, vector<1x16xf32>,
    %swap3A_416 = vector.shape_cast %swap3A_415 : vector<1x16xf32> to vector<16xf32>
    %swap3A_417 = vector.shape_cast %broadcast_in_dim3A_22 : vector<16xf32> to vector<1x16xf32>
    tpu.vector_store %arg12[%swap3A_413, %swap3A_414], %swap3A_417 {strides = array<i32>} : memref<128x16xf32, #tpu.memory_space<vmem>>, vector<1x16xf32>,
    %swap3A_418 = arith.constant 66 : i32
    %swap3A_419 = arith.index_cast %swap3A_418 : i32 to index
    %swap3A_420 = arith.constant 0 : index
    %swap3A_421 = tpu.vector_load %arg12[%swap3A_419, %swap3A_420] {strides = array<i32>} : memref<128x16xf32, #tpu.memory_space<vmem>>, vector<1x16xf32>,
    %swap3A_422 = vector.shape_cast %swap3A_421 : vector<1x16xf32> to vector<16xf32>
    %swap3A_423 = vector.shape_cast %broadcast_in_dim3A_22 : vector<16xf32> to vector<1x16xf32>
    tpu.vector_store %arg12[%swap3A_419, %swap3A_420], %swap3A_423 {strides = array<i32>} : memref<128x16xf32, #tpu.memory_space<vmem>>, vector<1x16xf32>,
    %swap3A_424 = arith.constant 67 : i32
    %swap3A_425 = arith.index_cast %swap3A_424 : i32 to index
    %swap3A_426 = arith.constant 0 : index
    %swap3A_427 = tpu.vector_load %arg12[%swap3A_425, %swap3A_426] {strides = array<i32>} : memref<128x16xf32, #tpu.memory_space<vmem>>, vector<1x16xf32>,
    %swap3A_428 = vector.shape_cast %swap3A_427 : vector<1x16xf32> to vector<16xf32>
    %swap3A_429 = vector.shape_cast %broadcast_in_dim3A_22 : vector<16xf32> to vector<1x16xf32>
    tpu.vector_store %arg12[%swap3A_425, %swap3A_426], %swap3A_429 {strides = array<i32>} : memref<128x16xf32, #tpu.memory_space<vmem>>, vector<1x16xf32>,
    %swap3A_430 = arith.constant 68 : i32
    %swap3A_431 = arith.index_cast %swap3A_430 : i32 to index
    %swap3A_432 = arith.constant 0 : index
    %swap3A_433 = tpu.vector_load %arg12[%swap3A_431, %swap3A_432] {strides = array<i32>} : memref<128x16xf32, #tpu.memory_space<vmem>>, vector<1x16xf32>,
    %swap3A_434 = vector.shape_cast %swap3A_433 : vector<1x16xf32> to vector<16xf32>
    %swap3A_435 = vector.shape_cast %broadcast_in_dim3A_22 : vector<16xf32> to vector<1x16xf32>
    tpu.vector_store %arg12[%swap3A_431, %swap3A_432], %swap3A_435 {strides = array<i32>} : memref<128x16xf32, #tpu.memory_space<vmem>>, vector<1x16xf32>,
    %swap3A_436 = arith.constant 69 : i32
    %swap3A_437 = arith.index_cast %swap3A_436 : i32 to index
    %swap3A_438 = arith.constant 0 : index
    %swap3A_439 = tpu.vector_load %arg12[%swap3A_437, %swap3A_438] {strides = array<i32>} : memref<128x16xf32, #tpu.memory_space<vmem>>, vector<1x16xf32>,
    %swap3A_440 = vector.shape_cast %swap3A_439 : vector<1x16xf32> to vector<16xf32>
    %swap3A_441 = vector.shape_cast %broadcast_in_dim3A_22 : vector<16xf32> to vector<1x16xf32>
    tpu.vector_store %arg12[%swap3A_437, %swap3A_438], %swap3A_441 {strides = array<i32>} : memref<128x16xf32, #tpu.memory_space<vmem>>, vector<1x16xf32>,
    %swap3A_442 = arith.constant 70 : i32
    %swap3A_443 = arith.index_cast %swap3A_442 : i32 to index
    %swap3A_444 = arith.constant 0 : index
    %swap3A_445 = tpu.vector_load %arg12[%swap3A_443, %swap3A_444] {strides = array<i32>} : memref<128x16xf32, #tpu.memory_space<vmem>>, vector<1x16xf32>,
    %swap3A_446 = vector.shape_cast %swap3A_445 : vector<1x16xf32> to vector<16xf32>
    %swap3A_447 = vector.shape_cast %broadcast_in_dim3A_22 : vector<16xf32> to vector<1x16xf32>
    tpu.vector_store %arg12[%swap3A_443, %swap3A_444], %swap3A_447 {strides = array<i32>} : memref<128x16xf32, #tpu.memory_space<vmem>>, vector<1x16xf32>,
    %swap3A_448 = arith.constant 71 : i32
    %swap3A_449 = arith.index_cast %swap3A_448 : i32 to index
    %swap3A_450 = arith.constant 0 : index
    %swap3A_451 = tpu.vector_load %arg12[%swap3A_449, %swap3A_450] {strides = array<i32>} : memref<128x16xf32, #tpu.memory_space<vmem>>, vector<1x16xf32>,
    %swap3A_452 = vector.shape_cast %swap3A_451 : vector<1x16xf32> to vector<16xf32>
    %swap3A_453 = vector.shape_cast %broadcast_in_dim3A_22 : vector<16xf32> to vector<1x16xf32>
    tpu.vector_store %arg12[%swap3A_449, %swap3A_450], %swap3A_453 {strides = array<i32>} : memref<128x16xf32, #tpu.memory_space<vmem>>, vector<1x16xf32>,
    %swap3A_454 = arith.constant 72 : i32
    %swap3A_455 = arith.index_cast %swap3A_454 : i32 to index
    %swap3A_456 = arith.constant 0 : index
    %swap3A_457 = tpu.vector_load %arg12[%swap3A_455, %swap3A_456] {strides = array<i32>} : memref<128x16xf32, #tpu.memory_space<vmem>>, vector<1x16xf32>,
    %swap3A_458 = vector.shape_cast %swap3A_457 : vector<1x16xf32> to vector<16xf32>
    %swap3A_459 = vector.shape_cast %broadcast_in_dim3A_22 : vector<16xf32> to vector<1x16xf32>
    tpu.vector_store %arg12[%swap3A_455, %swap3A_456], %swap3A_459 {strides = array<i32>} : memref<128x16xf32, #tpu.memory_space<vmem>>, vector<1x16xf32>,
    %swap3A_460 = arith.constant 73 : i32
    %swap3A_461 = arith.index_cast %swap3A_460 : i32 to index
    %swap3A_462 = arith.constant 0 : index
    %swap3A_463 = tpu.vector_load %arg12[%swap3A_461, %swap3A_462] {strides = array<i32>} : memref<128x16xf32, #tpu.memory_space<vmem>>, vector<1x16xf32>,
    %swap3A_464 = vector.shape_cast %swap3A_463 : vector<1x16xf32> to vector<16xf32>
    %swap3A_465 = vector.shape_cast %broadcast_in_dim3A_22 : vector<16xf32> to vector<1x16xf32>
    tpu.vector_store %arg12[%swap3A_461, %swap3A_462], %swap3A_465 {strides = array<i32>} : memref<128x16xf32, #tpu.memory_space<vmem>>, vector<1x16xf32>,
    %swap3A_466 = arith.constant 74 : i32
    %swap3A_467 = arith.index_cast %swap3A_466 : i32 to index
    %swap3A_468 = arith.constant 0 : index
    %swap3A_469 = tpu.vector_load %arg12[%swap3A_467, %swap3A_468] {strides = array<i32>} : memref<128x16xf32, #tpu.memory_space<vmem>>, vector<1x16xf32>,
    %swap3A_470 = vector.shape_cast %swap3A_469 : vector<1x16xf32> to vector<16xf32>
    %swap3A_471 = vector.shape_cast %broadcast_in_dim3A_22 : vector<16xf32> to vector<1x16xf32>
    tpu.vector_store %arg12[%swap3A_467, %swap3A_468], %swap3A_471 {strides = array<i32>} : memref<128x16xf32, #tpu.memory_space<vmem>>, vector<1x16xf32>,
    %swap3A_472 = arith.constant 75 : i32
    %swap3A_473 = arith.index_cast %swap3A_472 : i32 to index
    %swap3A_474 = arith.constant 0 : index
    %swap3A_475 = tpu.vector_load %arg12[%swap3A_473, %swap3A_474] {strides = array<i32>} : memref<128x16xf32, #tpu.memory_space<vmem>>, vector<1x16xf32>,
    %swap3A_476 = vector.shape_cast %swap3A_475 : vector<1x16xf32> to vector<16xf32>
    %swap3A_477 = vector.shape_cast %broadcast_in_dim3A_22 : vector<16xf32> to vector<1x16xf32>
    tpu.vector_store %arg12[%swap3A_473, %swap3A_474], %swap3A_477 {strides = array<i32>} : memref<128x16xf32, #tpu.memory_space<vmem>>, vector<1x16xf32>,
    %swap3A_478 = arith.constant 76 : i32
    %swap3A_479 = arith.index_cast %swap3A_478 : i32 to index
    %swap3A_480 = arith.constant 0 : index
    %swap3A_481 = tpu.vector_load %arg12[%swap3A_479, %swap3A_480] {strides = array<i32>} : memref<128x16xf32, #tpu.memory_space<vmem>>, vector<1x16xf32>,
    %swap3A_482 = vector.shape_cast %swap3A_481 : vector<1x16xf32> to vector<16xf32>
    %swap3A_483 = vector.shape_cast %broadcast_in_dim3A_22 : vector<16xf32> to vector<1x16xf32>
    tpu.vector_store %arg12[%swap3A_479, %swap3A_480], %swap3A_483 {strides = array<i32>} : memref<128x16xf32, #tpu.memory_space<vmem>>, vector<1x16xf32>,
    %swap3A_484 = arith.constant 77 : i32
    %swap3A_485 = arith.index_cast %swap3A_484 : i32 to index
    %swap3A_486 = arith.constant 0 : index
    %swap3A_487 = tpu.vector_load %arg12[%swap3A_485, %swap3A_486] {strides = array<i32>} : memref<128x16xf32, #tpu.memory_space<vmem>>, vector<1x16xf32>,
    %swap3A_488 = vector.shape_cast %swap3A_487 : vector<1x16xf32> to vector<16xf32>
    %swap3A_489 = vector.shape_cast %broadcast_in_dim3A_22 : vector<16xf32> to vector<1x16xf32>
    tpu.vector_store %arg12[%swap3A_485, %swap3A_486], %swap3A_489 {strides = array<i32>} : memref<128x16xf32, #tpu.memory_space<vmem>>, vector<1x16xf32>,
    %swap3A_490 = arith.constant 78 : i32
    %swap3A_491 = arith.index_cast %swap3A_490 : i32 to index
    %swap3A_492 = arith.constant 0 : index
    %swap3A_493 = tpu.vector_load %arg12[%swap3A_491, %swap3A_492] {strides = array<i32>} : memref<128x16xf32, #tpu.memory_space<vmem>>, vector<1x16xf32>,
    %swap3A_494 = vector.shape_cast %swap3A_493 : vector<1x16xf32> to vector<16xf32>
    %swap3A_495 = vector.shape_cast %broadcast_in_dim3A_22 : vector<16xf32> to vector<1x16xf32>
    tpu.vector_store %arg12[%swap3A_491, %swap3A_492], %swap3A_495 {strides = array<i32>} : memref<128x16xf32, #tpu.memory_space<vmem>>, vector<1x16xf32>,
    %swap3A_496 = arith.constant 79 : i32
    %swap3A_497 = arith.index_cast %swap3A_496 : i32 to index
    %swap3A_498 = arith.constant 0 : index
    %swap3A_499 = tpu.vector_load %arg12[%swap3A_497, %swap3A_498] {strides = array<i32>} : memref<128x16xf32, #tpu.memory_space<vmem>>, vector<1x16xf32>,
    %swap3A_500 = vector.shape_cast %swap3A_499 : vector<1x16xf32> to vector<16xf32>
    %swap3A_501 = vector.shape_cast %broadcast_in_dim3A_22 : vector<16xf32> to vector<1x16xf32>
    tpu.vector_store %arg12[%swap3A_497, %swap3A_498], %swap3A_501 {strides = array<i32>} : memref<128x16xf32, #tpu.memory_space<vmem>>, vector<1x16xf32>,
    %swap3A_502 = arith.constant 80 : i32
    %swap3A_503 = arith.index_cast %swap3A_502 : i32 to index
    %swap3A_504 = arith.constant 0 : index
    %swap3A_505 = tpu.vector_load %arg12[%swap3A_503, %swap3A_504] {strides = array<i32>} : memref<128x16xf32, #tpu.memory_space<vmem>>, vector<1x16xf32>,
    %swap3A_506 = vector.shape_cast %swap3A_505 : vector<1x16xf32> to vector<16xf32>
    %swap3A_507 = vector.shape_cast %broadcast_in_dim3A_22 : vector<16xf32> to vector<1x16xf32>
    tpu.vector_store %arg12[%swap3A_503, %swap3A_504], %swap3A_507 {strides = array<i32>} : memref<128x16xf32, #tpu.memory_space<vmem>>, vector<1x16xf32>,
    %swap3A_508 = arith.constant 81 : i32
    %swap3A_509 = arith.index_cast %swap3A_508 : i32 to index
    %swap3A_510 = arith.constant 0 : index
    %swap3A_511 = tpu.vector_load %arg12[%swap3A_509, %swap3A_510] {strides = array<i32>} : memref<128x16xf32, #tpu.memory_space<vmem>>, vector<1x16xf32>,
    %swap3A_512 = vector.shape_cast %swap3A_511 : vector<1x16xf32> to vector<16xf32>
    %swap3A_513 = vector.shape_cast %broadcast_in_dim3A_22 : vector<16xf32> to vector<1x16xf32>
    tpu.vector_store %arg12[%swap3A_509, %swap3A_510], %swap3A_513 {strides = array<i32>} : memref<128x16xf32, #tpu.memory_space<vmem>>, vector<1x16xf32>,
    %swap3A_514 = arith.constant 82 : i32
    %swap3A_515 = arith.index_cast %swap3A_514 : i32 to index
    %swap3A_516 = arith.constant 0 : index
    %swap3A_517 = tpu.vector_load %arg12[%swap3A_515, %swap3A_516] {strides = array<i32>} : memref<128x16xf32, #tpu.memory_space<vmem>>, vector<1x16xf32>,
    %swap3A_518 = vector.shape_cast %swap3A_517 : vector<1x16xf32> to vector<16xf32>
    %swap3A_519 = vector.shape_cast %broadcast_in_dim3A_22 : vector<16xf32> to vector<1x16xf32>
    tpu.vector_store %arg12[%swap3A_515, %swap3A_516], %swap3A_519 {strides = array<i32>} : memref<128x16xf32, #tpu.memory_space<vmem>>, vector<1x16xf32>,
    %swap3A_520 = arith.constant 83 : i32
    %swap3A_521 = arith.index_cast %swap3A_520 : i32 to index
    %swap3A_522 = arith.constant 0 : index
    %swap3A_523 = tpu.vector_load %arg12[%swap3A_521, %swap3A_522] {strides = array<i32>} : memref<128x16xf32, #tpu.memory_space<vmem>>, vector<1x16xf32>,
    %swap3A_524 = vector.shape_cast %swap3A_523 : vector<1x16xf32> to vector<16xf32>
    %swap3A_525 = vector.shape_cast %broadcast_in_dim3A_22 : vector<16xf32> to vector<1x16xf32>
    tpu.vector_store %arg12[%swap3A_521, %swap3A_522], %swap3A_525 {strides = array<i32>} : memref<128x16xf32, #tpu.memory_space<vmem>>, vector<1x16xf32>,
    %swap3A_526 = arith.constant 84 : i32
    %swap3A_527 = arith.index_cast %swap3A_526 : i32 to index
    %swap3A_528 = arith.constant 0 : index
    %swap3A_529 = tpu.vector_load %arg12[%swap3A_527, %swap3A_528] {strides = array<i32>} : memref<128x16xf32, #tpu.memory_space<vmem>>, vector<1x16xf32>,
    %swap3A_530 = vector.shape_cast %swap3A_529 : vector<1x16xf32> to vector<16xf32>
    %swap3A_531 = vector.shape_cast %broadcast_in_dim3A_22 : vector<16xf32> to vector<1x16xf32>
    tpu.vector_store %arg12[%swap3A_527, %swap3A_528], %swap3A_531 {strides = array<i32>} : memref<128x16xf32, #tpu.memory_space<vmem>>, vector<1x16xf32>,
    %swap3A_532 = arith.constant 85 : i32
    %swap3A_533 = arith.index_cast %swap3A_532 : i32 to index
    %swap3A_534 = arith.constant 0 : index
    %swap3A_535 = tpu.vector_load %arg12[%swap3A_533, %swap3A_534] {strides = array<i32>} : memref<128x16xf32, #tpu.memory_space<vmem>>, vector<1x16xf32>,
    %swap3A_536 = vector.shape_cast %swap3A_535 : vector<1x16xf32> to vector<16xf32>
    %swap3A_537 = vector.shape_cast %broadcast_in_dim3A_22 : vector<16xf32> to vector<1x16xf32>
    tpu.vector_store %arg12[%swap3A_533, %swap3A_534], %swap3A_537 {strides = array<i32>} : memref<128x16xf32, #tpu.memory_space<vmem>>, vector<1x16xf32>,
    %swap3A_538 = arith.constant 86 : i32
    %swap3A_539 = arith.index_cast %swap3A_538 : i32 to index
    %swap3A_540 = arith.constant 0 : index
    %swap3A_541 = tpu.vector_load %arg12[%swap3A_539, %swap3A_540] {strides = array<i32>} : memref<128x16xf32, #tpu.memory_space<vmem>>, vector<1x16xf32>,
    %swap3A_542 = vector.shape_cast %swap3A_541 : vector<1x16xf32> to vector<16xf32>
    %swap3A_543 = vector.shape_cast %broadcast_in_dim3A_22 : vector<16xf32> to vector<1x16xf32>
    tpu.vector_store %arg12[%swap3A_539, %swap3A_540], %swap3A_543 {strides = array<i32>} : memref<128x16xf32, #tpu.memory_space<vmem>>, vector<1x16xf32>,
    %swap3A_544 = arith.constant 87 : i32
    %swap3A_545 = arith.index_cast %swap3A_544 : i32 to index
    %swap3A_546 = arith.constant 0 : index
    %swap3A_547 = tpu.vector_load %arg12[%swap3A_545, %swap3A_546] {strides = array<i32>} : memref<128x16xf32, #tpu.memory_space<vmem>>, vector<1x16xf32>,
    %swap3A_548 = vector.shape_cast %swap3A_547 : vector<1x16xf32> to vector<16xf32>
    %swap3A_549 = vector.shape_cast %broadcast_in_dim3A_22 : vector<16xf32> to vector<1x16xf32>
    tpu.vector_store %arg12[%swap3A_545, %swap3A_546], %swap3A_549 {strides = array<i32>} : memref<128x16xf32, #tpu.memory_space<vmem>>, vector<1x16xf32>,
    %swap3A_550 = arith.constant 88 : i32
    %swap3A_551 = arith.index_cast %swap3A_550 : i32 to index
    %swap3A_552 = arith.constant 0 : index
    %swap3A_553 = tpu.vector_load %arg12[%swap3A_551, %swap3A_552] {strides = array<i32>} : memref<128x16xf32, #tpu.memory_space<vmem>>, vector<1x16xf32>,
    %swap3A_554 = vector.shape_cast %swap3A_553 : vector<1x16xf32> to vector<16xf32>
    %swap3A_555 = vector.shape_cast %broadcast_in_dim3A_22 : vector<16xf32> to vector<1x16xf32>
    tpu.vector_store %arg12[%swap3A_551, %swap3A_552], %swap3A_555 {strides = array<i32>} : memref<128x16xf32, #tpu.memory_space<vmem>>, vector<1x16xf32>,
    %swap3A_556 = arith.constant 89 : i32
    %swap3A_557 = arith.index_cast %swap3A_556 : i32 to index
    %swap3A_558 = arith.constant 0 : index
    %swap3A_559 = tpu.vector_load %arg12[%swap3A_557, %swap3A_558] {strides = array<i32>} : memref<128x16xf32, #tpu.memory_space<vmem>>, vector<1x16xf32>,
    %swap3A_560 = vector.shape_cast %swap3A_559 : vector<1x16xf32> to vector<16xf32>
    %swap3A_561 = vector.shape_cast %broadcast_in_dim3A_22 : vector<16xf32> to vector<1x16xf32>
    tpu.vector_store %arg12[%swap3A_557, %swap3A_558], %swap3A_561 {strides = array<i32>} : memref<128x16xf32, #tpu.memory_space<vmem>>, vector<1x16xf32>,
    %swap3A_562 = arith.constant 90 : i32
    %swap3A_563 = arith.index_cast %swap3A_562 : i32 to index
    %swap3A_564 = arith.constant 0 : index
    %swap3A_565 = tpu.vector_load %arg12[%swap3A_563, %swap3A_564] {strides = array<i32>} : memref<128x16xf32, #tpu.memory_space<vmem>>, vector<1x16xf32>,
    %swap3A_566 = vector.shape_cast %swap3A_565 : vector<1x16xf32> to vector<16xf32>
    %swap3A_567 = vector.shape_cast %broadcast_in_dim3A_22 : vector<16xf32> to vector<1x16xf32>
    tpu.vector_store %arg12[%swap3A_563, %swap3A_564], %swap3A_567 {strides = array<i32>} : memref<128x16xf32, #tpu.memory_space<vmem>>, vector<1x16xf32>,
    %swap3A_568 = arith.constant 91 : i32
    %swap3A_569 = arith.index_cast %swap3A_568 : i32 to index
    %swap3A_570 = arith.constant 0 : index
    %swap3A_571 = tpu.vector_load %arg12[%swap3A_569, %swap3A_570] {strides = array<i32>} : memref<128x16xf32, #tpu.memory_space<vmem>>, vector<1x16xf32>,
    %swap3A_572 = vector.shape_cast %swap3A_571 : vector<1x16xf32> to vector<16xf32>
    %swap3A_573 = vector.shape_cast %broadcast_in_dim3A_22 : vector<16xf32> to vector<1x16xf32>
    tpu.vector_store %arg12[%swap3A_569, %swap3A_570], %swap3A_573 {strides = array<i32>} : memref<128x16xf32, #tpu.memory_space<vmem>>, vector<1x16xf32>,
    %swap3A_574 = arith.constant 92 : i32
    %swap3A_575 = arith.index_cast %swap3A_574 : i32 to index
    %swap3A_576 = arith.constant 0 : index
    %swap3A_577 = tpu.vector_load %arg12[%swap3A_575, %swap3A_576] {strides = array<i32>} : memref<128x16xf32, #tpu.memory_space<vmem>>, vector<1x16xf32>,
    %swap3A_578 = vector.shape_cast %swap3A_577 : vector<1x16xf32> to vector<16xf32>
    %swap3A_579 = vector.shape_cast %broadcast_in_dim3A_22 : vector<16xf32> to vector<1x16xf32>
    tpu.vector_store %arg12[%swap3A_575, %swap3A_576], %swap3A_579 {strides = array<i32>} : memref<128x16xf32, #tpu.memory_space<vmem>>, vector<1x16xf32>,
    %swap3A_580 = arith.constant 93 : i32
    %swap3A_581 = arith.index_cast %swap3A_580 : i32 to index
    %swap3A_582 = arith.constant 0 : index
    %swap3A_583 = tpu.vector_load %arg12[%swap3A_581, %swap3A_582] {strides = array<i32>} : memref<128x16xf32, #tpu.memory_space<vmem>>, vector<1x16xf32>,
    %swap3A_584 = vector.shape_cast %swap3A_583 : vector<1x16xf32> to vector<16xf32>
    %swap3A_585 = vector.shape_cast %broadcast_in_dim3A_22 : vector<16xf32> to vector<1x16xf32>
    tpu.vector_store %arg12[%swap3A_581, %swap3A_582], %swap3A_585 {strides = array<i32>} : memref<128x16xf32, #tpu.memory_space<vmem>>, vector<1x16xf32>,
    %swap3A_586 = arith.constant 94 : i32
    %swap3A_587 = arith.index_cast %swap3A_586 : i32 to index
    %swap3A_588 = arith.constant 0 : index
    %swap3A_589 = tpu.vector_load %arg12[%swap3A_587, %swap3A_588] {strides = array<i32>} : memref<128x16xf32, #tpu.memory_space<vmem>>, vector<1x16xf32>,
    %swap3A_590 = vector.shape_cast %swap3A_589 : vector<1x16xf32> to vector<16xf32>
    %swap3A_591 = vector.shape_cast %broadcast_in_dim3A_22 : vector<16xf32> to vector<1x16xf32>
    tpu.vector_store %arg12[%swap3A_587, %swap3A_588], %swap3A_591 {strides = array<i32>} : memref<128x16xf32, #tpu.memory_space<vmem>>, vector<1x16xf32>,
    %swap3A_592 = arith.constant 95 : i32
    %swap3A_593 = arith.index_cast %swap3A_592 : i32 to index
    %swap3A_594 = arith.constant 0 : index
    %swap3A_595 = tpu.vector_load %arg12[%swap3A_593, %swap3A_594] {strides = array<i32>} : memref<128x16xf32, #tpu.memory_space<vmem>>, vector<1x16xf32>,
    %swap3A_596 = vector.shape_cast %swap3A_595 : vector<1x16xf32> to vector<16xf32>
    %swap3A_597 = vector.shape_cast %broadcast_in_dim3A_22 : vector<16xf32> to vector<1x16xf32>
    tpu.vector_store %arg12[%swap3A_593, %swap3A_594], %swap3A_597 {strides = array<i32>} : memref<128x16xf32, #tpu.memory_space<vmem>>, vector<1x16xf32>,
    %swap3A_598 = arith.constant 96 : i32
    %swap3A_599 = arith.index_cast %swap3A_598 : i32 to index
    %swap3A_600 = arith.constant 0 : index
    %swap3A_601 = tpu.vector_load %arg12[%swap3A_599, %swap3A_600] {strides = array<i32>} : memref<128x16xf32, #tpu.memory_space<vmem>>, vector<1x16xf32>,
    %swap3A_602 = vector.shape_cast %swap3A_601 : vector<1x16xf32> to vector<16xf32>
    %swap3A_603 = vector.shape_cast %broadcast_in_dim3A_22 : vector<16xf32> to vector<1x16xf32>
    tpu.vector_store %arg12[%swap3A_599, %swap3A_600], %swap3A_603 {strides = array<i32>} : memref<128x16xf32, #tpu.memory_space<vmem>>, vector<1x16xf32>,
    %swap3A_604 = arith.constant 97 : i32
    %swap3A_605 = arith.index_cast %swap3A_604 : i32 to index
    %swap3A_606 = arith.constant 0 : index
    %swap3A_607 = tpu.vector_load %arg12[%swap3A_605, %swap3A_606] {strides = array<i32>} : memref<128x16xf32, #tpu.memory_space<vmem>>, vector<1x16xf32>,
    %swap3A_608 = vector.shape_cast %swap3A_607 : vector<1x16xf32> to vector<16xf32>
    %swap3A_609 = vector.shape_cast %broadcast_in_dim3A_22 : vector<16xf32> to vector<1x16xf32>
    tpu.vector_store %arg12[%swap3A_605, %swap3A_606], %swap3A_609 {strides = array<i32>} : memref<128x16xf32, #tpu.memory_space<vmem>>, vector<1x16xf32>,
    %swap3A_610 = arith.constant 98 : i32
    %swap3A_611 = arith.index_cast %swap3A_610 : i32 to index
    %swap3A_612 = arith.constant 0 : index
    %swap3A_613 = tpu.vector_load %arg12[%swap3A_611, %swap3A_612] {strides = array<i32>} : memref<128x16xf32, #tpu.memory_space<vmem>>, vector<1x16xf32>,
    %swap3A_614 = vector.shape_cast %swap3A_613 : vector<1x16xf32> to vector<16xf32>
    %swap3A_615 = vector.shape_cast %broadcast_in_dim3A_22 : vector<16xf32> to vector<1x16xf32>
    tpu.vector_store %arg12[%swap3A_611, %swap3A_612], %swap3A_615 {strides = array<i32>} : memref<128x16xf32, #tpu.memory_space<vmem>>, vector<1x16xf32>,
    %swap3A_616 = arith.constant 99 : i32
    %swap3A_617 = arith.index_cast %swap3A_616 : i32 to index
    %swap3A_618 = arith.constant 0 : index
    %swap3A_619 = tpu.vector_load %arg12[%swap3A_617, %swap3A_618] {strides = array<i32>} : memref<128x16xf32, #tpu.memory_space<vmem>>, vector<1x16xf32>,
    %swap3A_620 = vector.shape_cast %swap3A_619 : vector<1x16xf32> to vector<16xf32>
    %swap3A_621 = vector.shape_cast %broadcast_in_dim3A_22 : vector<16xf32> to vector<1x16xf32>
    tpu.vector_store %arg12[%swap3A_617, %swap3A_618], %swap3A_621 {strides = array<i32>} : memref<128x16xf32, #tpu.memory_space<vmem>>, vector<1x16xf32>,
    %swap3A_622 = arith.constant 100 : i32
    %swap3A_623 = arith.index_cast %swap3A_622 : i32 to index
    %swap3A_624 = arith.constant 0 : index
    %swap3A_625 = tpu.vector_load %arg12[%swap3A_623, %swap3A_624] {strides = array<i32>} : memref<128x16xf32, #tpu.memory_space<vmem>>, vector<1x16xf32>,
    %swap3A_626 = vector.shape_cast %swap3A_625 : vector<1x16xf32> to vector<16xf32>
    %swap3A_627 = vector.shape_cast %broadcast_in_dim3A_22 : vector<16xf32> to vector<1x16xf32>
    tpu.vector_store %arg12[%swap3A_623, %swap3A_624], %swap3A_627 {strides = array<i32>} : memref<128x16xf32, #tpu.memory_space<vmem>>, vector<1x16xf32>,
    %swap3A_628 = arith.constant 101 : i32
    %swap3A_629 = arith.index_cast %swap3A_628 : i32 to index
    %swap3A_630 = arith.constant 0 : index
    %swap3A_631 = tpu.vector_load %arg12[%swap3A_629, %swap3A_630] {strides = array<i32>} : memref<128x16xf32, #tpu.memory_space<vmem>>, vector<1x16xf32>,
    %swap3A_632 = vector.shape_cast %swap3A_631 : vector<1x16xf32> to vector<16xf32>
    %swap3A_633 = vector.shape_cast %broadcast_in_dim3A_22 : vector<16xf32> to vector<1x16xf32>
    tpu.vector_store %arg12[%swap3A_629, %swap3A_630], %swap3A_633 {strides = array<i32>} : memref<128x16xf32, #tpu.memory_space<vmem>>, vector<1x16xf32>,
    %swap3A_634 = arith.constant 102 : i32
    %swap3A_635 = arith.index_cast %swap3A_634 : i32 to index
    %swap3A_636 = arith.constant 0 : index
    %swap3A_637 = tpu.vector_load %arg12[%swap3A_635, %swap3A_636] {strides = array<i32>} : memref<128x16xf32, #tpu.memory_space<vmem>>, vector<1x16xf32>,
    %swap3A_638 = vector.shape_cast %swap3A_637 : vector<1x16xf32> to vector<16xf32>
    %swap3A_639 = vector.shape_cast %broadcast_in_dim3A_22 : vector<16xf32> to vector<1x16xf32>
    tpu.vector_store %arg12[%swap3A_635, %swap3A_636], %swap3A_639 {strides = array<i32>} : memref<128x16xf32, #tpu.memory_space<vmem>>, vector<1x16xf32>,
    %swap3A_640 = arith.constant 103 : i32
    %swap3A_641 = arith.index_cast %swap3A_640 : i32 to index
    %swap3A_642 = arith.constant 0 : index
    %swap3A_643 = tpu.vector_load %arg12[%swap3A_641, %swap3A_642] {strides = array<i32>} : memref<128x16xf32, #tpu.memory_space<vmem>>, vector<1x16xf32>,
    %swap3A_644 = vector.shape_cast %swap3A_643 : vector<1x16xf32> to vector<16xf32>
    %swap3A_645 = vector.shape_cast %broadcast_in_dim3A_22 : vector<16xf32> to vector<1x16xf32>
    tpu.vector_store %arg12[%swap3A_641, %swap3A_642], %swap3A_645 {strides = array<i32>} : memref<128x16xf32, #tpu.memory_space<vmem>>, vector<1x16xf32>,
    %swap3A_646 = arith.constant 104 : i32
    %swap3A_647 = arith.index_cast %swap3A_646 : i32 to index
    %swap3A_648 = arith.constant 0 : index
    %swap3A_649 = tpu.vector_load %arg12[%swap3A_647, %swap3A_648] {strides = array<i32>} : memref<128x16xf32, #tpu.memory_space<vmem>>, vector<1x16xf32>,
    %swap3A_650 = vector.shape_cast %swap3A_649 : vector<1x16xf32> to vector<16xf32>
    %swap3A_651 = vector.shape_cast %broadcast_in_dim3A_22 : vector<16xf32> to vector<1x16xf32>
    tpu.vector_store %arg12[%swap3A_647, %swap3A_648], %swap3A_651 {strides = array<i32>} : memref<128x16xf32, #tpu.memory_space<vmem>>, vector<1x16xf32>,
    %swap3A_652 = arith.constant 105 : i32
    %swap3A_653 = arith.index_cast %swap3A_652 : i32 to index
    %swap3A_654 = arith.constant 0 : index
    %swap3A_655 = tpu.vector_load %arg12[%swap3A_653, %swap3A_654] {strides = array<i32>} : memref<128x16xf32, #tpu.memory_space<vmem>>, vector<1x16xf32>,
    %swap3A_656 = vector.shape_cast %swap3A_655 : vector<1x16xf32> to vector<16xf32>
    %swap3A_657 = vector.shape_cast %broadcast_in_dim3A_22 : vector<16xf32> to vector<1x16xf32>
    tpu.vector_store %arg12[%swap3A_653, %swap3A_654], %swap3A_657 {strides = array<i32>} : memref<128x16xf32, #tpu.memory_space<vmem>>, vector<1x16xf32>,
    %swap3A_658 = arith.constant 106 : i32
    %swap3A_659 = arith.index_cast %swap3A_658 : i32 to index
    %swap3A_660 = arith.constant 0 : index
    %swap3A_661 = tpu.vector_load %arg12[%swap3A_659, %swap3A_660] {strides = array<i32>} : memref<128x16xf32, #tpu.memory_space<vmem>>, vector<1x16xf32>,
    %swap3A_662 = vector.shape_cast %swap3A_661 : vector<1x16xf32> to vector<16xf32>
    %swap3A_663 = vector.shape_cast %broadcast_in_dim3A_22 : vector<16xf32> to vector<1x16xf32>
    tpu.vector_store %arg12[%swap3A_659, %swap3A_660], %swap3A_663 {strides = array<i32>} : memref<128x16xf32, #tpu.memory_space<vmem>>, vector<1x16xf32>,
    %swap3A_664 = arith.constant 107 : i32
    %swap3A_665 = arith.index_cast %swap3A_664 : i32 to index
    %swap3A_666 = arith.constant 0 : index
    %swap3A_667 = tpu.vector_load %arg12[%swap3A_665, %swap3A_666] {strides = array<i32>} : memref<128x16xf32, #tpu.memory_space<vmem>>, vector<1x16xf32>,
    %swap3A_668 = vector.shape_cast %swap3A_667 : vector<1x16xf32> to vector<16xf32>
    %swap3A_669 = vector.shape_cast %broadcast_in_dim3A_22 : vector<16xf32> to vector<1x16xf32>
    tpu.vector_store %arg12[%swap3A_665, %swap3A_666], %swap3A_669 {strides = array<i32>} : memref<128x16xf32, #tpu.memory_space<vmem>>, vector<1x16xf32>,
    %swap3A_670 = arith.constant 108 : i32
    %swap3A_671 = arith.index_cast %swap3A_670 : i32 to index
    %swap3A_672 = arith.constant 0 : index
    %swap3A_673 = tpu.vector_load %arg12[%swap3A_671, %swap3A_672] {strides = array<i32>} : memref<128x16xf32, #tpu.memory_space<vmem>>, vector<1x16xf32>,
    %swap3A_674 = vector.shape_cast %swap3A_673 : vector<1x16xf32> to vector<16xf32>
    %swap3A_675 = vector.shape_cast %broadcast_in_dim3A_22 : vector<16xf32> to vector<1x16xf32>
    tpu.vector_store %arg12[%swap3A_671, %swap3A_672], %swap3A_675 {strides = array<i32>} : memref<128x16xf32, #tpu.memory_space<vmem>>, vector<1x16xf32>,
    %swap3A_676 = arith.constant 109 : i32
    %swap3A_677 = arith.index_cast %swap3A_676 : i32 to index
    %swap3A_678 = arith.constant 0 : index
    %swap3A_679 = tpu.vector_load %arg12[%swap3A_677, %swap3A_678] {strides = array<i32>} : memref<128x16xf32, #tpu.memory_space<vmem>>, vector<1x16xf32>,
    %swap3A_680 = vector.shape_cast %swap3A_679 : vector<1x16xf32> to vector<16xf32>
    %swap3A_681 = vector.shape_cast %broadcast_in_dim3A_22 : vector<16xf32> to vector<1x16xf32>
    tpu.vector_store %arg12[%swap3A_677, %swap3A_678], %swap3A_681 {strides = array<i32>} : memref<128x16xf32, #tpu.memory_space<vmem>>, vector<1x16xf32>,
    %swap3A_682 = arith.constant 110 : i32
    %swap3A_683 = arith.index_cast %swap3A_682 : i32 to index
    %swap3A_684 = arith.constant 0 : index
    %swap3A_685 = tpu.vector_load %arg12[%swap3A_683, %swap3A_684] {strides = array<i32>} : memref<128x16xf32, #tpu.memory_space<vmem>>, vector<1x16xf32>,
    %swap3A_686 = vector.shape_cast %swap3A_685 : vector<1x16xf32> to vector<16xf32>
    %swap3A_687 = vector.shape_cast %broadcast_in_dim3A_22 : vector<16xf32> to vector<1x16xf32>
    tpu.vector_store %arg12[%swap3A_683, %swap3A_684], %swap3A_687 {strides = array<i32>} : memref<128x16xf32, #tpu.memory_space<vmem>>, vector<1x16xf32>,
    %swap3A_688 = arith.constant 111 : i32
    %swap3A_689 = arith.index_cast %swap3A_688 : i32 to index
    %swap3A_690 = arith.constant 0 : index
    %swap3A_691 = tpu.vector_load %arg12[%swap3A_689, %swap3A_690] {strides = array<i32>} : memref<128x16xf32, #tpu.memory_space<vmem>>, vector<1x16xf32>,
    %swap3A_692 = vector.shape_cast %swap3A_691 : vector<1x16xf32> to vector<16xf32>
    %swap3A_693 = vector.shape_cast %broadcast_in_dim3A_22 : vector<16xf32> to vector<1x16xf32>
    tpu.vector_store %arg12[%swap3A_689, %swap3A_690], %swap3A_693 {strides = array<i32>} : memref<128x16xf32, #tpu.memory_space<vmem>>, vector<1x16xf32>,
    %swap3A_694 = arith.constant 112 : i32
    %swap3A_695 = arith.index_cast %swap3A_694 : i32 to index
    %swap3A_696 = arith.constant 0 : index
    %swap3A_697 = tpu.vector_load %arg12[%swap3A_695, %swap3A_696] {strides = array<i32>} : memref<128x16xf32, #tpu.memory_space<vmem>>, vector<1x16xf32>,
    %swap3A_698 = vector.shape_cast %swap3A_697 : vector<1x16xf32> to vector<16xf32>
    %swap3A_699 = vector.shape_cast %broadcast_in_dim3A_22 : vector<16xf32> to vector<1x16xf32>
    tpu.vector_store %arg12[%swap3A_695, %swap3A_696], %swap3A_699 {strides = array<i32>} : memref<128x16xf32, #tpu.memory_space<vmem>>, vector<1x16xf32>,
    %swap3A_700 = arith.constant 113 : i32
    %swap3A_701 = arith.index_cast %swap3A_700 : i32 to index
    %swap3A_702 = arith.constant 0 : index
    %swap3A_703 = tpu.vector_load %arg12[%swap3A_701, %swap3A_702] {strides = array<i32>} : memref<128x16xf32, #tpu.memory_space<vmem>>, vector<1x16xf32>,
    %swap3A_704 = vector.shape_cast %swap3A_703 : vector<1x16xf32> to vector<16xf32>
    %swap3A_705 = vector.shape_cast %broadcast_in_dim3A_22 : vector<16xf32> to vector<1x16xf32>
    tpu.vector_store %arg12[%swap3A_701, %swap3A_702], %swap3A_705 {strides = array<i32>} : memref<128x16xf32, #tpu.memory_space<vmem>>, vector<1x16xf32>,
    %swap3A_706 = arith.constant 114 : i32
    %swap3A_707 = arith.index_cast %swap3A_706 : i32 to index
    %swap3A_708 = arith.constant 0 : index
    %swap3A_709 = tpu.vector_load %arg12[%swap3A_707, %swap3A_708] {strides = array<i32>} : memref<128x16xf32, #tpu.memory_space<vmem>>, vector<1x16xf32>,
    %swap3A_710 = vector.shape_cast %swap3A_709 : vector<1x16xf32> to vector<16xf32>
    %swap3A_711 = vector.shape_cast %broadcast_in_dim3A_22 : vector<16xf32> to vector<1x16xf32>
    tpu.vector_store %arg12[%swap3A_707, %swap3A_708], %swap3A_711 {strides = array<i32>} : memref<128x16xf32, #tpu.memory_space<vmem>>, vector<1x16xf32>,
    %swap3A_712 = arith.constant 115 : i32
    %swap3A_713 = arith.index_cast %swap3A_712 : i32 to index
    %swap3A_714 = arith.constant 0 : index
    %swap3A_715 = tpu.vector_load %arg12[%swap3A_713, %swap3A_714] {strides = array<i32>} : memref<128x16xf32, #tpu.memory_space<vmem>>, vector<1x16xf32>,
    %swap3A_716 = vector.shape_cast %swap3A_715 : vector<1x16xf32> to vector<16xf32>
    %swap3A_717 = vector.shape_cast %broadcast_in_dim3A_22 : vector<16xf32> to vector<1x16xf32>
    tpu.vector_store %arg12[%swap3A_713, %swap3A_714], %swap3A_717 {strides = array<i32>} : memref<128x16xf32, #tpu.memory_space<vmem>>, vector<1x16xf32>,
    %swap3A_718 = arith.constant 116 : i32
    %swap3A_719 = arith.index_cast %swap3A_718 : i32 to index
    %swap3A_720 = arith.constant 0 : index
    %swap3A_721 = tpu.vector_load %arg12[%swap3A_719, %swap3A_720] {strides = array<i32>} : memref<128x16xf32, #tpu.memory_space<vmem>>, vector<1x16xf32>,
    %swap3A_722 = vector.shape_cast %swap3A_721 : vector<1x16xf32> to vector<16xf32>
    %swap3A_723 = vector.shape_cast %broadcast_in_dim3A_22 : vector<16xf32> to vector<1x16xf32>
    tpu.vector_store %arg12[%swap3A_719, %swap3A_720], %swap3A_723 {strides = array<i32>} : memref<128x16xf32, #tpu.memory_space<vmem>>, vector<1x16xf32>,
    %swap3A_724 = arith.constant 117 : i32
    %swap3A_725 = arith.index_cast %swap3A_724 : i32 to index
    %swap3A_726 = arith.constant 0 : index
    %swap3A_727 = tpu.vector_load %arg12[%swap3A_725, %swap3A_726] {strides = array<i32>} : memref<128x16xf32, #tpu.memory_space<vmem>>, vector<1x16xf32>,
    %swap3A_728 = vector.shape_cast %swap3A_727 : vector<1x16xf32> to vector<16xf32>
    %swap3A_729 = vector.shape_cast %broadcast_in_dim3A_22 : vector<16xf32> to vector<1x16xf32>
    tpu.vector_store %arg12[%swap3A_725, %swap3A_726], %swap3A_729 {strides = array<i32>} : memref<128x16xf32, #tpu.memory_space<vmem>>, vector<1x16xf32>,
    %swap3A_730 = arith.constant 118 : i32
    %swap3A_731 = arith.index_cast %swap3A_730 : i32 to index
    %swap3A_732 = arith.constant 0 : index
    %swap3A_733 = tpu.vector_load %arg12[%swap3A_731, %swap3A_732] {strides = array<i32>} : memref<128x16xf32, #tpu.memory_space<vmem>>, vector<1x16xf32>,
    %swap3A_734 = vector.shape_cast %swap3A_733 : vector<1x16xf32> to vector<16xf32>
    %swap3A_735 = vector.shape_cast %broadcast_in_dim3A_22 : vector<16xf32> to vector<1x16xf32>
    tpu.vector_store %arg12[%swap3A_731, %swap3A_732], %swap3A_735 {strides = array<i32>} : memref<128x16xf32, #tpu.memory_space<vmem>>, vector<1x16xf32>,
    %swap3A_736 = arith.constant 119 : i32
    %swap3A_737 = arith.index_cast %swap3A_736 : i32 to index
    %swap3A_738 = arith.constant 0 : index
    %swap3A_739 = tpu.vector_load %arg12[%swap3A_737, %swap3A_738] {strides = array<i32>} : memref<128x16xf32, #tpu.memory_space<vmem>>, vector<1x16xf32>,
    %swap3A_740 = vector.shape_cast %swap3A_739 : vector<1x16xf32> to vector<16xf32>
    %swap3A_741 = vector.shape_cast %broadcast_in_dim3A_22 : vector<16xf32> to vector<1x16xf32>
    tpu.vector_store %arg12[%swap3A_737, %swap3A_738], %swap3A_741 {strides = array<i32>} : memref<128x16xf32, #tpu.memory_space<vmem>>, vector<1x16xf32>,
    %swap3A_742 = arith.constant 120 : i32
    %swap3A_743 = arith.index_cast %swap3A_742 : i32 to index
    %swap3A_744 = arith.constant 0 : index
    %swap3A_745 = tpu.vector_load %arg12[%swap3A_743, %swap3A_744] {strides = array<i32>} : memref<128x16xf32, #tpu.memory_space<vmem>>, vector<1x16xf32>,
    %swap3A_746 = vector.shape_cast %swap3A_745 : vector<1x16xf32> to vector<16xf32>
    %swap3A_747 = vector.shape_cast %broadcast_in_dim3A_22 : vector<16xf32> to vector<1x16xf32>
    tpu.vector_store %arg12[%swap3A_743, %swap3A_744], %swap3A_747 {strides = array<i32>} : memref<128x16xf32, #tpu.memory_space<vmem>>, vector<1x16xf32>,
    %swap3A_748 = arith.constant 121 : i32
    %swap3A_749 = arith.index_cast %swap3A_748 : i32 to index
    %swap3A_750 = arith.constant 0 : index
    %swap3A_751 = tpu.vector_load %arg12[%swap3A_749, %swap3A_750] {strides = array<i32>} : memref<128x16xf32, #tpu.memory_space<vmem>>, vector<1x16xf32>,
    %swap3A_752 = vector.shape_cast %swap3A_751 : vector<1x16xf32> to vector<16xf32>
    %swap3A_753 = vector.shape_cast %broadcast_in_dim3A_22 : vector<16xf32> to vector<1x16xf32>
    tpu.vector_store %arg12[%swap3A_749, %swap3A_750], %swap3A_753 {strides = array<i32>} : memref<128x16xf32, #tpu.memory_space<vmem>>, vector<1x16xf32>,
    %swap3A_754 = arith.constant 122 : i32
    %swap3A_755 = arith.index_cast %swap3A_754 : i32 to index
    %swap3A_756 = arith.constant 0 : index
    %swap3A_757 = tpu.vector_load %arg12[%swap3A_755, %swap3A_756] {strides = array<i32>} : memref<128x16xf32, #tpu.memory_space<vmem>>, vector<1x16xf32>,
    %swap3A_758 = vector.shape_cast %swap3A_757 : vector<1x16xf32> to vector<16xf32>
    %swap3A_759 = vector.shape_cast %broadcast_in_dim3A_22 : vector<16xf32> to vector<1x16xf32>
    tpu.vector_store %arg12[%swap3A_755, %swap3A_756], %swap3A_759 {strides = array<i32>} : memref<128x16xf32, #tpu.memory_space<vmem>>, vector<1x16xf32>,
    %swap3A_760 = arith.constant 123 : i32
    %swap3A_761 = arith.index_cast %swap3A_760 : i32 to index
    %swap3A_762 = arith.constant 0 : index
    %swap3A_763 = tpu.vector_load %arg12[%swap3A_761, %swap3A_762] {strides = array<i32>} : memref<128x16xf32, #tpu.memory_space<vmem>>, vector<1x16xf32>,
    %swap3A_764 = vector.shape_cast %swap3A_763 : vector<1x16xf32> to vector<16xf32>
    %swap3A_765 = vector.shape_cast %broadcast_in_dim3A_22 : vector<16xf32> to vector<1x16xf32>
    tpu.vector_store %arg12[%swap3A_761, %swap3A_762], %swap3A_765 {strides = array<i32>} : memref<128x16xf32, #tpu.memory_space<vmem>>, vector<1x16xf32>,
    %swap3A_766 = arith.constant 124 : i32
    %swap3A_767 = arith.index_cast %swap3A_766 : i32 to index
    %swap3A_768 = arith.constant 0 : index
    %swap3A_769 = tpu.vector_load %arg12[%swap3A_767, %swap3A_768] {strides = array<i32>} : memref<128x16xf32, #tpu.memory_space<vmem>>, vector<1x16xf32>,
    %swap3A_770 = vector.shape_cast %swap3A_769 : vector<1x16xf32> to vector<16xf32>
    %swap3A_771 = vector.shape_cast %broadcast_in_dim3A_22 : vector<16xf32> to vector<1x16xf32>
    tpu.vector_store %arg12[%swap3A_767, %swap3A_768], %swap3A_771 {strides = array<i32>} : memref<128x16xf32, #tpu.memory_space<vmem>>, vector<1x16xf32>,
    %swap3A_772 = arith.constant 125 : i32
    %swap3A_773 = arith.index_cast %swap3A_772 : i32 to index
    %swap3A_774 = arith.constant 0 : index
    %swap3A_775 = tpu.vector_load %arg12[%swap3A_773, %swap3A_774] {strides = array<i32>} : memref<128x16xf32, #tpu.memory_space<vmem>>, vector<1x16xf32>,
    %swap3A_776 = vector.shape_cast %swap3A_775 : vector<1x16xf32> to vector<16xf32>
    %swap3A_777 = vector.shape_cast %broadcast_in_dim3A_22 : vector<16xf32> to vector<1x16xf32>
    tpu.vector_store %arg12[%swap3A_773, %swap3A_774], %swap3A_777 {strides = array<i32>} : memref<128x16xf32, #tpu.memory_space<vmem>>, vector<1x16xf32>,
    %swap3A_778 = arith.constant 126 : i32
    %swap3A_779 = arith.index_cast %swap3A_778 : i32 to index
    %swap3A_780 = arith.constant 0 : index
    %swap3A_781 = tpu.vector_load %arg12[%swap3A_779, %swap3A_780] {strides = array<i32>} : memref<128x16xf32, #tpu.memory_space<vmem>>, vector<1x16xf32>,
    %swap3A_782 = vector.shape_cast %swap3A_781 : vector<1x16xf32> to vector<16xf32>
    %swap3A_783 = vector.shape_cast %broadcast_in_dim3A_22 : vector<16xf32> to vector<1x16xf32>
    tpu.vector_store %arg12[%swap3A_779, %swap3A_780], %swap3A_783 {strides = array<i32>} : memref<128x16xf32, #tpu.memory_space<vmem>>, vector<1x16xf32>,
    %swap3A_784 = arith.constant 127 : i32
    %swap3A_785 = arith.index_cast %swap3A_784 : i32 to index
    %swap3A_786 = arith.constant 0 : index
    %swap3A_787 = tpu.vector_load %arg12[%swap3A_785, %swap3A_786] {strides = array<i32>} : memref<128x16xf32, #tpu.memory_space<vmem>>, vector<1x16xf32>,
    %swap3A_788 = vector.shape_cast %swap3A_787 : vector<1x16xf32> to vector<16xf32>
    %swap3A_789 = vector.shape_cast %broadcast_in_dim3A_22 : vector<16xf32> to vector<1x16xf32>
    tpu.vector_store %arg12[%swap3A_785, %swap3A_786], %swap3A_789 {strides = array<i32>} : memref<128x16xf32, #tpu.memory_space<vmem>>, vector<1x16xf32>,
    %add3A = arith.constant 0 : i32
    %add3A_790 = arith.addi %mul3A_0, %add3A : i32
    "tpu.region"() ({
      %run_scoped3A = tpu.sem_alloc : memref<!tpu.dma_semaphore, #tpu.memory_space<semaphore_mem>>
      %dma_start3A_1052 = arith.constant 0 : i32
      %dma_start3A_1053 = tpu.memref_slice %arg16[%add3A_790, %dma_start3A_1052] : memref<10240x16xf32, #tpu.memory_space<vmem_shared>> -> memref<128x16xf32, #tpu.memory_space<vmem_shared>>
      %dma_start3A_1054 = arith.constant 0 : i32
      %dma_start3A_1055 = tpu.memref_slice %arg16[%add3A_790, %dma_start3A_1054] : memref<10240x16xf32, #tpu.memory_space<vmem_shared>> -> memref<128x16xf32, #tpu.memory_space<vmem_shared>>
      tpu.enqueue_dma source(%arg12 : memref<128x16xf32, #tpu.memory_space<vmem>>) target(%dma_start3A_1055 : memref<128x16xf32, #tpu.memory_space<vmem_shared>>) target_semaphore(%run_scoped3A : memref<!tpu.dma_semaphore, #tpu.memory_space<semaphore_mem>>)
      %dma_wait3A_1056 = arith.constant 0 : i32
      %dma_wait3A_1057 = tpu.memref_slice %arg16[%add3A_790, %dma_wait3A_1056] : memref<10240x16xf32, #tpu.memory_space<vmem_shared>> -> memref<128x16xf32, #tpu.memory_space<vmem_shared>>
      %dma_wait3A_1058 = arith.constant 0 : i32
      %dma_wait3A_1059 = tpu.memref_slice %arg16[%add3A_790, %dma_wait3A_1058] : memref<10240x16xf32, #tpu.memory_space<vmem_shared>> -> memref<128x16xf32, #tpu.memory_space<vmem_shared>>
      tpu.wait_dma2 semaphore(%run_scoped3A : memref<!tpu.dma_semaphore, #tpu.memory_space<semaphore_mem>>) src(%arg12 : memref<128x16xf32, #tpu.memory_space<vmem>>) dst(%dma_wait3A_1059 : memref<128x16xf32, #tpu.memory_space<vmem_shared>>)
      tpu.yield
    }) : () -> ()
    %add3A_791 = arith.constant 128 : i32
    %add3A_792 = arith.addi %mul3A_0, %add3A_791 : i32
    "tpu.region"() ({
      %run_scoped3A = tpu.sem_alloc : memref<!tpu.dma_semaphore, #tpu.memory_space<semaphore_mem>>
      %dma_start3A_1052 = arith.constant 0 : i32
      %dma_start3A_1053 = tpu.memref_slice %arg16[%add3A_792, %dma_start3A_1052] : memref<10240x16xf32, #tpu.memory_space<vmem_shared>> -> memref<128x16xf32, #tpu.memory_space<vmem_shared>>
      %dma_start3A_1054 = arith.constant 0 : i32
      %dma_start3A_1055 = tpu.memref_slice %arg16[%add3A_792, %dma_start3A_1054] : memref<10240x16xf32, #tpu.memory_space<vmem_shared>> -> memref<128x16xf32, #tpu.memory_space<vmem_shared>>
      tpu.enqueue_dma source(%arg12 : memref<128x16xf32, #tpu.memory_space<vmem>>) target(%dma_start3A_1055 : memref<128x16xf32, #tpu.memory_space<vmem_shared>>) target_semaphore(%run_scoped3A : memref<!tpu.dma_semaphore, #tpu.memory_space<semaphore_mem>>)
      %dma_wait3A_1056 = arith.constant 0 : i32
      %dma_wait3A_1057 = tpu.memref_slice %arg16[%add3A_792, %dma_wait3A_1056] : memref<10240x16xf32, #tpu.memory_space<vmem_shared>> -> memref<128x16xf32, #tpu.memory_space<vmem_shared>>
      %dma_wait3A_1058 = arith.constant 0 : i32
      %dma_wait3A_1059 = tpu.memref_slice %arg16[%add3A_792, %dma_wait3A_1058] : memref<10240x16xf32, #tpu.memory_space<vmem_shared>> -> memref<128x16xf32, #tpu.memory_space<vmem_shared>>
      tpu.wait_dma2 semaphore(%run_scoped3A : memref<!tpu.dma_semaphore, #tpu.memory_space<semaphore_mem>>) src(%arg12 : memref<128x16xf32, #tpu.memory_space<vmem>>) dst(%dma_wait3A_1059 : memref<128x16xf32, #tpu.memory_space<vmem_shared>>)
      tpu.yield
    }) : () -> ()
    %add3A_793 = arith.constant 256 : i32
    %add3A_794 = arith.addi %mul3A_0, %add3A_793 : i32
    "tpu.region"() ({
      %run_scoped3A = tpu.sem_alloc : memref<!tpu.dma_semaphore, #tpu.memory_space<semaphore_mem>>
      %dma_start3A_1052 = arith.constant 0 : i32
      %dma_start3A_1053 = tpu.memref_slice %arg16[%add3A_794, %dma_start3A_1052] : memref<10240x16xf32, #tpu.memory_space<vmem_shared>> -> memref<128x16xf32, #tpu.memory_space<vmem_shared>>
      %dma_start3A_1054 = arith.constant 0 : i32
      %dma_start3A_1055 = tpu.memref_slice %arg16[%add3A_794, %dma_start3A_1054] : memref<10240x16xf32, #tpu.memory_space<vmem_shared>> -> memref<128x16xf32, #tpu.memory_space<vmem_shared>>
      tpu.enqueue_dma source(%arg12 : memref<128x16xf32, #tpu.memory_space<vmem>>) target(%dma_start3A_1055 : memref<128x16xf32, #tpu.memory_space<vmem_shared>>) target_semaphore(%run_scoped3A : memref<!tpu.dma_semaphore, #tpu.memory_space<semaphore_mem>>)
      %dma_wait3A_1056 = arith.constant 0 : i32
      %dma_wait3A_1057 = tpu.memref_slice %arg16[%add3A_794, %dma_wait3A_1056] : memref<10240x16xf32, #tpu.memory_space<vmem_shared>> -> memref<128x16xf32, #tpu.memory_space<vmem_shared>>
      %dma_wait3A_1058 = arith.constant 0 : i32
      %dma_wait3A_1059 = tpu.memref_slice %arg16[%add3A_794, %dma_wait3A_1058] : memref<10240x16xf32, #tpu.memory_space<vmem_shared>> -> memref<128x16xf32, #tpu.memory_space<vmem_shared>>
      tpu.wait_dma2 semaphore(%run_scoped3A : memref<!tpu.dma_semaphore, #tpu.memory_space<semaphore_mem>>) src(%arg12 : memref<128x16xf32, #tpu.memory_space<vmem>>) dst(%dma_wait3A_1059 : memref<128x16xf32, #tpu.memory_space<vmem_shared>>)
      tpu.yield
    }) : () -> ()
    %add3A_795 = arith.constant 384 : i32
    %add3A_796 = arith.addi %mul3A_0, %add3A_795 : i32
    "tpu.region"() ({
      %run_scoped3A = tpu.sem_alloc : memref<!tpu.dma_semaphore, #tpu.memory_space<semaphore_mem>>
      %dma_start3A_1052 = arith.constant 0 : i32
      %dma_start3A_1053 = tpu.memref_slice %arg16[%add3A_796, %dma_start3A_1052] : memref<10240x16xf32, #tpu.memory_space<vmem_shared>> -> memref<128x16xf32, #tpu.memory_space<vmem_shared>>
      %dma_start3A_1054 = arith.constant 0 : i32
      %dma_start3A_1055 = tpu.memref_slice %arg16[%add3A_796, %dma_start3A_1054] : memref<10240x16xf32, #tpu.memory_space<vmem_shared>> -> memref<128x16xf32, #tpu.memory_space<vmem_shared>>
      tpu.enqueue_dma source(%arg12 : memref<128x16xf32, #tpu.memory_space<vmem>>) target(%dma_start3A_1055 : memref<128x16xf32, #tpu.memory_space<vmem_shared>>) target_semaphore(%run_scoped3A : memref<!tpu.dma_semaphore, #tpu.memory_space<semaphore_mem>>)
      %dma_wait3A_1056 = arith.constant 0 : i32
      %dma_wait3A_1057 = tpu.memref_slice %arg16[%add3A_796, %dma_wait3A_1056] : memref<10240x16xf32, #tpu.memory_space<vmem_shared>> -> memref<128x16xf32, #tpu.memory_space<vmem_shared>>
      %dma_wait3A_1058 = arith.constant 0 : i32
      %dma_wait3A_1059 = tpu.memref_slice %arg16[%add3A_796, %dma_wait3A_1058] : memref<10240x16xf32, #tpu.memory_space<vmem_shared>> -> memref<128x16xf32, #tpu.memory_space<vmem_shared>>
      tpu.wait_dma2 semaphore(%run_scoped3A : memref<!tpu.dma_semaphore, #tpu.memory_space<semaphore_mem>>) src(%arg12 : memref<128x16xf32, #tpu.memory_space<vmem>>) dst(%dma_wait3A_1059 : memref<128x16xf32, #tpu.memory_space<vmem_shared>>)
      tpu.yield
    }) : () -> ()
    %add3A_797 = arith.constant 512 : i32
    %add3A_798 = arith.addi %mul3A_0, %add3A_797 : i32
    "tpu.region"() ({
      %run_scoped3A = tpu.sem_alloc : memref<!tpu.dma_semaphore, #tpu.memory_space<semaphore_mem>>
      %dma_start3A_1052 = arith.constant 0 : i32
      %dma_start3A_1053 = tpu.memref_slice %arg16[%add3A_798, %dma_start3A_1052] : memref<10240x16xf32, #tpu.memory_space<vmem_shared>> -> memref<128x16xf32, #tpu.memory_space<vmem_shared>>
      %dma_start3A_1054 = arith.constant 0 : i32
      %dma_start3A_1055 = tpu.memref_slice %arg16[%add3A_798, %dma_start3A_1054] : memref<10240x16xf32, #tpu.memory_space<vmem_shared>> -> memref<128x16xf32, #tpu.memory_space<vmem_shared>>
      tpu.enqueue_dma source(%arg12 : memref<128x16xf32, #tpu.memory_space<vmem>>) target(%dma_start3A_1055 : memref<128x16xf32, #tpu.memory_space<vmem_shared>>) target_semaphore(%run_scoped3A : memref<!tpu.dma_semaphore, #tpu.memory_space<semaphore_mem>>)
      %dma_wait3A_1056 = arith.constant 0 : i32
      %dma_wait3A_1057 = tpu.memref_slice %arg16[%add3A_798, %dma_wait3A_1056] : memref<10240x16xf32, #tpu.memory_space<vmem_shared>> -> memref<128x16xf32, #tpu.memory_space<vmem_shared>>
      %dma_wait3A_1058 = arith.constant 0 : i32
      %dma_wait3A_1059 = tpu.memref_slice %arg16[%add3A_798, %dma_wait3A_1058] : memref<10240x16xf32, #tpu.memory_space<vmem_shared>> -> memref<128x16xf32, #tpu.memory_space<vmem_shared>>
      tpu.wait_dma2 semaphore(%run_scoped3A : memref<!tpu.dma_semaphore, #tpu.memory_space<semaphore_mem>>) src(%arg12 : memref<128x16xf32, #tpu.memory_space<vmem>>) dst(%dma_wait3A_1059 : memref<128x16xf32, #tpu.memory_space<vmem_shared>>)
      tpu.yield
    }) : () -> ()
    %dma_wait3A = arith.constant 0 : i32
    %dma_wait3A_799 = arith.constant 0 : i32
    %dma_wait3A_800 = arith.constant 0 : i32
    %dma_wait3A_801 = tpu.memref_slice %arg5[%dma_wait3A, %arg1, %dma_wait3A_799, %dma_wait3A_800] : memref<1x16x160x128xi32, #tpu.memory_space<hbm>> -> memref<1x1x160x128xi32, #tpu.memory_space<hbm>>
    %dma_wait3A_802 = tpu.memref_squeeze %dma_wait3A_801 : memref<1x1x160x128xi32, #tpu.memory_space<hbm>> -> memref<160x128xi32, #tpu.memory_space<hbm>>
    %dma_wait3A_803 = arith.constant 0 : i32
    %dma_wait3A_804 = arith.constant 0 : i32
    %dma_wait3A_805 = tpu.memref_slice %arg5[%dma_wait3A, %arg1, %dma_wait3A_803, %dma_wait3A_804] : memref<1x16x160x128xi32, #tpu.memory_space<hbm>> -> memref<1x1x160x128xi32, #tpu.memory_space<hbm>>
    %dma_wait3A_806 = tpu.memref_squeeze %dma_wait3A_805 : memref<1x1x160x128xi32, #tpu.memory_space<hbm>> -> memref<160x128xi32, #tpu.memory_space<hbm>>
    tpu.wait_dma2 semaphore(%arg19 : memref<!tpu.dma_semaphore, #tpu.memory_space<semaphore_mem>>) src(%dma_wait3A_806 : memref<160x128xi32, #tpu.memory_space<hbm>>) dst(%arg9 : memref<160x128xi32, #tpu.memory_space<vmem>>)
    %dma_wait3A_807 = arith.constant 0 : i32
    %dma_wait3A_808 = arith.constant 0 : i32
    %dma_wait3A_809 = arith.constant 0 : i32
    %dma_wait3A_810 = tpu.memref_slice %arg6[%dma_wait3A_807, %arg1, %dma_wait3A_808, %dma_wait3A_809] : memref<1x16x160x128xi32, #tpu.memory_space<hbm>> -> memref<1x1x160x128xi32, #tpu.memory_space<hbm>>
    %dma_wait3A_811 = tpu.memref_squeeze %dma_wait3A_810 : memref<1x1x160x128xi32, #tpu.memory_space<hbm>> -> memref<160x128xi32, #tpu.memory_space<hbm>>
    %dma_wait3A_812 = arith.constant 0 : i32
    %dma_wait3A_813 = arith.constant 0 : i32
    %dma_wait3A_814 = tpu.memref_slice %arg6[%dma_wait3A_807, %arg1, %dma_wait3A_812, %dma_wait3A_813] : memref<1x16x160x128xi32, #tpu.memory_space<hbm>> -> memref<1x1x160x128xi32, #tpu.memory_space<hbm>>
    %dma_wait3A_815 = tpu.memref_squeeze %dma_wait3A_814 : memref<1x1x160x128xi32, #tpu.memory_space<hbm>> -> memref<160x128xi32, #tpu.memory_space<hbm>>
    tpu.wait_dma2 semaphore(%arg20 : memref<!tpu.dma_semaphore, #tpu.memory_space<semaphore_mem>>) src(%dma_wait3A_815 : memref<160x128xi32, #tpu.memory_space<hbm>>) dst(%arg10 : memref<160x128xi32, #tpu.memory_space<vmem>>)
    %dma_wait3A_816 = arith.constant 0 : i32
    %dma_wait3A_817 = tpu.memref_slice %arg17[%mul3A_0, %dma_wait3A_816] : memref<10240x16xf32, #tpu.memory_space<vmem_shared>> -> memref<640x16xf32, #tpu.memory_space<vmem_shared>>
    %dma_wait3A_818 = arith.constant 0 : i32
    %dma_wait3A_819 = tpu.memref_slice %arg2[%mul3A_0, %dma_wait3A_818] : memref<10240x16xf32, #tpu.memory_space<hbm>> -> memref<640x16xf32, #tpu.memory_space<hbm>>
    tpu.wait_dma2 semaphore(%arg21 : memref<!tpu.dma_semaphore, #tpu.memory_space<semaphore_mem>>) src(%dma_wait3A_819 : memref<640x16xf32, #tpu.memory_space<hbm>>) dst(%dma_wait3A_817 : memref<640x16xf32, #tpu.memory_space<vmem_shared>>)
    %barrier3A = arith.constant 0 : index
    tpu.barrier barrier_id(%barrier3A)
    %dma_start3A_820 = arith.constant 0 : i32
    %dma_start3A_821 = arith.constant 0 : i32
    %dma_start3A_822 = arith.constant 0 : i32
    %dma_start3A_823 = arith.constant 0 : i32
    %dma_start3A_824 = tpu.memref_slice %arg11[%dma_start3A_821, %dma_start3A_822, %dma_start3A_823] : memref<8x128x16xf32, #tpu.memory_space<vmem>> -> memref<1x128x16xf32, #tpu.memory_space<vmem>>
    %dma_start3A_825 = tpu.memref_squeeze %dma_start3A_824 : memref<1x128x16xf32, #tpu.memory_space<vmem>> -> memref<128x16xf32, #tpu.memory_space<vmem>>
    %dma_start3A_826 = arith.constant 0 : i32
    %dma_start3A_827 = tpu.memref_slice %arg9[%dma_start3A_820, %dma_start3A_826] : memref<160x128xi32, #tpu.memory_space<vmem>> -> memref<1x128xi32, #tpu.memory_space<vmem>>
    %dma_start3A_828 = tpu.memref_squeeze %dma_start3A_827 : memref<1x128xi32, #tpu.memory_space<vmem>> -> memref<128xi32, #tpu.memory_space<vmem>>
    %dma_start3A_829 = arith.constant 0 : i32
    %dma_start3A_830 = arith.constant 0 : i32
    %dma_start3A_831 = tpu.memref_slice %arg17[%dma_start3A_829, %dma_start3A_830] : memref<10240x16xf32, #tpu.memory_space<vmem_shared>> -> memref<10240x16xf32, #tpu.memory_space<vmem_shared>>
    tpu.enqueue_indirect_dma source(%dma_start3A_831 : memref<10240x16xf32, #tpu.memory_space<vmem_shared>>) target(%dma_start3A_825 : memref<128x16xf32, #tpu.memory_space<vmem>>) offsets(%dma_start3A_828 : memref<128xi32, #tpu.memory_space<vmem>>) semaphore(%arg19 : memref<!tpu.dma_semaphore, #tpu.memory_space<semaphore_mem>>)
    %dma_start3A_832 = arith.constant 1 : i32
    %dma_start3A_833 = arith.constant 1 : i32
    %dma_start3A_834 = arith.constant 0 : i32
    %dma_start3A_835 = arith.constant 0 : i32
    %dma_start3A_836 = tpu.memref_slice %arg11[%dma_start3A_833, %dma_start3A_834, %dma_start3A_835] : memref<8x128x16xf32, #tpu.memory_space<vmem>> -> memref<1x128x16xf32, #tpu.memory_space<vmem>>
    %dma_start3A_837 = tpu.memref_squeeze %dma_start3A_836 : memref<1x128x16xf32, #tpu.memory_space<vmem>> -> memref<128x16xf32, #tpu.memory_space<vmem>>
    %dma_start3A_838 = arith.constant 0 : i32
    %dma_start3A_839 = tpu.memref_slice %arg9[%dma_start3A_832, %dma_start3A_838] : memref<160x128xi32, #tpu.memory_space<vmem>> -> memref<1x128xi32, #tpu.memory_space<vmem>>
    %dma_start3A_840 = tpu.memref_squeeze %dma_start3A_839 : memref<1x128xi32, #tpu.memory_space<vmem>> -> memref<128xi32, #tpu.memory_space<vmem>>
    %dma_start3A_841 = arith.constant 0 : i32
    %dma_start3A_842 = arith.constant 0 : i32
    %dma_start3A_843 = tpu.memref_slice %arg17[%dma_start3A_841, %dma_start3A_842] : memref<10240x16xf32, #tpu.memory_space<vmem_shared>> -> memref<10240x16xf32, #tpu.memory_space<vmem_shared>>
    tpu.enqueue_indirect_dma source(%dma_start3A_843 : memref<10240x16xf32, #tpu.memory_space<vmem_shared>>) target(%dma_start3A_837 : memref<128x16xf32, #tpu.memory_space<vmem>>) offsets(%dma_start3A_840 : memref<128xi32, #tpu.memory_space<vmem>>) semaphore(%arg20 : memref<!tpu.dma_semaphore, #tpu.memory_space<semaphore_mem>>)
    %dma_start3A_844 = arith.constant 2 : i32
    %dma_start3A_845 = arith.constant 2 : i32
    %dma_start3A_846 = arith.constant 0 : i32
    %dma_start3A_847 = arith.constant 0 : i32
    %dma_start3A_848 = tpu.memref_slice %arg11[%dma_start3A_845, %dma_start3A_846, %dma_start3A_847] : memref<8x128x16xf32, #tpu.memory_space<vmem>> -> memref<1x128x16xf32, #tpu.memory_space<vmem>>
    %dma_start3A_849 = tpu.memref_squeeze %dma_start3A_848 : memref<1x128x16xf32, #tpu.memory_space<vmem>> -> memref<128x16xf32, #tpu.memory_space<vmem>>
    %dma_start3A_850 = arith.constant 0 : i32
    %dma_start3A_851 = tpu.memref_slice %arg9[%dma_start3A_844, %dma_start3A_850] : memref<160x128xi32, #tpu.memory_space<vmem>> -> memref<1x128xi32, #tpu.memory_space<vmem>>
    %dma_start3A_852 = tpu.memref_squeeze %dma_start3A_851 : memref<1x128xi32, #tpu.memory_space<vmem>> -> memref<128xi32, #tpu.memory_space<vmem>>
    %dma_start3A_853 = arith.constant 0 : i32
    %dma_start3A_854 = arith.constant 0 : i32
    %dma_start3A_855 = tpu.memref_slice %arg17[%dma_start3A_853, %dma_start3A_854] : memref<10240x16xf32, #tpu.memory_space<vmem_shared>> -> memref<10240x16xf32, #tpu.memory_space<vmem_shared>>
    tpu.enqueue_indirect_dma source(%dma_start3A_855 : memref<10240x16xf32, #tpu.memory_space<vmem_shared>>) target(%dma_start3A_849 : memref<128x16xf32, #tpu.memory_space<vmem>>) offsets(%dma_start3A_852 : memref<128xi32, #tpu.memory_space<vmem>>) semaphore(%arg21 : memref<!tpu.dma_semaphore, #tpu.memory_space<semaphore_mem>>)
    %dma_start3A_856 = arith.constant 3 : i32
    %dma_start3A_857 = arith.constant 3 : i32
    %dma_start3A_858 = arith.constant 0 : i32
    %dma_start3A_859 = arith.constant 0 : i32
    %dma_start3A_860 = tpu.memref_slice %arg11[%dma_start3A_857, %dma_start3A_858, %dma_start3A_859] : memref<8x128x16xf32, #tpu.memory_space<vmem>> -> memref<1x128x16xf32, #tpu.memory_space<vmem>>
    %dma_start3A_861 = tpu.memref_squeeze %dma_start3A_860 : memref<1x128x16xf32, #tpu.memory_space<vmem>> -> memref<128x16xf32, #tpu.memory_space<vmem>>
    %dma_start3A_862 = arith.constant 0 : i32
    %dma_start3A_863 = tpu.memref_slice %arg9[%dma_start3A_856, %dma_start3A_862] : memref<160x128xi32, #tpu.memory_space<vmem>> -> memref<1x128xi32, #tpu.memory_space<vmem>>
    %dma_start3A_864 = tpu.memref_squeeze %dma_start3A_863 : memref<1x128xi32, #tpu.memory_space<vmem>> -> memref<128xi32, #tpu.memory_space<vmem>>
    %dma_start3A_865 = arith.constant 0 : i32
    %dma_start3A_866 = arith.constant 0 : i32
    %dma_start3A_867 = tpu.memref_slice %arg17[%dma_start3A_865, %dma_start3A_866] : memref<10240x16xf32, #tpu.memory_space<vmem_shared>> -> memref<10240x16xf32, #tpu.memory_space<vmem_shared>>
    tpu.enqueue_indirect_dma source(%dma_start3A_867 : memref<10240x16xf32, #tpu.memory_space<vmem_shared>>) target(%dma_start3A_861 : memref<128x16xf32, #tpu.memory_space<vmem>>) offsets(%dma_start3A_864 : memref<128xi32, #tpu.memory_space<vmem>>) semaphore(%arg22 : memref<!tpu.dma_semaphore, #tpu.memory_space<semaphore_mem>>)
    %dma_start3A_868 = arith.constant 4 : i32
    %dma_start3A_869 = arith.constant 4 : i32
    %dma_start3A_870 = arith.constant 0 : i32
    %dma_start3A_871 = arith.constant 0 : i32
    %dma_start3A_872 = tpu.memref_slice %arg11[%dma_start3A_869, %dma_start3A_870, %dma_start3A_871] : memref<8x128x16xf32, #tpu.memory_space<vmem>> -> memref<1x128x16xf32, #tpu.memory_space<vmem>>
    %dma_start3A_873 = tpu.memref_squeeze %dma_start3A_872 : memref<1x128x16xf32, #tpu.memory_space<vmem>> -> memref<128x16xf32, #tpu.memory_space<vmem>>
    %dma_start3A_874 = arith.constant 0 : i32
    %dma_start3A_875 = tpu.memref_slice %arg9[%dma_start3A_868, %dma_start3A_874] : memref<160x128xi32, #tpu.memory_space<vmem>> -> memref<1x128xi32, #tpu.memory_space<vmem>>
    %dma_start3A_876 = tpu.memref_squeeze %dma_start3A_875 : memref<1x128xi32, #tpu.memory_space<vmem>> -> memref<128xi32, #tpu.memory_space<vmem>>
    %dma_start3A_877 = arith.constant 0 : i32
    %dma_start3A_878 = arith.constant 0 : i32
    %dma_start3A_879 = tpu.memref_slice %arg17[%dma_start3A_877, %dma_start3A_878] : memref<10240x16xf32, #tpu.memory_space<vmem_shared>> -> memref<10240x16xf32, #tpu.memory_space<vmem_shared>>
    tpu.enqueue_indirect_dma source(%dma_start3A_879 : memref<10240x16xf32, #tpu.memory_space<vmem_shared>>) target(%dma_start3A_873 : memref<128x16xf32, #tpu.memory_space<vmem>>) offsets(%dma_start3A_876 : memref<128xi32, #tpu.memory_space<vmem>>) semaphore(%arg23 : memref<!tpu.dma_semaphore, #tpu.memory_space<semaphore_mem>>)
    %dma_start3A_880 = arith.constant 5 : i32
    %dma_start3A_881 = arith.constant 5 : i32
    %dma_start3A_882 = arith.constant 0 : i32
    %dma_start3A_883 = arith.constant 0 : i32
    %dma_start3A_884 = tpu.memref_slice %arg11[%dma_start3A_881, %dma_start3A_882, %dma_start3A_883] : memref<8x128x16xf32, #tpu.memory_space<vmem>> -> memref<1x128x16xf32, #tpu.memory_space<vmem>>
    %dma_start3A_885 = tpu.memref_squeeze %dma_start3A_884 : memref<1x128x16xf32, #tpu.memory_space<vmem>> -> memref<128x16xf32, #tpu.memory_space<vmem>>
    %dma_start3A_886 = arith.constant 0 : i32
    %dma_start3A_887 = tpu.memref_slice %arg9[%dma_start3A_880, %dma_start3A_886] : memref<160x128xi32, #tpu.memory_space<vmem>> -> memref<1x128xi32, #tpu.memory_space<vmem>>
    %dma_start3A_888 = tpu.memref_squeeze %dma_start3A_887 : memref<1x128xi32, #tpu.memory_space<vmem>> -> memref<128xi32, #tpu.memory_space<vmem>>
    %dma_start3A_889 = arith.constant 0 : i32
    %dma_start3A_890 = arith.constant 0 : i32
    %dma_start3A_891 = tpu.memref_slice %arg17[%dma_start3A_889, %dma_start3A_890] : memref<10240x16xf32, #tpu.memory_space<vmem_shared>> -> memref<10240x16xf32, #tpu.memory_space<vmem_shared>>
    tpu.enqueue_indirect_dma source(%dma_start3A_891 : memref<10240x16xf32, #tpu.memory_space<vmem_shared>>) target(%dma_start3A_885 : memref<128x16xf32, #tpu.memory_space<vmem>>) offsets(%dma_start3A_888 : memref<128xi32, #tpu.memory_space<vmem>>) semaphore(%arg24 : memref<!tpu.dma_semaphore, #tpu.memory_space<semaphore_mem>>)
    %dma_start3A_892 = arith.constant 6 : i32
    %dma_start3A_893 = arith.constant 6 : i32
    %dma_start3A_894 = arith.constant 0 : i32
    %dma_start3A_895 = arith.constant 0 : i32
    %dma_start3A_896 = tpu.memref_slice %arg11[%dma_start3A_893, %dma_start3A_894, %dma_start3A_895] : memref<8x128x16xf32, #tpu.memory_space<vmem>> -> memref<1x128x16xf32, #tpu.memory_space<vmem>>
    %dma_start3A_897 = tpu.memref_squeeze %dma_start3A_896 : memref<1x128x16xf32, #tpu.memory_space<vmem>> -> memref<128x16xf32, #tpu.memory_space<vmem>>
    %dma_start3A_898 = arith.constant 0 : i32
    %dma_start3A_899 = tpu.memref_slice %arg9[%dma_start3A_892, %dma_start3A_898] : memref<160x128xi32, #tpu.memory_space<vmem>> -> memref<1x128xi32, #tpu.memory_space<vmem>>
    %dma_start3A_900 = tpu.memref_squeeze %dma_start3A_899 : memref<1x128xi32, #tpu.memory_space<vmem>> -> memref<128xi32, #tpu.memory_space<vmem>>
    %dma_start3A_901 = arith.constant 0 : i32
    %dma_start3A_902 = arith.constant 0 : i32
    %dma_start3A_903 = tpu.memref_slice %arg17[%dma_start3A_901, %dma_start3A_902] : memref<10240x16xf32, #tpu.memory_space<vmem_shared>> -> memref<10240x16xf32, #tpu.memory_space<vmem_shared>>
    tpu.enqueue_indirect_dma source(%dma_start3A_903 : memref<10240x16xf32, #tpu.memory_space<vmem_shared>>) target(%dma_start3A_897 : memref<128x16xf32, #tpu.memory_space<vmem>>) offsets(%dma_start3A_900 : memref<128xi32, #tpu.memory_space<vmem>>) semaphore(%arg25 : memref<!tpu.dma_semaphore, #tpu.memory_space<semaphore_mem>>)
    %dma_start3A_904 = arith.constant 7 : i32
    %dma_start3A_905 = arith.constant 7 : i32
    %dma_start3A_906 = arith.constant 0 : i32
    %dma_start3A_907 = arith.constant 0 : i32
    %dma_start3A_908 = tpu.memref_slice %arg11[%dma_start3A_905, %dma_start3A_906, %dma_start3A_907] : memref<8x128x16xf32, #tpu.memory_space<vmem>> -> memref<1x128x16xf32, #tpu.memory_space<vmem>>
    %dma_start3A_909 = tpu.memref_squeeze %dma_start3A_908 : memref<1x128x16xf32, #tpu.memory_space<vmem>> -> memref<128x16xf32, #tpu.memory_space<vmem>>
    %dma_start3A_910 = arith.constant 0 : i32
    %dma_start3A_911 = tpu.memref_slice %arg9[%dma_start3A_904, %dma_start3A_910] : memref<160x128xi32, #tpu.memory_space<vmem>> -> memref<1x128xi32, #tpu.memory_space<vmem>>
    %dma_start3A_912 = tpu.memref_squeeze %dma_start3A_911 : memref<1x128xi32, #tpu.memory_space<vmem>> -> memref<128xi32, #tpu.memory_space<vmem>>
    %dma_start3A_913 = arith.constant 0 : i32
    %dma_start3A_914 = arith.constant 0 : i32
    %dma_start3A_915 = tpu.memref_slice %arg17[%dma_start3A_913, %dma_start3A_914] : memref<10240x16xf32, #tpu.memory_space<vmem_shared>> -> memref<10240x16xf32, #tpu.memory_space<vmem_shared>>
    tpu.enqueue_indirect_dma source(%dma_start3A_915 : memref<10240x16xf32, #tpu.memory_space<vmem_shared>>) target(%dma_start3A_909 : memref<128x16xf32, #tpu.memory_space<vmem>>) offsets(%dma_start3A_912 : memref<128xi32, #tpu.memory_space<vmem>>) semaphore(%arg26 : memref<!tpu.dma_semaphore, #tpu.memory_space<semaphore_mem>>)
    %scan3A = arith.constant 0 : i32
    %scan3A_916 = arith.constant 0 : i32
    %scan3A_917 = arith.constant 20 : i32
    %scan3A_918 = arith.addi %scan3A_916, %scan3A_917 : i32
    %scan3A_919 = arith.constant 1 : i32
    scf.for %scan3A_1052 = %scan3A_916 to %scan3A_918 step %scan3A_919  : i32 {
      %mul3A_1053 = arith.constant 8 : i32
      %mul3A_1054 = arith.muli %scan3A_1052, %mul3A_1053 : i32
      %add3A_1055 = arith.constant 0 : i32
      %add3A_1056 = arith.addi %mul3A_1054, %add3A_1055 : i32
      %dma_wait3A_1057 = arith.constant 0 : i32
      %dma_wait3A_1058 = arith.constant 0 : i32
      %dma_wait3A_1059 = arith.constant 0 : i32
      %dma_wait3A_1060 = tpu.memref_slice %arg11[%dma_wait3A_1057, %dma_wait3A_1058, %dma_wait3A_1059] : memref<8x128x16xf32, #tpu.memory_space<vmem>> -> memref<1x128x16xf32, #tpu.memory_space<vmem>>
      %dma_wait3A_1061 = tpu.memref_squeeze %dma_wait3A_1060 : memref<1x128x16xf32, #tpu.memory_space<vmem>> -> memref<128x16xf32, #tpu.memory_space<vmem>>
      %dma_wait3A_1062 = arith.constant 0 : i32
      %dma_wait3A_1063 = tpu.memref_slice %arg9[%add3A_1056, %dma_wait3A_1062] : memref<160x128xi32, #tpu.memory_space<vmem>> -> memref<1x128xi32, #tpu.memory_space<vmem>>
      %dma_wait3A_1064 = tpu.memref_squeeze %dma_wait3A_1063 : memref<1x128xi32, #tpu.memory_space<vmem>> -> memref<128xi32, #tpu.memory_space<vmem>>
      %dma_wait3A_1065 = arith.constant 0 : i32
      %dma_wait3A_1066 = arith.constant 0 : i32
      %dma_wait3A_1067 = tpu.memref_slice %arg17[%dma_wait3A_1065, %dma_wait3A_1066] : memref<10240x16xf32, #tpu.memory_space<vmem_shared>> -> memref<10240x16xf32, #tpu.memory_space<vmem_shared>>
      tpu.wait_indirect_dma semaphore(%arg19 : memref<!tpu.dma_semaphore, #tpu.memory_space<semaphore_mem>>) src(%dma_wait3A_1067 : memref<10240x16xf32, #tpu.memory_space<vmem_shared>>) dst(%dma_wait3A_1061 : memref<128x16xf32, #tpu.memory_space<vmem>>)
      %dma_start3A_1068 = arith.constant 0 : i32
      %dma_start3A_1069 = arith.constant 0 : i32
      %dma_start3A_1070 = arith.constant 0 : i32
      %dma_start3A_1071 = tpu.memref_slice %arg11[%dma_start3A_1068, %dma_start3A_1069, %dma_start3A_1070] : memref<8x128x16xf32, #tpu.memory_space<vmem>> -> memref<1x128x16xf32, #tpu.memory_space<vmem>>
      %dma_start3A_1072 = tpu.memref_squeeze %dma_start3A_1071 : memref<1x128x16xf32, #tpu.memory_space<vmem>> -> memref<128x16xf32, #tpu.memory_space<vmem>>
      %dma_start3A_1073 = arith.constant 0 : i32
      %dma_start3A_1074 = tpu.memref_slice %arg10[%add3A_1056, %dma_start3A_1073] : memref<160x128xi32, #tpu.memory_space<vmem>> -> memref<1x128xi32, #tpu.memory_space<vmem>>
      %dma_start3A_1075 = tpu.memref_squeeze %dma_start3A_1074 : memref<1x128xi32, #tpu.memory_space<vmem>> -> memref<128xi32, #tpu.memory_space<vmem>>
      %dma_start3A_1076 = arith.constant 0 : i32
      %dma_start3A_1077 = arith.constant 0 : i32
      %dma_start3A_1078 = tpu.memref_slice %arg16[%dma_start3A_1076, %dma_start3A_1077] : memref<10240x16xf32, #tpu.memory_space<vmem_shared>> -> memref<10240x16xf32, #tpu.memory_space<vmem_shared>>
      tpu.enqueue_indirect_dma source(%dma_start3A_1072 : memref<128x16xf32, #tpu.memory_space<vmem>>) target(%dma_start3A_1078 : memref<10240x16xf32, #tpu.memory_space<vmem_shared>>) offsets(%dma_start3A_1075 : memref<128xi32, #tpu.memory_space<vmem>>) semaphore(%arg27 : memref<!tpu.dma_semaphore, #tpu.memory_space<semaphore_mem>>) {add = true}
      %add3A_1079 = arith.constant 1 : i32
      %add3A_1080 = arith.addi %mul3A_1054, %add3A_1079 : i32
      %dma_wait3A_1081 = arith.constant 1 : i32
      %dma_wait3A_1082 = arith.constant 0 : i32
      %dma_wait3A_1083 = arith.constant 0 : i32
      %dma_wait3A_1084 = tpu.memref_slice %arg11[%dma_wait3A_1081, %dma_wait3A_1082, %dma_wait3A_1083] : memref<8x128x16xf32, #tpu.memory_space<vmem>> -> memref<1x128x16xf32, #tpu.memory_space<vmem>>
      %dma_wait3A_1085 = tpu.memref_squeeze %dma_wait3A_1084 : memref<1x128x16xf32, #tpu.memory_space<vmem>> -> memref<128x16xf32, #tpu.memory_space<vmem>>
      %dma_wait3A_1086 = arith.constant 0 : i32
      %dma_wait3A_1087 = tpu.memref_slice %arg9[%add3A_1080, %dma_wait3A_1086] : memref<160x128xi32, #tpu.memory_space<vmem>> -> memref<1x128xi32, #tpu.memory_space<vmem>>
      %dma_wait3A_1088 = tpu.memref_squeeze %dma_wait3A_1087 : memref<1x128xi32, #tpu.memory_space<vmem>> -> memref<128xi32, #tpu.memory_space<vmem>>
      %dma_wait3A_1089 = arith.constant 0 : i32
      %dma_wait3A_1090 = arith.constant 0 : i32
      %dma_wait3A_1091 = tpu.memref_slice %arg17[%dma_wait3A_1089, %dma_wait3A_1090] : memref<10240x16xf32, #tpu.memory_space<vmem_shared>> -> memref<10240x16xf32, #tpu.memory_space<vmem_shared>>
      tpu.wait_indirect_dma semaphore(%arg20 : memref<!tpu.dma_semaphore, #tpu.memory_space<semaphore_mem>>) src(%dma_wait3A_1091 : memref<10240x16xf32, #tpu.memory_space<vmem_shared>>) dst(%dma_wait3A_1085 : memref<128x16xf32, #tpu.memory_space<vmem>>)
      %dma_start3A_1092 = arith.constant 1 : i32
      %dma_start3A_1093 = arith.constant 0 : i32
      %dma_start3A_1094 = arith.constant 0 : i32
      %dma_start3A_1095 = tpu.memref_slice %arg11[%dma_start3A_1092, %dma_start3A_1093, %dma_start3A_1094] : memref<8x128x16xf32, #tpu.memory_space<vmem>> -> memref<1x128x16xf32, #tpu.memory_space<vmem>>
      %dma_start3A_1096 = tpu.memref_squeeze %dma_start3A_1095 : memref<1x128x16xf32, #tpu.memory_space<vmem>> -> memref<128x16xf32, #tpu.memory_space<vmem>>
      %dma_start3A_1097 = arith.constant 0 : i32
      %dma_start3A_1098 = tpu.memref_slice %arg10[%add3A_1080, %dma_start3A_1097] : memref<160x128xi32, #tpu.memory_space<vmem>> -> memref<1x128xi32, #tpu.memory_space<vmem>>
      %dma_start3A_1099 = tpu.memref_squeeze %dma_start3A_1098 : memref<1x128xi32, #tpu.memory_space<vmem>> -> memref<128xi32, #tpu.memory_space<vmem>>
      %dma_start3A_1100 = arith.constant 0 : i32
      %dma_start3A_1101 = arith.constant 0 : i32
      %dma_start3A_1102 = tpu.memref_slice %arg16[%dma_start3A_1100, %dma_start3A_1101] : memref<10240x16xf32, #tpu.memory_space<vmem_shared>> -> memref<10240x16xf32, #tpu.memory_space<vmem_shared>>
      tpu.enqueue_indirect_dma source(%dma_start3A_1096 : memref<128x16xf32, #tpu.memory_space<vmem>>) target(%dma_start3A_1102 : memref<10240x16xf32, #tpu.memory_space<vmem_shared>>) offsets(%dma_start3A_1099 : memref<128xi32, #tpu.memory_space<vmem>>) semaphore(%arg28 : memref<!tpu.dma_semaphore, #tpu.memory_space<semaphore_mem>>) {add = true}
      %add3A_1103 = arith.constant 2 : i32
      %add3A_1104 = arith.addi %mul3A_1054, %add3A_1103 : i32
      %dma_wait3A_1105 = arith.constant 2 : i32
      %dma_wait3A_1106 = arith.constant 0 : i32
      %dma_wait3A_1107 = arith.constant 0 : i32
      %dma_wait3A_1108 = tpu.memref_slice %arg11[%dma_wait3A_1105, %dma_wait3A_1106, %dma_wait3A_1107] : memref<8x128x16xf32, #tpu.memory_space<vmem>> -> memref<1x128x16xf32, #tpu.memory_space<vmem>>
      %dma_wait3A_1109 = tpu.memref_squeeze %dma_wait3A_1108 : memref<1x128x16xf32, #tpu.memory_space<vmem>> -> memref<128x16xf32, #tpu.memory_space<vmem>>
      %dma_wait3A_1110 = arith.constant 0 : i32
      %dma_wait3A_1111 = tpu.memref_slice %arg9[%add3A_1104, %dma_wait3A_1110] : memref<160x128xi32, #tpu.memory_space<vmem>> -> memref<1x128xi32, #tpu.memory_space<vmem>>
      %dma_wait3A_1112 = tpu.memref_squeeze %dma_wait3A_1111 : memref<1x128xi32, #tpu.memory_space<vmem>> -> memref<128xi32, #tpu.memory_space<vmem>>
      %dma_wait3A_1113 = arith.constant 0 : i32
      %dma_wait3A_1114 = arith.constant 0 : i32
      %dma_wait3A_1115 = tpu.memref_slice %arg17[%dma_wait3A_1113, %dma_wait3A_1114] : memref<10240x16xf32, #tpu.memory_space<vmem_shared>> -> memref<10240x16xf32, #tpu.memory_space<vmem_shared>>
      tpu.wait_indirect_dma semaphore(%arg21 : memref<!tpu.dma_semaphore, #tpu.memory_space<semaphore_mem>>) src(%dma_wait3A_1115 : memref<10240x16xf32, #tpu.memory_space<vmem_shared>>) dst(%dma_wait3A_1109 : memref<128x16xf32, #tpu.memory_space<vmem>>)
      %dma_start3A_1116 = arith.constant 2 : i32
      %dma_start3A_1117 = arith.constant 0 : i32
      %dma_start3A_1118 = arith.constant 0 : i32
      %dma_start3A_1119 = tpu.memref_slice %arg11[%dma_start3A_1116, %dma_start3A_1117, %dma_start3A_1118] : memref<8x128x16xf32, #tpu.memory_space<vmem>> -> memref<1x128x16xf32, #tpu.memory_space<vmem>>
      %dma_start3A_1120 = tpu.memref_squeeze %dma_start3A_1119 : memref<1x128x16xf32, #tpu.memory_space<vmem>> -> memref<128x16xf32, #tpu.memory_space<vmem>>
      %dma_start3A_1121 = arith.constant 0 : i32
      %dma_start3A_1122 = tpu.memref_slice %arg10[%add3A_1104, %dma_start3A_1121] : memref<160x128xi32, #tpu.memory_space<vmem>> -> memref<1x128xi32, #tpu.memory_space<vmem>>
      %dma_start3A_1123 = tpu.memref_squeeze %dma_start3A_1122 : memref<1x128xi32, #tpu.memory_space<vmem>> -> memref<128xi32, #tpu.memory_space<vmem>>
      %dma_start3A_1124 = arith.constant 0 : i32
      %dma_start3A_1125 = arith.constant 0 : i32
      %dma_start3A_1126 = tpu.memref_slice %arg16[%dma_start3A_1124, %dma_start3A_1125] : memref<10240x16xf32, #tpu.memory_space<vmem_shared>> -> memref<10240x16xf32, #tpu.memory_space<vmem_shared>>
      tpu.enqueue_indirect_dma source(%dma_start3A_1120 : memref<128x16xf32, #tpu.memory_space<vmem>>) target(%dma_start3A_1126 : memref<10240x16xf32, #tpu.memory_space<vmem_shared>>) offsets(%dma_start3A_1123 : memref<128xi32, #tpu.memory_space<vmem>>) semaphore(%arg29 : memref<!tpu.dma_semaphore, #tpu.memory_space<semaphore_mem>>) {add = true}
      %add3A_1127 = arith.constant 3 : i32
      %add3A_1128 = arith.addi %mul3A_1054, %add3A_1127 : i32
      %dma_wait3A_1129 = arith.constant 3 : i32
      %dma_wait3A_1130 = arith.constant 0 : i32
      %dma_wait3A_1131 = arith.constant 0 : i32
      %dma_wait3A_1132 = tpu.memref_slice %arg11[%dma_wait3A_1129, %dma_wait3A_1130, %dma_wait3A_1131] : memref<8x128x16xf32, #tpu.memory_space<vmem>> -> memref<1x128x16xf32, #tpu.memory_space<vmem>>
      %dma_wait3A_1133 = tpu.memref_squeeze %dma_wait3A_1132 : memref<1x128x16xf32, #tpu.memory_space<vmem>> -> memref<128x16xf32, #tpu.memory_space<vmem>>
      %dma_wait3A_1134 = arith.constant 0 : i32
      %dma_wait3A_1135 = tpu.memref_slice %arg9[%add3A_1128, %dma_wait3A_1134] : memref<160x128xi32, #tpu.memory_space<vmem>> -> memref<1x128xi32, #tpu.memory_space<vmem>>
      %dma_wait3A_1136 = tpu.memref_squeeze %dma_wait3A_1135 : memref<1x128xi32, #tpu.memory_space<vmem>> -> memref<128xi32, #tpu.memory_space<vmem>>
      %dma_wait3A_1137 = arith.constant 0 : i32
      %dma_wait3A_1138 = arith.constant 0 : i32
      %dma_wait3A_1139 = tpu.memref_slice %arg17[%dma_wait3A_1137, %dma_wait3A_1138] : memref<10240x16xf32, #tpu.memory_space<vmem_shared>> -> memref<10240x16xf32, #tpu.memory_space<vmem_shared>>
      tpu.wait_indirect_dma semaphore(%arg22 : memref<!tpu.dma_semaphore, #tpu.memory_space<semaphore_mem>>) src(%dma_wait3A_1139 : memref<10240x16xf32, #tpu.memory_space<vmem_shared>>) dst(%dma_wait3A_1133 : memref<128x16xf32, #tpu.memory_space<vmem>>)
      %dma_start3A_1140 = arith.constant 3 : i32
      %dma_start3A_1141 = arith.constant 0 : i32
      %dma_start3A_1142 = arith.constant 0 : i32
      %dma_start3A_1143 = tpu.memref_slice %arg11[%dma_start3A_1140, %dma_start3A_1141, %dma_start3A_1142] : memref<8x128x16xf32, #tpu.memory_space<vmem>> -> memref<1x128x16xf32, #tpu.memory_space<vmem>>
      %dma_start3A_1144 = tpu.memref_squeeze %dma_start3A_1143 : memref<1x128x16xf32, #tpu.memory_space<vmem>> -> memref<128x16xf32, #tpu.memory_space<vmem>>
      %dma_start3A_1145 = arith.constant 0 : i32
      %dma_start3A_1146 = tpu.memref_slice %arg10[%add3A_1128, %dma_start3A_1145] : memref<160x128xi32, #tpu.memory_space<vmem>> -> memref<1x128xi32, #tpu.memory_space<vmem>>
      %dma_start3A_1147 = tpu.memref_squeeze %dma_start3A_1146 : memref<1x128xi32, #tpu.memory_space<vmem>> -> memref<128xi32, #tpu.memory_space<vmem>>
      %dma_start3A_1148 = arith.constant 0 : i32
      %dma_start3A_1149 = arith.constant 0 : i32
      %dma_start3A_1150 = tpu.memref_slice %arg16[%dma_start3A_1148, %dma_start3A_1149] : memref<10240x16xf32, #tpu.memory_space<vmem_shared>> -> memref<10240x16xf32, #tpu.memory_space<vmem_shared>>
      tpu.enqueue_indirect_dma source(%dma_start3A_1144 : memref<128x16xf32, #tpu.memory_space<vmem>>) target(%dma_start3A_1150 : memref<10240x16xf32, #tpu.memory_space<vmem_shared>>) offsets(%dma_start3A_1147 : memref<128xi32, #tpu.memory_space<vmem>>) semaphore(%arg30 : memref<!tpu.dma_semaphore, #tpu.memory_space<semaphore_mem>>) {add = true}
      %add3A_1151 = arith.constant 4 : i32
      %add3A_1152 = arith.addi %mul3A_1054, %add3A_1151 : i32
      %dma_wait3A_1153 = arith.constant 4 : i32
      %dma_wait3A_1154 = arith.constant 0 : i32
      %dma_wait3A_1155 = arith.constant 0 : i32
      %dma_wait3A_1156 = tpu.memref_slice %arg11[%dma_wait3A_1153, %dma_wait3A_1154, %dma_wait3A_1155] : memref<8x128x16xf32, #tpu.memory_space<vmem>> -> memref<1x128x16xf32, #tpu.memory_space<vmem>>
      %dma_wait3A_1157 = tpu.memref_squeeze %dma_wait3A_1156 : memref<1x128x16xf32, #tpu.memory_space<vmem>> -> memref<128x16xf32, #tpu.memory_space<vmem>>
      %dma_wait3A_1158 = arith.constant 0 : i32
      %dma_wait3A_1159 = tpu.memref_slice %arg9[%add3A_1152, %dma_wait3A_1158] : memref<160x128xi32, #tpu.memory_space<vmem>> -> memref<1x128xi32, #tpu.memory_space<vmem>>
      %dma_wait3A_1160 = tpu.memref_squeeze %dma_wait3A_1159 : memref<1x128xi32, #tpu.memory_space<vmem>> -> memref<128xi32, #tpu.memory_space<vmem>>
      %dma_wait3A_1161 = arith.constant 0 : i32
      %dma_wait3A_1162 = arith.constant 0 : i32
      %dma_wait3A_1163 = tpu.memref_slice %arg17[%dma_wait3A_1161, %dma_wait3A_1162] : memref<10240x16xf32, #tpu.memory_space<vmem_shared>> -> memref<10240x16xf32, #tpu.memory_space<vmem_shared>>
      tpu.wait_indirect_dma semaphore(%arg23 : memref<!tpu.dma_semaphore, #tpu.memory_space<semaphore_mem>>) src(%dma_wait3A_1163 : memref<10240x16xf32, #tpu.memory_space<vmem_shared>>) dst(%dma_wait3A_1157 : memref<128x16xf32, #tpu.memory_space<vmem>>)
      %dma_start3A_1164 = arith.constant 4 : i32
      %dma_start3A_1165 = arith.constant 0 : i32
      %dma_start3A_1166 = arith.constant 0 : i32
      %dma_start3A_1167 = tpu.memref_slice %arg11[%dma_start3A_1164, %dma_start3A_1165, %dma_start3A_1166] : memref<8x128x16xf32, #tpu.memory_space<vmem>> -> memref<1x128x16xf32, #tpu.memory_space<vmem>>
      %dma_start3A_1168 = tpu.memref_squeeze %dma_start3A_1167 : memref<1x128x16xf32, #tpu.memory_space<vmem>> -> memref<128x16xf32, #tpu.memory_space<vmem>>
      %dma_start3A_1169 = arith.constant 0 : i32
      %dma_start3A_1170 = tpu.memref_slice %arg10[%add3A_1152, %dma_start3A_1169] : memref<160x128xi32, #tpu.memory_space<vmem>> -> memref<1x128xi32, #tpu.memory_space<vmem>>
      %dma_start3A_1171 = tpu.memref_squeeze %dma_start3A_1170 : memref<1x128xi32, #tpu.memory_space<vmem>> -> memref<128xi32, #tpu.memory_space<vmem>>
      %dma_start3A_1172 = arith.constant 0 : i32
      %dma_start3A_1173 = arith.constant 0 : i32
      %dma_start3A_1174 = tpu.memref_slice %arg16[%dma_start3A_1172, %dma_start3A_1173] : memref<10240x16xf32, #tpu.memory_space<vmem_shared>> -> memref<10240x16xf32, #tpu.memory_space<vmem_shared>>
      tpu.enqueue_indirect_dma source(%dma_start3A_1168 : memref<128x16xf32, #tpu.memory_space<vmem>>) target(%dma_start3A_1174 : memref<10240x16xf32, #tpu.memory_space<vmem_shared>>) offsets(%dma_start3A_1171 : memref<128xi32, #tpu.memory_space<vmem>>) semaphore(%arg31 : memref<!tpu.dma_semaphore, #tpu.memory_space<semaphore_mem>>) {add = true}
      %add3A_1175 = arith.constant 5 : i32
      %add3A_1176 = arith.addi %mul3A_1054, %add3A_1175 : i32
      %dma_wait3A_1177 = arith.constant 5 : i32
      %dma_wait3A_1178 = arith.constant 0 : i32
      %dma_wait3A_1179 = arith.constant 0 : i32
      %dma_wait3A_1180 = tpu.memref_slice %arg11[%dma_wait3A_1177, %dma_wait3A_1178, %dma_wait3A_1179] : memref<8x128x16xf32, #tpu.memory_space<vmem>> -> memref<1x128x16xf32, #tpu.memory_space<vmem>>
      %dma_wait3A_1181 = tpu.memref_squeeze %dma_wait3A_1180 : memref<1x128x16xf32, #tpu.memory_space<vmem>> -> memref<128x16xf32, #tpu.memory_space<vmem>>
      %dma_wait3A_1182 = arith.constant 0 : i32
      %dma_wait3A_1183 = tpu.memref_slice %arg9[%add3A_1176, %dma_wait3A_1182] : memref<160x128xi32, #tpu.memory_space<vmem>> -> memref<1x128xi32, #tpu.memory_space<vmem>>
      %dma_wait3A_1184 = tpu.memref_squeeze %dma_wait3A_1183 : memref<1x128xi32, #tpu.memory_space<vmem>> -> memref<128xi32, #tpu.memory_space<vmem>>
      %dma_wait3A_1185 = arith.constant 0 : i32
      %dma_wait3A_1186 = arith.constant 0 : i32
      %dma_wait3A_1187 = tpu.memref_slice %arg17[%dma_wait3A_1185, %dma_wait3A_1186] : memref<10240x16xf32, #tpu.memory_space<vmem_shared>> -> memref<10240x16xf32, #tpu.memory_space<vmem_shared>>
      tpu.wait_indirect_dma semaphore(%arg24 : memref<!tpu.dma_semaphore, #tpu.memory_space<semaphore_mem>>) src(%dma_wait3A_1187 : memref<10240x16xf32, #tpu.memory_space<vmem_shared>>) dst(%dma_wait3A_1181 : memref<128x16xf32, #tpu.memory_space<vmem>>)
      %dma_start3A_1188 = arith.constant 5 : i32
      %dma_start3A_1189 = arith.constant 0 : i32
      %dma_start3A_1190 = arith.constant 0 : i32
      %dma_start3A_1191 = tpu.memref_slice %arg11[%dma_start3A_1188, %dma_start3A_1189, %dma_start3A_1190] : memref<8x128x16xf32, #tpu.memory_space<vmem>> -> memref<1x128x16xf32, #tpu.memory_space<vmem>>
      %dma_start3A_1192 = tpu.memref_squeeze %dma_start3A_1191 : memref<1x128x16xf32, #tpu.memory_space<vmem>> -> memref<128x16xf32, #tpu.memory_space<vmem>>
      %dma_start3A_1193 = arith.constant 0 : i32
      %dma_start3A_1194 = tpu.memref_slice %arg10[%add3A_1176, %dma_start3A_1193] : memref<160x128xi32, #tpu.memory_space<vmem>> -> memref<1x128xi32, #tpu.memory_space<vmem>>
      %dma_start3A_1195 = tpu.memref_squeeze %dma_start3A_1194 : memref<1x128xi32, #tpu.memory_space<vmem>> -> memref<128xi32, #tpu.memory_space<vmem>>
      %dma_start3A_1196 = arith.constant 0 : i32
      %dma_start3A_1197 = arith.constant 0 : i32
      %dma_start3A_1198 = tpu.memref_slice %arg16[%dma_start3A_1196, %dma_start3A_1197] : memref<10240x16xf32, #tpu.memory_space<vmem_shared>> -> memref<10240x16xf32, #tpu.memory_space<vmem_shared>>
      tpu.enqueue_indirect_dma source(%dma_start3A_1192 : memref<128x16xf32, #tpu.memory_space<vmem>>) target(%dma_start3A_1198 : memref<10240x16xf32, #tpu.memory_space<vmem_shared>>) offsets(%dma_start3A_1195 : memref<128xi32, #tpu.memory_space<vmem>>) semaphore(%arg32 : memref<!tpu.dma_semaphore, #tpu.memory_space<semaphore_mem>>) {add = true}
      %add3A_1199 = arith.constant 6 : i32
      %add3A_1200 = arith.addi %mul3A_1054, %add3A_1199 : i32
      %dma_wait3A_1201 = arith.constant 6 : i32
      %dma_wait3A_1202 = arith.constant 0 : i32
      %dma_wait3A_1203 = arith.constant 0 : i32
      %dma_wait3A_1204 = tpu.memref_slice %arg11[%dma_wait3A_1201, %dma_wait3A_1202, %dma_wait3A_1203] : memref<8x128x16xf32, #tpu.memory_space<vmem>> -> memref<1x128x16xf32, #tpu.memory_space<vmem>>
      %dma_wait3A_1205 = tpu.memref_squeeze %dma_wait3A_1204 : memref<1x128x16xf32, #tpu.memory_space<vmem>> -> memref<128x16xf32, #tpu.memory_space<vmem>>
      %dma_wait3A_1206 = arith.constant 0 : i32
      %dma_wait3A_1207 = tpu.memref_slice %arg9[%add3A_1200, %dma_wait3A_1206] : memref<160x128xi32, #tpu.memory_space<vmem>> -> memref<1x128xi32, #tpu.memory_space<vmem>>
      %dma_wait3A_1208 = tpu.memref_squeeze %dma_wait3A_1207 : memref<1x128xi32, #tpu.memory_space<vmem>> -> memref<128xi32, #tpu.memory_space<vmem>>
      %dma_wait3A_1209 = arith.constant 0 : i32
      %dma_wait3A_1210 = arith.constant 0 : i32
      %dma_wait3A_1211 = tpu.memref_slice %arg17[%dma_wait3A_1209, %dma_wait3A_1210] : memref<10240x16xf32, #tpu.memory_space<vmem_shared>> -> memref<10240x16xf32, #tpu.memory_space<vmem_shared>>
      tpu.wait_indirect_dma semaphore(%arg25 : memref<!tpu.dma_semaphore, #tpu.memory_space<semaphore_mem>>) src(%dma_wait3A_1211 : memref<10240x16xf32, #tpu.memory_space<vmem_shared>>) dst(%dma_wait3A_1205 : memref<128x16xf32, #tpu.memory_space<vmem>>)
      %dma_start3A_1212 = arith.constant 6 : i32
      %dma_start3A_1213 = arith.constant 0 : i32
      %dma_start3A_1214 = arith.constant 0 : i32
      %dma_start3A_1215 = tpu.memref_slice %arg11[%dma_start3A_1212, %dma_start3A_1213, %dma_start3A_1214] : memref<8x128x16xf32, #tpu.memory_space<vmem>> -> memref<1x128x16xf32, #tpu.memory_space<vmem>>
      %dma_start3A_1216 = tpu.memref_squeeze %dma_start3A_1215 : memref<1x128x16xf32, #tpu.memory_space<vmem>> -> memref<128x16xf32, #tpu.memory_space<vmem>>
      %dma_start3A_1217 = arith.constant 0 : i32
      %dma_start3A_1218 = tpu.memref_slice %arg10[%add3A_1200, %dma_start3A_1217] : memref<160x128xi32, #tpu.memory_space<vmem>> -> memref<1x128xi32, #tpu.memory_space<vmem>>
      %dma_start3A_1219 = tpu.memref_squeeze %dma_start3A_1218 : memref<1x128xi32, #tpu.memory_space<vmem>> -> memref<128xi32, #tpu.memory_space<vmem>>
      %dma_start3A_1220 = arith.constant 0 : i32
      %dma_start3A_1221 = arith.constant 0 : i32
      %dma_start3A_1222 = tpu.memref_slice %arg16[%dma_start3A_1220, %dma_start3A_1221] : memref<10240x16xf32, #tpu.memory_space<vmem_shared>> -> memref<10240x16xf32, #tpu.memory_space<vmem_shared>>
      tpu.enqueue_indirect_dma source(%dma_start3A_1216 : memref<128x16xf32, #tpu.memory_space<vmem>>) target(%dma_start3A_1222 : memref<10240x16xf32, #tpu.memory_space<vmem_shared>>) offsets(%dma_start3A_1219 : memref<128xi32, #tpu.memory_space<vmem>>) semaphore(%arg33 : memref<!tpu.dma_semaphore, #tpu.memory_space<semaphore_mem>>) {add = true}
      %add3A_1223 = arith.constant 7 : i32
      %add3A_1224 = arith.addi %mul3A_1054, %add3A_1223 : i32
      %dma_wait3A_1225 = arith.constant 7 : i32
      %dma_wait3A_1226 = arith.constant 0 : i32
      %dma_wait3A_1227 = arith.constant 0 : i32
      %dma_wait3A_1228 = tpu.memref_slice %arg11[%dma_wait3A_1225, %dma_wait3A_1226, %dma_wait3A_1227] : memref<8x128x16xf32, #tpu.memory_space<vmem>> -> memref<1x128x16xf32, #tpu.memory_space<vmem>>
      %dma_wait3A_1229 = tpu.memref_squeeze %dma_wait3A_1228 : memref<1x128x16xf32, #tpu.memory_space<vmem>> -> memref<128x16xf32, #tpu.memory_space<vmem>>
      %dma_wait3A_1230 = arith.constant 0 : i32
      %dma_wait3A_1231 = tpu.memref_slice %arg9[%add3A_1224, %dma_wait3A_1230] : memref<160x128xi32, #tpu.memory_space<vmem>> -> memref<1x128xi32, #tpu.memory_space<vmem>>
      %dma_wait3A_1232 = tpu.memref_squeeze %dma_wait3A_1231 : memref<1x128xi32, #tpu.memory_space<vmem>> -> memref<128xi32, #tpu.memory_space<vmem>>
      %dma_wait3A_1233 = arith.constant 0 : i32
      %dma_wait3A_1234 = arith.constant 0 : i32
      %dma_wait3A_1235 = tpu.memref_slice %arg17[%dma_wait3A_1233, %dma_wait3A_1234] : memref<10240x16xf32, #tpu.memory_space<vmem_shared>> -> memref<10240x16xf32, #tpu.memory_space<vmem_shared>>
      tpu.wait_indirect_dma semaphore(%arg26 : memref<!tpu.dma_semaphore, #tpu.memory_space<semaphore_mem>>) src(%dma_wait3A_1235 : memref<10240x16xf32, #tpu.memory_space<vmem_shared>>) dst(%dma_wait3A_1229 : memref<128x16xf32, #tpu.memory_space<vmem>>)
      %dma_start3A_1236 = arith.constant 7 : i32
      %dma_start3A_1237 = arith.constant 0 : i32
      %dma_start3A_1238 = arith.constant 0 : i32
      %dma_start3A_1239 = tpu.memref_slice %arg11[%dma_start3A_1236, %dma_start3A_1237, %dma_start3A_1238] : memref<8x128x16xf32, #tpu.memory_space<vmem>> -> memref<1x128x16xf32, #tpu.memory_space<vmem>>
      %dma_start3A_1240 = tpu.memref_squeeze %dma_start3A_1239 : memref<1x128x16xf32, #tpu.memory_space<vmem>> -> memref<128x16xf32, #tpu.memory_space<vmem>>
      %dma_start3A_1241 = arith.constant 0 : i32
      %dma_start3A_1242 = tpu.memref_slice %arg10[%add3A_1224, %dma_start3A_1241] : memref<160x128xi32, #tpu.memory_space<vmem>> -> memref<1x128xi32, #tpu.memory_space<vmem>>
      %dma_start3A_1243 = tpu.memref_squeeze %dma_start3A_1242 : memref<1x128xi32, #tpu.memory_space<vmem>> -> memref<128xi32, #tpu.memory_space<vmem>>
      %dma_start3A_1244 = arith.constant 0 : i32
      %dma_start3A_1245 = arith.constant 0 : i32
      %dma_start3A_1246 = tpu.memref_slice %arg16[%dma_start3A_1244, %dma_start3A_1245] : memref<10240x16xf32, #tpu.memory_space<vmem_shared>> -> memref<10240x16xf32, #tpu.memory_space<vmem_shared>>
      tpu.enqueue_indirect_dma source(%dma_start3A_1240 : memref<128x16xf32, #tpu.memory_space<vmem>>) target(%dma_start3A_1246 : memref<10240x16xf32, #tpu.memory_space<vmem_shared>>) offsets(%dma_start3A_1243 : memref<128xi32, #tpu.memory_space<vmem>>) semaphore(%arg34 : memref<!tpu.dma_semaphore, #tpu.memory_space<semaphore_mem>>) {add = true}
      %add3A_1247 = arith.constant 0 : i32
      %add3A_1248 = arith.addi %mul3A_1054, %add3A_1247 : i32
      %dma_wait3A_1249 = arith.constant 0 : i32
      %dma_wait3A_1250 = arith.constant 0 : i32
      %dma_wait3A_1251 = arith.constant 0 : i32
      %dma_wait3A_1252 = tpu.memref_slice %arg11[%dma_wait3A_1249, %dma_wait3A_1250, %dma_wait3A_1251] : memref<8x128x16xf32, #tpu.memory_space<vmem>> -> memref<1x128x16xf32, #tpu.memory_space<vmem>>
      %dma_wait3A_1253 = tpu.memref_squeeze %dma_wait3A_1252 : memref<1x128x16xf32, #tpu.memory_space<vmem>> -> memref<128x16xf32, #tpu.memory_space<vmem>>
      %dma_wait3A_1254 = arith.constant 0 : i32
      %dma_wait3A_1255 = tpu.memref_slice %arg10[%add3A_1248, %dma_wait3A_1254] : memref<160x128xi32, #tpu.memory_space<vmem>> -> memref<1x128xi32, #tpu.memory_space<vmem>>
      %dma_wait3A_1256 = tpu.memref_squeeze %dma_wait3A_1255 : memref<1x128xi32, #tpu.memory_space<vmem>> -> memref<128xi32, #tpu.memory_space<vmem>>
      %dma_wait3A_1257 = arith.constant 0 : i32
      %dma_wait3A_1258 = arith.constant 0 : i32
      %dma_wait3A_1259 = tpu.memref_slice %arg16[%dma_wait3A_1257, %dma_wait3A_1258] : memref<10240x16xf32, #tpu.memory_space<vmem_shared>> -> memref<10240x16xf32, #tpu.memory_space<vmem_shared>>
      tpu.wait_indirect_dma semaphore(%arg27 : memref<!tpu.dma_semaphore, #tpu.memory_space<semaphore_mem>>) src(%dma_wait3A_1253 : memref<128x16xf32, #tpu.memory_space<vmem>>) dst(%dma_wait3A_1259 : memref<10240x16xf32, #tpu.memory_space<vmem_shared>>)
      %add3A_1260 = arith.constant 8 : i32
      %add3A_1261 = arith.addi %add3A_1248, %add3A_1260 : i32
      %lt3A = arith.constant 160 : i32
      %lt3A_1262 = arith.cmpi slt, %add3A_1261, %lt3A : i32
      %convert_element_type3A = arith.extui %lt3A_1262 : i1 to i32
      %cond3A = arith.constant 0 : i32
      %cond3A_1263 = arith.cmpi ne, %convert_element_type3A, %cond3A : i32
      scf.if %cond3A_1263 {
        %dma_start3A_1404 = arith.constant 0 : i32
        %dma_start3A_1405 = arith.constant 0 : i32
        %dma_start3A_1406 = arith.constant 0 : i32
        %dma_start3A_1407 = tpu.memref_slice %arg11[%dma_start3A_1404, %dma_start3A_1405, %dma_start3A_1406] : memref<8x128x16xf32, #tpu.memory_space<vmem>> -> memref<1x128x16xf32, #tpu.memory_space<vmem>>
        %dma_start3A_1408 = tpu.memref_squeeze %dma_start3A_1407 : memref<1x128x16xf32, #tpu.memory_space<vmem>> -> memref<128x16xf32, #tpu.memory_space<vmem>>
        %dma_start3A_1409 = arith.constant 0 : i32
        %dma_start3A_1410 = tpu.memref_slice %arg9[%add3A_1261, %dma_start3A_1409] : memref<160x128xi32, #tpu.memory_space<vmem>> -> memref<1x128xi32, #tpu.memory_space<vmem>>
        %dma_start3A_1411 = tpu.memref_squeeze %dma_start3A_1410 : memref<1x128xi32, #tpu.memory_space<vmem>> -> memref<128xi32, #tpu.memory_space<vmem>>
        %dma_start3A_1412 = arith.constant 0 : i32
        %dma_start3A_1413 = arith.constant 0 : i32
        %dma_start3A_1414 = tpu.memref_slice %arg17[%dma_start3A_1412, %dma_start3A_1413] : memref<10240x16xf32, #tpu.memory_space<vmem_shared>> -> memref<10240x16xf32, #tpu.memory_space<vmem_shared>>
        tpu.enqueue_indirect_dma source(%dma_start3A_1414 : memref<10240x16xf32, #tpu.memory_space<vmem_shared>>) target(%dma_start3A_1408 : memref<128x16xf32, #tpu.memory_space<vmem>>) offsets(%dma_start3A_1411 : memref<128xi32, #tpu.memory_space<vmem>>) semaphore(%arg19 : memref<!tpu.dma_semaphore, #tpu.memory_space<semaphore_mem>>)
      } else {
      }
      %add3A_1264 = arith.constant 1 : i32
      %add3A_1265 = arith.addi %mul3A_1054, %add3A_1264 : i32
      %dma_wait3A_1266 = arith.constant 1 : i32
      %dma_wait3A_1267 = arith.constant 0 : i32
      %dma_wait3A_1268 = arith.constant 0 : i32
      %dma_wait3A_1269 = tpu.memref_slice %arg11[%dma_wait3A_1266, %dma_wait3A_1267, %dma_wait3A_1268] : memref<8x128x16xf32, #tpu.memory_space<vmem>> -> memref<1x128x16xf32, #tpu.memory_space<vmem>>
      %dma_wait3A_1270 = tpu.memref_squeeze %dma_wait3A_1269 : memref<1x128x16xf32, #tpu.memory_space<vmem>> -> memref<128x16xf32, #tpu.memory_space<vmem>>
      %dma_wait3A_1271 = arith.constant 0 : i32
      %dma_wait3A_1272 = tpu.memref_slice %arg10[%add3A_1265, %dma_wait3A_1271] : memref<160x128xi32, #tpu.memory_space<vmem>> -> memref<1x128xi32, #tpu.memory_space<vmem>>
      %dma_wait3A_1273 = tpu.memref_squeeze %dma_wait3A_1272 : memref<1x128xi32, #tpu.memory_space<vmem>> -> memref<128xi32, #tpu.memory_space<vmem>>
      %dma_wait3A_1274 = arith.constant 0 : i32
      %dma_wait3A_1275 = arith.constant 0 : i32
      %dma_wait3A_1276 = tpu.memref_slice %arg16[%dma_wait3A_1274, %dma_wait3A_1275] : memref<10240x16xf32, #tpu.memory_space<vmem_shared>> -> memref<10240x16xf32, #tpu.memory_space<vmem_shared>>
      tpu.wait_indirect_dma semaphore(%arg28 : memref<!tpu.dma_semaphore, #tpu.memory_space<semaphore_mem>>) src(%dma_wait3A_1270 : memref<128x16xf32, #tpu.memory_space<vmem>>) dst(%dma_wait3A_1276 : memref<10240x16xf32, #tpu.memory_space<vmem_shared>>)
      %add3A_1277 = arith.constant 8 : i32
      %add3A_1278 = arith.addi %add3A_1265, %add3A_1277 : i32
      %lt3A_1279 = arith.constant 160 : i32
      %lt3A_1280 = arith.cmpi slt, %add3A_1278, %lt3A_1279 : i32
      %convert_element_type3A_1281 = arith.extui %lt3A_1280 : i1 to i32
      %cond3A_1282 = arith.constant 0 : i32
      %cond3A_1283 = arith.cmpi ne, %convert_element_type3A_1281, %cond3A_1282 : i32
      scf.if %cond3A_1283 {
        %dma_start3A_1404 = arith.constant 1 : i32
        %dma_start3A_1405 = arith.constant 0 : i32
        %dma_start3A_1406 = arith.constant 0 : i32
        %dma_start3A_1407 = tpu.memref_slice %arg11[%dma_start3A_1404, %dma_start3A_1405, %dma_start3A_1406] : memref<8x128x16xf32, #tpu.memory_space<vmem>> -> memref<1x128x16xf32, #tpu.memory_space<vmem>>
        %dma_start3A_1408 = tpu.memref_squeeze %dma_start3A_1407 : memref<1x128x16xf32, #tpu.memory_space<vmem>> -> memref<128x16xf32, #tpu.memory_space<vmem>>
        %dma_start3A_1409 = arith.constant 0 : i32
        %dma_start3A_1410 = tpu.memref_slice %arg9[%add3A_1278, %dma_start3A_1409] : memref<160x128xi32, #tpu.memory_space<vmem>> -> memref<1x128xi32, #tpu.memory_space<vmem>>
        %dma_start3A_1411 = tpu.memref_squeeze %dma_start3A_1410 : memref<1x128xi32, #tpu.memory_space<vmem>> -> memref<128xi32, #tpu.memory_space<vmem>>
        %dma_start3A_1412 = arith.constant 0 : i32
        %dma_start3A_1413 = arith.constant 0 : i32
        %dma_start3A_1414 = tpu.memref_slice %arg17[%dma_start3A_1412, %dma_start3A_1413] : memref<10240x16xf32, #tpu.memory_space<vmem_shared>> -> memref<10240x16xf32, #tpu.memory_space<vmem_shared>>
        tpu.enqueue_indirect_dma source(%dma_start3A_1414 : memref<10240x16xf32, #tpu.memory_space<vmem_shared>>) target(%dma_start3A_1408 : memref<128x16xf32, #tpu.memory_space<vmem>>) offsets(%dma_start3A_1411 : memref<128xi32, #tpu.memory_space<vmem>>) semaphore(%arg20 : memref<!tpu.dma_semaphore, #tpu.memory_space<semaphore_mem>>)
      } else {
      }
      %add3A_1284 = arith.constant 2 : i32
      %add3A_1285 = arith.addi %mul3A_1054, %add3A_1284 : i32
      %dma_wait3A_1286 = arith.constant 2 : i32
      %dma_wait3A_1287 = arith.constant 0 : i32
      %dma_wait3A_1288 = arith.constant 0 : i32
      %dma_wait3A_1289 = tpu.memref_slice %arg11[%dma_wait3A_1286, %dma_wait3A_1287, %dma_wait3A_1288] : memref<8x128x16xf32, #tpu.memory_space<vmem>> -> memref<1x128x16xf32, #tpu.memory_space<vmem>>
      %dma_wait3A_1290 = tpu.memref_squeeze %dma_wait3A_1289 : memref<1x128x16xf32, #tpu.memory_space<vmem>> -> memref<128x16xf32, #tpu.memory_space<vmem>>
      %dma_wait3A_1291 = arith.constant 0 : i32
      %dma_wait3A_1292 = tpu.memref_slice %arg10[%add3A_1285, %dma_wait3A_1291] : memref<160x128xi32, #tpu.memory_space<vmem>> -> memref<1x128xi32, #tpu.memory_space<vmem>>
      %dma_wait3A_1293 = tpu.memref_squeeze %dma_wait3A_1292 : memref<1x128xi32, #tpu.memory_space<vmem>> -> memref<128xi32, #tpu.memory_space<vmem>>
      %dma_wait3A_1294 = arith.constant 0 : i32
      %dma_wait3A_1295 = arith.constant 0 : i32
      %dma_wait3A_1296 = tpu.memref_slice %arg16[%dma_wait3A_1294, %dma_wait3A_1295] : memref<10240x16xf32, #tpu.memory_space<vmem_shared>> -> memref<10240x16xf32, #tpu.memory_space<vmem_shared>>
      tpu.wait_indirect_dma semaphore(%arg29 : memref<!tpu.dma_semaphore, #tpu.memory_space<semaphore_mem>>) src(%dma_wait3A_1290 : memref<128x16xf32, #tpu.memory_space<vmem>>) dst(%dma_wait3A_1296 : memref<10240x16xf32, #tpu.memory_space<vmem_shared>>)
      %add3A_1297 = arith.constant 8 : i32
      %add3A_1298 = arith.addi %add3A_1285, %add3A_1297 : i32
      %lt3A_1299 = arith.constant 160 : i32
      %lt3A_1300 = arith.cmpi slt, %add3A_1298, %lt3A_1299 : i32
      %convert_element_type3A_1301 = arith.extui %lt3A_1300 : i1 to i32
      %cond3A_1302 = arith.constant 0 : i32
      %cond3A_1303 = arith.cmpi ne, %convert_element_type3A_1301, %cond3A_1302 : i32
      scf.if %cond3A_1303 {
        %dma_start3A_1404 = arith.constant 2 : i32
        %dma_start3A_1405 = arith.constant 0 : i32
        %dma_start3A_1406 = arith.constant 0 : i32
        %dma_start3A_1407 = tpu.memref_slice %arg11[%dma_start3A_1404, %dma_start3A_1405, %dma_start3A_1406] : memref<8x128x16xf32, #tpu.memory_space<vmem>> -> memref<1x128x16xf32, #tpu.memory_space<vmem>>
        %dma_start3A_1408 = tpu.memref_squeeze %dma_start3A_1407 : memref<1x128x16xf32, #tpu.memory_space<vmem>> -> memref<128x16xf32, #tpu.memory_space<vmem>>
        %dma_start3A_1409 = arith.constant 0 : i32
        %dma_start3A_1410 = tpu.memref_slice %arg9[%add3A_1298, %dma_start3A_1409] : memref<160x128xi32, #tpu.memory_space<vmem>> -> memref<1x128xi32, #tpu.memory_space<vmem>>
        %dma_start3A_1411 = tpu.memref_squeeze %dma_start3A_1410 : memref<1x128xi32, #tpu.memory_space<vmem>> -> memref<128xi32, #tpu.memory_space<vmem>>
        %dma_start3A_1412 = arith.constant 0 : i32
        %dma_start3A_1413 = arith.constant 0 : i32
        %dma_start3A_1414 = tpu.memref_slice %arg17[%dma_start3A_1412, %dma_start3A_1413] : memref<10240x16xf32, #tpu.memory_space<vmem_shared>> -> memref<10240x16xf32, #tpu.memory_space<vmem_shared>>
        tpu.enqueue_indirect_dma source(%dma_start3A_1414 : memref<10240x16xf32, #tpu.memory_space<vmem_shared>>) target(%dma_start3A_1408 : memref<128x16xf32, #tpu.memory_space<vmem>>) offsets(%dma_start3A_1411 : memref<128xi32, #tpu.memory_space<vmem>>) semaphore(%arg21 : memref<!tpu.dma_semaphore, #tpu.memory_space<semaphore_mem>>)
      } else {
      }
      %add3A_1304 = arith.constant 3 : i32
      %add3A_1305 = arith.addi %mul3A_1054, %add3A_1304 : i32
      %dma_wait3A_1306 = arith.constant 3 : i32
      %dma_wait3A_1307 = arith.constant 0 : i32
      %dma_wait3A_1308 = arith.constant 0 : i32
      %dma_wait3A_1309 = tpu.memref_slice %arg11[%dma_wait3A_1306, %dma_wait3A_1307, %dma_wait3A_1308] : memref<8x128x16xf32, #tpu.memory_space<vmem>> -> memref<1x128x16xf32, #tpu.memory_space<vmem>>
      %dma_wait3A_1310 = tpu.memref_squeeze %dma_wait3A_1309 : memref<1x128x16xf32, #tpu.memory_space<vmem>> -> memref<128x16xf32, #tpu.memory_space<vmem>>
      %dma_wait3A_1311 = arith.constant 0 : i32
      %dma_wait3A_1312 = tpu.memref_slice %arg10[%add3A_1305, %dma_wait3A_1311] : memref<160x128xi32, #tpu.memory_space<vmem>> -> memref<1x128xi32, #tpu.memory_space<vmem>>
      %dma_wait3A_1313 = tpu.memref_squeeze %dma_wait3A_1312 : memref<1x128xi32, #tpu.memory_space<vmem>> -> memref<128xi32, #tpu.memory_space<vmem>>
      %dma_wait3A_1314 = arith.constant 0 : i32
      %dma_wait3A_1315 = arith.constant 0 : i32
      %dma_wait3A_1316 = tpu.memref_slice %arg16[%dma_wait3A_1314, %dma_wait3A_1315] : memref<10240x16xf32, #tpu.memory_space<vmem_shared>> -> memref<10240x16xf32, #tpu.memory_space<vmem_shared>>
      tpu.wait_indirect_dma semaphore(%arg30 : memref<!tpu.dma_semaphore, #tpu.memory_space<semaphore_mem>>) src(%dma_wait3A_1310 : memref<128x16xf32, #tpu.memory_space<vmem>>) dst(%dma_wait3A_1316 : memref<10240x16xf32, #tpu.memory_space<vmem_shared>>)
      %add3A_1317 = arith.constant 8 : i32
      %add3A_1318 = arith.addi %add3A_1305, %add3A_1317 : i32
      %lt3A_1319 = arith.constant 160 : i32
      %lt3A_1320 = arith.cmpi slt, %add3A_1318, %lt3A_1319 : i32
      %convert_element_type3A_1321 = arith.extui %lt3A_1320 : i1 to i32
      %cond3A_1322 = arith.constant 0 : i32
      %cond3A_1323 = arith.cmpi ne, %convert_element_type3A_1321, %cond3A_1322 : i32
      scf.if %cond3A_1323 {
        %dma_start3A_1404 = arith.constant 3 : i32
        %dma_start3A_1405 = arith.constant 0 : i32
        %dma_start3A_1406 = arith.constant 0 : i32
        %dma_start3A_1407 = tpu.memref_slice %arg11[%dma_start3A_1404, %dma_start3A_1405, %dma_start3A_1406] : memref<8x128x16xf32, #tpu.memory_space<vmem>> -> memref<1x128x16xf32, #tpu.memory_space<vmem>>
        %dma_start3A_1408 = tpu.memref_squeeze %dma_start3A_1407 : memref<1x128x16xf32, #tpu.memory_space<vmem>> -> memref<128x16xf32, #tpu.memory_space<vmem>>
        %dma_start3A_1409 = arith.constant 0 : i32
        %dma_start3A_1410 = tpu.memref_slice %arg9[%add3A_1318, %dma_start3A_1409] : memref<160x128xi32, #tpu.memory_space<vmem>> -> memref<1x128xi32, #tpu.memory_space<vmem>>
        %dma_start3A_1411 = tpu.memref_squeeze %dma_start3A_1410 : memref<1x128xi32, #tpu.memory_space<vmem>> -> memref<128xi32, #tpu.memory_space<vmem>>
        %dma_start3A_1412 = arith.constant 0 : i32
        %dma_start3A_1413 = arith.constant 0 : i32
        %dma_start3A_1414 = tpu.memref_slice %arg17[%dma_start3A_1412, %dma_start3A_1413] : memref<10240x16xf32, #tpu.memory_space<vmem_shared>> -> memref<10240x16xf32, #tpu.memory_space<vmem_shared>>
        tpu.enqueue_indirect_dma source(%dma_start3A_1414 : memref<10240x16xf32, #tpu.memory_space<vmem_shared>>) target(%dma_start3A_1408 : memref<128x16xf32, #tpu.memory_space<vmem>>) offsets(%dma_start3A_1411 : memref<128xi32, #tpu.memory_space<vmem>>) semaphore(%arg22 : memref<!tpu.dma_semaphore, #tpu.memory_space<semaphore_mem>>)
      } else {
      }
      %add3A_1324 = arith.constant 4 : i32
      %add3A_1325 = arith.addi %mul3A_1054, %add3A_1324 : i32
      %dma_wait3A_1326 = arith.constant 4 : i32
      %dma_wait3A_1327 = arith.constant 0 : i32
      %dma_wait3A_1328 = arith.constant 0 : i32
      %dma_wait3A_1329 = tpu.memref_slice %arg11[%dma_wait3A_1326, %dma_wait3A_1327, %dma_wait3A_1328] : memref<8x128x16xf32, #tpu.memory_space<vmem>> -> memref<1x128x16xf32, #tpu.memory_space<vmem>>
      %dma_wait3A_1330 = tpu.memref_squeeze %dma_wait3A_1329 : memref<1x128x16xf32, #tpu.memory_space<vmem>> -> memref<128x16xf32, #tpu.memory_space<vmem>>
      %dma_wait3A_1331 = arith.constant 0 : i32
      %dma_wait3A_1332 = tpu.memref_slice %arg10[%add3A_1325, %dma_wait3A_1331] : memref<160x128xi32, #tpu.memory_space<vmem>> -> memref<1x128xi32, #tpu.memory_space<vmem>>
      %dma_wait3A_1333 = tpu.memref_squeeze %dma_wait3A_1332 : memref<1x128xi32, #tpu.memory_space<vmem>> -> memref<128xi32, #tpu.memory_space<vmem>>
      %dma_wait3A_1334 = arith.constant 0 : i32
      %dma_wait3A_1335 = arith.constant 0 : i32
      %dma_wait3A_1336 = tpu.memref_slice %arg16[%dma_wait3A_1334, %dma_wait3A_1335] : memref<10240x16xf32, #tpu.memory_space<vmem_shared>> -> memref<10240x16xf32, #tpu.memory_space<vmem_shared>>
      tpu.wait_indirect_dma semaphore(%arg31 : memref<!tpu.dma_semaphore, #tpu.memory_space<semaphore_mem>>) src(%dma_wait3A_1330 : memref<128x16xf32, #tpu.memory_space<vmem>>) dst(%dma_wait3A_1336 : memref<10240x16xf32, #tpu.memory_space<vmem_shared>>)
      %add3A_1337 = arith.constant 8 : i32
      %add3A_1338 = arith.addi %add3A_1325, %add3A_1337 : i32
      %lt3A_1339 = arith.constant 160 : i32
      %lt3A_1340 = arith.cmpi slt, %add3A_1338, %lt3A_1339 : i32
      %convert_element_type3A_1341 = arith.extui %lt3A_1340 : i1 to i32
      %cond3A_1342 = arith.constant 0 : i32
      %cond3A_1343 = arith.cmpi ne, %convert_element_type3A_1341, %cond3A_1342 : i32
      scf.if %cond3A_1343 {
        %dma_start3A_1404 = arith.constant 4 : i32
        %dma_start3A_1405 = arith.constant 0 : i32
        %dma_start3A_1406 = arith.constant 0 : i32
        %dma_start3A_1407 = tpu.memref_slice %arg11[%dma_start3A_1404, %dma_start3A_1405, %dma_start3A_1406] : memref<8x128x16xf32, #tpu.memory_space<vmem>> -> memref<1x128x16xf32, #tpu.memory_space<vmem>>
        %dma_start3A_1408 = tpu.memref_squeeze %dma_start3A_1407 : memref<1x128x16xf32, #tpu.memory_space<vmem>> -> memref<128x16xf32, #tpu.memory_space<vmem>>
        %dma_start3A_1409 = arith.constant 0 : i32
        %dma_start3A_1410 = tpu.memref_slice %arg9[%add3A_1338, %dma_start3A_1409] : memref<160x128xi32, #tpu.memory_space<vmem>> -> memref<1x128xi32, #tpu.memory_space<vmem>>
        %dma_start3A_1411 = tpu.memref_squeeze %dma_start3A_1410 : memref<1x128xi32, #tpu.memory_space<vmem>> -> memref<128xi32, #tpu.memory_space<vmem>>
        %dma_start3A_1412 = arith.constant 0 : i32
        %dma_start3A_1413 = arith.constant 0 : i32
        %dma_start3A_1414 = tpu.memref_slice %arg17[%dma_start3A_1412, %dma_start3A_1413] : memref<10240x16xf32, #tpu.memory_space<vmem_shared>> -> memref<10240x16xf32, #tpu.memory_space<vmem_shared>>
        tpu.enqueue_indirect_dma source(%dma_start3A_1414 : memref<10240x16xf32, #tpu.memory_space<vmem_shared>>) target(%dma_start3A_1408 : memref<128x16xf32, #tpu.memory_space<vmem>>) offsets(%dma_start3A_1411 : memref<128xi32, #tpu.memory_space<vmem>>) semaphore(%arg23 : memref<!tpu.dma_semaphore, #tpu.memory_space<semaphore_mem>>)
      } else {
      }
      %add3A_1344 = arith.constant 5 : i32
      %add3A_1345 = arith.addi %mul3A_1054, %add3A_1344 : i32
      %dma_wait3A_1346 = arith.constant 5 : i32
      %dma_wait3A_1347 = arith.constant 0 : i32
      %dma_wait3A_1348 = arith.constant 0 : i32
      %dma_wait3A_1349 = tpu.memref_slice %arg11[%dma_wait3A_1346, %dma_wait3A_1347, %dma_wait3A_1348] : memref<8x128x16xf32, #tpu.memory_space<vmem>> -> memref<1x128x16xf32, #tpu.memory_space<vmem>>
      %dma_wait3A_1350 = tpu.memref_squeeze %dma_wait3A_1349 : memref<1x128x16xf32, #tpu.memory_space<vmem>> -> memref<128x16xf32, #tpu.memory_space<vmem>>
      %dma_wait3A_1351 = arith.constant 0 : i32
      %dma_wait3A_1352 = tpu.memref_slice %arg10[%add3A_1345, %dma_wait3A_1351] : memref<160x128xi32, #tpu.memory_space<vmem>> -> memref<1x128xi32, #tpu.memory_space<vmem>>
      %dma_wait3A_1353 = tpu.memref_squeeze %dma_wait3A_1352 : memref<1x128xi32, #tpu.memory_space<vmem>> -> memref<128xi32, #tpu.memory_space<vmem>>
      %dma_wait3A_1354 = arith.constant 0 : i32
      %dma_wait3A_1355 = arith.constant 0 : i32
      %dma_wait3A_1356 = tpu.memref_slice %arg16[%dma_wait3A_1354, %dma_wait3A_1355] : memref<10240x16xf32, #tpu.memory_space<vmem_shared>> -> memref<10240x16xf32, #tpu.memory_space<vmem_shared>>
      tpu.wait_indirect_dma semaphore(%arg32 : memref<!tpu.dma_semaphore, #tpu.memory_space<semaphore_mem>>) src(%dma_wait3A_1350 : memref<128x16xf32, #tpu.memory_space<vmem>>) dst(%dma_wait3A_1356 : memref<10240x16xf32, #tpu.memory_space<vmem_shared>>)
      %add3A_1357 = arith.constant 8 : i32
      %add3A_1358 = arith.addi %add3A_1345, %add3A_1357 : i32
      %lt3A_1359 = arith.constant 160 : i32
      %lt3A_1360 = arith.cmpi slt, %add3A_1358, %lt3A_1359 : i32
      %convert_element_type3A_1361 = arith.extui %lt3A_1360 : i1 to i32
      %cond3A_1362 = arith.constant 0 : i32
      %cond3A_1363 = arith.cmpi ne, %convert_element_type3A_1361, %cond3A_1362 : i32
      scf.if %cond3A_1363 {
        %dma_start3A_1404 = arith.constant 5 : i32
        %dma_start3A_1405 = arith.constant 0 : i32
        %dma_start3A_1406 = arith.constant 0 : i32
        %dma_start3A_1407 = tpu.memref_slice %arg11[%dma_start3A_1404, %dma_start3A_1405, %dma_start3A_1406] : memref<8x128x16xf32, #tpu.memory_space<vmem>> -> memref<1x128x16xf32, #tpu.memory_space<vmem>>
        %dma_start3A_1408 = tpu.memref_squeeze %dma_start3A_1407 : memref<1x128x16xf32, #tpu.memory_space<vmem>> -> memref<128x16xf32, #tpu.memory_space<vmem>>
        %dma_start3A_1409 = arith.constant 0 : i32
        %dma_start3A_1410 = tpu.memref_slice %arg9[%add3A_1358, %dma_start3A_1409] : memref<160x128xi32, #tpu.memory_space<vmem>> -> memref<1x128xi32, #tpu.memory_space<vmem>>
        %dma_start3A_1411 = tpu.memref_squeeze %dma_start3A_1410 : memref<1x128xi32, #tpu.memory_space<vmem>> -> memref<128xi32, #tpu.memory_space<vmem>>
        %dma_start3A_1412 = arith.constant 0 : i32
        %dma_start3A_1413 = arith.constant 0 : i32
        %dma_start3A_1414 = tpu.memref_slice %arg17[%dma_start3A_1412, %dma_start3A_1413] : memref<10240x16xf32, #tpu.memory_space<vmem_shared>> -> memref<10240x16xf32, #tpu.memory_space<vmem_shared>>
        tpu.enqueue_indirect_dma source(%dma_start3A_1414 : memref<10240x16xf32, #tpu.memory_space<vmem_shared>>) target(%dma_start3A_1408 : memref<128x16xf32, #tpu.memory_space<vmem>>) offsets(%dma_start3A_1411 : memref<128xi32, #tpu.memory_space<vmem>>) semaphore(%arg24 : memref<!tpu.dma_semaphore, #tpu.memory_space<semaphore_mem>>)
      } else {
      }
      %add3A_1364 = arith.constant 6 : i32
      %add3A_1365 = arith.addi %mul3A_1054, %add3A_1364 : i32
      %dma_wait3A_1366 = arith.constant 6 : i32
      %dma_wait3A_1367 = arith.constant 0 : i32
      %dma_wait3A_1368 = arith.constant 0 : i32
      %dma_wait3A_1369 = tpu.memref_slice %arg11[%dma_wait3A_1366, %dma_wait3A_1367, %dma_wait3A_1368] : memref<8x128x16xf32, #tpu.memory_space<vmem>> -> memref<1x128x16xf32, #tpu.memory_space<vmem>>
      %dma_wait3A_1370 = tpu.memref_squeeze %dma_wait3A_1369 : memref<1x128x16xf32, #tpu.memory_space<vmem>> -> memref<128x16xf32, #tpu.memory_space<vmem>>
      %dma_wait3A_1371 = arith.constant 0 : i32
      %dma_wait3A_1372 = tpu.memref_slice %arg10[%add3A_1365, %dma_wait3A_1371] : memref<160x128xi32, #tpu.memory_space<vmem>> -> memref<1x128xi32, #tpu.memory_space<vmem>>
      %dma_wait3A_1373 = tpu.memref_squeeze %dma_wait3A_1372 : memref<1x128xi32, #tpu.memory_space<vmem>> -> memref<128xi32, #tpu.memory_space<vmem>>
      %dma_wait3A_1374 = arith.constant 0 : i32
      %dma_wait3A_1375 = arith.constant 0 : i32
      %dma_wait3A_1376 = tpu.memref_slice %arg16[%dma_wait3A_1374, %dma_wait3A_1375] : memref<10240x16xf32, #tpu.memory_space<vmem_shared>> -> memref<10240x16xf32, #tpu.memory_space<vmem_shared>>
      tpu.wait_indirect_dma semaphore(%arg33 : memref<!tpu.dma_semaphore, #tpu.memory_space<semaphore_mem>>) src(%dma_wait3A_1370 : memref<128x16xf32, #tpu.memory_space<vmem>>) dst(%dma_wait3A_1376 : memref<10240x16xf32, #tpu.memory_space<vmem_shared>>)
      %add3A_1377 = arith.constant 8 : i32
      %add3A_1378 = arith.addi %add3A_1365, %add3A_1377 : i32
      %lt3A_1379 = arith.constant 160 : i32
      %lt3A_1380 = arith.cmpi slt, %add3A_1378, %lt3A_1379 : i32
      %convert_element_type3A_1381 = arith.extui %lt3A_1380 : i1 to i32
      %cond3A_1382 = arith.constant 0 : i32
      %cond3A_1383 = arith.cmpi ne, %convert_element_type3A_1381, %cond3A_1382 : i32
      scf.if %cond3A_1383 {
        %dma_start3A_1404 = arith.constant 6 : i32
        %dma_start3A_1405 = arith.constant 0 : i32
        %dma_start3A_1406 = arith.constant 0 : i32
        %dma_start3A_1407 = tpu.memref_slice %arg11[%dma_start3A_1404, %dma_start3A_1405, %dma_start3A_1406] : memref<8x128x16xf32, #tpu.memory_space<vmem>> -> memref<1x128x16xf32, #tpu.memory_space<vmem>>
        %dma_start3A_1408 = tpu.memref_squeeze %dma_start3A_1407 : memref<1x128x16xf32, #tpu.memory_space<vmem>> -> memref<128x16xf32, #tpu.memory_space<vmem>>
        %dma_start3A_1409 = arith.constant 0 : i32
        %dma_start3A_1410 = tpu.memref_slice %arg9[%add3A_1378, %dma_start3A_1409] : memref<160x128xi32, #tpu.memory_space<vmem>> -> memref<1x128xi32, #tpu.memory_space<vmem>>
        %dma_start3A_1411 = tpu.memref_squeeze %dma_start3A_1410 : memref<1x128xi32, #tpu.memory_space<vmem>> -> memref<128xi32, #tpu.memory_space<vmem>>
        %dma_start3A_1412 = arith.constant 0 : i32
        %dma_start3A_1413 = arith.constant 0 : i32
        %dma_start3A_1414 = tpu.memref_slice %arg17[%dma_start3A_1412, %dma_start3A_1413] : memref<10240x16xf32, #tpu.memory_space<vmem_shared>> -> memref<10240x16xf32, #tpu.memory_space<vmem_shared>>
        tpu.enqueue_indirect_dma source(%dma_start3A_1414 : memref<10240x16xf32, #tpu.memory_space<vmem_shared>>) target(%dma_start3A_1408 : memref<128x16xf32, #tpu.memory_space<vmem>>) offsets(%dma_start3A_1411 : memref<128xi32, #tpu.memory_space<vmem>>) semaphore(%arg25 : memref<!tpu.dma_semaphore, #tpu.memory_space<semaphore_mem>>)
      } else {
      }
      %add3A_1384 = arith.constant 7 : i32
      %add3A_1385 = arith.addi %mul3A_1054, %add3A_1384 : i32
      %dma_wait3A_1386 = arith.constant 7 : i32
      %dma_wait3A_1387 = arith.constant 0 : i32
      %dma_wait3A_1388 = arith.constant 0 : i32
      %dma_wait3A_1389 = tpu.memref_slice %arg11[%dma_wait3A_1386, %dma_wait3A_1387, %dma_wait3A_1388] : memref<8x128x16xf32, #tpu.memory_space<vmem>> -> memref<1x128x16xf32, #tpu.memory_space<vmem>>
      %dma_wait3A_1390 = tpu.memref_squeeze %dma_wait3A_1389 : memref<1x128x16xf32, #tpu.memory_space<vmem>> -> memref<128x16xf32, #tpu.memory_space<vmem>>
      %dma_wait3A_1391 = arith.constant 0 : i32
      %dma_wait3A_1392 = tpu.memref_slice %arg10[%add3A_1385, %dma_wait3A_1391] : memref<160x128xi32, #tpu.memory_space<vmem>> -> memref<1x128xi32, #tpu.memory_space<vmem>>
      %dma_wait3A_1393 = tpu.memref_squeeze %dma_wait3A_1392 : memref<1x128xi32, #tpu.memory_space<vmem>> -> memref<128xi32, #tpu.memory_space<vmem>>
      %dma_wait3A_1394 = arith.constant 0 : i32
      %dma_wait3A_1395 = arith.constant 0 : i32
      %dma_wait3A_1396 = tpu.memref_slice %arg16[%dma_wait3A_1394, %dma_wait3A_1395] : memref<10240x16xf32, #tpu.memory_space<vmem_shared>> -> memref<10240x16xf32, #tpu.memory_space<vmem_shared>>
      tpu.wait_indirect_dma semaphore(%arg34 : memref<!tpu.dma_semaphore, #tpu.memory_space<semaphore_mem>>) src(%dma_wait3A_1390 : memref<128x16xf32, #tpu.memory_space<vmem>>) dst(%dma_wait3A_1396 : memref<10240x16xf32, #tpu.memory_space<vmem_shared>>)
      %add3A_1397 = arith.constant 8 : i32
      %add3A_1398 = arith.addi %add3A_1385, %add3A_1397 : i32
      %lt3A_1399 = arith.constant 160 : i32
      %lt3A_1400 = arith.cmpi slt, %add3A_1398, %lt3A_1399 : i32
      %convert_element_type3A_1401 = arith.extui %lt3A_1400 : i1 to i32
      %cond3A_1402 = arith.constant 0 : i32
      %cond3A_1403 = arith.cmpi ne, %convert_element_type3A_1401, %cond3A_1402 : i32
      scf.if %cond3A_1403 {
        %dma_start3A_1404 = arith.constant 7 : i32
        %dma_start3A_1405 = arith.constant 0 : i32
        %dma_start3A_1406 = arith.constant 0 : i32
        %dma_start3A_1407 = tpu.memref_slice %arg11[%dma_start3A_1404, %dma_start3A_1405, %dma_start3A_1406] : memref<8x128x16xf32, #tpu.memory_space<vmem>> -> memref<1x128x16xf32, #tpu.memory_space<vmem>>
        %dma_start3A_1408 = tpu.memref_squeeze %dma_start3A_1407 : memref<1x128x16xf32, #tpu.memory_space<vmem>> -> memref<128x16xf32, #tpu.memory_space<vmem>>
        %dma_start3A_1409 = arith.constant 0 : i32
        %dma_start3A_1410 = tpu.memref_slice %arg9[%add3A_1398, %dma_start3A_1409] : memref<160x128xi32, #tpu.memory_space<vmem>> -> memref<1x128xi32, #tpu.memory_space<vmem>>
        %dma_start3A_1411 = tpu.memref_squeeze %dma_start3A_1410 : memref<1x128xi32, #tpu.memory_space<vmem>> -> memref<128xi32, #tpu.memory_space<vmem>>
        %dma_start3A_1412 = arith.constant 0 : i32
        %dma_start3A_1413 = arith.constant 0 : i32
        %dma_start3A_1414 = tpu.memref_slice %arg17[%dma_start3A_1412, %dma_start3A_1413] : memref<10240x16xf32, #tpu.memory_space<vmem_shared>> -> memref<10240x16xf32, #tpu.memory_space<vmem_shared>>
        tpu.enqueue_indirect_dma source(%dma_start3A_1414 : memref<10240x16xf32, #tpu.memory_space<vmem_shared>>) target(%dma_start3A_1408 : memref<128x16xf32, #tpu.memory_space<vmem>>) offsets(%dma_start3A_1411 : memref<128xi32, #tpu.memory_space<vmem>>) semaphore(%arg26 : memref<!tpu.dma_semaphore, #tpu.memory_space<semaphore_mem>>)
      } else {
      }
    }
    %scan3A_920 = arith.constant 20 : i32
    %barrier3A_921 = arith.constant 0 : index
    tpu.barrier barrier_id(%barrier3A_921)
    %add3A_922 = arith.constant 0 : i32
    %add3A_923 = arith.addi %mul3A_0, %add3A_922 : i32
    "tpu.region"() ({
      %run_scoped3A = tpu.sem_alloc : memref<!tpu.dma_semaphore, #tpu.memory_space<semaphore_mem>>
      %dma_start3A_1052 = arith.constant 0 : i32
      %dma_start3A_1053 = tpu.memref_slice %arg16[%add3A_923, %dma_start3A_1052] : memref<10240x16xf32, #tpu.memory_space<vmem_shared>> -> memref<320x16xf32, #tpu.memory_space<vmem_shared>>
      %dma_start3A_1054 = arith.constant 0 : i32
      %dma_start3A_1055 = tpu.memref_slice %arg16[%add3A_923, %dma_start3A_1054] : memref<10240x16xf32, #tpu.memory_space<vmem_shared>> -> memref<320x16xf32, #tpu.memory_space<vmem_shared>>
      tpu.enqueue_dma source(%dma_start3A_1055 : memref<320x16xf32, #tpu.memory_space<vmem_shared>>) target(%arg13 : memref<320x16xf32, #tpu.memory_space<vmem>>) target_semaphore(%run_scoped3A : memref<!tpu.dma_semaphore, #tpu.memory_space<semaphore_mem>>)
      %dma_wait3A_1056 = arith.constant 0 : i32
      %dma_wait3A_1057 = tpu.memref_slice %arg16[%add3A_923, %dma_wait3A_1056] : memref<10240x16xf32, #tpu.memory_space<vmem_shared>> -> memref<320x16xf32, #tpu.memory_space<vmem_shared>>
      %dma_wait3A_1058 = arith.constant 0 : i32
      %dma_wait3A_1059 = tpu.memref_slice %arg16[%add3A_923, %dma_wait3A_1058] : memref<10240x16xf32, #tpu.memory_space<vmem_shared>> -> memref<320x16xf32, #tpu.memory_space<vmem_shared>>
      tpu.wait_dma2 semaphore(%run_scoped3A : memref<!tpu.dma_semaphore, #tpu.memory_space<semaphore_mem>>) src(%dma_wait3A_1059 : memref<320x16xf32, #tpu.memory_space<vmem_shared>>) dst(%arg13 : memref<320x16xf32, #tpu.memory_space<vmem>>)
      tpu.yield
    }) : () -> ()
    "tpu.region"() ({
      %run_scoped3A = tpu.sem_alloc : memref<!tpu.dma_semaphore, #tpu.memory_space<semaphore_mem>>
      %dma_start3A_1052 = arith.constant 0 : i32
      %dma_start3A_1053 = tpu.memref_slice %arg3[%add3A_923, %dma_start3A_1052] : memref<10240x16xf32, #tpu.memory_space<hbm>> -> memref<320x16xf32, #tpu.memory_space<hbm>>
      %dma_start3A_1054 = arith.constant 0 : i32
      %dma_start3A_1055 = tpu.memref_slice %arg3[%add3A_923, %dma_start3A_1054] : memref<10240x16xf32, #tpu.memory_space<hbm>> -> memref<320x16xf32, #tpu.memory_space<hbm>>
      tpu.enqueue_dma source(%dma_start3A_1055 : memref<320x16xf32, #tpu.memory_space<hbm>>) target(%arg14 : memref<320x16xf32, #tpu.memory_space<vmem>>) target_semaphore(%run_scoped3A : memref<!tpu.dma_semaphore, #tpu.memory_space<semaphore_mem>>)
      %dma_wait3A_1056 = arith.constant 0 : i32
      %dma_wait3A_1057 = tpu.memref_slice %arg3[%add3A_923, %dma_wait3A_1056] : memref<10240x16xf32, #tpu.memory_space<hbm>> -> memref<320x16xf32, #tpu.memory_space<hbm>>
      %dma_wait3A_1058 = arith.constant 0 : i32
      %dma_wait3A_1059 = tpu.memref_slice %arg3[%add3A_923, %dma_wait3A_1058] : memref<10240x16xf32, #tpu.memory_space<hbm>> -> memref<320x16xf32, #tpu.memory_space<hbm>>
      tpu.wait_dma2 semaphore(%run_scoped3A : memref<!tpu.dma_semaphore, #tpu.memory_space<semaphore_mem>>) src(%dma_wait3A_1059 : memref<320x16xf32, #tpu.memory_space<hbm>>) dst(%arg14 : memref<320x16xf32, #tpu.memory_space<vmem>>)
      tpu.yield
    }) : () -> ()
    "tpu.region"() ({
      %run_scoped3A = tpu.sem_alloc : memref<!tpu.dma_semaphore, #tpu.memory_space<semaphore_mem>>
      %dma_start3A_1052 = arith.constant 0 : i32
      %dma_start3A_1053 = tpu.memref_slice %arg4[%add3A_923, %dma_start3A_1052] : memref<10240x16xf32, #tpu.memory_space<hbm>> -> memref<320x16xf32, #tpu.memory_space<hbm>>
      %dma_start3A_1054 = arith.constant 0 : i32
      %dma_start3A_1055 = tpu.memref_slice %arg4[%add3A_923, %dma_start3A_1054] : memref<10240x16xf32, #tpu.memory_space<hbm>> -> memref<320x16xf32, #tpu.memory_space<hbm>>
      tpu.enqueue_dma source(%dma_start3A_1055 : memref<320x16xf32, #tpu.memory_space<hbm>>) target(%arg15 : memref<320x16xf32, #tpu.memory_space<vmem>>) target_semaphore(%run_scoped3A : memref<!tpu.dma_semaphore, #tpu.memory_space<semaphore_mem>>)
      %dma_wait3A_1056 = arith.constant 0 : i32
      %dma_wait3A_1057 = tpu.memref_slice %arg4[%add3A_923, %dma_wait3A_1056] : memref<10240x16xf32, #tpu.memory_space<hbm>> -> memref<320x16xf32, #tpu.memory_space<hbm>>
      %dma_wait3A_1058 = arith.constant 0 : i32
      %dma_wait3A_1059 = tpu.memref_slice %arg4[%add3A_923, %dma_wait3A_1058] : memref<10240x16xf32, #tpu.memory_space<hbm>> -> memref<320x16xf32, #tpu.memory_space<hbm>>
      tpu.wait_dma2 semaphore(%run_scoped3A : memref<!tpu.dma_semaphore, #tpu.memory_space<semaphore_mem>>) src(%dma_wait3A_1059 : memref<320x16xf32, #tpu.memory_space<hbm>>) dst(%arg15 : memref<320x16xf32, #tpu.memory_space<vmem>>)
      tpu.yield
    }) : () -> ()
    %scan3A_924 = arith.constant 0 : i32
    %scan3A_925 = arith.constant 0 : i32
    %scan3A_926 = arith.constant 40 : i32
    %scan3A_927 = arith.addi %scan3A_925, %scan3A_926 : i32
    %scan3A_928 = arith.constant 1 : i32
    scf.for %scan3A_1052 = %scan3A_925 to %scan3A_927 step %scan3A_928  : i32 {
      %mul3A_1053 = arith.constant 8 : i32
      %mul3A_1054 = arith.muli %scan3A_1052, %mul3A_1053 : i32
      %add3A_1055 = arith.constant 0 : i32
      %add3A_1056 = arith.addi %mul3A_1054, %add3A_1055 : i32
      %get3A = arith.index_cast %add3A_1056 : i32 to index
      %get3A_1057 = arith.constant 0 : index
      %get3A_1058 = tpu.vector_load %arg13[%get3A, %get3A_1057] {strides = array<i32>} : memref<320x16xf32, #tpu.memory_space<vmem>>, vector<1x16xf32>,
      %get3A_1059 = vector.shape_cast %get3A_1058 : vector<1x16xf32> to vector<16xf32>
      %get3A_1060 = arith.index_cast %add3A_1056 : i32 to index
      %get3A_1061 = arith.constant 0 : index
      %get3A_1062 = tpu.vector_load %arg14[%get3A_1060, %get3A_1061] {strides = array<i32>} : memref<320x16xf32, #tpu.memory_space<vmem>>, vector<1x16xf32>,
      %get3A_1063 = vector.shape_cast %get3A_1062 : vector<1x16xf32> to vector<16xf32>
      %add3A_1064 = arith.addf %get3A_1059, %get3A_1063 : vector<16xf32>
      %max3A = arith.constant 0.000000e+00 : f32
      %max3A_1065 = vector.broadcast %max3A : f32 to vector<16xf32>
      %max3A_1066 = arith.maximumf %add3A_1064, %max3A_1065 : vector<16xf32>
      %swap3A_1067 = arith.index_cast %add3A_1056 : i32 to index
      %swap3A_1068 = arith.constant 0 : index
      %swap3A_1069 = tpu.vector_load %arg14[%swap3A_1067, %swap3A_1068] {strides = array<i32>} : memref<320x16xf32, #tpu.memory_space<vmem>>, vector<1x16xf32>,
      %swap3A_1070 = vector.shape_cast %swap3A_1069 : vector<1x16xf32> to vector<16xf32>
      %swap3A_1071 = vector.shape_cast %max3A_1066 : vector<16xf32> to vector<1x16xf32>
      tpu.vector_store %arg14[%swap3A_1067, %swap3A_1068], %swap3A_1071 {strides = array<i32>} : memref<320x16xf32, #tpu.memory_space<vmem>>, vector<1x16xf32>,
      %get3A_1072 = arith.index_cast %add3A_1056 : i32 to index
      %get3A_1073 = arith.constant 0 : index
      %get3A_1074 = tpu.vector_load %arg15[%get3A_1072, %get3A_1073] {strides = array<i32>} : memref<320x16xf32, #tpu.memory_space<vmem>>, vector<1x16xf32>,
      %get3A_1075 = vector.shape_cast %get3A_1074 : vector<1x16xf32> to vector<16xf32>
      %mul3A_1076 = arith.mulf %max3A_1066, %get3A_1075 : vector<16xf32>
      %swap3A_1077 = arith.index_cast %add3A_1056 : i32 to index
      %swap3A_1078 = arith.constant 0 : index
      %swap3A_1079 = tpu.vector_load %arg15[%swap3A_1077, %swap3A_1078] {strides = array<i32>} : memref<320x16xf32, #tpu.memory_space<vmem>>, vector<1x16xf32>,
      %swap3A_1080 = vector.shape_cast %swap3A_1079 : vector<1x16xf32> to vector<16xf32>
      %swap3A_1081 = vector.shape_cast %mul3A_1076 : vector<16xf32> to vector<1x16xf32>
      tpu.vector_store %arg15[%swap3A_1077, %swap3A_1078], %swap3A_1081 {strides = array<i32>} : memref<320x16xf32, #tpu.memory_space<vmem>>, vector<1x16xf32>,
      %mul3A_1082 = arith.constant 8 : i32
      %mul3A_1083 = arith.muli %scan3A_1052, %mul3A_1082 : i32
      %add3A_1084 = arith.constant 1 : i32
      %add3A_1085 = arith.addi %mul3A_1083, %add3A_1084 : i32
      %get3A_1086 = arith.index_cast %add3A_1085 : i32 to index
      %get3A_1087 = arith.constant 0 : index
      %get3A_1088 = tpu.vector_load %arg13[%get3A_1086, %get3A_1087] {strides = array<i32>} : memref<320x16xf32, #tpu.memory_space<vmem>>, vector<1x16xf32>,
      %get3A_1089 = vector.shape_cast %get3A_1088 : vector<1x16xf32> to vector<16xf32>
      %get3A_1090 = arith.index_cast %add3A_1085 : i32 to index
      %get3A_1091 = arith.constant 0 : index
      %get3A_1092 = tpu.vector_load %arg14[%get3A_1090, %get3A_1091] {strides = array<i32>} : memref<320x16xf32, #tpu.memory_space<vmem>>, vector<1x16xf32>,
      %get3A_1093 = vector.shape_cast %get3A_1092 : vector<1x16xf32> to vector<16xf32>
      %add3A_1094 = arith.addf %get3A_1089, %get3A_1093 : vector<16xf32>
      %max3A_1095 = arith.constant 0.000000e+00 : f32
      %max3A_1096 = vector.broadcast %max3A_1095 : f32 to vector<16xf32>
      %max3A_1097 = arith.maximumf %add3A_1094, %max3A_1096 : vector<16xf32>
      %swap3A_1098 = arith.index_cast %add3A_1085 : i32 to index
      %swap3A_1099 = arith.constant 0 : index
      %swap3A_1100 = tpu.vector_load %arg14[%swap3A_1098, %swap3A_1099] {strides = array<i32>} : memref<320x16xf32, #tpu.memory_space<vmem>>, vector<1x16xf32>,
      %swap3A_1101 = vector.shape_cast %swap3A_1100 : vector<1x16xf32> to vector<16xf32>
      %swap3A_1102 = vector.shape_cast %max3A_1097 : vector<16xf32> to vector<1x16xf32>
      tpu.vector_store %arg14[%swap3A_1098, %swap3A_1099], %swap3A_1102 {strides = array<i32>} : memref<320x16xf32, #tpu.memory_space<vmem>>, vector<1x16xf32>,
      %get3A_1103 = arith.index_cast %add3A_1085 : i32 to index
      %get3A_1104 = arith.constant 0 : index
      %get3A_1105 = tpu.vector_load %arg15[%get3A_1103, %get3A_1104] {strides = array<i32>} : memref<320x16xf32, #tpu.memory_space<vmem>>, vector<1x16xf32>,
      %get3A_1106 = vector.shape_cast %get3A_1105 : vector<1x16xf32> to vector<16xf32>
      %mul3A_1107 = arith.mulf %max3A_1097, %get3A_1106 : vector<16xf32>
      %swap3A_1108 = arith.index_cast %add3A_1085 : i32 to index
      %swap3A_1109 = arith.constant 0 : index
      %swap3A_1110 = tpu.vector_load %arg15[%swap3A_1108, %swap3A_1109] {strides = array<i32>} : memref<320x16xf32, #tpu.memory_space<vmem>>, vector<1x16xf32>,
      %swap3A_1111 = vector.shape_cast %swap3A_1110 : vector<1x16xf32> to vector<16xf32>
      %swap3A_1112 = vector.shape_cast %mul3A_1107 : vector<16xf32> to vector<1x16xf32>
      tpu.vector_store %arg15[%swap3A_1108, %swap3A_1109], %swap3A_1112 {strides = array<i32>} : memref<320x16xf32, #tpu.memory_space<vmem>>, vector<1x16xf32>,
      %mul3A_1113 = arith.constant 8 : i32
      %mul3A_1114 = arith.muli %scan3A_1052, %mul3A_1113 : i32
      %add3A_1115 = arith.constant 2 : i32
      %add3A_1116 = arith.addi %mul3A_1114, %add3A_1115 : i32
      %get3A_1117 = arith.index_cast %add3A_1116 : i32 to index
      %get3A_1118 = arith.constant 0 : index
      %get3A_1119 = tpu.vector_load %arg13[%get3A_1117, %get3A_1118] {strides = array<i32>} : memref<320x16xf32, #tpu.memory_space<vmem>>, vector<1x16xf32>,
      %get3A_1120 = vector.shape_cast %get3A_1119 : vector<1x16xf32> to vector<16xf32>
      %get3A_1121 = arith.index_cast %add3A_1116 : i32 to index
      %get3A_1122 = arith.constant 0 : index
      %get3A_1123 = tpu.vector_load %arg14[%get3A_1121, %get3A_1122] {strides = array<i32>} : memref<320x16xf32, #tpu.memory_space<vmem>>, vector<1x16xf32>,
      %get3A_1124 = vector.shape_cast %get3A_1123 : vector<1x16xf32> to vector<16xf32>
      %add3A_1125 = arith.addf %get3A_1120, %get3A_1124 : vector<16xf32>
      %max3A_1126 = arith.constant 0.000000e+00 : f32
      %max3A_1127 = vector.broadcast %max3A_1126 : f32 to vector<16xf32>
      %max3A_1128 = arith.maximumf %add3A_1125, %max3A_1127 : vector<16xf32>
      %swap3A_1129 = arith.index_cast %add3A_1116 : i32 to index
      %swap3A_1130 = arith.constant 0 : index
      %swap3A_1131 = tpu.vector_load %arg14[%swap3A_1129, %swap3A_1130] {strides = array<i32>} : memref<320x16xf32, #tpu.memory_space<vmem>>, vector<1x16xf32>,
      %swap3A_1132 = vector.shape_cast %swap3A_1131 : vector<1x16xf32> to vector<16xf32>
      %swap3A_1133 = vector.shape_cast %max3A_1128 : vector<16xf32> to vector<1x16xf32>
      tpu.vector_store %arg14[%swap3A_1129, %swap3A_1130], %swap3A_1133 {strides = array<i32>} : memref<320x16xf32, #tpu.memory_space<vmem>>, vector<1x16xf32>,
      %get3A_1134 = arith.index_cast %add3A_1116 : i32 to index
      %get3A_1135 = arith.constant 0 : index
      %get3A_1136 = tpu.vector_load %arg15[%get3A_1134, %get3A_1135] {strides = array<i32>} : memref<320x16xf32, #tpu.memory_space<vmem>>, vector<1x16xf32>,
      %get3A_1137 = vector.shape_cast %get3A_1136 : vector<1x16xf32> to vector<16xf32>
      %mul3A_1138 = arith.mulf %max3A_1128, %get3A_1137 : vector<16xf32>
      %swap3A_1139 = arith.index_cast %add3A_1116 : i32 to index
      %swap3A_1140 = arith.constant 0 : index
      %swap3A_1141 = tpu.vector_load %arg15[%swap3A_1139, %swap3A_1140] {strides = array<i32>} : memref<320x16xf32, #tpu.memory_space<vmem>>, vector<1x16xf32>,
      %swap3A_1142 = vector.shape_cast %swap3A_1141 : vector<1x16xf32> to vector<16xf32>
      %swap3A_1143 = vector.shape_cast %mul3A_1138 : vector<16xf32> to vector<1x16xf32>
      tpu.vector_store %arg15[%swap3A_1139, %swap3A_1140], %swap3A_1143 {strides = array<i32>} : memref<320x16xf32, #tpu.memory_space<vmem>>, vector<1x16xf32>,
      %mul3A_1144 = arith.constant 8 : i32
      %mul3A_1145 = arith.muli %scan3A_1052, %mul3A_1144 : i32
      %add3A_1146 = arith.constant 3 : i32
      %add3A_1147 = arith.addi %mul3A_1145, %add3A_1146 : i32
      %get3A_1148 = arith.index_cast %add3A_1147 : i32 to index
      %get3A_1149 = arith.constant 0 : index
      %get3A_1150 = tpu.vector_load %arg13[%get3A_1148, %get3A_1149] {strides = array<i32>} : memref<320x16xf32, #tpu.memory_space<vmem>>, vector<1x16xf32>,
      %get3A_1151 = vector.shape_cast %get3A_1150 : vector<1x16xf32> to vector<16xf32>
      %get3A_1152 = arith.index_cast %add3A_1147 : i32 to index
      %get3A_1153 = arith.constant 0 : index
      %get3A_1154 = tpu.vector_load %arg14[%get3A_1152, %get3A_1153] {strides = array<i32>} : memref<320x16xf32, #tpu.memory_space<vmem>>, vector<1x16xf32>,
      %get3A_1155 = vector.shape_cast %get3A_1154 : vector<1x16xf32> to vector<16xf32>
      %add3A_1156 = arith.addf %get3A_1151, %get3A_1155 : vector<16xf32>
      %max3A_1157 = arith.constant 0.000000e+00 : f32
      %max3A_1158 = vector.broadcast %max3A_1157 : f32 to vector<16xf32>
      %max3A_1159 = arith.maximumf %add3A_1156, %max3A_1158 : vector<16xf32>
      %swap3A_1160 = arith.index_cast %add3A_1147 : i32 to index
      %swap3A_1161 = arith.constant 0 : index
      %swap3A_1162 = tpu.vector_load %arg14[%swap3A_1160, %swap3A_1161] {strides = array<i32>} : memref<320x16xf32, #tpu.memory_space<vmem>>, vector<1x16xf32>,
      %swap3A_1163 = vector.shape_cast %swap3A_1162 : vector<1x16xf32> to vector<16xf32>
      %swap3A_1164 = vector.shape_cast %max3A_1159 : vector<16xf32> to vector<1x16xf32>
      tpu.vector_store %arg14[%swap3A_1160, %swap3A_1161], %swap3A_1164 {strides = array<i32>} : memref<320x16xf32, #tpu.memory_space<vmem>>, vector<1x16xf32>,
      %get3A_1165 = arith.index_cast %add3A_1147 : i32 to index
      %get3A_1166 = arith.constant 0 : index
      %get3A_1167 = tpu.vector_load %arg15[%get3A_1165, %get3A_1166] {strides = array<i32>} : memref<320x16xf32, #tpu.memory_space<vmem>>, vector<1x16xf32>,
      %get3A_1168 = vector.shape_cast %get3A_1167 : vector<1x16xf32> to vector<16xf32>
      %mul3A_1169 = arith.mulf %max3A_1159, %get3A_1168 : vector<16xf32>
      %swap3A_1170 = arith.index_cast %add3A_1147 : i32 to index
      %swap3A_1171 = arith.constant 0 : index
      %swap3A_1172 = tpu.vector_load %arg15[%swap3A_1170, %swap3A_1171] {strides = array<i32>} : memref<320x16xf32, #tpu.memory_space<vmem>>, vector<1x16xf32>,
      %swap3A_1173 = vector.shape_cast %swap3A_1172 : vector<1x16xf32> to vector<16xf32>
      %swap3A_1174 = vector.shape_cast %mul3A_1169 : vector<16xf32> to vector<1x16xf32>
      tpu.vector_store %arg15[%swap3A_1170, %swap3A_1171], %swap3A_1174 {strides = array<i32>} : memref<320x16xf32, #tpu.memory_space<vmem>>, vector<1x16xf32>,
      %mul3A_1175 = arith.constant 8 : i32
      %mul3A_1176 = arith.muli %scan3A_1052, %mul3A_1175 : i32
      %add3A_1177 = arith.constant 4 : i32
      %add3A_1178 = arith.addi %mul3A_1176, %add3A_1177 : i32
      %get3A_1179 = arith.index_cast %add3A_1178 : i32 to index
      %get3A_1180 = arith.constant 0 : index
      %get3A_1181 = tpu.vector_load %arg13[%get3A_1179, %get3A_1180] {strides = array<i32>} : memref<320x16xf32, #tpu.memory_space<vmem>>, vector<1x16xf32>,
      %get3A_1182 = vector.shape_cast %get3A_1181 : vector<1x16xf32> to vector<16xf32>
      %get3A_1183 = arith.index_cast %add3A_1178 : i32 to index
      %get3A_1184 = arith.constant 0 : index
      %get3A_1185 = tpu.vector_load %arg14[%get3A_1183, %get3A_1184] {strides = array<i32>} : memref<320x16xf32, #tpu.memory_space<vmem>>, vector<1x16xf32>,
      %get3A_1186 = vector.shape_cast %get3A_1185 : vector<1x16xf32> to vector<16xf32>
      %add3A_1187 = arith.addf %get3A_1182, %get3A_1186 : vector<16xf32>
      %max3A_1188 = arith.constant 0.000000e+00 : f32
      %max3A_1189 = vector.broadcast %max3A_1188 : f32 to vector<16xf32>
      %max3A_1190 = arith.maximumf %add3A_1187, %max3A_1189 : vector<16xf32>
      %swap3A_1191 = arith.index_cast %add3A_1178 : i32 to index
      %swap3A_1192 = arith.constant 0 : index
      %swap3A_1193 = tpu.vector_load %arg14[%swap3A_1191, %swap3A_1192] {strides = array<i32>} : memref<320x16xf32, #tpu.memory_space<vmem>>, vector<1x16xf32>,
      %swap3A_1194 = vector.shape_cast %swap3A_1193 : vector<1x16xf32> to vector<16xf32>
      %swap3A_1195 = vector.shape_cast %max3A_1190 : vector<16xf32> to vector<1x16xf32>
      tpu.vector_store %arg14[%swap3A_1191, %swap3A_1192], %swap3A_1195 {strides = array<i32>} : memref<320x16xf32, #tpu.memory_space<vmem>>, vector<1x16xf32>,
      %get3A_1196 = arith.index_cast %add3A_1178 : i32 to index
      %get3A_1197 = arith.constant 0 : index
      %get3A_1198 = tpu.vector_load %arg15[%get3A_1196, %get3A_1197] {strides = array<i32>} : memref<320x16xf32, #tpu.memory_space<vmem>>, vector<1x16xf32>,
      %get3A_1199 = vector.shape_cast %get3A_1198 : vector<1x16xf32> to vector<16xf32>
      %mul3A_1200 = arith.mulf %max3A_1190, %get3A_1199 : vector<16xf32>
      %swap3A_1201 = arith.index_cast %add3A_1178 : i32 to index
      %swap3A_1202 = arith.constant 0 : index
      %swap3A_1203 = tpu.vector_load %arg15[%swap3A_1201, %swap3A_1202] {strides = array<i32>} : memref<320x16xf32, #tpu.memory_space<vmem>>, vector<1x16xf32>,
      %swap3A_1204 = vector.shape_cast %swap3A_1203 : vector<1x16xf32> to vector<16xf32>
      %swap3A_1205 = vector.shape_cast %mul3A_1200 : vector<16xf32> to vector<1x16xf32>
      tpu.vector_store %arg15[%swap3A_1201, %swap3A_1202], %swap3A_1205 {strides = array<i32>} : memref<320x16xf32, #tpu.memory_space<vmem>>, vector<1x16xf32>,
      %mul3A_1206 = arith.constant 8 : i32
      %mul3A_1207 = arith.muli %scan3A_1052, %mul3A_1206 : i32
      %add3A_1208 = arith.constant 5 : i32
      %add3A_1209 = arith.addi %mul3A_1207, %add3A_1208 : i32
      %get3A_1210 = arith.index_cast %add3A_1209 : i32 to index
      %get3A_1211 = arith.constant 0 : index
      %get3A_1212 = tpu.vector_load %arg13[%get3A_1210, %get3A_1211] {strides = array<i32>} : memref<320x16xf32, #tpu.memory_space<vmem>>, vector<1x16xf32>,
      %get3A_1213 = vector.shape_cast %get3A_1212 : vector<1x16xf32> to vector<16xf32>
      %get3A_1214 = arith.index_cast %add3A_1209 : i32 to index
      %get3A_1215 = arith.constant 0 : index
      %get3A_1216 = tpu.vector_load %arg14[%get3A_1214, %get3A_1215] {strides = array<i32>} : memref<320x16xf32, #tpu.memory_space<vmem>>, vector<1x16xf32>,
      %get3A_1217 = vector.shape_cast %get3A_1216 : vector<1x16xf32> to vector<16xf32>
      %add3A_1218 = arith.addf %get3A_1213, %get3A_1217 : vector<16xf32>
      %max3A_1219 = arith.constant 0.000000e+00 : f32
      %max3A_1220 = vector.broadcast %max3A_1219 : f32 to vector<16xf32>
      %max3A_1221 = arith.maximumf %add3A_1218, %max3A_1220 : vector<16xf32>
      %swap3A_1222 = arith.index_cast %add3A_1209 : i32 to index
      %swap3A_1223 = arith.constant 0 : index
      %swap3A_1224 = tpu.vector_load %arg14[%swap3A_1222, %swap3A_1223] {strides = array<i32>} : memref<320x16xf32, #tpu.memory_space<vmem>>, vector<1x16xf32>,
      %swap3A_1225 = vector.shape_cast %swap3A_1224 : vector<1x16xf32> to vector<16xf32>
      %swap3A_1226 = vector.shape_cast %max3A_1221 : vector<16xf32> to vector<1x16xf32>
      tpu.vector_store %arg14[%swap3A_1222, %swap3A_1223], %swap3A_1226 {strides = array<i32>} : memref<320x16xf32, #tpu.memory_space<vmem>>, vector<1x16xf32>,
      %get3A_1227 = arith.index_cast %add3A_1209 : i32 to index
      %get3A_1228 = arith.constant 0 : index
      %get3A_1229 = tpu.vector_load %arg15[%get3A_1227, %get3A_1228] {strides = array<i32>} : memref<320x16xf32, #tpu.memory_space<vmem>>, vector<1x16xf32>,
      %get3A_1230 = vector.shape_cast %get3A_1229 : vector<1x16xf32> to vector<16xf32>
      %mul3A_1231 = arith.mulf %max3A_1221, %get3A_1230 : vector<16xf32>
      %swap3A_1232 = arith.index_cast %add3A_1209 : i32 to index
      %swap3A_1233 = arith.constant 0 : index
      %swap3A_1234 = tpu.vector_load %arg15[%swap3A_1232, %swap3A_1233] {strides = array<i32>} : memref<320x16xf32, #tpu.memory_space<vmem>>, vector<1x16xf32>,
      %swap3A_1235 = vector.shape_cast %swap3A_1234 : vector<1x16xf32> to vector<16xf32>
      %swap3A_1236 = vector.shape_cast %mul3A_1231 : vector<16xf32> to vector<1x16xf32>
      tpu.vector_store %arg15[%swap3A_1232, %swap3A_1233], %swap3A_1236 {strides = array<i32>} : memref<320x16xf32, #tpu.memory_space<vmem>>, vector<1x16xf32>,
      %mul3A_1237 = arith.constant 8 : i32
      %mul3A_1238 = arith.muli %scan3A_1052, %mul3A_1237 : i32
      %add3A_1239 = arith.constant 6 : i32
      %add3A_1240 = arith.addi %mul3A_1238, %add3A_1239 : i32
      %get3A_1241 = arith.index_cast %add3A_1240 : i32 to index
      %get3A_1242 = arith.constant 0 : index
      %get3A_1243 = tpu.vector_load %arg13[%get3A_1241, %get3A_1242] {strides = array<i32>} : memref<320x16xf32, #tpu.memory_space<vmem>>, vector<1x16xf32>,
      %get3A_1244 = vector.shape_cast %get3A_1243 : vector<1x16xf32> to vector<16xf32>
      %get3A_1245 = arith.index_cast %add3A_1240 : i32 to index
      %get3A_1246 = arith.constant 0 : index
      %get3A_1247 = tpu.vector_load %arg14[%get3A_1245, %get3A_1246] {strides = array<i32>} : memref<320x16xf32, #tpu.memory_space<vmem>>, vector<1x16xf32>,
      %get3A_1248 = vector.shape_cast %get3A_1247 : vector<1x16xf32> to vector<16xf32>
      %add3A_1249 = arith.addf %get3A_1244, %get3A_1248 : vector<16xf32>
      %max3A_1250 = arith.constant 0.000000e+00 : f32
      %max3A_1251 = vector.broadcast %max3A_1250 : f32 to vector<16xf32>
      %max3A_1252 = arith.maximumf %add3A_1249, %max3A_1251 : vector<16xf32>
      %swap3A_1253 = arith.index_cast %add3A_1240 : i32 to index
      %swap3A_1254 = arith.constant 0 : index
      %swap3A_1255 = tpu.vector_load %arg14[%swap3A_1253, %swap3A_1254] {strides = array<i32>} : memref<320x16xf32, #tpu.memory_space<vmem>>, vector<1x16xf32>,
      %swap3A_1256 = vector.shape_cast %swap3A_1255 : vector<1x16xf32> to vector<16xf32>
      %swap3A_1257 = vector.shape_cast %max3A_1252 : vector<16xf32> to vector<1x16xf32>
      tpu.vector_store %arg14[%swap3A_1253, %swap3A_1254], %swap3A_1257 {strides = array<i32>} : memref<320x16xf32, #tpu.memory_space<vmem>>, vector<1x16xf32>,
      %get3A_1258 = arith.index_cast %add3A_1240 : i32 to index
      %get3A_1259 = arith.constant 0 : index
      %get3A_1260 = tpu.vector_load %arg15[%get3A_1258, %get3A_1259] {strides = array<i32>} : memref<320x16xf32, #tpu.memory_space<vmem>>, vector<1x16xf32>,
      %get3A_1261 = vector.shape_cast %get3A_1260 : vector<1x16xf32> to vector<16xf32>
      %mul3A_1262 = arith.mulf %max3A_1252, %get3A_1261 : vector<16xf32>
      %swap3A_1263 = arith.index_cast %add3A_1240 : i32 to index
      %swap3A_1264 = arith.constant 0 : index
      %swap3A_1265 = tpu.vector_load %arg15[%swap3A_1263, %swap3A_1264] {strides = array<i32>} : memref<320x16xf32, #tpu.memory_space<vmem>>, vector<1x16xf32>,
      %swap3A_1266 = vector.shape_cast %swap3A_1265 : vector<1x16xf32> to vector<16xf32>
      %swap3A_1267 = vector.shape_cast %mul3A_1262 : vector<16xf32> to vector<1x16xf32>
      tpu.vector_store %arg15[%swap3A_1263, %swap3A_1264], %swap3A_1267 {strides = array<i32>} : memref<320x16xf32, #tpu.memory_space<vmem>>, vector<1x16xf32>,
      %mul3A_1268 = arith.constant 8 : i32
      %mul3A_1269 = arith.muli %scan3A_1052, %mul3A_1268 : i32
      %add3A_1270 = arith.constant 7 : i32
      %add3A_1271 = arith.addi %mul3A_1269, %add3A_1270 : i32
      %get3A_1272 = arith.index_cast %add3A_1271 : i32 to index
      %get3A_1273 = arith.constant 0 : index
      %get3A_1274 = tpu.vector_load %arg13[%get3A_1272, %get3A_1273] {strides = array<i32>} : memref<320x16xf32, #tpu.memory_space<vmem>>, vector<1x16xf32>,
      %get3A_1275 = vector.shape_cast %get3A_1274 : vector<1x16xf32> to vector<16xf32>
      %get3A_1276 = arith.index_cast %add3A_1271 : i32 to index
      %get3A_1277 = arith.constant 0 : index
      %get3A_1278 = tpu.vector_load %arg14[%get3A_1276, %get3A_1277] {strides = array<i32>} : memref<320x16xf32, #tpu.memory_space<vmem>>, vector<1x16xf32>,
      %get3A_1279 = vector.shape_cast %get3A_1278 : vector<1x16xf32> to vector<16xf32>
      %add3A_1280 = arith.addf %get3A_1275, %get3A_1279 : vector<16xf32>
      %max3A_1281 = arith.constant 0.000000e+00 : f32
      %max3A_1282 = vector.broadcast %max3A_1281 : f32 to vector<16xf32>
      %max3A_1283 = arith.maximumf %add3A_1280, %max3A_1282 : vector<16xf32>
      %swap3A_1284 = arith.index_cast %add3A_1271 : i32 to index
      %swap3A_1285 = arith.constant 0 : index
      %swap3A_1286 = tpu.vector_load %arg14[%swap3A_1284, %swap3A_1285] {strides = array<i32>} : memref<320x16xf32, #tpu.memory_space<vmem>>, vector<1x16xf32>,
      %swap3A_1287 = vector.shape_cast %swap3A_1286 : vector<1x16xf32> to vector<16xf32>
      %swap3A_1288 = vector.shape_cast %max3A_1283 : vector<16xf32> to vector<1x16xf32>
      tpu.vector_store %arg14[%swap3A_1284, %swap3A_1285], %swap3A_1288 {strides = array<i32>} : memref<320x16xf32, #tpu.memory_space<vmem>>, vector<1x16xf32>,
      %get3A_1289 = arith.index_cast %add3A_1271 : i32 to index
      %get3A_1290 = arith.constant 0 : index
      %get3A_1291 = tpu.vector_load %arg15[%get3A_1289, %get3A_1290] {strides = array<i32>} : memref<320x16xf32, #tpu.memory_space<vmem>>, vector<1x16xf32>,
      %get3A_1292 = vector.shape_cast %get3A_1291 : vector<1x16xf32> to vector<16xf32>
      %mul3A_1293 = arith.mulf %max3A_1283, %get3A_1292 : vector<16xf32>
      %swap3A_1294 = arith.index_cast %add3A_1271 : i32 to index
      %swap3A_1295 = arith.constant 0 : index
      %swap3A_1296 = tpu.vector_load %arg15[%swap3A_1294, %swap3A_1295] {strides = array<i32>} : memref<320x16xf32, #tpu.memory_space<vmem>>, vector<1x16xf32>,
      %swap3A_1297 = vector.shape_cast %swap3A_1296 : vector<1x16xf32> to vector<16xf32>
      %swap3A_1298 = vector.shape_cast %mul3A_1293 : vector<16xf32> to vector<1x16xf32>
      tpu.vector_store %arg15[%swap3A_1294, %swap3A_1295], %swap3A_1298 {strides = array<i32>} : memref<320x16xf32, #tpu.memory_space<vmem>>, vector<1x16xf32>,
    }
    %scan3A_929 = arith.constant 40 : i32
    "tpu.region"() ({
      %run_scoped3A = tpu.sem_alloc : memref<!tpu.dma_semaphore, #tpu.memory_space<semaphore_mem>>
      %dma_start3A_1052 = arith.constant 0 : i32
      %dma_start3A_1053 = tpu.memref_slice %arg7[%add3A_923, %dma_start3A_1052] : memref<10240x16xf32, #tpu.memory_space<hbm>> -> memref<320x16xf32, #tpu.memory_space<hbm>>
      %dma_start3A_1054 = arith.constant 0 : i32
      %dma_start3A_1055 = tpu.memref_slice %arg7[%add3A_923, %dma_start3A_1054] : memref<10240x16xf32, #tpu.memory_space<hbm>> -> memref<320x16xf32, #tpu.memory_space<hbm>>
      tpu.enqueue_dma source(%arg14 : memref<320x16xf32, #tpu.memory_space<vmem>>) target(%dma_start3A_1055 : memref<320x16xf32, #tpu.memory_space<hbm>>) target_semaphore(%run_scoped3A : memref<!tpu.dma_semaphore, #tpu.memory_space<semaphore_mem>>)
      %dma_wait3A_1056 = arith.constant 0 : i32
      %dma_wait3A_1057 = tpu.memref_slice %arg7[%add3A_923, %dma_wait3A_1056] : memref<10240x16xf32, #tpu.memory_space<hbm>> -> memref<320x16xf32, #tpu.memory_space<hbm>>
      %dma_wait3A_1058 = arith.constant 0 : i32
      %dma_wait3A_1059 = tpu.memref_slice %arg7[%add3A_923, %dma_wait3A_1058] : memref<10240x16xf32, #tpu.memory_space<hbm>> -> memref<320x16xf32, #tpu.memory_space<hbm>>
      tpu.wait_dma2 semaphore(%run_scoped3A : memref<!tpu.dma_semaphore, #tpu.memory_space<semaphore_mem>>) src(%arg14 : memref<320x16xf32, #tpu.memory_space<vmem>>) dst(%dma_wait3A_1059 : memref<320x16xf32, #tpu.memory_space<hbm>>)
      tpu.yield
    }) : () -> ()
    "tpu.region"() ({
      %run_scoped3A = tpu.sem_alloc : memref<!tpu.dma_semaphore, #tpu.memory_space<semaphore_mem>>
      %dma_start3A_1052 = arith.constant 0 : i32
      %dma_start3A_1053 = tpu.memref_slice %arg18[%add3A_923, %dma_start3A_1052] : memref<10240x16xf32, #tpu.memory_space<vmem_shared>> -> memref<320x16xf32, #tpu.memory_space<vmem_shared>>
      %dma_start3A_1054 = arith.constant 0 : i32
      %dma_start3A_1055 = tpu.memref_slice %arg18[%add3A_923, %dma_start3A_1054] : memref<10240x16xf32, #tpu.memory_space<vmem_shared>> -> memref<320x16xf32, #tpu.memory_space<vmem_shared>>
      tpu.enqueue_dma source(%arg15 : memref<320x16xf32, #tpu.memory_space<vmem>>) target(%dma_start3A_1055 : memref<320x16xf32, #tpu.memory_space<vmem_shared>>) target_semaphore(%run_scoped3A : memref<!tpu.dma_semaphore, #tpu.memory_space<semaphore_mem>>)
      %dma_wait3A_1056 = arith.constant 0 : i32
      %dma_wait3A_1057 = tpu.memref_slice %arg18[%add3A_923, %dma_wait3A_1056] : memref<10240x16xf32, #tpu.memory_space<vmem_shared>> -> memref<320x16xf32, #tpu.memory_space<vmem_shared>>
      %dma_wait3A_1058 = arith.constant 0 : i32
      %dma_wait3A_1059 = tpu.memref_slice %arg18[%add3A_923, %dma_wait3A_1058] : memref<10240x16xf32, #tpu.memory_space<vmem_shared>> -> memref<320x16xf32, #tpu.memory_space<vmem_shared>>
      tpu.wait_dma2 semaphore(%run_scoped3A : memref<!tpu.dma_semaphore, #tpu.memory_space<semaphore_mem>>) src(%arg15 : memref<320x16xf32, #tpu.memory_space<vmem>>) dst(%dma_wait3A_1059 : memref<320x16xf32, #tpu.memory_space<vmem_shared>>)
      tpu.yield
    }) : () -> ()
    %add3A_930 = arith.constant 320 : i32
    %add3A_931 = arith.addi %mul3A_0, %add3A_930 : i32
    "tpu.region"() ({
      %run_scoped3A = tpu.sem_alloc : memref<!tpu.dma_semaphore, #tpu.memory_space<semaphore_mem>>
      %dma_start3A_1052 = arith.constant 0 : i32
      %dma_start3A_1053 = tpu.memref_slice %arg16[%add3A_931, %dma_start3A_1052] : memref<10240x16xf32, #tpu.memory_space<vmem_shared>> -> memref<320x16xf32, #tpu.memory_space<vmem_shared>>
      %dma_start3A_1054 = arith.constant 0 : i32
      %dma_start3A_1055 = tpu.memref_slice %arg16[%add3A_931, %dma_start3A_1054] : memref<10240x16xf32, #tpu.memory_space<vmem_shared>> -> memref<320x16xf32, #tpu.memory_space<vmem_shared>>
      tpu.enqueue_dma source(%dma_start3A_1055 : memref<320x16xf32, #tpu.memory_space<vmem_shared>>) target(%arg13 : memref<320x16xf32, #tpu.memory_space<vmem>>) target_semaphore(%run_scoped3A : memref<!tpu.dma_semaphore, #tpu.memory_space<semaphore_mem>>)
      %dma_wait3A_1056 = arith.constant 0 : i32
      %dma_wait3A_1057 = tpu.memref_slice %arg16[%add3A_931, %dma_wait3A_1056] : memref<10240x16xf32, #tpu.memory_space<vmem_shared>> -> memref<320x16xf32, #tpu.memory_space<vmem_shared>>
      %dma_wait3A_1058 = arith.constant 0 : i32
      %dma_wait3A_1059 = tpu.memref_slice %arg16[%add3A_931, %dma_wait3A_1058] : memref<10240x16xf32, #tpu.memory_space<vmem_shared>> -> memref<320x16xf32, #tpu.memory_space<vmem_shared>>
      tpu.wait_dma2 semaphore(%run_scoped3A : memref<!tpu.dma_semaphore, #tpu.memory_space<semaphore_mem>>) src(%dma_wait3A_1059 : memref<320x16xf32, #tpu.memory_space<vmem_shared>>) dst(%arg13 : memref<320x16xf32, #tpu.memory_space<vmem>>)
      tpu.yield
    }) : () -> ()
    "tpu.region"() ({
      %run_scoped3A = tpu.sem_alloc : memref<!tpu.dma_semaphore, #tpu.memory_space<semaphore_mem>>
      %dma_start3A_1052 = arith.constant 0 : i32
      %dma_start3A_1053 = tpu.memref_slice %arg3[%add3A_931, %dma_start3A_1052] : memref<10240x16xf32, #tpu.memory_space<hbm>> -> memref<320x16xf32, #tpu.memory_space<hbm>>
      %dma_start3A_1054 = arith.constant 0 : i32
      %dma_start3A_1055 = tpu.memref_slice %arg3[%add3A_931, %dma_start3A_1054] : memref<10240x16xf32, #tpu.memory_space<hbm>> -> memref<320x16xf32, #tpu.memory_space<hbm>>
      tpu.enqueue_dma source(%dma_start3A_1055 : memref<320x16xf32, #tpu.memory_space<hbm>>) target(%arg14 : memref<320x16xf32, #tpu.memory_space<vmem>>) target_semaphore(%run_scoped3A : memref<!tpu.dma_semaphore, #tpu.memory_space<semaphore_mem>>)
      %dma_wait3A_1056 = arith.constant 0 : i32
      %dma_wait3A_1057 = tpu.memref_slice %arg3[%add3A_931, %dma_wait3A_1056] : memref<10240x16xf32, #tpu.memory_space<hbm>> -> memref<320x16xf32, #tpu.memory_space<hbm>>
      %dma_wait3A_1058 = arith.constant 0 : i32
      %dma_wait3A_1059 = tpu.memref_slice %arg3[%add3A_931, %dma_wait3A_1058] : memref<10240x16xf32, #tpu.memory_space<hbm>> -> memref<320x16xf32, #tpu.memory_space<hbm>>
      tpu.wait_dma2 semaphore(%run_scoped3A : memref<!tpu.dma_semaphore, #tpu.memory_space<semaphore_mem>>) src(%dma_wait3A_1059 : memref<320x16xf32, #tpu.memory_space<hbm>>) dst(%arg14 : memref<320x16xf32, #tpu.memory_space<vmem>>)
      tpu.yield
    }) : () -> ()
    "tpu.region"() ({
      %run_scoped3A = tpu.sem_alloc : memref<!tpu.dma_semaphore, #tpu.memory_space<semaphore_mem>>
      %dma_start3A_1052 = arith.constant 0 : i32
      %dma_start3A_1053 = tpu.memref_slice %arg4[%add3A_931, %dma_start3A_1052] : memref<10240x16xf32, #tpu.memory_space<hbm>> -> memref<320x16xf32, #tpu.memory_space<hbm>>
      %dma_start3A_1054 = arith.constant 0 : i32
      %dma_start3A_1055 = tpu.memref_slice %arg4[%add3A_931, %dma_start3A_1054] : memref<10240x16xf32, #tpu.memory_space<hbm>> -> memref<320x16xf32, #tpu.memory_space<hbm>>
      tpu.enqueue_dma source(%dma_start3A_1055 : memref<320x16xf32, #tpu.memory_space<hbm>>) target(%arg15 : memref<320x16xf32, #tpu.memory_space<vmem>>) target_semaphore(%run_scoped3A : memref<!tpu.dma_semaphore, #tpu.memory_space<semaphore_mem>>)
      %dma_wait3A_1056 = arith.constant 0 : i32
      %dma_wait3A_1057 = tpu.memref_slice %arg4[%add3A_931, %dma_wait3A_1056] : memref<10240x16xf32, #tpu.memory_space<hbm>> -> memref<320x16xf32, #tpu.memory_space<hbm>>
      %dma_wait3A_1058 = arith.constant 0 : i32
      %dma_wait3A_1059 = tpu.memref_slice %arg4[%add3A_931, %dma_wait3A_1058] : memref<10240x16xf32, #tpu.memory_space<hbm>> -> memref<320x16xf32, #tpu.memory_space<hbm>>
      tpu.wait_dma2 semaphore(%run_scoped3A : memref<!tpu.dma_semaphore, #tpu.memory_space<semaphore_mem>>) src(%dma_wait3A_1059 : memref<320x16xf32, #tpu.memory_space<hbm>>) dst(%arg15 : memref<320x16xf32, #tpu.memory_space<vmem>>)
      tpu.yield
    }) : () -> ()
    %scan3A_932 = arith.constant 0 : i32
    %scan3A_933 = arith.constant 0 : i32
    %scan3A_934 = arith.constant 40 : i32
    %scan3A_935 = arith.addi %scan3A_933, %scan3A_934 : i32
    %scan3A_936 = arith.constant 1 : i32
    scf.for %scan3A_1052 = %scan3A_933 to %scan3A_935 step %scan3A_936  : i32 {
      %mul3A_1053 = arith.constant 8 : i32
      %mul3A_1054 = arith.muli %scan3A_1052, %mul3A_1053 : i32
      %add3A_1055 = arith.constant 0 : i32
      %add3A_1056 = arith.addi %mul3A_1054, %add3A_1055 : i32
      %get3A = arith.index_cast %add3A_1056 : i32 to index
      %get3A_1057 = arith.constant 0 : index
      %get3A_1058 = tpu.vector_load %arg13[%get3A, %get3A_1057] {strides = array<i32>} : memref<320x16xf32, #tpu.memory_space<vmem>>, vector<1x16xf32>,
      %get3A_1059 = vector.shape_cast %get3A_1058 : vector<1x16xf32> to vector<16xf32>
      %get3A_1060 = arith.index_cast %add3A_1056 : i32 to index
      %get3A_1061 = arith.constant 0 : index
      %get3A_1062 = tpu.vector_load %arg14[%get3A_1060, %get3A_1061] {strides = array<i32>} : memref<320x16xf32, #tpu.memory_space<vmem>>, vector<1x16xf32>,
      %get3A_1063 = vector.shape_cast %get3A_1062 : vector<1x16xf32> to vector<16xf32>
      %add3A_1064 = arith.addf %get3A_1059, %get3A_1063 : vector<16xf32>
      %max3A = arith.constant 0.000000e+00 : f32
      %max3A_1065 = vector.broadcast %max3A : f32 to vector<16xf32>
      %max3A_1066 = arith.maximumf %add3A_1064, %max3A_1065 : vector<16xf32>
      %swap3A_1067 = arith.index_cast %add3A_1056 : i32 to index
      %swap3A_1068 = arith.constant 0 : index
      %swap3A_1069 = tpu.vector_load %arg14[%swap3A_1067, %swap3A_1068] {strides = array<i32>} : memref<320x16xf32, #tpu.memory_space<vmem>>, vector<1x16xf32>,
      %swap3A_1070 = vector.shape_cast %swap3A_1069 : vector<1x16xf32> to vector<16xf32>
      %swap3A_1071 = vector.shape_cast %max3A_1066 : vector<16xf32> to vector<1x16xf32>
      tpu.vector_store %arg14[%swap3A_1067, %swap3A_1068], %swap3A_1071 {strides = array<i32>} : memref<320x16xf32, #tpu.memory_space<vmem>>, vector<1x16xf32>,
      %get3A_1072 = arith.index_cast %add3A_1056 : i32 to index
      %get3A_1073 = arith.constant 0 : index
      %get3A_1074 = tpu.vector_load %arg15[%get3A_1072, %get3A_1073] {strides = array<i32>} : memref<320x16xf32, #tpu.memory_space<vmem>>, vector<1x16xf32>,
      %get3A_1075 = vector.shape_cast %get3A_1074 : vector<1x16xf32> to vector<16xf32>
      %mul3A_1076 = arith.mulf %max3A_1066, %get3A_1075 : vector<16xf32>
      %swap3A_1077 = arith.index_cast %add3A_1056 : i32 to index
      %swap3A_1078 = arith.constant 0 : index
      %swap3A_1079 = tpu.vector_load %arg15[%swap3A_1077, %swap3A_1078] {strides = array<i32>} : memref<320x16xf32, #tpu.memory_space<vmem>>, vector<1x16xf32>,
      %swap3A_1080 = vector.shape_cast %swap3A_1079 : vector<1x16xf32> to vector<16xf32>
      %swap3A_1081 = vector.shape_cast %mul3A_1076 : vector<16xf32> to vector<1x16xf32>
      tpu.vector_store %arg15[%swap3A_1077, %swap3A_1078], %swap3A_1081 {strides = array<i32>} : memref<320x16xf32, #tpu.memory_space<vmem>>, vector<1x16xf32>,
      %mul3A_1082 = arith.constant 8 : i32
      %mul3A_1083 = arith.muli %scan3A_1052, %mul3A_1082 : i32
      %add3A_1084 = arith.constant 1 : i32
      %add3A_1085 = arith.addi %mul3A_1083, %add3A_1084 : i32
      %get3A_1086 = arith.index_cast %add3A_1085 : i32 to index
      %get3A_1087 = arith.constant 0 : index
      %get3A_1088 = tpu.vector_load %arg13[%get3A_1086, %get3A_1087] {strides = array<i32>} : memref<320x16xf32, #tpu.memory_space<vmem>>, vector<1x16xf32>,
      %get3A_1089 = vector.shape_cast %get3A_1088 : vector<1x16xf32> to vector<16xf32>
      %get3A_1090 = arith.index_cast %add3A_1085 : i32 to index
      %get3A_1091 = arith.constant 0 : index
      %get3A_1092 = tpu.vector_load %arg14[%get3A_1090, %get3A_1091] {strides = array<i32>} : memref<320x16xf32, #tpu.memory_space<vmem>>, vector<1x16xf32>,
      %get3A_1093 = vector.shape_cast %get3A_1092 : vector<1x16xf32> to vector<16xf32>
      %add3A_1094 = arith.addf %get3A_1089, %get3A_1093 : vector<16xf32>
      %max3A_1095 = arith.constant 0.000000e+00 : f32
      %max3A_1096 = vector.broadcast %max3A_1095 : f32 to vector<16xf32>
      %max3A_1097 = arith.maximumf %add3A_1094, %max3A_1096 : vector<16xf32>
      %swap3A_1098 = arith.index_cast %add3A_1085 : i32 to index
      %swap3A_1099 = arith.constant 0 : index
      %swap3A_1100 = tpu.vector_load %arg14[%swap3A_1098, %swap3A_1099] {strides = array<i32>} : memref<320x16xf32, #tpu.memory_space<vmem>>, vector<1x16xf32>,
      %swap3A_1101 = vector.shape_cast %swap3A_1100 : vector<1x16xf32> to vector<16xf32>
      %swap3A_1102 = vector.shape_cast %max3A_1097 : vector<16xf32> to vector<1x16xf32>
      tpu.vector_store %arg14[%swap3A_1098, %swap3A_1099], %swap3A_1102 {strides = array<i32>} : memref<320x16xf32, #tpu.memory_space<vmem>>, vector<1x16xf32>,
      %get3A_1103 = arith.index_cast %add3A_1085 : i32 to index
      %get3A_1104 = arith.constant 0 : index
      %get3A_1105 = tpu.vector_load %arg15[%get3A_1103, %get3A_1104] {strides = array<i32>} : memref<320x16xf32, #tpu.memory_space<vmem>>, vector<1x16xf32>,
      %get3A_1106 = vector.shape_cast %get3A_1105 : vector<1x16xf32> to vector<16xf32>
      %mul3A_1107 = arith.mulf %max3A_1097, %get3A_1106 : vector<16xf32>
      %swap3A_1108 = arith.index_cast %add3A_1085 : i32 to index
      %swap3A_1109 = arith.constant 0 : index
      %swap3A_1110 = tpu.vector_load %arg15[%swap3A_1108, %swap3A_1109] {strides = array<i32>} : memref<320x16xf32, #tpu.memory_space<vmem>>, vector<1x16xf32>,
      %swap3A_1111 = vector.shape_cast %swap3A_1110 : vector<1x16xf32> to vector<16xf32>
      %swap3A_1112 = vector.shape_cast %mul3A_1107 : vector<16xf32> to vector<1x16xf32>
      tpu.vector_store %arg15[%swap3A_1108, %swap3A_1109], %swap3A_1112 {strides = array<i32>} : memref<320x16xf32, #tpu.memory_space<vmem>>, vector<1x16xf32>,
      %mul3A_1113 = arith.constant 8 : i32
      %mul3A_1114 = arith.muli %scan3A_1052, %mul3A_1113 : i32
      %add3A_1115 = arith.constant 2 : i32
      %add3A_1116 = arith.addi %mul3A_1114, %add3A_1115 : i32
      %get3A_1117 = arith.index_cast %add3A_1116 : i32 to index
      %get3A_1118 = arith.constant 0 : index
      %get3A_1119 = tpu.vector_load %arg13[%get3A_1117, %get3A_1118] {strides = array<i32>} : memref<320x16xf32, #tpu.memory_space<vmem>>, vector<1x16xf32>,
      %get3A_1120 = vector.shape_cast %get3A_1119 : vector<1x16xf32> to vector<16xf32>
      %get3A_1121 = arith.index_cast %add3A_1116 : i32 to index
      %get3A_1122 = arith.constant 0 : index
      %get3A_1123 = tpu.vector_load %arg14[%get3A_1121, %get3A_1122] {strides = array<i32>} : memref<320x16xf32, #tpu.memory_space<vmem>>, vector<1x16xf32>,
      %get3A_1124 = vector.shape_cast %get3A_1123 : vector<1x16xf32> to vector<16xf32>
      %add3A_1125 = arith.addf %get3A_1120, %get3A_1124 : vector<16xf32>
      %max3A_1126 = arith.constant 0.000000e+00 : f32
      %max3A_1127 = vector.broadcast %max3A_1126 : f32 to vector<16xf32>
      %max3A_1128 = arith.maximumf %add3A_1125, %max3A_1127 : vector<16xf32>
      %swap3A_1129 = arith.index_cast %add3A_1116 : i32 to index
      %swap3A_1130 = arith.constant 0 : index
      %swap3A_1131 = tpu.vector_load %arg14[%swap3A_1129, %swap3A_1130] {strides = array<i32>} : memref<320x16xf32, #tpu.memory_space<vmem>>, vector<1x16xf32>,
      %swap3A_1132 = vector.shape_cast %swap3A_1131 : vector<1x16xf32> to vector<16xf32>
      %swap3A_1133 = vector.shape_cast %max3A_1128 : vector<16xf32> to vector<1x16xf32>
      tpu.vector_store %arg14[%swap3A_1129, %swap3A_1130], %swap3A_1133 {strides = array<i32>} : memref<320x16xf32, #tpu.memory_space<vmem>>, vector<1x16xf32>,
      %get3A_1134 = arith.index_cast %add3A_1116 : i32 to index
      %get3A_1135 = arith.constant 0 : index
      %get3A_1136 = tpu.vector_load %arg15[%get3A_1134, %get3A_1135] {strides = array<i32>} : memref<320x16xf32, #tpu.memory_space<vmem>>, vector<1x16xf32>,
      %get3A_1137 = vector.shape_cast %get3A_1136 : vector<1x16xf32> to vector<16xf32>
      %mul3A_1138 = arith.mulf %max3A_1128, %get3A_1137 : vector<16xf32>
      %swap3A_1139 = arith.index_cast %add3A_1116 : i32 to index
      %swap3A_1140 = arith.constant 0 : index
      %swap3A_1141 = tpu.vector_load %arg15[%swap3A_1139, %swap3A_1140] {strides = array<i32>} : memref<320x16xf32, #tpu.memory_space<vmem>>, vector<1x16xf32>,
      %swap3A_1142 = vector.shape_cast %swap3A_1141 : vector<1x16xf32> to vector<16xf32>
      %swap3A_1143 = vector.shape_cast %mul3A_1138 : vector<16xf32> to vector<1x16xf32>
      tpu.vector_store %arg15[%swap3A_1139, %swap3A_1140], %swap3A_1143 {strides = array<i32>} : memref<320x16xf32, #tpu.memory_space<vmem>>, vector<1x16xf32>,
      %mul3A_1144 = arith.constant 8 : i32
      %mul3A_1145 = arith.muli %scan3A_1052, %mul3A_1144 : i32
      %add3A_1146 = arith.constant 3 : i32
      %add3A_1147 = arith.addi %mul3A_1145, %add3A_1146 : i32
      %get3A_1148 = arith.index_cast %add3A_1147 : i32 to index
      %get3A_1149 = arith.constant 0 : index
      %get3A_1150 = tpu.vector_load %arg13[%get3A_1148, %get3A_1149] {strides = array<i32>} : memref<320x16xf32, #tpu.memory_space<vmem>>, vector<1x16xf32>,
      %get3A_1151 = vector.shape_cast %get3A_1150 : vector<1x16xf32> to vector<16xf32>
      %get3A_1152 = arith.index_cast %add3A_1147 : i32 to index
      %get3A_1153 = arith.constant 0 : index
      %get3A_1154 = tpu.vector_load %arg14[%get3A_1152, %get3A_1153] {strides = array<i32>} : memref<320x16xf32, #tpu.memory_space<vmem>>, vector<1x16xf32>,
      %get3A_1155 = vector.shape_cast %get3A_1154 : vector<1x16xf32> to vector<16xf32>
      %add3A_1156 = arith.addf %get3A_1151, %get3A_1155 : vector<16xf32>
      %max3A_1157 = arith.constant 0.000000e+00 : f32
      %max3A_1158 = vector.broadcast %max3A_1157 : f32 to vector<16xf32>
      %max3A_1159 = arith.maximumf %add3A_1156, %max3A_1158 : vector<16xf32>
      %swap3A_1160 = arith.index_cast %add3A_1147 : i32 to index
      %swap3A_1161 = arith.constant 0 : index
      %swap3A_1162 = tpu.vector_load %arg14[%swap3A_1160, %swap3A_1161] {strides = array<i32>} : memref<320x16xf32, #tpu.memory_space<vmem>>, vector<1x16xf32>,
      %swap3A_1163 = vector.shape_cast %swap3A_1162 : vector<1x16xf32> to vector<16xf32>
      %swap3A_1164 = vector.shape_cast %max3A_1159 : vector<16xf32> to vector<1x16xf32>
      tpu.vector_store %arg14[%swap3A_1160, %swap3A_1161], %swap3A_1164 {strides = array<i32>} : memref<320x16xf32, #tpu.memory_space<vmem>>, vector<1x16xf32>,
      %get3A_1165 = arith.index_cast %add3A_1147 : i32 to index
      %get3A_1166 = arith.constant 0 : index
      %get3A_1167 = tpu.vector_load %arg15[%get3A_1165, %get3A_1166] {strides = array<i32>} : memref<320x16xf32, #tpu.memory_space<vmem>>, vector<1x16xf32>,
      %get3A_1168 = vector.shape_cast %get3A_1167 : vector<1x16xf32> to vector<16xf32>
      %mul3A_1169 = arith.mulf %max3A_1159, %get3A_1168 : vector<16xf32>
      %swap3A_1170 = arith.index_cast %add3A_1147 : i32 to index
      %swap3A_1171 = arith.constant 0 : index
      %swap3A_1172 = tpu.vector_load %arg15[%swap3A_1170, %swap3A_1171] {strides = array<i32>} : memref<320x16xf32, #tpu.memory_space<vmem>>, vector<1x16xf32>,
      %swap3A_1173 = vector.shape_cast %swap3A_1172 : vector<1x16xf32> to vector<16xf32>
      %swap3A_1174 = vector.shape_cast %mul3A_1169 : vector<16xf32> to vector<1x16xf32>
      tpu.vector_store %arg15[%swap3A_1170, %swap3A_1171], %swap3A_1174 {strides = array<i32>} : memref<320x16xf32, #tpu.memory_space<vmem>>, vector<1x16xf32>,
      %mul3A_1175 = arith.constant 8 : i32
      %mul3A_1176 = arith.muli %scan3A_1052, %mul3A_1175 : i32
      %add3A_1177 = arith.constant 4 : i32
      %add3A_1178 = arith.addi %mul3A_1176, %add3A_1177 : i32
      %get3A_1179 = arith.index_cast %add3A_1178 : i32 to index
      %get3A_1180 = arith.constant 0 : index
      %get3A_1181 = tpu.vector_load %arg13[%get3A_1179, %get3A_1180] {strides = array<i32>} : memref<320x16xf32, #tpu.memory_space<vmem>>, vector<1x16xf32>,
      %get3A_1182 = vector.shape_cast %get3A_1181 : vector<1x16xf32> to vector<16xf32>
      %get3A_1183 = arith.index_cast %add3A_1178 : i32 to index
      %get3A_1184 = arith.constant 0 : index
      %get3A_1185 = tpu.vector_load %arg14[%get3A_1183, %get3A_1184] {strides = array<i32>} : memref<320x16xf32, #tpu.memory_space<vmem>>, vector<1x16xf32>,
      %get3A_1186 = vector.shape_cast %get3A_1185 : vector<1x16xf32> to vector<16xf32>
      %add3A_1187 = arith.addf %get3A_1182, %get3A_1186 : vector<16xf32>
      %max3A_1188 = arith.constant 0.000000e+00 : f32
      %max3A_1189 = vector.broadcast %max3A_1188 : f32 to vector<16xf32>
      %max3A_1190 = arith.maximumf %add3A_1187, %max3A_1189 : vector<16xf32>
      %swap3A_1191 = arith.index_cast %add3A_1178 : i32 to index
      %swap3A_1192 = arith.constant 0 : index
      %swap3A_1193 = tpu.vector_load %arg14[%swap3A_1191, %swap3A_1192] {strides = array<i32>} : memref<320x16xf32, #tpu.memory_space<vmem>>, vector<1x16xf32>,
      %swap3A_1194 = vector.shape_cast %swap3A_1193 : vector<1x16xf32> to vector<16xf32>
      %swap3A_1195 = vector.shape_cast %max3A_1190 : vector<16xf32> to vector<1x16xf32>
      tpu.vector_store %arg14[%swap3A_1191, %swap3A_1192], %swap3A_1195 {strides = array<i32>} : memref<320x16xf32, #tpu.memory_space<vmem>>, vector<1x16xf32>,
      %get3A_1196 = arith.index_cast %add3A_1178 : i32 to index
      %get3A_1197 = arith.constant 0 : index
      %get3A_1198 = tpu.vector_load %arg15[%get3A_1196, %get3A_1197] {strides = array<i32>} : memref<320x16xf32, #tpu.memory_space<vmem>>, vector<1x16xf32>,
      %get3A_1199 = vector.shape_cast %get3A_1198 : vector<1x16xf32> to vector<16xf32>
      %mul3A_1200 = arith.mulf %max3A_1190, %get3A_1199 : vector<16xf32>
      %swap3A_1201 = arith.index_cast %add3A_1178 : i32 to index
      %swap3A_1202 = arith.constant 0 : index
      %swap3A_1203 = tpu.vector_load %arg15[%swap3A_1201, %swap3A_1202] {strides = array<i32>} : memref<320x16xf32, #tpu.memory_space<vmem>>, vector<1x16xf32>,
      %swap3A_1204 = vector.shape_cast %swap3A_1203 : vector<1x16xf32> to vector<16xf32>
      %swap3A_1205 = vector.shape_cast %mul3A_1200 : vector<16xf32> to vector<1x16xf32>
      tpu.vector_store %arg15[%swap3A_1201, %swap3A_1202], %swap3A_1205 {strides = array<i32>} : memref<320x16xf32, #tpu.memory_space<vmem>>, vector<1x16xf32>,
      %mul3A_1206 = arith.constant 8 : i32
      %mul3A_1207 = arith.muli %scan3A_1052, %mul3A_1206 : i32
      %add3A_1208 = arith.constant 5 : i32
      %add3A_1209 = arith.addi %mul3A_1207, %add3A_1208 : i32
      %get3A_1210 = arith.index_cast %add3A_1209 : i32 to index
      %get3A_1211 = arith.constant 0 : index
      %get3A_1212 = tpu.vector_load %arg13[%get3A_1210, %get3A_1211] {strides = array<i32>} : memref<320x16xf32, #tpu.memory_space<vmem>>, vector<1x16xf32>,
      %get3A_1213 = vector.shape_cast %get3A_1212 : vector<1x16xf32> to vector<16xf32>
      %get3A_1214 = arith.index_cast %add3A_1209 : i32 to index
      %get3A_1215 = arith.constant 0 : index
      %get3A_1216 = tpu.vector_load %arg14[%get3A_1214, %get3A_1215] {strides = array<i32>} : memref<320x16xf32, #tpu.memory_space<vmem>>, vector<1x16xf32>,
      %get3A_1217 = vector.shape_cast %get3A_1216 : vector<1x16xf32> to vector<16xf32>
      %add3A_1218 = arith.addf %get3A_1213, %get3A_1217 : vector<16xf32>
      %max3A_1219 = arith.constant 0.000000e+00 : f32
      %max3A_1220 = vector.broadcast %max3A_1219 : f32 to vector<16xf32>
      %max3A_1221 = arith.maximumf %add3A_1218, %max3A_1220 : vector<16xf32>
      %swap3A_1222 = arith.index_cast %add3A_1209 : i32 to index
      %swap3A_1223 = arith.constant 0 : index
      %swap3A_1224 = tpu.vector_load %arg14[%swap3A_1222, %swap3A_1223] {strides = array<i32>} : memref<320x16xf32, #tpu.memory_space<vmem>>, vector<1x16xf32>,
      %swap3A_1225 = vector.shape_cast %swap3A_1224 : vector<1x16xf32> to vector<16xf32>
      %swap3A_1226 = vector.shape_cast %max3A_1221 : vector<16xf32> to vector<1x16xf32>
      tpu.vector_store %arg14[%swap3A_1222, %swap3A_1223], %swap3A_1226 {strides = array<i32>} : memref<320x16xf32, #tpu.memory_space<vmem>>, vector<1x16xf32>,
      %get3A_1227 = arith.index_cast %add3A_1209 : i32 to index
      %get3A_1228 = arith.constant 0 : index
      %get3A_1229 = tpu.vector_load %arg15[%get3A_1227, %get3A_1228] {strides = array<i32>} : memref<320x16xf32, #tpu.memory_space<vmem>>, vector<1x16xf32>,
      %get3A_1230 = vector.shape_cast %get3A_1229 : vector<1x16xf32> to vector<16xf32>
      %mul3A_1231 = arith.mulf %max3A_1221, %get3A_1230 : vector<16xf32>
      %swap3A_1232 = arith.index_cast %add3A_1209 : i32 to index
      %swap3A_1233 = arith.constant 0 : index
      %swap3A_1234 = tpu.vector_load %arg15[%swap3A_1232, %swap3A_1233] {strides = array<i32>} : memref<320x16xf32, #tpu.memory_space<vmem>>, vector<1x16xf32>,
      %swap3A_1235 = vector.shape_cast %swap3A_1234 : vector<1x16xf32> to vector<16xf32>
      %swap3A_1236 = vector.shape_cast %mul3A_1231 : vector<16xf32> to vector<1x16xf32>
      tpu.vector_store %arg15[%swap3A_1232, %swap3A_1233], %swap3A_1236 {strides = array<i32>} : memref<320x16xf32, #tpu.memory_space<vmem>>, vector<1x16xf32>,
      %mul3A_1237 = arith.constant 8 : i32
      %mul3A_1238 = arith.muli %scan3A_1052, %mul3A_1237 : i32
      %add3A_1239 = arith.constant 6 : i32
      %add3A_1240 = arith.addi %mul3A_1238, %add3A_1239 : i32
      %get3A_1241 = arith.index_cast %add3A_1240 : i32 to index
      %get3A_1242 = arith.constant 0 : index
      %get3A_1243 = tpu.vector_load %arg13[%get3A_1241, %get3A_1242] {strides = array<i32>} : memref<320x16xf32, #tpu.memory_space<vmem>>, vector<1x16xf32>,
      %get3A_1244 = vector.shape_cast %get3A_1243 : vector<1x16xf32> to vector<16xf32>
      %get3A_1245 = arith.index_cast %add3A_1240 : i32 to index
      %get3A_1246 = arith.constant 0 : index
      %get3A_1247 = tpu.vector_load %arg14[%get3A_1245, %get3A_1246] {strides = array<i32>} : memref<320x16xf32, #tpu.memory_space<vmem>>, vector<1x16xf32>,
      %get3A_1248 = vector.shape_cast %get3A_1247 : vector<1x16xf32> to vector<16xf32>
      %add3A_1249 = arith.addf %get3A_1244, %get3A_1248 : vector<16xf32>
      %max3A_1250 = arith.constant 0.000000e+00 : f32
      %max3A_1251 = vector.broadcast %max3A_1250 : f32 to vector<16xf32>
      %max3A_1252 = arith.maximumf %add3A_1249, %max3A_1251 : vector<16xf32>
      %swap3A_1253 = arith.index_cast %add3A_1240 : i32 to index
      %swap3A_1254 = arith.constant 0 : index
      %swap3A_1255 = tpu.vector_load %arg14[%swap3A_1253, %swap3A_1254] {strides = array<i32>} : memref<320x16xf32, #tpu.memory_space<vmem>>, vector<1x16xf32>,
      %swap3A_1256 = vector.shape_cast %swap3A_1255 : vector<1x16xf32> to vector<16xf32>
      %swap3A_1257 = vector.shape_cast %max3A_1252 : vector<16xf32> to vector<1x16xf32>
      tpu.vector_store %arg14[%swap3A_1253, %swap3A_1254], %swap3A_1257 {strides = array<i32>} : memref<320x16xf32, #tpu.memory_space<vmem>>, vector<1x16xf32>,
      %get3A_1258 = arith.index_cast %add3A_1240 : i32 to index
      %get3A_1259 = arith.constant 0 : index
      %get3A_1260 = tpu.vector_load %arg15[%get3A_1258, %get3A_1259] {strides = array<i32>} : memref<320x16xf32, #tpu.memory_space<vmem>>, vector<1x16xf32>,
      %get3A_1261 = vector.shape_cast %get3A_1260 : vector<1x16xf32> to vector<16xf32>
      %mul3A_1262 = arith.mulf %max3A_1252, %get3A_1261 : vector<16xf32>
      %swap3A_1263 = arith.index_cast %add3A_1240 : i32 to index
      %swap3A_1264 = arith.constant 0 : index
      %swap3A_1265 = tpu.vector_load %arg15[%swap3A_1263, %swap3A_1264] {strides = array<i32>} : memref<320x16xf32, #tpu.memory_space<vmem>>, vector<1x16xf32>,
      %swap3A_1266 = vector.shape_cast %swap3A_1265 : vector<1x16xf32> to vector<16xf32>
      %swap3A_1267 = vector.shape_cast %mul3A_1262 : vector<16xf32> to vector<1x16xf32>
      tpu.vector_store %arg15[%swap3A_1263, %swap3A_1264], %swap3A_1267 {strides = array<i32>} : memref<320x16xf32, #tpu.memory_space<vmem>>, vector<1x16xf32>,
      %mul3A_1268 = arith.constant 8 : i32
      %mul3A_1269 = arith.muli %scan3A_1052, %mul3A_1268 : i32
      %add3A_1270 = arith.constant 7 : i32
      %add3A_1271 = arith.addi %mul3A_1269, %add3A_1270 : i32
      %get3A_1272 = arith.index_cast %add3A_1271 : i32 to index
      %get3A_1273 = arith.constant 0 : index
      %get3A_1274 = tpu.vector_load %arg13[%get3A_1272, %get3A_1273] {strides = array<i32>} : memref<320x16xf32, #tpu.memory_space<vmem>>, vector<1x16xf32>,
      %get3A_1275 = vector.shape_cast %get3A_1274 : vector<1x16xf32> to vector<16xf32>
      %get3A_1276 = arith.index_cast %add3A_1271 : i32 to index
      %get3A_1277 = arith.constant 0 : index
      %get3A_1278 = tpu.vector_load %arg14[%get3A_1276, %get3A_1277] {strides = array<i32>} : memref<320x16xf32, #tpu.memory_space<vmem>>, vector<1x16xf32>,
      %get3A_1279 = vector.shape_cast %get3A_1278 : vector<1x16xf32> to vector<16xf32>
      %add3A_1280 = arith.addf %get3A_1275, %get3A_1279 : vector<16xf32>
      %max3A_1281 = arith.constant 0.000000e+00 : f32
      %max3A_1282 = vector.broadcast %max3A_1281 : f32 to vector<16xf32>
      %max3A_1283 = arith.maximumf %add3A_1280, %max3A_1282 : vector<16xf32>
      %swap3A_1284 = arith.index_cast %add3A_1271 : i32 to index
      %swap3A_1285 = arith.constant 0 : index
      %swap3A_1286 = tpu.vector_load %arg14[%swap3A_1284, %swap3A_1285] {strides = array<i32>} : memref<320x16xf32, #tpu.memory_space<vmem>>, vector<1x16xf32>,
      %swap3A_1287 = vector.shape_cast %swap3A_1286 : vector<1x16xf32> to vector<16xf32>
      %swap3A_1288 = vector.shape_cast %max3A_1283 : vector<16xf32> to vector<1x16xf32>
      tpu.vector_store %arg14[%swap3A_1284, %swap3A_1285], %swap3A_1288 {strides = array<i32>} : memref<320x16xf32, #tpu.memory_space<vmem>>, vector<1x16xf32>,
      %get3A_1289 = arith.index_cast %add3A_1271 : i32 to index
      %get3A_1290 = arith.constant 0 : index
      %get3A_1291 = tpu.vector_load %arg15[%get3A_1289, %get3A_1290] {strides = array<i32>} : memref<320x16xf32, #tpu.memory_space<vmem>>, vector<1x16xf32>,
      %get3A_1292 = vector.shape_cast %get3A_1291 : vector<1x16xf32> to vector<16xf32>
      %mul3A_1293 = arith.mulf %max3A_1283, %get3A_1292 : vector<16xf32>
      %swap3A_1294 = arith.index_cast %add3A_1271 : i32 to index
      %swap3A_1295 = arith.constant 0 : index
      %swap3A_1296 = tpu.vector_load %arg15[%swap3A_1294, %swap3A_1295] {strides = array<i32>} : memref<320x16xf32, #tpu.memory_space<vmem>>, vector<1x16xf32>,
      %swap3A_1297 = vector.shape_cast %swap3A_1296 : vector<1x16xf32> to vector<16xf32>
      %swap3A_1298 = vector.shape_cast %mul3A_1293 : vector<16xf32> to vector<1x16xf32>
      tpu.vector_store %arg15[%swap3A_1294, %swap3A_1295], %swap3A_1298 {strides = array<i32>} : memref<320x16xf32, #tpu.memory_space<vmem>>, vector<1x16xf32>,
    }
    %scan3A_937 = arith.constant 40 : i32
    "tpu.region"() ({
      %run_scoped3A = tpu.sem_alloc : memref<!tpu.dma_semaphore, #tpu.memory_space<semaphore_mem>>
      %dma_start3A_1052 = arith.constant 0 : i32
      %dma_start3A_1053 = tpu.memref_slice %arg7[%add3A_931, %dma_start3A_1052] : memref<10240x16xf32, #tpu.memory_space<hbm>> -> memref<320x16xf32, #tpu.memory_space<hbm>>
      %dma_start3A_1054 = arith.constant 0 : i32
      %dma_start3A_1055 = tpu.memref_slice %arg7[%add3A_931, %dma_start3A_1054] : memref<10240x16xf32, #tpu.memory_space<hbm>> -> memref<320x16xf32, #tpu.memory_space<hbm>>
      tpu.enqueue_dma source(%arg14 : memref<320x16xf32, #tpu.memory_space<vmem>>) target(%dma_start3A_1055 : memref<320x16xf32, #tpu.memory_space<hbm>>) target_semaphore(%run_scoped3A : memref<!tpu.dma_semaphore, #tpu.memory_space<semaphore_mem>>)
      %dma_wait3A_1056 = arith.constant 0 : i32
      %dma_wait3A_1057 = tpu.memref_slice %arg7[%add3A_931, %dma_wait3A_1056] : memref<10240x16xf32, #tpu.memory_space<hbm>> -> memref<320x16xf32, #tpu.memory_space<hbm>>
      %dma_wait3A_1058 = arith.constant 0 : i32
      %dma_wait3A_1059 = tpu.memref_slice %arg7[%add3A_931, %dma_wait3A_1058] : memref<10240x16xf32, #tpu.memory_space<hbm>> -> memref<320x16xf32, #tpu.memory_space<hbm>>
      tpu.wait_dma2 semaphore(%run_scoped3A : memref<!tpu.dma_semaphore, #tpu.memory_space<semaphore_mem>>) src(%arg14 : memref<320x16xf32, #tpu.memory_space<vmem>>) dst(%dma_wait3A_1059 : memref<320x16xf32, #tpu.memory_space<hbm>>)
      tpu.yield
    }) : () -> ()
    "tpu.region"() ({
      %run_scoped3A = tpu.sem_alloc : memref<!tpu.dma_semaphore, #tpu.memory_space<semaphore_mem>>
      %dma_start3A_1052 = arith.constant 0 : i32
      %dma_start3A_1053 = tpu.memref_slice %arg18[%add3A_931, %dma_start3A_1052] : memref<10240x16xf32, #tpu.memory_space<vmem_shared>> -> memref<320x16xf32, #tpu.memory_space<vmem_shared>>
      %dma_start3A_1054 = arith.constant 0 : i32
      %dma_start3A_1055 = tpu.memref_slice %arg18[%add3A_931, %dma_start3A_1054] : memref<10240x16xf32, #tpu.memory_space<vmem_shared>> -> memref<320x16xf32, #tpu.memory_space<vmem_shared>>
      tpu.enqueue_dma source(%arg15 : memref<320x16xf32, #tpu.memory_space<vmem>>) target(%dma_start3A_1055 : memref<320x16xf32, #tpu.memory_space<vmem_shared>>) target_semaphore(%run_scoped3A : memref<!tpu.dma_semaphore, #tpu.memory_space<semaphore_mem>>)
      %dma_wait3A_1056 = arith.constant 0 : i32
      %dma_wait3A_1057 = tpu.memref_slice %arg18[%add3A_931, %dma_wait3A_1056] : memref<10240x16xf32, #tpu.memory_space<vmem_shared>> -> memref<320x16xf32, #tpu.memory_space<vmem_shared>>
      %dma_wait3A_1058 = arith.constant 0 : i32
      %dma_wait3A_1059 = tpu.memref_slice %arg18[%add3A_931, %dma_wait3A_1058] : memref<10240x16xf32, #tpu.memory_space<vmem_shared>> -> memref<320x16xf32, #tpu.memory_space<vmem_shared>>
      tpu.wait_dma2 semaphore(%run_scoped3A : memref<!tpu.dma_semaphore, #tpu.memory_space<semaphore_mem>>) src(%arg15 : memref<320x16xf32, #tpu.memory_space<vmem>>) dst(%dma_wait3A_1059 : memref<320x16xf32, #tpu.memory_space<vmem_shared>>)
      tpu.yield
    }) : () -> ()
    %add3A_938 = arith.constant 0 : i32
    %add3A_939 = arith.addi %mul3A_0, %add3A_938 : i32
    "tpu.region"() ({
      %run_scoped3A = tpu.sem_alloc : memref<!tpu.dma_semaphore, #tpu.memory_space<semaphore_mem>>
      %dma_start3A_1052 = arith.constant 0 : i32
      %dma_start3A_1053 = tpu.memref_slice %arg16[%add3A_939, %dma_start3A_1052] : memref<10240x16xf32, #tpu.memory_space<vmem_shared>> -> memref<128x16xf32, #tpu.memory_space<vmem_shared>>
      %dma_start3A_1054 = arith.constant 0 : i32
      %dma_start3A_1055 = tpu.memref_slice %arg16[%add3A_939, %dma_start3A_1054] : memref<10240x16xf32, #tpu.memory_space<vmem_shared>> -> memref<128x16xf32, #tpu.memory_space<vmem_shared>>
      tpu.enqueue_dma source(%arg12 : memref<128x16xf32, #tpu.memory_space<vmem>>) target(%dma_start3A_1055 : memref<128x16xf32, #tpu.memory_space<vmem_shared>>) target_semaphore(%run_scoped3A : memref<!tpu.dma_semaphore, #tpu.memory_space<semaphore_mem>>)
      %dma_wait3A_1056 = arith.constant 0 : i32
      %dma_wait3A_1057 = tpu.memref_slice %arg16[%add3A_939, %dma_wait3A_1056] : memref<10240x16xf32, #tpu.memory_space<vmem_shared>> -> memref<128x16xf32, #tpu.memory_space<vmem_shared>>
      %dma_wait3A_1058 = arith.constant 0 : i32
      %dma_wait3A_1059 = tpu.memref_slice %arg16[%add3A_939, %dma_wait3A_1058] : memref<10240x16xf32, #tpu.memory_space<vmem_shared>> -> memref<128x16xf32, #tpu.memory_space<vmem_shared>>
      tpu.wait_dma2 semaphore(%run_scoped3A : memref<!tpu.dma_semaphore, #tpu.memory_space<semaphore_mem>>) src(%arg12 : memref<128x16xf32, #tpu.memory_space<vmem>>) dst(%dma_wait3A_1059 : memref<128x16xf32, #tpu.memory_space<vmem_shared>>)
      tpu.yield
    }) : () -> ()
    %add3A_940 = arith.constant 128 : i32
    %add3A_941 = arith.addi %mul3A_0, %add3A_940 : i32
    "tpu.region"() ({
      %run_scoped3A = tpu.sem_alloc : memref<!tpu.dma_semaphore, #tpu.memory_space<semaphore_mem>>
      %dma_start3A_1052 = arith.constant 0 : i32
      %dma_start3A_1053 = tpu.memref_slice %arg16[%add3A_941, %dma_start3A_1052] : memref<10240x16xf32, #tpu.memory_space<vmem_shared>> -> memref<128x16xf32, #tpu.memory_space<vmem_shared>>
      %dma_start3A_1054 = arith.constant 0 : i32
      %dma_start3A_1055 = tpu.memref_slice %arg16[%add3A_941, %dma_start3A_1054] : memref<10240x16xf32, #tpu.memory_space<vmem_shared>> -> memref<128x16xf32, #tpu.memory_space<vmem_shared>>
      tpu.enqueue_dma source(%arg12 : memref<128x16xf32, #tpu.memory_space<vmem>>) target(%dma_start3A_1055 : memref<128x16xf32, #tpu.memory_space<vmem_shared>>) target_semaphore(%run_scoped3A : memref<!tpu.dma_semaphore, #tpu.memory_space<semaphore_mem>>)
      %dma_wait3A_1056 = arith.constant 0 : i32
      %dma_wait3A_1057 = tpu.memref_slice %arg16[%add3A_941, %dma_wait3A_1056] : memref<10240x16xf32, #tpu.memory_space<vmem_shared>> -> memref<128x16xf32, #tpu.memory_space<vmem_shared>>
      %dma_wait3A_1058 = arith.constant 0 : i32
      %dma_wait3A_1059 = tpu.memref_slice %arg16[%add3A_941, %dma_wait3A_1058] : memref<10240x16xf32, #tpu.memory_space<vmem_shared>> -> memref<128x16xf32, #tpu.memory_space<vmem_shared>>
      tpu.wait_dma2 semaphore(%run_scoped3A : memref<!tpu.dma_semaphore, #tpu.memory_space<semaphore_mem>>) src(%arg12 : memref<128x16xf32, #tpu.memory_space<vmem>>) dst(%dma_wait3A_1059 : memref<128x16xf32, #tpu.memory_space<vmem_shared>>)
      tpu.yield
    }) : () -> ()
    %add3A_942 = arith.constant 256 : i32
    %add3A_943 = arith.addi %mul3A_0, %add3A_942 : i32
    "tpu.region"() ({
      %run_scoped3A = tpu.sem_alloc : memref<!tpu.dma_semaphore, #tpu.memory_space<semaphore_mem>>
      %dma_start3A_1052 = arith.constant 0 : i32
      %dma_start3A_1053 = tpu.memref_slice %arg16[%add3A_943, %dma_start3A_1052] : memref<10240x16xf32, #tpu.memory_space<vmem_shared>> -> memref<128x16xf32, #tpu.memory_space<vmem_shared>>
      %dma_start3A_1054 = arith.constant 0 : i32
      %dma_start3A_1055 = tpu.memref_slice %arg16[%add3A_943, %dma_start3A_1054] : memref<10240x16xf32, #tpu.memory_space<vmem_shared>> -> memref<128x16xf32, #tpu.memory_space<vmem_shared>>
      tpu.enqueue_dma source(%arg12 : memref<128x16xf32, #tpu.memory_space<vmem>>) target(%dma_start3A_1055 : memref<128x16xf32, #tpu.memory_space<vmem_shared>>) target_semaphore(%run_scoped3A : memref<!tpu.dma_semaphore, #tpu.memory_space<semaphore_mem>>)
      %dma_wait3A_1056 = arith.constant 0 : i32
      %dma_wait3A_1057 = tpu.memref_slice %arg16[%add3A_943, %dma_wait3A_1056] : memref<10240x16xf32, #tpu.memory_space<vmem_shared>> -> memref<128x16xf32, #tpu.memory_space<vmem_shared>>
      %dma_wait3A_1058 = arith.constant 0 : i32
      %dma_wait3A_1059 = tpu.memref_slice %arg16[%add3A_943, %dma_wait3A_1058] : memref<10240x16xf32, #tpu.memory_space<vmem_shared>> -> memref<128x16xf32, #tpu.memory_space<vmem_shared>>
      tpu.wait_dma2 semaphore(%run_scoped3A : memref<!tpu.dma_semaphore, #tpu.memory_space<semaphore_mem>>) src(%arg12 : memref<128x16xf32, #tpu.memory_space<vmem>>) dst(%dma_wait3A_1059 : memref<128x16xf32, #tpu.memory_space<vmem_shared>>)
      tpu.yield
    }) : () -> ()
    %add3A_944 = arith.constant 384 : i32
    %add3A_945 = arith.addi %mul3A_0, %add3A_944 : i32
    "tpu.region"() ({
      %run_scoped3A = tpu.sem_alloc : memref<!tpu.dma_semaphore, #tpu.memory_space<semaphore_mem>>
      %dma_start3A_1052 = arith.constant 0 : i32
      %dma_start3A_1053 = tpu.memref_slice %arg16[%add3A_945, %dma_start3A_1052] : memref<10240x16xf32, #tpu.memory_space<vmem_shared>> -> memref<128x16xf32, #tpu.memory_space<vmem_shared>>
      %dma_start3A_1054 = arith.constant 0 : i32
      %dma_start3A_1055 = tpu.memref_slice %arg16[%add3A_945, %dma_start3A_1054] : memref<10240x16xf32, #tpu.memory_space<vmem_shared>> -> memref<128x16xf32, #tpu.memory_space<vmem_shared>>
      tpu.enqueue_dma source(%arg12 : memref<128x16xf32, #tpu.memory_space<vmem>>) target(%dma_start3A_1055 : memref<128x16xf32, #tpu.memory_space<vmem_shared>>) target_semaphore(%run_scoped3A : memref<!tpu.dma_semaphore, #tpu.memory_space<semaphore_mem>>)
      %dma_wait3A_1056 = arith.constant 0 : i32
      %dma_wait3A_1057 = tpu.memref_slice %arg16[%add3A_945, %dma_wait3A_1056] : memref<10240x16xf32, #tpu.memory_space<vmem_shared>> -> memref<128x16xf32, #tpu.memory_space<vmem_shared>>
      %dma_wait3A_1058 = arith.constant 0 : i32
      %dma_wait3A_1059 = tpu.memref_slice %arg16[%add3A_945, %dma_wait3A_1058] : memref<10240x16xf32, #tpu.memory_space<vmem_shared>> -> memref<128x16xf32, #tpu.memory_space<vmem_shared>>
      tpu.wait_dma2 semaphore(%run_scoped3A : memref<!tpu.dma_semaphore, #tpu.memory_space<semaphore_mem>>) src(%arg12 : memref<128x16xf32, #tpu.memory_space<vmem>>) dst(%dma_wait3A_1059 : memref<128x16xf32, #tpu.memory_space<vmem_shared>>)
      tpu.yield
    }) : () -> ()
    %add3A_946 = arith.constant 512 : i32
    %add3A_947 = arith.addi %mul3A_0, %add3A_946 : i32
    "tpu.region"() ({
      %run_scoped3A = tpu.sem_alloc : memref<!tpu.dma_semaphore, #tpu.memory_space<semaphore_mem>>
      %dma_start3A_1052 = arith.constant 0 : i32
      %dma_start3A_1053 = tpu.memref_slice %arg16[%add3A_947, %dma_start3A_1052] : memref<10240x16xf32, #tpu.memory_space<vmem_shared>> -> memref<128x16xf32, #tpu.memory_space<vmem_shared>>
      %dma_start3A_1054 = arith.constant 0 : i32
      %dma_start3A_1055 = tpu.memref_slice %arg16[%add3A_947, %dma_start3A_1054] : memref<10240x16xf32, #tpu.memory_space<vmem_shared>> -> memref<128x16xf32, #tpu.memory_space<vmem_shared>>
      tpu.enqueue_dma source(%arg12 : memref<128x16xf32, #tpu.memory_space<vmem>>) target(%dma_start3A_1055 : memref<128x16xf32, #tpu.memory_space<vmem_shared>>) target_semaphore(%run_scoped3A : memref<!tpu.dma_semaphore, #tpu.memory_space<semaphore_mem>>)
      %dma_wait3A_1056 = arith.constant 0 : i32
      %dma_wait3A_1057 = tpu.memref_slice %arg16[%add3A_947, %dma_wait3A_1056] : memref<10240x16xf32, #tpu.memory_space<vmem_shared>> -> memref<128x16xf32, #tpu.memory_space<vmem_shared>>
      %dma_wait3A_1058 = arith.constant 0 : i32
      %dma_wait3A_1059 = tpu.memref_slice %arg16[%add3A_947, %dma_wait3A_1058] : memref<10240x16xf32, #tpu.memory_space<vmem_shared>> -> memref<128x16xf32, #tpu.memory_space<vmem_shared>>
      tpu.wait_dma2 semaphore(%run_scoped3A : memref<!tpu.dma_semaphore, #tpu.memory_space<semaphore_mem>>) src(%arg12 : memref<128x16xf32, #tpu.memory_space<vmem>>) dst(%dma_wait3A_1059 : memref<128x16xf32, #tpu.memory_space<vmem_shared>>)
      tpu.yield
    }) : () -> ()
    %barrier3A_948 = arith.constant 0 : index
    tpu.barrier barrier_id(%barrier3A_948)
    %dma_start3A_949 = arith.constant 0 : i32
    %dma_start3A_950 = arith.constant 0 : i32
    %dma_start3A_951 = arith.constant 0 : i32
    %dma_start3A_952 = arith.constant 0 : i32
    %dma_start3A_953 = tpu.memref_slice %arg11[%dma_start3A_950, %dma_start3A_951, %dma_start3A_952] : memref<8x128x16xf32, #tpu.memory_space<vmem>> -> memref<1x128x16xf32, #tpu.memory_space<vmem>>
    %dma_start3A_954 = tpu.memref_squeeze %dma_start3A_953 : memref<1x128x16xf32, #tpu.memory_space<vmem>> -> memref<128x16xf32, #tpu.memory_space<vmem>>
    %dma_start3A_955 = arith.constant 0 : i32
    %dma_start3A_956 = tpu.memref_slice %arg9[%dma_start3A_949, %dma_start3A_955] : memref<160x128xi32, #tpu.memory_space<vmem>> -> memref<1x128xi32, #tpu.memory_space<vmem>>
    %dma_start3A_957 = tpu.memref_squeeze %dma_start3A_956 : memref<1x128xi32, #tpu.memory_space<vmem>> -> memref<128xi32, #tpu.memory_space<vmem>>
    %dma_start3A_958 = arith.constant 0 : i32
    %dma_start3A_959 = arith.constant 0 : i32
    %dma_start3A_960 = tpu.memref_slice %arg18[%dma_start3A_958, %dma_start3A_959] : memref<10240x16xf32, #tpu.memory_space<vmem_shared>> -> memref<10240x16xf32, #tpu.memory_space<vmem_shared>>
    tpu.enqueue_indirect_dma source(%dma_start3A_960 : memref<10240x16xf32, #tpu.memory_space<vmem_shared>>) target(%dma_start3A_954 : memref<128x16xf32, #tpu.memory_space<vmem>>) offsets(%dma_start3A_957 : memref<128xi32, #tpu.memory_space<vmem>>) semaphore(%arg19 : memref<!tpu.dma_semaphore, #tpu.memory_space<semaphore_mem>>)
    %dma_start3A_961 = arith.constant 1 : i32
    %dma_start3A_962 = arith.constant 1 : i32
    %dma_start3A_963 = arith.constant 0 : i32
    %dma_start3A_964 = arith.constant 0 : i32
    %dma_start3A_965 = tpu.memref_slice %arg11[%dma_start3A_962, %dma_start3A_963, %dma_start3A_964] : memref<8x128x16xf32, #tpu.memory_space<vmem>> -> memref<1x128x16xf32, #tpu.memory_space<vmem>>
    %dma_start3A_966 = tpu.memref_squeeze %dma_start3A_965 : memref<1x128x16xf32, #tpu.memory_space<vmem>> -> memref<128x16xf32, #tpu.memory_space<vmem>>
    %dma_start3A_967 = arith.constant 0 : i32
    %dma_start3A_968 = tpu.memref_slice %arg9[%dma_start3A_961, %dma_start3A_967] : memref<160x128xi32, #tpu.memory_space<vmem>> -> memref<1x128xi32, #tpu.memory_space<vmem>>
    %dma_start3A_969 = tpu.memref_squeeze %dma_start3A_968 : memref<1x128xi32, #tpu.memory_space<vmem>> -> memref<128xi32, #tpu.memory_space<vmem>>
    %dma_start3A_970 = arith.constant 0 : i32
    %dma_start3A_971 = arith.constant 0 : i32
    %dma_start3A_972 = tpu.memref_slice %arg18[%dma_start3A_970, %dma_start3A_971] : memref<10240x16xf32, #tpu.memory_space<vmem_shared>> -> memref<10240x16xf32, #tpu.memory_space<vmem_shared>>
    tpu.enqueue_indirect_dma source(%dma_start3A_972 : memref<10240x16xf32, #tpu.memory_space<vmem_shared>>) target(%dma_start3A_966 : memref<128x16xf32, #tpu.memory_space<vmem>>) offsets(%dma_start3A_969 : memref<128xi32, #tpu.memory_space<vmem>>) semaphore(%arg20 : memref<!tpu.dma_semaphore, #tpu.memory_space<semaphore_mem>>)
    %dma_start3A_973 = arith.constant 2 : i32
    %dma_start3A_974 = arith.constant 2 : i32
    %dma_start3A_975 = arith.constant 0 : i32
    %dma_start3A_976 = arith.constant 0 : i32
    %dma_start3A_977 = tpu.memref_slice %arg11[%dma_start3A_974, %dma_start3A_975, %dma_start3A_976] : memref<8x128x16xf32, #tpu.memory_space<vmem>> -> memref<1x128x16xf32, #tpu.memory_space<vmem>>
    %dma_start3A_978 = tpu.memref_squeeze %dma_start3A_977 : memref<1x128x16xf32, #tpu.memory_space<vmem>> -> memref<128x16xf32, #tpu.memory_space<vmem>>
    %dma_start3A_979 = arith.constant 0 : i32
    %dma_start3A_980 = tpu.memref_slice %arg9[%dma_start3A_973, %dma_start3A_979] : memref<160x128xi32, #tpu.memory_space<vmem>> -> memref<1x128xi32, #tpu.memory_space<vmem>>
    %dma_start3A_981 = tpu.memref_squeeze %dma_start3A_980 : memref<1x128xi32, #tpu.memory_space<vmem>> -> memref<128xi32, #tpu.memory_space<vmem>>
    %dma_start3A_982 = arith.constant 0 : i32
    %dma_start3A_983 = arith.constant 0 : i32
    %dma_start3A_984 = tpu.memref_slice %arg18[%dma_start3A_982, %dma_start3A_983] : memref<10240x16xf32, #tpu.memory_space<vmem_shared>> -> memref<10240x16xf32, #tpu.memory_space<vmem_shared>>
    tpu.enqueue_indirect_dma source(%dma_start3A_984 : memref<10240x16xf32, #tpu.memory_space<vmem_shared>>) target(%dma_start3A_978 : memref<128x16xf32, #tpu.memory_space<vmem>>) offsets(%dma_start3A_981 : memref<128xi32, #tpu.memory_space<vmem>>) semaphore(%arg21 : memref<!tpu.dma_semaphore, #tpu.memory_space<semaphore_mem>>)
    %dma_start3A_985 = arith.constant 3 : i32
    %dma_start3A_986 = arith.constant 3 : i32
    %dma_start3A_987 = arith.constant 0 : i32
    %dma_start3A_988 = arith.constant 0 : i32
    %dma_start3A_989 = tpu.memref_slice %arg11[%dma_start3A_986, %dma_start3A_987, %dma_start3A_988] : memref<8x128x16xf32, #tpu.memory_space<vmem>> -> memref<1x128x16xf32, #tpu.memory_space<vmem>>
    %dma_start3A_990 = tpu.memref_squeeze %dma_start3A_989 : memref<1x128x16xf32, #tpu.memory_space<vmem>> -> memref<128x16xf32, #tpu.memory_space<vmem>>
    %dma_start3A_991 = arith.constant 0 : i32
    %dma_start3A_992 = tpu.memref_slice %arg9[%dma_start3A_985, %dma_start3A_991] : memref<160x128xi32, #tpu.memory_space<vmem>> -> memref<1x128xi32, #tpu.memory_space<vmem>>
    %dma_start3A_993 = tpu.memref_squeeze %dma_start3A_992 : memref<1x128xi32, #tpu.memory_space<vmem>> -> memref<128xi32, #tpu.memory_space<vmem>>
    %dma_start3A_994 = arith.constant 0 : i32
    %dma_start3A_995 = arith.constant 0 : i32
    %dma_start3A_996 = tpu.memref_slice %arg18[%dma_start3A_994, %dma_start3A_995] : memref<10240x16xf32, #tpu.memory_space<vmem_shared>> -> memref<10240x16xf32, #tpu.memory_space<vmem_shared>>
    tpu.enqueue_indirect_dma source(%dma_start3A_996 : memref<10240x16xf32, #tpu.memory_space<vmem_shared>>) target(%dma_start3A_990 : memref<128x16xf32, #tpu.memory_space<vmem>>) offsets(%dma_start3A_993 : memref<128xi32, #tpu.memory_space<vmem>>) semaphore(%arg22 : memref<!tpu.dma_semaphore, #tpu.memory_space<semaphore_mem>>)
    %dma_start3A_997 = arith.constant 4 : i32
    %dma_start3A_998 = arith.constant 4 : i32
    %dma_start3A_999 = arith.constant 0 : i32
    %dma_start3A_1000 = arith.constant 0 : i32
    %dma_start3A_1001 = tpu.memref_slice %arg11[%dma_start3A_998, %dma_start3A_999, %dma_start3A_1000] : memref<8x128x16xf32, #tpu.memory_space<vmem>> -> memref<1x128x16xf32, #tpu.memory_space<vmem>>
    %dma_start3A_1002 = tpu.memref_squeeze %dma_start3A_1001 : memref<1x128x16xf32, #tpu.memory_space<vmem>> -> memref<128x16xf32, #tpu.memory_space<vmem>>
    %dma_start3A_1003 = arith.constant 0 : i32
    %dma_start3A_1004 = tpu.memref_slice %arg9[%dma_start3A_997, %dma_start3A_1003] : memref<160x128xi32, #tpu.memory_space<vmem>> -> memref<1x128xi32, #tpu.memory_space<vmem>>
    %dma_start3A_1005 = tpu.memref_squeeze %dma_start3A_1004 : memref<1x128xi32, #tpu.memory_space<vmem>> -> memref<128xi32, #tpu.memory_space<vmem>>
    %dma_start3A_1006 = arith.constant 0 : i32
    %dma_start3A_1007 = arith.constant 0 : i32
    %dma_start3A_1008 = tpu.memref_slice %arg18[%dma_start3A_1006, %dma_start3A_1007] : memref<10240x16xf32, #tpu.memory_space<vmem_shared>> -> memref<10240x16xf32, #tpu.memory_space<vmem_shared>>
    tpu.enqueue_indirect_dma source(%dma_start3A_1008 : memref<10240x16xf32, #tpu.memory_space<vmem_shared>>) target(%dma_start3A_1002 : memref<128x16xf32, #tpu.memory_space<vmem>>) offsets(%dma_start3A_1005 : memref<128xi32, #tpu.memory_space<vmem>>) semaphore(%arg23 : memref<!tpu.dma_semaphore, #tpu.memory_space<semaphore_mem>>)
    %dma_start3A_1009 = arith.constant 5 : i32
    %dma_start3A_1010 = arith.constant 5 : i32
    %dma_start3A_1011 = arith.constant 0 : i32
    %dma_start3A_1012 = arith.constant 0 : i32
    %dma_start3A_1013 = tpu.memref_slice %arg11[%dma_start3A_1010, %dma_start3A_1011, %dma_start3A_1012] : memref<8x128x16xf32, #tpu.memory_space<vmem>> -> memref<1x128x16xf32, #tpu.memory_space<vmem>>
    %dma_start3A_1014 = tpu.memref_squeeze %dma_start3A_1013 : memref<1x128x16xf32, #tpu.memory_space<vmem>> -> memref<128x16xf32, #tpu.memory_space<vmem>>
    %dma_start3A_1015 = arith.constant 0 : i32
    %dma_start3A_1016 = tpu.memref_slice %arg9[%dma_start3A_1009, %dma_start3A_1015] : memref<160x128xi32, #tpu.memory_space<vmem>> -> memref<1x128xi32, #tpu.memory_space<vmem>>
    %dma_start3A_1017 = tpu.memref_squeeze %dma_start3A_1016 : memref<1x128xi32, #tpu.memory_space<vmem>> -> memref<128xi32, #tpu.memory_space<vmem>>
    %dma_start3A_1018 = arith.constant 0 : i32
    %dma_start3A_1019 = arith.constant 0 : i32
    %dma_start3A_1020 = tpu.memref_slice %arg18[%dma_start3A_1018, %dma_start3A_1019] : memref<10240x16xf32, #tpu.memory_space<vmem_shared>> -> memref<10240x16xf32, #tpu.memory_space<vmem_shared>>
    tpu.enqueue_indirect_dma source(%dma_start3A_1020 : memref<10240x16xf32, #tpu.memory_space<vmem_shared>>) target(%dma_start3A_1014 : memref<128x16xf32, #tpu.memory_space<vmem>>) offsets(%dma_start3A_1017 : memref<128xi32, #tpu.memory_space<vmem>>) semaphore(%arg24 : memref<!tpu.dma_semaphore, #tpu.memory_space<semaphore_mem>>)
    %dma_start3A_1021 = arith.constant 6 : i32
    %dma_start3A_1022 = arith.constant 6 : i32
    %dma_start3A_1023 = arith.constant 0 : i32
    %dma_start3A_1024 = arith.constant 0 : i32
    %dma_start3A_1025 = tpu.memref_slice %arg11[%dma_start3A_1022, %dma_start3A_1023, %dma_start3A_1024] : memref<8x128x16xf32, #tpu.memory_space<vmem>> -> memref<1x128x16xf32, #tpu.memory_space<vmem>>
    %dma_start3A_1026 = tpu.memref_squeeze %dma_start3A_1025 : memref<1x128x16xf32, #tpu.memory_space<vmem>> -> memref<128x16xf32, #tpu.memory_space<vmem>>
    %dma_start3A_1027 = arith.constant 0 : i32
    %dma_start3A_1028 = tpu.memref_slice %arg9[%dma_start3A_1021, %dma_start3A_1027] : memref<160x128xi32, #tpu.memory_space<vmem>> -> memref<1x128xi32, #tpu.memory_space<vmem>>
    %dma_start3A_1029 = tpu.memref_squeeze %dma_start3A_1028 : memref<1x128xi32, #tpu.memory_space<vmem>> -> memref<128xi32, #tpu.memory_space<vmem>>
    %dma_start3A_1030 = arith.constant 0 : i32
    %dma_start3A_1031 = arith.constant 0 : i32
    %dma_start3A_1032 = tpu.memref_slice %arg18[%dma_start3A_1030, %dma_start3A_1031] : memref<10240x16xf32, #tpu.memory_space<vmem_shared>> -> memref<10240x16xf32, #tpu.memory_space<vmem_shared>>
    tpu.enqueue_indirect_dma source(%dma_start3A_1032 : memref<10240x16xf32, #tpu.memory_space<vmem_shared>>) target(%dma_start3A_1026 : memref<128x16xf32, #tpu.memory_space<vmem>>) offsets(%dma_start3A_1029 : memref<128xi32, #tpu.memory_space<vmem>>) semaphore(%arg25 : memref<!tpu.dma_semaphore, #tpu.memory_space<semaphore_mem>>)
    %dma_start3A_1033 = arith.constant 7 : i32
    %dma_start3A_1034 = arith.constant 7 : i32
    %dma_start3A_1035 = arith.constant 0 : i32
    %dma_start3A_1036 = arith.constant 0 : i32
    %dma_start3A_1037 = tpu.memref_slice %arg11[%dma_start3A_1034, %dma_start3A_1035, %dma_start3A_1036] : memref<8x128x16xf32, #tpu.memory_space<vmem>> -> memref<1x128x16xf32, #tpu.memory_space<vmem>>
    %dma_start3A_1038 = tpu.memref_squeeze %dma_start3A_1037 : memref<1x128x16xf32, #tpu.memory_space<vmem>> -> memref<128x16xf32, #tpu.memory_space<vmem>>
    %dma_start3A_1039 = arith.constant 0 : i32
    %dma_start3A_1040 = tpu.memref_slice %arg9[%dma_start3A_1033, %dma_start3A_1039] : memref<160x128xi32, #tpu.memory_space<vmem>> -> memref<1x128xi32, #tpu.memory_space<vmem>>
    %dma_start3A_1041 = tpu.memref_squeeze %dma_start3A_1040 : memref<1x128xi32, #tpu.memory_space<vmem>> -> memref<128xi32, #tpu.memory_space<vmem>>
    %dma_start3A_1042 = arith.constant 0 : i32
    %dma_start3A_1043 = arith.constant 0 : i32
    %dma_start3A_1044 = tpu.memref_slice %arg18[%dma_start3A_1042, %dma_start3A_1043] : memref<10240x16xf32, #tpu.memory_space<vmem_shared>> -> memref<10240x16xf32, #tpu.memory_space<vmem_shared>>
    tpu.enqueue_indirect_dma source(%dma_start3A_1044 : memref<10240x16xf32, #tpu.memory_space<vmem_shared>>) target(%dma_start3A_1038 : memref<128x16xf32, #tpu.memory_space<vmem>>) offsets(%dma_start3A_1041 : memref<128xi32, #tpu.memory_space<vmem>>) semaphore(%arg26 : memref<!tpu.dma_semaphore, #tpu.memory_space<semaphore_mem>>)
    %scan3A_1045 = arith.constant 0 : i32
    %scan3A_1046 = arith.constant 0 : i32
    %scan3A_1047 = arith.constant 20 : i32
    %scan3A_1048 = arith.addi %scan3A_1046, %scan3A_1047 : i32
    %scan3A_1049 = arith.constant 1 : i32
    scf.for %scan3A_1052 = %scan3A_1046 to %scan3A_1048 step %scan3A_1049  : i32 {
      %mul3A_1053 = arith.constant 8 : i32
      %mul3A_1054 = arith.muli %scan3A_1052, %mul3A_1053 : i32
      %add3A_1055 = arith.constant 0 : i32
      %add3A_1056 = arith.addi %mul3A_1054, %add3A_1055 : i32
      %dma_wait3A_1057 = arith.constant 0 : i32
      %dma_wait3A_1058 = arith.constant 0 : i32
      %dma_wait3A_1059 = arith.constant 0 : i32
      %dma_wait3A_1060 = tpu.memref_slice %arg11[%dma_wait3A_1057, %dma_wait3A_1058, %dma_wait3A_1059] : memref<8x128x16xf32, #tpu.memory_space<vmem>> -> memref<1x128x16xf32, #tpu.memory_space<vmem>>
      %dma_wait3A_1061 = tpu.memref_squeeze %dma_wait3A_1060 : memref<1x128x16xf32, #tpu.memory_space<vmem>> -> memref<128x16xf32, #tpu.memory_space<vmem>>
      %dma_wait3A_1062 = arith.constant 0 : i32
      %dma_wait3A_1063 = tpu.memref_slice %arg9[%add3A_1056, %dma_wait3A_1062] : memref<160x128xi32, #tpu.memory_space<vmem>> -> memref<1x128xi32, #tpu.memory_space<vmem>>
      %dma_wait3A_1064 = tpu.memref_squeeze %dma_wait3A_1063 : memref<1x128xi32, #tpu.memory_space<vmem>> -> memref<128xi32, #tpu.memory_space<vmem>>
      %dma_wait3A_1065 = arith.constant 0 : i32
      %dma_wait3A_1066 = arith.constant 0 : i32
      %dma_wait3A_1067 = tpu.memref_slice %arg18[%dma_wait3A_1065, %dma_wait3A_1066] : memref<10240x16xf32, #tpu.memory_space<vmem_shared>> -> memref<10240x16xf32, #tpu.memory_space<vmem_shared>>
      tpu.wait_indirect_dma semaphore(%arg19 : memref<!tpu.dma_semaphore, #tpu.memory_space<semaphore_mem>>) src(%dma_wait3A_1067 : memref<10240x16xf32, #tpu.memory_space<vmem_shared>>) dst(%dma_wait3A_1061 : memref<128x16xf32, #tpu.memory_space<vmem>>)
      %dma_start3A_1068 = arith.constant 0 : i32
      %dma_start3A_1069 = arith.constant 0 : i32
      %dma_start3A_1070 = arith.constant 0 : i32
      %dma_start3A_1071 = tpu.memref_slice %arg11[%dma_start3A_1068, %dma_start3A_1069, %dma_start3A_1070] : memref<8x128x16xf32, #tpu.memory_space<vmem>> -> memref<1x128x16xf32, #tpu.memory_space<vmem>>
      %dma_start3A_1072 = tpu.memref_squeeze %dma_start3A_1071 : memref<1x128x16xf32, #tpu.memory_space<vmem>> -> memref<128x16xf32, #tpu.memory_space<vmem>>
      %dma_start3A_1073 = arith.constant 0 : i32
      %dma_start3A_1074 = tpu.memref_slice %arg10[%add3A_1056, %dma_start3A_1073] : memref<160x128xi32, #tpu.memory_space<vmem>> -> memref<1x128xi32, #tpu.memory_space<vmem>>
      %dma_start3A_1075 = tpu.memref_squeeze %dma_start3A_1074 : memref<1x128xi32, #tpu.memory_space<vmem>> -> memref<128xi32, #tpu.memory_space<vmem>>
      %dma_start3A_1076 = arith.constant 0 : i32
      %dma_start3A_1077 = arith.constant 0 : i32
      %dma_start3A_1078 = tpu.memref_slice %arg16[%dma_start3A_1076, %dma_start3A_1077] : memref<10240x16xf32, #tpu.memory_space<vmem_shared>> -> memref<10240x16xf32, #tpu.memory_space<vmem_shared>>
      tpu.enqueue_indirect_dma source(%dma_start3A_1072 : memref<128x16xf32, #tpu.memory_space<vmem>>) target(%dma_start3A_1078 : memref<10240x16xf32, #tpu.memory_space<vmem_shared>>) offsets(%dma_start3A_1075 : memref<128xi32, #tpu.memory_space<vmem>>) semaphore(%arg27 : memref<!tpu.dma_semaphore, #tpu.memory_space<semaphore_mem>>) {add = true}
      %add3A_1079 = arith.constant 1 : i32
      %add3A_1080 = arith.addi %mul3A_1054, %add3A_1079 : i32
      %dma_wait3A_1081 = arith.constant 1 : i32
      %dma_wait3A_1082 = arith.constant 0 : i32
      %dma_wait3A_1083 = arith.constant 0 : i32
      %dma_wait3A_1084 = tpu.memref_slice %arg11[%dma_wait3A_1081, %dma_wait3A_1082, %dma_wait3A_1083] : memref<8x128x16xf32, #tpu.memory_space<vmem>> -> memref<1x128x16xf32, #tpu.memory_space<vmem>>
      %dma_wait3A_1085 = tpu.memref_squeeze %dma_wait3A_1084 : memref<1x128x16xf32, #tpu.memory_space<vmem>> -> memref<128x16xf32, #tpu.memory_space<vmem>>
      %dma_wait3A_1086 = arith.constant 0 : i32
      %dma_wait3A_1087 = tpu.memref_slice %arg9[%add3A_1080, %dma_wait3A_1086] : memref<160x128xi32, #tpu.memory_space<vmem>> -> memref<1x128xi32, #tpu.memory_space<vmem>>
      %dma_wait3A_1088 = tpu.memref_squeeze %dma_wait3A_1087 : memref<1x128xi32, #tpu.memory_space<vmem>> -> memref<128xi32, #tpu.memory_space<vmem>>
      %dma_wait3A_1089 = arith.constant 0 : i32
      %dma_wait3A_1090 = arith.constant 0 : i32
      %dma_wait3A_1091 = tpu.memref_slice %arg18[%dma_wait3A_1089, %dma_wait3A_1090] : memref<10240x16xf32, #tpu.memory_space<vmem_shared>> -> memref<10240x16xf32, #tpu.memory_space<vmem_shared>>
      tpu.wait_indirect_dma semaphore(%arg20 : memref<!tpu.dma_semaphore, #tpu.memory_space<semaphore_mem>>) src(%dma_wait3A_1091 : memref<10240x16xf32, #tpu.memory_space<vmem_shared>>) dst(%dma_wait3A_1085 : memref<128x16xf32, #tpu.memory_space<vmem>>)
      %dma_start3A_1092 = arith.constant 1 : i32
      %dma_start3A_1093 = arith.constant 0 : i32
      %dma_start3A_1094 = arith.constant 0 : i32
      %dma_start3A_1095 = tpu.memref_slice %arg11[%dma_start3A_1092, %dma_start3A_1093, %dma_start3A_1094] : memref<8x128x16xf32, #tpu.memory_space<vmem>> -> memref<1x128x16xf32, #tpu.memory_space<vmem>>
      %dma_start3A_1096 = tpu.memref_squeeze %dma_start3A_1095 : memref<1x128x16xf32, #tpu.memory_space<vmem>> -> memref<128x16xf32, #tpu.memory_space<vmem>>
      %dma_start3A_1097 = arith.constant 0 : i32
      %dma_start3A_1098 = tpu.memref_slice %arg10[%add3A_1080, %dma_start3A_1097] : memref<160x128xi32, #tpu.memory_space<vmem>> -> memref<1x128xi32, #tpu.memory_space<vmem>>
      %dma_start3A_1099 = tpu.memref_squeeze %dma_start3A_1098 : memref<1x128xi32, #tpu.memory_space<vmem>> -> memref<128xi32, #tpu.memory_space<vmem>>
      %dma_start3A_1100 = arith.constant 0 : i32
      %dma_start3A_1101 = arith.constant 0 : i32
      %dma_start3A_1102 = tpu.memref_slice %arg16[%dma_start3A_1100, %dma_start3A_1101] : memref<10240x16xf32, #tpu.memory_space<vmem_shared>> -> memref<10240x16xf32, #tpu.memory_space<vmem_shared>>
      tpu.enqueue_indirect_dma source(%dma_start3A_1096 : memref<128x16xf32, #tpu.memory_space<vmem>>) target(%dma_start3A_1102 : memref<10240x16xf32, #tpu.memory_space<vmem_shared>>) offsets(%dma_start3A_1099 : memref<128xi32, #tpu.memory_space<vmem>>) semaphore(%arg28 : memref<!tpu.dma_semaphore, #tpu.memory_space<semaphore_mem>>) {add = true}
      %add3A_1103 = arith.constant 2 : i32
      %add3A_1104 = arith.addi %mul3A_1054, %add3A_1103 : i32
      %dma_wait3A_1105 = arith.constant 2 : i32
      %dma_wait3A_1106 = arith.constant 0 : i32
      %dma_wait3A_1107 = arith.constant 0 : i32
      %dma_wait3A_1108 = tpu.memref_slice %arg11[%dma_wait3A_1105, %dma_wait3A_1106, %dma_wait3A_1107] : memref<8x128x16xf32, #tpu.memory_space<vmem>> -> memref<1x128x16xf32, #tpu.memory_space<vmem>>
      %dma_wait3A_1109 = tpu.memref_squeeze %dma_wait3A_1108 : memref<1x128x16xf32, #tpu.memory_space<vmem>> -> memref<128x16xf32, #tpu.memory_space<vmem>>
      %dma_wait3A_1110 = arith.constant 0 : i32
      %dma_wait3A_1111 = tpu.memref_slice %arg9[%add3A_1104, %dma_wait3A_1110] : memref<160x128xi32, #tpu.memory_space<vmem>> -> memref<1x128xi32, #tpu.memory_space<vmem>>
      %dma_wait3A_1112 = tpu.memref_squeeze %dma_wait3A_1111 : memref<1x128xi32, #tpu.memory_space<vmem>> -> memref<128xi32, #tpu.memory_space<vmem>>
      %dma_wait3A_1113 = arith.constant 0 : i32
      %dma_wait3A_1114 = arith.constant 0 : i32
      %dma_wait3A_1115 = tpu.memref_slice %arg18[%dma_wait3A_1113, %dma_wait3A_1114] : memref<10240x16xf32, #tpu.memory_space<vmem_shared>> -> memref<10240x16xf32, #tpu.memory_space<vmem_shared>>
      tpu.wait_indirect_dma semaphore(%arg21 : memref<!tpu.dma_semaphore, #tpu.memory_space<semaphore_mem>>) src(%dma_wait3A_1115 : memref<10240x16xf32, #tpu.memory_space<vmem_shared>>) dst(%dma_wait3A_1109 : memref<128x16xf32, #tpu.memory_space<vmem>>)
      %dma_start3A_1116 = arith.constant 2 : i32
      %dma_start3A_1117 = arith.constant 0 : i32
      %dma_start3A_1118 = arith.constant 0 : i32
      %dma_start3A_1119 = tpu.memref_slice %arg11[%dma_start3A_1116, %dma_start3A_1117, %dma_start3A_1118] : memref<8x128x16xf32, #tpu.memory_space<vmem>> -> memref<1x128x16xf32, #tpu.memory_space<vmem>>
      %dma_start3A_1120 = tpu.memref_squeeze %dma_start3A_1119 : memref<1x128x16xf32, #tpu.memory_space<vmem>> -> memref<128x16xf32, #tpu.memory_space<vmem>>
      %dma_start3A_1121 = arith.constant 0 : i32
      %dma_start3A_1122 = tpu.memref_slice %arg10[%add3A_1104, %dma_start3A_1121] : memref<160x128xi32, #tpu.memory_space<vmem>> -> memref<1x128xi32, #tpu.memory_space<vmem>>
      %dma_start3A_1123 = tpu.memref_squeeze %dma_start3A_1122 : memref<1x128xi32, #tpu.memory_space<vmem>> -> memref<128xi32, #tpu.memory_space<vmem>>
      %dma_start3A_1124 = arith.constant 0 : i32
      %dma_start3A_1125 = arith.constant 0 : i32
      %dma_start3A_1126 = tpu.memref_slice %arg16[%dma_start3A_1124, %dma_start3A_1125] : memref<10240x16xf32, #tpu.memory_space<vmem_shared>> -> memref<10240x16xf32, #tpu.memory_space<vmem_shared>>
      tpu.enqueue_indirect_dma source(%dma_start3A_1120 : memref<128x16xf32, #tpu.memory_space<vmem>>) target(%dma_start3A_1126 : memref<10240x16xf32, #tpu.memory_space<vmem_shared>>) offsets(%dma_start3A_1123 : memref<128xi32, #tpu.memory_space<vmem>>) semaphore(%arg29 : memref<!tpu.dma_semaphore, #tpu.memory_space<semaphore_mem>>) {add = true}
      %add3A_1127 = arith.constant 3 : i32
      %add3A_1128 = arith.addi %mul3A_1054, %add3A_1127 : i32
      %dma_wait3A_1129 = arith.constant 3 : i32
      %dma_wait3A_1130 = arith.constant 0 : i32
      %dma_wait3A_1131 = arith.constant 0 : i32
      %dma_wait3A_1132 = tpu.memref_slice %arg11[%dma_wait3A_1129, %dma_wait3A_1130, %dma_wait3A_1131] : memref<8x128x16xf32, #tpu.memory_space<vmem>> -> memref<1x128x16xf32, #tpu.memory_space<vmem>>
      %dma_wait3A_1133 = tpu.memref_squeeze %dma_wait3A_1132 : memref<1x128x16xf32, #tpu.memory_space<vmem>> -> memref<128x16xf32, #tpu.memory_space<vmem>>
      %dma_wait3A_1134 = arith.constant 0 : i32
      %dma_wait3A_1135 = tpu.memref_slice %arg9[%add3A_1128, %dma_wait3A_1134] : memref<160x128xi32, #tpu.memory_space<vmem>> -> memref<1x128xi32, #tpu.memory_space<vmem>>
      %dma_wait3A_1136 = tpu.memref_squeeze %dma_wait3A_1135 : memref<1x128xi32, #tpu.memory_space<vmem>> -> memref<128xi32, #tpu.memory_space<vmem>>
      %dma_wait3A_1137 = arith.constant 0 : i32
      %dma_wait3A_1138 = arith.constant 0 : i32
      %dma_wait3A_1139 = tpu.memref_slice %arg18[%dma_wait3A_1137, %dma_wait3A_1138] : memref<10240x16xf32, #tpu.memory_space<vmem_shared>> -> memref<10240x16xf32, #tpu.memory_space<vmem_shared>>
      tpu.wait_indirect_dma semaphore(%arg22 : memref<!tpu.dma_semaphore, #tpu.memory_space<semaphore_mem>>) src(%dma_wait3A_1139 : memref<10240x16xf32, #tpu.memory_space<vmem_shared>>) dst(%dma_wait3A_1133 : memref<128x16xf32, #tpu.memory_space<vmem>>)
      %dma_start3A_1140 = arith.constant 3 : i32
      %dma_start3A_1141 = arith.constant 0 : i32
      %dma_start3A_1142 = arith.constant 0 : i32
      %dma_start3A_1143 = tpu.memref_slice %arg11[%dma_start3A_1140, %dma_start3A_1141, %dma_start3A_1142] : memref<8x128x16xf32, #tpu.memory_space<vmem>> -> memref<1x128x16xf32, #tpu.memory_space<vmem>>
      %dma_start3A_1144 = tpu.memref_squeeze %dma_start3A_1143 : memref<1x128x16xf32, #tpu.memory_space<vmem>> -> memref<128x16xf32, #tpu.memory_space<vmem>>
      %dma_start3A_1145 = arith.constant 0 : i32
      %dma_start3A_1146 = tpu.memref_slice %arg10[%add3A_1128, %dma_start3A_1145] : memref<160x128xi32, #tpu.memory_space<vmem>> -> memref<1x128xi32, #tpu.memory_space<vmem>>
      %dma_start3A_1147 = tpu.memref_squeeze %dma_start3A_1146 : memref<1x128xi32, #tpu.memory_space<vmem>> -> memref<128xi32, #tpu.memory_space<vmem>>
      %dma_start3A_1148 = arith.constant 0 : i32
      %dma_start3A_1149 = arith.constant 0 : i32
      %dma_start3A_1150 = tpu.memref_slice %arg16[%dma_start3A_1148, %dma_start3A_1149] : memref<10240x16xf32, #tpu.memory_space<vmem_shared>> -> memref<10240x16xf32, #tpu.memory_space<vmem_shared>>
      tpu.enqueue_indirect_dma source(%dma_start3A_1144 : memref<128x16xf32, #tpu.memory_space<vmem>>) target(%dma_start3A_1150 : memref<10240x16xf32, #tpu.memory_space<vmem_shared>>) offsets(%dma_start3A_1147 : memref<128xi32, #tpu.memory_space<vmem>>) semaphore(%arg30 : memref<!tpu.dma_semaphore, #tpu.memory_space<semaphore_mem>>) {add = true}
      %add3A_1151 = arith.constant 4 : i32
      %add3A_1152 = arith.addi %mul3A_1054, %add3A_1151 : i32
      %dma_wait3A_1153 = arith.constant 4 : i32
      %dma_wait3A_1154 = arith.constant 0 : i32
      %dma_wait3A_1155 = arith.constant 0 : i32
      %dma_wait3A_1156 = tpu.memref_slice %arg11[%dma_wait3A_1153, %dma_wait3A_1154, %dma_wait3A_1155] : memref<8x128x16xf32, #tpu.memory_space<vmem>> -> memref<1x128x16xf32, #tpu.memory_space<vmem>>
      %dma_wait3A_1157 = tpu.memref_squeeze %dma_wait3A_1156 : memref<1x128x16xf32, #tpu.memory_space<vmem>> -> memref<128x16xf32, #tpu.memory_space<vmem>>
      %dma_wait3A_1158 = arith.constant 0 : i32
      %dma_wait3A_1159 = tpu.memref_slice %arg9[%add3A_1152, %dma_wait3A_1158] : memref<160x128xi32, #tpu.memory_space<vmem>> -> memref<1x128xi32, #tpu.memory_space<vmem>>
      %dma_wait3A_1160 = tpu.memref_squeeze %dma_wait3A_1159 : memref<1x128xi32, #tpu.memory_space<vmem>> -> memref<128xi32, #tpu.memory_space<vmem>>
      %dma_wait3A_1161 = arith.constant 0 : i32
      %dma_wait3A_1162 = arith.constant 0 : i32
      %dma_wait3A_1163 = tpu.memref_slice %arg18[%dma_wait3A_1161, %dma_wait3A_1162] : memref<10240x16xf32, #tpu.memory_space<vmem_shared>> -> memref<10240x16xf32, #tpu.memory_space<vmem_shared>>
      tpu.wait_indirect_dma semaphore(%arg23 : memref<!tpu.dma_semaphore, #tpu.memory_space<semaphore_mem>>) src(%dma_wait3A_1163 : memref<10240x16xf32, #tpu.memory_space<vmem_shared>>) dst(%dma_wait3A_1157 : memref<128x16xf32, #tpu.memory_space<vmem>>)
      %dma_start3A_1164 = arith.constant 4 : i32
      %dma_start3A_1165 = arith.constant 0 : i32
      %dma_start3A_1166 = arith.constant 0 : i32
      %dma_start3A_1167 = tpu.memref_slice %arg11[%dma_start3A_1164, %dma_start3A_1165, %dma_start3A_1166] : memref<8x128x16xf32, #tpu.memory_space<vmem>> -> memref<1x128x16xf32, #tpu.memory_space<vmem>>
      %dma_start3A_1168 = tpu.memref_squeeze %dma_start3A_1167 : memref<1x128x16xf32, #tpu.memory_space<vmem>> -> memref<128x16xf32, #tpu.memory_space<vmem>>
      %dma_start3A_1169 = arith.constant 0 : i32
      %dma_start3A_1170 = tpu.memref_slice %arg10[%add3A_1152, %dma_start3A_1169] : memref<160x128xi32, #tpu.memory_space<vmem>> -> memref<1x128xi32, #tpu.memory_space<vmem>>
      %dma_start3A_1171 = tpu.memref_squeeze %dma_start3A_1170 : memref<1x128xi32, #tpu.memory_space<vmem>> -> memref<128xi32, #tpu.memory_space<vmem>>
      %dma_start3A_1172 = arith.constant 0 : i32
      %dma_start3A_1173 = arith.constant 0 : i32
      %dma_start3A_1174 = tpu.memref_slice %arg16[%dma_start3A_1172, %dma_start3A_1173] : memref<10240x16xf32, #tpu.memory_space<vmem_shared>> -> memref<10240x16xf32, #tpu.memory_space<vmem_shared>>
      tpu.enqueue_indirect_dma source(%dma_start3A_1168 : memref<128x16xf32, #tpu.memory_space<vmem>>) target(%dma_start3A_1174 : memref<10240x16xf32, #tpu.memory_space<vmem_shared>>) offsets(%dma_start3A_1171 : memref<128xi32, #tpu.memory_space<vmem>>) semaphore(%arg31 : memref<!tpu.dma_semaphore, #tpu.memory_space<semaphore_mem>>) {add = true}
      %add3A_1175 = arith.constant 5 : i32
      %add3A_1176 = arith.addi %mul3A_1054, %add3A_1175 : i32
      %dma_wait3A_1177 = arith.constant 5 : i32
      %dma_wait3A_1178 = arith.constant 0 : i32
      %dma_wait3A_1179 = arith.constant 0 : i32
      %dma_wait3A_1180 = tpu.memref_slice %arg11[%dma_wait3A_1177, %dma_wait3A_1178, %dma_wait3A_1179] : memref<8x128x16xf32, #tpu.memory_space<vmem>> -> memref<1x128x16xf32, #tpu.memory_space<vmem>>
      %dma_wait3A_1181 = tpu.memref_squeeze %dma_wait3A_1180 : memref<1x128x16xf32, #tpu.memory_space<vmem>> -> memref<128x16xf32, #tpu.memory_space<vmem>>
      %dma_wait3A_1182 = arith.constant 0 : i32
      %dma_wait3A_1183 = tpu.memref_slice %arg9[%add3A_1176, %dma_wait3A_1182] : memref<160x128xi32, #tpu.memory_space<vmem>> -> memref<1x128xi32, #tpu.memory_space<vmem>>
      %dma_wait3A_1184 = tpu.memref_squeeze %dma_wait3A_1183 : memref<1x128xi32, #tpu.memory_space<vmem>> -> memref<128xi32, #tpu.memory_space<vmem>>
      %dma_wait3A_1185 = arith.constant 0 : i32
      %dma_wait3A_1186 = arith.constant 0 : i32
      %dma_wait3A_1187 = tpu.memref_slice %arg18[%dma_wait3A_1185, %dma_wait3A_1186] : memref<10240x16xf32, #tpu.memory_space<vmem_shared>> -> memref<10240x16xf32, #tpu.memory_space<vmem_shared>>
      tpu.wait_indirect_dma semaphore(%arg24 : memref<!tpu.dma_semaphore, #tpu.memory_space<semaphore_mem>>) src(%dma_wait3A_1187 : memref<10240x16xf32, #tpu.memory_space<vmem_shared>>) dst(%dma_wait3A_1181 : memref<128x16xf32, #tpu.memory_space<vmem>>)
      %dma_start3A_1188 = arith.constant 5 : i32
      %dma_start3A_1189 = arith.constant 0 : i32
      %dma_start3A_1190 = arith.constant 0 : i32
      %dma_start3A_1191 = tpu.memref_slice %arg11[%dma_start3A_1188, %dma_start3A_1189, %dma_start3A_1190] : memref<8x128x16xf32, #tpu.memory_space<vmem>> -> memref<1x128x16xf32, #tpu.memory_space<vmem>>
      %dma_start3A_1192 = tpu.memref_squeeze %dma_start3A_1191 : memref<1x128x16xf32, #tpu.memory_space<vmem>> -> memref<128x16xf32, #tpu.memory_space<vmem>>
      %dma_start3A_1193 = arith.constant 0 : i32
      %dma_start3A_1194 = tpu.memref_slice %arg10[%add3A_1176, %dma_start3A_1193] : memref<160x128xi32, #tpu.memory_space<vmem>> -> memref<1x128xi32, #tpu.memory_space<vmem>>
      %dma_start3A_1195 = tpu.memref_squeeze %dma_start3A_1194 : memref<1x128xi32, #tpu.memory_space<vmem>> -> memref<128xi32, #tpu.memory_space<vmem>>
      %dma_start3A_1196 = arith.constant 0 : i32
      %dma_start3A_1197 = arith.constant 0 : i32
      %dma_start3A_1198 = tpu.memref_slice %arg16[%dma_start3A_1196, %dma_start3A_1197] : memref<10240x16xf32, #tpu.memory_space<vmem_shared>> -> memref<10240x16xf32, #tpu.memory_space<vmem_shared>>
      tpu.enqueue_indirect_dma source(%dma_start3A_1192 : memref<128x16xf32, #tpu.memory_space<vmem>>) target(%dma_start3A_1198 : memref<10240x16xf32, #tpu.memory_space<vmem_shared>>) offsets(%dma_start3A_1195 : memref<128xi32, #tpu.memory_space<vmem>>) semaphore(%arg32 : memref<!tpu.dma_semaphore, #tpu.memory_space<semaphore_mem>>) {add = true}
      %add3A_1199 = arith.constant 6 : i32
      %add3A_1200 = arith.addi %mul3A_1054, %add3A_1199 : i32
      %dma_wait3A_1201 = arith.constant 6 : i32
      %dma_wait3A_1202 = arith.constant 0 : i32
      %dma_wait3A_1203 = arith.constant 0 : i32
      %dma_wait3A_1204 = tpu.memref_slice %arg11[%dma_wait3A_1201, %dma_wait3A_1202, %dma_wait3A_1203] : memref<8x128x16xf32, #tpu.memory_space<vmem>> -> memref<1x128x16xf32, #tpu.memory_space<vmem>>
      %dma_wait3A_1205 = tpu.memref_squeeze %dma_wait3A_1204 : memref<1x128x16xf32, #tpu.memory_space<vmem>> -> memref<128x16xf32, #tpu.memory_space<vmem>>
      %dma_wait3A_1206 = arith.constant 0 : i32
      %dma_wait3A_1207 = tpu.memref_slice %arg9[%add3A_1200, %dma_wait3A_1206] : memref<160x128xi32, #tpu.memory_space<vmem>> -> memref<1x128xi32, #tpu.memory_space<vmem>>
      %dma_wait3A_1208 = tpu.memref_squeeze %dma_wait3A_1207 : memref<1x128xi32, #tpu.memory_space<vmem>> -> memref<128xi32, #tpu.memory_space<vmem>>
      %dma_wait3A_1209 = arith.constant 0 : i32
      %dma_wait3A_1210 = arith.constant 0 : i32
      %dma_wait3A_1211 = tpu.memref_slice %arg18[%dma_wait3A_1209, %dma_wait3A_1210] : memref<10240x16xf32, #tpu.memory_space<vmem_shared>> -> memref<10240x16xf32, #tpu.memory_space<vmem_shared>>
      tpu.wait_indirect_dma semaphore(%arg25 : memref<!tpu.dma_semaphore, #tpu.memory_space<semaphore_mem>>) src(%dma_wait3A_1211 : memref<10240x16xf32, #tpu.memory_space<vmem_shared>>) dst(%dma_wait3A_1205 : memref<128x16xf32, #tpu.memory_space<vmem>>)
      %dma_start3A_1212 = arith.constant 6 : i32
      %dma_start3A_1213 = arith.constant 0 : i32
      %dma_start3A_1214 = arith.constant 0 : i32
      %dma_start3A_1215 = tpu.memref_slice %arg11[%dma_start3A_1212, %dma_start3A_1213, %dma_start3A_1214] : memref<8x128x16xf32, #tpu.memory_space<vmem>> -> memref<1x128x16xf32, #tpu.memory_space<vmem>>
      %dma_start3A_1216 = tpu.memref_squeeze %dma_start3A_1215 : memref<1x128x16xf32, #tpu.memory_space<vmem>> -> memref<128x16xf32, #tpu.memory_space<vmem>>
      %dma_start3A_1217 = arith.constant 0 : i32
      %dma_start3A_1218 = tpu.memref_slice %arg10[%add3A_1200, %dma_start3A_1217] : memref<160x128xi32, #tpu.memory_space<vmem>> -> memref<1x128xi32, #tpu.memory_space<vmem>>
      %dma_start3A_1219 = tpu.memref_squeeze %dma_start3A_1218 : memref<1x128xi32, #tpu.memory_space<vmem>> -> memref<128xi32, #tpu.memory_space<vmem>>
      %dma_start3A_1220 = arith.constant 0 : i32
      %dma_start3A_1221 = arith.constant 0 : i32
      %dma_start3A_1222 = tpu.memref_slice %arg16[%dma_start3A_1220, %dma_start3A_1221] : memref<10240x16xf32, #tpu.memory_space<vmem_shared>> -> memref<10240x16xf32, #tpu.memory_space<vmem_shared>>
      tpu.enqueue_indirect_dma source(%dma_start3A_1216 : memref<128x16xf32, #tpu.memory_space<vmem>>) target(%dma_start3A_1222 : memref<10240x16xf32, #tpu.memory_space<vmem_shared>>) offsets(%dma_start3A_1219 : memref<128xi32, #tpu.memory_space<vmem>>) semaphore(%arg33 : memref<!tpu.dma_semaphore, #tpu.memory_space<semaphore_mem>>) {add = true}
      %add3A_1223 = arith.constant 7 : i32
      %add3A_1224 = arith.addi %mul3A_1054, %add3A_1223 : i32
      %dma_wait3A_1225 = arith.constant 7 : i32
      %dma_wait3A_1226 = arith.constant 0 : i32
      %dma_wait3A_1227 = arith.constant 0 : i32
      %dma_wait3A_1228 = tpu.memref_slice %arg11[%dma_wait3A_1225, %dma_wait3A_1226, %dma_wait3A_1227] : memref<8x128x16xf32, #tpu.memory_space<vmem>> -> memref<1x128x16xf32, #tpu.memory_space<vmem>>
      %dma_wait3A_1229 = tpu.memref_squeeze %dma_wait3A_1228 : memref<1x128x16xf32, #tpu.memory_space<vmem>> -> memref<128x16xf32, #tpu.memory_space<vmem>>
      %dma_wait3A_1230 = arith.constant 0 : i32
      %dma_wait3A_1231 = tpu.memref_slice %arg9[%add3A_1224, %dma_wait3A_1230] : memref<160x128xi32, #tpu.memory_space<vmem>> -> memref<1x128xi32, #tpu.memory_space<vmem>>
      %dma_wait3A_1232 = tpu.memref_squeeze %dma_wait3A_1231 : memref<1x128xi32, #tpu.memory_space<vmem>> -> memref<128xi32, #tpu.memory_space<vmem>>
      %dma_wait3A_1233 = arith.constant 0 : i32
      %dma_wait3A_1234 = arith.constant 0 : i32
      %dma_wait3A_1235 = tpu.memref_slice %arg18[%dma_wait3A_1233, %dma_wait3A_1234] : memref<10240x16xf32, #tpu.memory_space<vmem_shared>> -> memref<10240x16xf32, #tpu.memory_space<vmem_shared>>
      tpu.wait_indirect_dma semaphore(%arg26 : memref<!tpu.dma_semaphore, #tpu.memory_space<semaphore_mem>>) src(%dma_wait3A_1235 : memref<10240x16xf32, #tpu.memory_space<vmem_shared>>) dst(%dma_wait3A_1229 : memref<128x16xf32, #tpu.memory_space<vmem>>)
      %dma_start3A_1236 = arith.constant 7 : i32
      %dma_start3A_1237 = arith.constant 0 : i32
      %dma_start3A_1238 = arith.constant 0 : i32
      %dma_start3A_1239 = tpu.memref_slice %arg11[%dma_start3A_1236, %dma_start3A_1237, %dma_start3A_1238] : memref<8x128x16xf32, #tpu.memory_space<vmem>> -> memref<1x128x16xf32, #tpu.memory_space<vmem>>
      %dma_start3A_1240 = tpu.memref_squeeze %dma_start3A_1239 : memref<1x128x16xf32, #tpu.memory_space<vmem>> -> memref<128x16xf32, #tpu.memory_space<vmem>>
      %dma_start3A_1241 = arith.constant 0 : i32
      %dma_start3A_1242 = tpu.memref_slice %arg10[%add3A_1224, %dma_start3A_1241] : memref<160x128xi32, #tpu.memory_space<vmem>> -> memref<1x128xi32, #tpu.memory_space<vmem>>
      %dma_start3A_1243 = tpu.memref_squeeze %dma_start3A_1242 : memref<1x128xi32, #tpu.memory_space<vmem>> -> memref<128xi32, #tpu.memory_space<vmem>>
      %dma_start3A_1244 = arith.constant 0 : i32
      %dma_start3A_1245 = arith.constant 0 : i32
      %dma_start3A_1246 = tpu.memref_slice %arg16[%dma_start3A_1244, %dma_start3A_1245] : memref<10240x16xf32, #tpu.memory_space<vmem_shared>> -> memref<10240x16xf32, #tpu.memory_space<vmem_shared>>
      tpu.enqueue_indirect_dma source(%dma_start3A_1240 : memref<128x16xf32, #tpu.memory_space<vmem>>) target(%dma_start3A_1246 : memref<10240x16xf32, #tpu.memory_space<vmem_shared>>) offsets(%dma_start3A_1243 : memref<128xi32, #tpu.memory_space<vmem>>) semaphore(%arg34 : memref<!tpu.dma_semaphore, #tpu.memory_space<semaphore_mem>>) {add = true}
      %add3A_1247 = arith.constant 0 : i32
      %add3A_1248 = arith.addi %mul3A_1054, %add3A_1247 : i32
      %dma_wait3A_1249 = arith.constant 0 : i32
      %dma_wait3A_1250 = arith.constant 0 : i32
      %dma_wait3A_1251 = arith.constant 0 : i32
      %dma_wait3A_1252 = tpu.memref_slice %arg11[%dma_wait3A_1249, %dma_wait3A_1250, %dma_wait3A_1251] : memref<8x128x16xf32, #tpu.memory_space<vmem>> -> memref<1x128x16xf32, #tpu.memory_space<vmem>>
      %dma_wait3A_1253 = tpu.memref_squeeze %dma_wait3A_1252 : memref<1x128x16xf32, #tpu.memory_space<vmem>> -> memref<128x16xf32, #tpu.memory_space<vmem>>
      %dma_wait3A_1254 = arith.constant 0 : i32
      %dma_wait3A_1255 = tpu.memref_slice %arg10[%add3A_1248, %dma_wait3A_1254] : memref<160x128xi32, #tpu.memory_space<vmem>> -> memref<1x128xi32, #tpu.memory_space<vmem>>
      %dma_wait3A_1256 = tpu.memref_squeeze %dma_wait3A_1255 : memref<1x128xi32, #tpu.memory_space<vmem>> -> memref<128xi32, #tpu.memory_space<vmem>>
      %dma_wait3A_1257 = arith.constant 0 : i32
      %dma_wait3A_1258 = arith.constant 0 : i32
      %dma_wait3A_1259 = tpu.memref_slice %arg16[%dma_wait3A_1257, %dma_wait3A_1258] : memref<10240x16xf32, #tpu.memory_space<vmem_shared>> -> memref<10240x16xf32, #tpu.memory_space<vmem_shared>>
      tpu.wait_indirect_dma semaphore(%arg27 : memref<!tpu.dma_semaphore, #tpu.memory_space<semaphore_mem>>) src(%dma_wait3A_1253 : memref<128x16xf32, #tpu.memory_space<vmem>>) dst(%dma_wait3A_1259 : memref<10240x16xf32, #tpu.memory_space<vmem_shared>>)
      %add3A_1260 = arith.constant 8 : i32
      %add3A_1261 = arith.addi %add3A_1248, %add3A_1260 : i32
      %lt3A = arith.constant 160 : i32
      %lt3A_1262 = arith.cmpi slt, %add3A_1261, %lt3A : i32
      %convert_element_type3A = arith.extui %lt3A_1262 : i1 to i32
      %cond3A = arith.constant 0 : i32
      %cond3A_1263 = arith.cmpi ne, %convert_element_type3A, %cond3A : i32
      scf.if %cond3A_1263 {
        %dma_start3A_1404 = arith.constant 0 : i32
        %dma_start3A_1405 = arith.constant 0 : i32
        %dma_start3A_1406 = arith.constant 0 : i32
        %dma_start3A_1407 = tpu.memref_slice %arg11[%dma_start3A_1404, %dma_start3A_1405, %dma_start3A_1406] : memref<8x128x16xf32, #tpu.memory_space<vmem>> -> memref<1x128x16xf32, #tpu.memory_space<vmem>>
        %dma_start3A_1408 = tpu.memref_squeeze %dma_start3A_1407 : memref<1x128x16xf32, #tpu.memory_space<vmem>> -> memref<128x16xf32, #tpu.memory_space<vmem>>
        %dma_start3A_1409 = arith.constant 0 : i32
        %dma_start3A_1410 = tpu.memref_slice %arg9[%add3A_1261, %dma_start3A_1409] : memref<160x128xi32, #tpu.memory_space<vmem>> -> memref<1x128xi32, #tpu.memory_space<vmem>>
        %dma_start3A_1411 = tpu.memref_squeeze %dma_start3A_1410 : memref<1x128xi32, #tpu.memory_space<vmem>> -> memref<128xi32, #tpu.memory_space<vmem>>
        %dma_start3A_1412 = arith.constant 0 : i32
        %dma_start3A_1413 = arith.constant 0 : i32
        %dma_start3A_1414 = tpu.memref_slice %arg18[%dma_start3A_1412, %dma_start3A_1413] : memref<10240x16xf32, #tpu.memory_space<vmem_shared>> -> memref<10240x16xf32, #tpu.memory_space<vmem_shared>>
        tpu.enqueue_indirect_dma source(%dma_start3A_1414 : memref<10240x16xf32, #tpu.memory_space<vmem_shared>>) target(%dma_start3A_1408 : memref<128x16xf32, #tpu.memory_space<vmem>>) offsets(%dma_start3A_1411 : memref<128xi32, #tpu.memory_space<vmem>>) semaphore(%arg19 : memref<!tpu.dma_semaphore, #tpu.memory_space<semaphore_mem>>)
      } else {
      }
      %add3A_1264 = arith.constant 1 : i32
      %add3A_1265 = arith.addi %mul3A_1054, %add3A_1264 : i32
      %dma_wait3A_1266 = arith.constant 1 : i32
      %dma_wait3A_1267 = arith.constant 0 : i32
      %dma_wait3A_1268 = arith.constant 0 : i32
      %dma_wait3A_1269 = tpu.memref_slice %arg11[%dma_wait3A_1266, %dma_wait3A_1267, %dma_wait3A_1268] : memref<8x128x16xf32, #tpu.memory_space<vmem>> -> memref<1x128x16xf32, #tpu.memory_space<vmem>>
      %dma_wait3A_1270 = tpu.memref_squeeze %dma_wait3A_1269 : memref<1x128x16xf32, #tpu.memory_space<vmem>> -> memref<128x16xf32, #tpu.memory_space<vmem>>
      %dma_wait3A_1271 = arith.constant 0 : i32
      %dma_wait3A_1272 = tpu.memref_slice %arg10[%add3A_1265, %dma_wait3A_1271] : memref<160x128xi32, #tpu.memory_space<vmem>> -> memref<1x128xi32, #tpu.memory_space<vmem>>
      %dma_wait3A_1273 = tpu.memref_squeeze %dma_wait3A_1272 : memref<1x128xi32, #tpu.memory_space<vmem>> -> memref<128xi32, #tpu.memory_space<vmem>>
      %dma_wait3A_1274 = arith.constant 0 : i32
      %dma_wait3A_1275 = arith.constant 0 : i32
      %dma_wait3A_1276 = tpu.memref_slice %arg16[%dma_wait3A_1274, %dma_wait3A_1275] : memref<10240x16xf32, #tpu.memory_space<vmem_shared>> -> memref<10240x16xf32, #tpu.memory_space<vmem_shared>>
      tpu.wait_indirect_dma semaphore(%arg28 : memref<!tpu.dma_semaphore, #tpu.memory_space<semaphore_mem>>) src(%dma_wait3A_1270 : memref<128x16xf32, #tpu.memory_space<vmem>>) dst(%dma_wait3A_1276 : memref<10240x16xf32, #tpu.memory_space<vmem_shared>>)
      %add3A_1277 = arith.constant 8 : i32
      %add3A_1278 = arith.addi %add3A_1265, %add3A_1277 : i32
      %lt3A_1279 = arith.constant 160 : i32
      %lt3A_1280 = arith.cmpi slt, %add3A_1278, %lt3A_1279 : i32
      %convert_element_type3A_1281 = arith.extui %lt3A_1280 : i1 to i32
      %cond3A_1282 = arith.constant 0 : i32
      %cond3A_1283 = arith.cmpi ne, %convert_element_type3A_1281, %cond3A_1282 : i32
      scf.if %cond3A_1283 {
        %dma_start3A_1404 = arith.constant 1 : i32
        %dma_start3A_1405 = arith.constant 0 : i32
        %dma_start3A_1406 = arith.constant 0 : i32
        %dma_start3A_1407 = tpu.memref_slice %arg11[%dma_start3A_1404, %dma_start3A_1405, %dma_start3A_1406] : memref<8x128x16xf32, #tpu.memory_space<vmem>> -> memref<1x128x16xf32, #tpu.memory_space<vmem>>
        %dma_start3A_1408 = tpu.memref_squeeze %dma_start3A_1407 : memref<1x128x16xf32, #tpu.memory_space<vmem>> -> memref<128x16xf32, #tpu.memory_space<vmem>>
        %dma_start3A_1409 = arith.constant 0 : i32
        %dma_start3A_1410 = tpu.memref_slice %arg9[%add3A_1278, %dma_start3A_1409] : memref<160x128xi32, #tpu.memory_space<vmem>> -> memref<1x128xi32, #tpu.memory_space<vmem>>
        %dma_start3A_1411 = tpu.memref_squeeze %dma_start3A_1410 : memref<1x128xi32, #tpu.memory_space<vmem>> -> memref<128xi32, #tpu.memory_space<vmem>>
        %dma_start3A_1412 = arith.constant 0 : i32
        %dma_start3A_1413 = arith.constant 0 : i32
        %dma_start3A_1414 = tpu.memref_slice %arg18[%dma_start3A_1412, %dma_start3A_1413] : memref<10240x16xf32, #tpu.memory_space<vmem_shared>> -> memref<10240x16xf32, #tpu.memory_space<vmem_shared>>
        tpu.enqueue_indirect_dma source(%dma_start3A_1414 : memref<10240x16xf32, #tpu.memory_space<vmem_shared>>) target(%dma_start3A_1408 : memref<128x16xf32, #tpu.memory_space<vmem>>) offsets(%dma_start3A_1411 : memref<128xi32, #tpu.memory_space<vmem>>) semaphore(%arg20 : memref<!tpu.dma_semaphore, #tpu.memory_space<semaphore_mem>>)
      } else {
      }
      %add3A_1284 = arith.constant 2 : i32
      %add3A_1285 = arith.addi %mul3A_1054, %add3A_1284 : i32
      %dma_wait3A_1286 = arith.constant 2 : i32
      %dma_wait3A_1287 = arith.constant 0 : i32
      %dma_wait3A_1288 = arith.constant 0 : i32
      %dma_wait3A_1289 = tpu.memref_slice %arg11[%dma_wait3A_1286, %dma_wait3A_1287, %dma_wait3A_1288] : memref<8x128x16xf32, #tpu.memory_space<vmem>> -> memref<1x128x16xf32, #tpu.memory_space<vmem>>
      %dma_wait3A_1290 = tpu.memref_squeeze %dma_wait3A_1289 : memref<1x128x16xf32, #tpu.memory_space<vmem>> -> memref<128x16xf32, #tpu.memory_space<vmem>>
      %dma_wait3A_1291 = arith.constant 0 : i32
      %dma_wait3A_1292 = tpu.memref_slice %arg10[%add3A_1285, %dma_wait3A_1291] : memref<160x128xi32, #tpu.memory_space<vmem>> -> memref<1x128xi32, #tpu.memory_space<vmem>>
      %dma_wait3A_1293 = tpu.memref_squeeze %dma_wait3A_1292 : memref<1x128xi32, #tpu.memory_space<vmem>> -> memref<128xi32, #tpu.memory_space<vmem>>
      %dma_wait3A_1294 = arith.constant 0 : i32
      %dma_wait3A_1295 = arith.constant 0 : i32
      %dma_wait3A_1296 = tpu.memref_slice %arg16[%dma_wait3A_1294, %dma_wait3A_1295] : memref<10240x16xf32, #tpu.memory_space<vmem_shared>> -> memref<10240x16xf32, #tpu.memory_space<vmem_shared>>
      tpu.wait_indirect_dma semaphore(%arg29 : memref<!tpu.dma_semaphore, #tpu.memory_space<semaphore_mem>>) src(%dma_wait3A_1290 : memref<128x16xf32, #tpu.memory_space<vmem>>) dst(%dma_wait3A_1296 : memref<10240x16xf32, #tpu.memory_space<vmem_shared>>)
      %add3A_1297 = arith.constant 8 : i32
      %add3A_1298 = arith.addi %add3A_1285, %add3A_1297 : i32
      %lt3A_1299 = arith.constant 160 : i32
      %lt3A_1300 = arith.cmpi slt, %add3A_1298, %lt3A_1299 : i32
      %convert_element_type3A_1301 = arith.extui %lt3A_1300 : i1 to i32
      %cond3A_1302 = arith.constant 0 : i32
      %cond3A_1303 = arith.cmpi ne, %convert_element_type3A_1301, %cond3A_1302 : i32
      scf.if %cond3A_1303 {
        %dma_start3A_1404 = arith.constant 2 : i32
        %dma_start3A_1405 = arith.constant 0 : i32
        %dma_start3A_1406 = arith.constant 0 : i32
        %dma_start3A_1407 = tpu.memref_slice %arg11[%dma_start3A_1404, %dma_start3A_1405, %dma_start3A_1406] : memref<8x128x16xf32, #tpu.memory_space<vmem>> -> memref<1x128x16xf32, #tpu.memory_space<vmem>>
        %dma_start3A_1408 = tpu.memref_squeeze %dma_start3A_1407 : memref<1x128x16xf32, #tpu.memory_space<vmem>> -> memref<128x16xf32, #tpu.memory_space<vmem>>
        %dma_start3A_1409 = arith.constant 0 : i32
        %dma_start3A_1410 = tpu.memref_slice %arg9[%add3A_1298, %dma_start3A_1409] : memref<160x128xi32, #tpu.memory_space<vmem>> -> memref<1x128xi32, #tpu.memory_space<vmem>>
        %dma_start3A_1411 = tpu.memref_squeeze %dma_start3A_1410 : memref<1x128xi32, #tpu.memory_space<vmem>> -> memref<128xi32, #tpu.memory_space<vmem>>
        %dma_start3A_1412 = arith.constant 0 : i32
        %dma_start3A_1413 = arith.constant 0 : i32
        %dma_start3A_1414 = tpu.memref_slice %arg18[%dma_start3A_1412, %dma_start3A_1413] : memref<10240x16xf32, #tpu.memory_space<vmem_shared>> -> memref<10240x16xf32, #tpu.memory_space<vmem_shared>>
        tpu.enqueue_indirect_dma source(%dma_start3A_1414 : memref<10240x16xf32, #tpu.memory_space<vmem_shared>>) target(%dma_start3A_1408 : memref<128x16xf32, #tpu.memory_space<vmem>>) offsets(%dma_start3A_1411 : memref<128xi32, #tpu.memory_space<vmem>>) semaphore(%arg21 : memref<!tpu.dma_semaphore, #tpu.memory_space<semaphore_mem>>)
      } else {
      }
      %add3A_1304 = arith.constant 3 : i32
      %add3A_1305 = arith.addi %mul3A_1054, %add3A_1304 : i32
      %dma_wait3A_1306 = arith.constant 3 : i32
      %dma_wait3A_1307 = arith.constant 0 : i32
      %dma_wait3A_1308 = arith.constant 0 : i32
      %dma_wait3A_1309 = tpu.memref_slice %arg11[%dma_wait3A_1306, %dma_wait3A_1307, %dma_wait3A_1308] : memref<8x128x16xf32, #tpu.memory_space<vmem>> -> memref<1x128x16xf32, #tpu.memory_space<vmem>>
      %dma_wait3A_1310 = tpu.memref_squeeze %dma_wait3A_1309 : memref<1x128x16xf32, #tpu.memory_space<vmem>> -> memref<128x16xf32, #tpu.memory_space<vmem>>
      %dma_wait3A_1311 = arith.constant 0 : i32
      %dma_wait3A_1312 = tpu.memref_slice %arg10[%add3A_1305, %dma_wait3A_1311] : memref<160x128xi32, #tpu.memory_space<vmem>> -> memref<1x128xi32, #tpu.memory_space<vmem>>
      %dma_wait3A_1313 = tpu.memref_squeeze %dma_wait3A_1312 : memref<1x128xi32, #tpu.memory_space<vmem>> -> memref<128xi32, #tpu.memory_space<vmem>>
      %dma_wait3A_1314 = arith.constant 0 : i32
      %dma_wait3A_1315 = arith.constant 0 : i32
      %dma_wait3A_1316 = tpu.memref_slice %arg16[%dma_wait3A_1314, %dma_wait3A_1315] : memref<10240x16xf32, #tpu.memory_space<vmem_shared>> -> memref<10240x16xf32, #tpu.memory_space<vmem_shared>>
      tpu.wait_indirect_dma semaphore(%arg30 : memref<!tpu.dma_semaphore, #tpu.memory_space<semaphore_mem>>) src(%dma_wait3A_1310 : memref<128x16xf32, #tpu.memory_space<vmem>>) dst(%dma_wait3A_1316 : memref<10240x16xf32, #tpu.memory_space<vmem_shared>>)
      %add3A_1317 = arith.constant 8 : i32
      %add3A_1318 = arith.addi %add3A_1305, %add3A_1317 : i32
      %lt3A_1319 = arith.constant 160 : i32
      %lt3A_1320 = arith.cmpi slt, %add3A_1318, %lt3A_1319 : i32
      %convert_element_type3A_1321 = arith.extui %lt3A_1320 : i1 to i32
      %cond3A_1322 = arith.constant 0 : i32
      %cond3A_1323 = arith.cmpi ne, %convert_element_type3A_1321, %cond3A_1322 : i32
      scf.if %cond3A_1323 {
        %dma_start3A_1404 = arith.constant 3 : i32
        %dma_start3A_1405 = arith.constant 0 : i32
        %dma_start3A_1406 = arith.constant 0 : i32
        %dma_start3A_1407 = tpu.memref_slice %arg11[%dma_start3A_1404, %dma_start3A_1405, %dma_start3A_1406] : memref<8x128x16xf32, #tpu.memory_space<vmem>> -> memref<1x128x16xf32, #tpu.memory_space<vmem>>
        %dma_start3A_1408 = tpu.memref_squeeze %dma_start3A_1407 : memref<1x128x16xf32, #tpu.memory_space<vmem>> -> memref<128x16xf32, #tpu.memory_space<vmem>>
        %dma_start3A_1409 = arith.constant 0 : i32
        %dma_start3A_1410 = tpu.memref_slice %arg9[%add3A_1318, %dma_start3A_1409] : memref<160x128xi32, #tpu.memory_space<vmem>> -> memref<1x128xi32, #tpu.memory_space<vmem>>
        %dma_start3A_1411 = tpu.memref_squeeze %dma_start3A_1410 : memref<1x128xi32, #tpu.memory_space<vmem>> -> memref<128xi32, #tpu.memory_space<vmem>>
        %dma_start3A_1412 = arith.constant 0 : i32
        %dma_start3A_1413 = arith.constant 0 : i32
        %dma_start3A_1414 = tpu.memref_slice %arg18[%dma_start3A_1412, %dma_start3A_1413] : memref<10240x16xf32, #tpu.memory_space<vmem_shared>> -> memref<10240x16xf32, #tpu.memory_space<vmem_shared>>
        tpu.enqueue_indirect_dma source(%dma_start3A_1414 : memref<10240x16xf32, #tpu.memory_space<vmem_shared>>) target(%dma_start3A_1408 : memref<128x16xf32, #tpu.memory_space<vmem>>) offsets(%dma_start3A_1411 : memref<128xi32, #tpu.memory_space<vmem>>) semaphore(%arg22 : memref<!tpu.dma_semaphore, #tpu.memory_space<semaphore_mem>>)
      } else {
      }
      %add3A_1324 = arith.constant 4 : i32
      %add3A_1325 = arith.addi %mul3A_1054, %add3A_1324 : i32
      %dma_wait3A_1326 = arith.constant 4 : i32
      %dma_wait3A_1327 = arith.constant 0 : i32
      %dma_wait3A_1328 = arith.constant 0 : i32
      %dma_wait3A_1329 = tpu.memref_slice %arg11[%dma_wait3A_1326, %dma_wait3A_1327, %dma_wait3A_1328] : memref<8x128x16xf32, #tpu.memory_space<vmem>> -> memref<1x128x16xf32, #tpu.memory_space<vmem>>
      %dma_wait3A_1330 = tpu.memref_squeeze %dma_wait3A_1329 : memref<1x128x16xf32, #tpu.memory_space<vmem>> -> memref<128x16xf32, #tpu.memory_space<vmem>>
      %dma_wait3A_1331 = arith.constant 0 : i32
      %dma_wait3A_1332 = tpu.memref_slice %arg10[%add3A_1325, %dma_wait3A_1331] : memref<160x128xi32, #tpu.memory_space<vmem>> -> memref<1x128xi32, #tpu.memory_space<vmem>>
      %dma_wait3A_1333 = tpu.memref_squeeze %dma_wait3A_1332 : memref<1x128xi32, #tpu.memory_space<vmem>> -> memref<128xi32, #tpu.memory_space<vmem>>
      %dma_wait3A_1334 = arith.constant 0 : i32
      %dma_wait3A_1335 = arith.constant 0 : i32
      %dma_wait3A_1336 = tpu.memref_slice %arg16[%dma_wait3A_1334, %dma_wait3A_1335] : memref<10240x16xf32, #tpu.memory_space<vmem_shared>> -> memref<10240x16xf32, #tpu.memory_space<vmem_shared>>
      tpu.wait_indirect_dma semaphore(%arg31 : memref<!tpu.dma_semaphore, #tpu.memory_space<semaphore_mem>>) src(%dma_wait3A_1330 : memref<128x16xf32, #tpu.memory_space<vmem>>) dst(%dma_wait3A_1336 : memref<10240x16xf32, #tpu.memory_space<vmem_shared>>)
      %add3A_1337 = arith.constant 8 : i32
      %add3A_1338 = arith.addi %add3A_1325, %add3A_1337 : i32
      %lt3A_1339 = arith.constant 160 : i32
      %lt3A_1340 = arith.cmpi slt, %add3A_1338, %lt3A_1339 : i32
      %convert_element_type3A_1341 = arith.extui %lt3A_1340 : i1 to i32
      %cond3A_1342 = arith.constant 0 : i32
      %cond3A_1343 = arith.cmpi ne, %convert_element_type3A_1341, %cond3A_1342 : i32
      scf.if %cond3A_1343 {
        %dma_start3A_1404 = arith.constant 4 : i32
        %dma_start3A_1405 = arith.constant 0 : i32
        %dma_start3A_1406 = arith.constant 0 : i32
        %dma_start3A_1407 = tpu.memref_slice %arg11[%dma_start3A_1404, %dma_start3A_1405, %dma_start3A_1406] : memref<8x128x16xf32, #tpu.memory_space<vmem>> -> memref<1x128x16xf32, #tpu.memory_space<vmem>>
        %dma_start3A_1408 = tpu.memref_squeeze %dma_start3A_1407 : memref<1x128x16xf32, #tpu.memory_space<vmem>> -> memref<128x16xf32, #tpu.memory_space<vmem>>
        %dma_start3A_1409 = arith.constant 0 : i32
        %dma_start3A_1410 = tpu.memref_slice %arg9[%add3A_1338, %dma_start3A_1409] : memref<160x128xi32, #tpu.memory_space<vmem>> -> memref<1x128xi32, #tpu.memory_space<vmem>>
        %dma_start3A_1411 = tpu.memref_squeeze %dma_start3A_1410 : memref<1x128xi32, #tpu.memory_space<vmem>> -> memref<128xi32, #tpu.memory_space<vmem>>
        %dma_start3A_1412 = arith.constant 0 : i32
        %dma_start3A_1413 = arith.constant 0 : i32
        %dma_start3A_1414 = tpu.memref_slice %arg18[%dma_start3A_1412, %dma_start3A_1413] : memref<10240x16xf32, #tpu.memory_space<vmem_shared>> -> memref<10240x16xf32, #tpu.memory_space<vmem_shared>>
        tpu.enqueue_indirect_dma source(%dma_start3A_1414 : memref<10240x16xf32, #tpu.memory_space<vmem_shared>>) target(%dma_start3A_1408 : memref<128x16xf32, #tpu.memory_space<vmem>>) offsets(%dma_start3A_1411 : memref<128xi32, #tpu.memory_space<vmem>>) semaphore(%arg23 : memref<!tpu.dma_semaphore, #tpu.memory_space<semaphore_mem>>)
      } else {
      }
      %add3A_1344 = arith.constant 5 : i32
      %add3A_1345 = arith.addi %mul3A_1054, %add3A_1344 : i32
      %dma_wait3A_1346 = arith.constant 5 : i32
      %dma_wait3A_1347 = arith.constant 0 : i32
      %dma_wait3A_1348 = arith.constant 0 : i32
      %dma_wait3A_1349 = tpu.memref_slice %arg11[%dma_wait3A_1346, %dma_wait3A_1347, %dma_wait3A_1348] : memref<8x128x16xf32, #tpu.memory_space<vmem>> -> memref<1x128x16xf32, #tpu.memory_space<vmem>>
      %dma_wait3A_1350 = tpu.memref_squeeze %dma_wait3A_1349 : memref<1x128x16xf32, #tpu.memory_space<vmem>> -> memref<128x16xf32, #tpu.memory_space<vmem>>
      %dma_wait3A_1351 = arith.constant 0 : i32
      %dma_wait3A_1352 = tpu.memref_slice %arg10[%add3A_1345, %dma_wait3A_1351] : memref<160x128xi32, #tpu.memory_space<vmem>> -> memref<1x128xi32, #tpu.memory_space<vmem>>
      %dma_wait3A_1353 = tpu.memref_squeeze %dma_wait3A_1352 : memref<1x128xi32, #tpu.memory_space<vmem>> -> memref<128xi32, #tpu.memory_space<vmem>>
      %dma_wait3A_1354 = arith.constant 0 : i32
      %dma_wait3A_1355 = arith.constant 0 : i32
      %dma_wait3A_1356 = tpu.memref_slice %arg16[%dma_wait3A_1354, %dma_wait3A_1355] : memref<10240x16xf32, #tpu.memory_space<vmem_shared>> -> memref<10240x16xf32, #tpu.memory_space<vmem_shared>>
      tpu.wait_indirect_dma semaphore(%arg32 : memref<!tpu.dma_semaphore, #tpu.memory_space<semaphore_mem>>) src(%dma_wait3A_1350 : memref<128x16xf32, #tpu.memory_space<vmem>>) dst(%dma_wait3A_1356 : memref<10240x16xf32, #tpu.memory_space<vmem_shared>>)
      %add3A_1357 = arith.constant 8 : i32
      %add3A_1358 = arith.addi %add3A_1345, %add3A_1357 : i32
      %lt3A_1359 = arith.constant 160 : i32
      %lt3A_1360 = arith.cmpi slt, %add3A_1358, %lt3A_1359 : i32
      %convert_element_type3A_1361 = arith.extui %lt3A_1360 : i1 to i32
      %cond3A_1362 = arith.constant 0 : i32
      %cond3A_1363 = arith.cmpi ne, %convert_element_type3A_1361, %cond3A_1362 : i32
      scf.if %cond3A_1363 {
        %dma_start3A_1404 = arith.constant 5 : i32
        %dma_start3A_1405 = arith.constant 0 : i32
        %dma_start3A_1406 = arith.constant 0 : i32
        %dma_start3A_1407 = tpu.memref_slice %arg11[%dma_start3A_1404, %dma_start3A_1405, %dma_start3A_1406] : memref<8x128x16xf32, #tpu.memory_space<vmem>> -> memref<1x128x16xf32, #tpu.memory_space<vmem>>
        %dma_start3A_1408 = tpu.memref_squeeze %dma_start3A_1407 : memref<1x128x16xf32, #tpu.memory_space<vmem>> -> memref<128x16xf32, #tpu.memory_space<vmem>>
        %dma_start3A_1409 = arith.constant 0 : i32
        %dma_start3A_1410 = tpu.memref_slice %arg9[%add3A_1358, %dma_start3A_1409] : memref<160x128xi32, #tpu.memory_space<vmem>> -> memref<1x128xi32, #tpu.memory_space<vmem>>
        %dma_start3A_1411 = tpu.memref_squeeze %dma_start3A_1410 : memref<1x128xi32, #tpu.memory_space<vmem>> -> memref<128xi32, #tpu.memory_space<vmem>>
        %dma_start3A_1412 = arith.constant 0 : i32
        %dma_start3A_1413 = arith.constant 0 : i32
        %dma_start3A_1414 = tpu.memref_slice %arg18[%dma_start3A_1412, %dma_start3A_1413] : memref<10240x16xf32, #tpu.memory_space<vmem_shared>> -> memref<10240x16xf32, #tpu.memory_space<vmem_shared>>
        tpu.enqueue_indirect_dma source(%dma_start3A_1414 : memref<10240x16xf32, #tpu.memory_space<vmem_shared>>) target(%dma_start3A_1408 : memref<128x16xf32, #tpu.memory_space<vmem>>) offsets(%dma_start3A_1411 : memref<128xi32, #tpu.memory_space<vmem>>) semaphore(%arg24 : memref<!tpu.dma_semaphore, #tpu.memory_space<semaphore_mem>>)
      } else {
      }
      %add3A_1364 = arith.constant 6 : i32
      %add3A_1365 = arith.addi %mul3A_1054, %add3A_1364 : i32
      %dma_wait3A_1366 = arith.constant 6 : i32
      %dma_wait3A_1367 = arith.constant 0 : i32
      %dma_wait3A_1368 = arith.constant 0 : i32
      %dma_wait3A_1369 = tpu.memref_slice %arg11[%dma_wait3A_1366, %dma_wait3A_1367, %dma_wait3A_1368] : memref<8x128x16xf32, #tpu.memory_space<vmem>> -> memref<1x128x16xf32, #tpu.memory_space<vmem>>
      %dma_wait3A_1370 = tpu.memref_squeeze %dma_wait3A_1369 : memref<1x128x16xf32, #tpu.memory_space<vmem>> -> memref<128x16xf32, #tpu.memory_space<vmem>>
      %dma_wait3A_1371 = arith.constant 0 : i32
      %dma_wait3A_1372 = tpu.memref_slice %arg10[%add3A_1365, %dma_wait3A_1371] : memref<160x128xi32, #tpu.memory_space<vmem>> -> memref<1x128xi32, #tpu.memory_space<vmem>>
      %dma_wait3A_1373 = tpu.memref_squeeze %dma_wait3A_1372 : memref<1x128xi32, #tpu.memory_space<vmem>> -> memref<128xi32, #tpu.memory_space<vmem>>
      %dma_wait3A_1374 = arith.constant 0 : i32
      %dma_wait3A_1375 = arith.constant 0 : i32
      %dma_wait3A_1376 = tpu.memref_slice %arg16[%dma_wait3A_1374, %dma_wait3A_1375] : memref<10240x16xf32, #tpu.memory_space<vmem_shared>> -> memref<10240x16xf32, #tpu.memory_space<vmem_shared>>
      tpu.wait_indirect_dma semaphore(%arg33 : memref<!tpu.dma_semaphore, #tpu.memory_space<semaphore_mem>>) src(%dma_wait3A_1370 : memref<128x16xf32, #tpu.memory_space<vmem>>) dst(%dma_wait3A_1376 : memref<10240x16xf32, #tpu.memory_space<vmem_shared>>)
      %add3A_1377 = arith.constant 8 : i32
      %add3A_1378 = arith.addi %add3A_1365, %add3A_1377 : i32
      %lt3A_1379 = arith.constant 160 : i32
      %lt3A_1380 = arith.cmpi slt, %add3A_1378, %lt3A_1379 : i32
      %convert_element_type3A_1381 = arith.extui %lt3A_1380 : i1 to i32
      %cond3A_1382 = arith.constant 0 : i32
      %cond3A_1383 = arith.cmpi ne, %convert_element_type3A_1381, %cond3A_1382 : i32
      scf.if %cond3A_1383 {
        %dma_start3A_1404 = arith.constant 6 : i32
        %dma_start3A_1405 = arith.constant 0 : i32
        %dma_start3A_1406 = arith.constant 0 : i32
        %dma_start3A_1407 = tpu.memref_slice %arg11[%dma_start3A_1404, %dma_start3A_1405, %dma_start3A_1406] : memref<8x128x16xf32, #tpu.memory_space<vmem>> -> memref<1x128x16xf32, #tpu.memory_space<vmem>>
        %dma_start3A_1408 = tpu.memref_squeeze %dma_start3A_1407 : memref<1x128x16xf32, #tpu.memory_space<vmem>> -> memref<128x16xf32, #tpu.memory_space<vmem>>
        %dma_start3A_1409 = arith.constant 0 : i32
        %dma_start3A_1410 = tpu.memref_slice %arg9[%add3A_1378, %dma_start3A_1409] : memref<160x128xi32, #tpu.memory_space<vmem>> -> memref<1x128xi32, #tpu.memory_space<vmem>>
        %dma_start3A_1411 = tpu.memref_squeeze %dma_start3A_1410 : memref<1x128xi32, #tpu.memory_space<vmem>> -> memref<128xi32, #tpu.memory_space<vmem>>
        %dma_start3A_1412 = arith.constant 0 : i32
        %dma_start3A_1413 = arith.constant 0 : i32
        %dma_start3A_1414 = tpu.memref_slice %arg18[%dma_start3A_1412, %dma_start3A_1413] : memref<10240x16xf32, #tpu.memory_space<vmem_shared>> -> memref<10240x16xf32, #tpu.memory_space<vmem_shared>>
        tpu.enqueue_indirect_dma source(%dma_start3A_1414 : memref<10240x16xf32, #tpu.memory_space<vmem_shared>>) target(%dma_start3A_1408 : memref<128x16xf32, #tpu.memory_space<vmem>>) offsets(%dma_start3A_1411 : memref<128xi32, #tpu.memory_space<vmem>>) semaphore(%arg25 : memref<!tpu.dma_semaphore, #tpu.memory_space<semaphore_mem>>)
      } else {
      }
      %add3A_1384 = arith.constant 7 : i32
      %add3A_1385 = arith.addi %mul3A_1054, %add3A_1384 : i32
      %dma_wait3A_1386 = arith.constant 7 : i32
      %dma_wait3A_1387 = arith.constant 0 : i32
      %dma_wait3A_1388 = arith.constant 0 : i32
      %dma_wait3A_1389 = tpu.memref_slice %arg11[%dma_wait3A_1386, %dma_wait3A_1387, %dma_wait3A_1388] : memref<8x128x16xf32, #tpu.memory_space<vmem>> -> memref<1x128x16xf32, #tpu.memory_space<vmem>>
      %dma_wait3A_1390 = tpu.memref_squeeze %dma_wait3A_1389 : memref<1x128x16xf32, #tpu.memory_space<vmem>> -> memref<128x16xf32, #tpu.memory_space<vmem>>
      %dma_wait3A_1391 = arith.constant 0 : i32
      %dma_wait3A_1392 = tpu.memref_slice %arg10[%add3A_1385, %dma_wait3A_1391] : memref<160x128xi32, #tpu.memory_space<vmem>> -> memref<1x128xi32, #tpu.memory_space<vmem>>
      %dma_wait3A_1393 = tpu.memref_squeeze %dma_wait3A_1392 : memref<1x128xi32, #tpu.memory_space<vmem>> -> memref<128xi32, #tpu.memory_space<vmem>>
      %dma_wait3A_1394 = arith.constant 0 : i32
      %dma_wait3A_1395 = arith.constant 0 : i32
      %dma_wait3A_1396 = tpu.memref_slice %arg16[%dma_wait3A_1394, %dma_wait3A_1395] : memref<10240x16xf32, #tpu.memory_space<vmem_shared>> -> memref<10240x16xf32, #tpu.memory_space<vmem_shared>>
      tpu.wait_indirect_dma semaphore(%arg34 : memref<!tpu.dma_semaphore, #tpu.memory_space<semaphore_mem>>) src(%dma_wait3A_1390 : memref<128x16xf32, #tpu.memory_space<vmem>>) dst(%dma_wait3A_1396 : memref<10240x16xf32, #tpu.memory_space<vmem_shared>>)
      %add3A_1397 = arith.constant 8 : i32
      %add3A_1398 = arith.addi %add3A_1385, %add3A_1397 : i32
      %lt3A_1399 = arith.constant 160 : i32
      %lt3A_1400 = arith.cmpi slt, %add3A_1398, %lt3A_1399 : i32
      %convert_element_type3A_1401 = arith.extui %lt3A_1400 : i1 to i32
      %cond3A_1402 = arith.constant 0 : i32
      %cond3A_1403 = arith.cmpi ne, %convert_element_type3A_1401, %cond3A_1402 : i32
      scf.if %cond3A_1403 {
        %dma_start3A_1404 = arith.constant 7 : i32
        %dma_start3A_1405 = arith.constant 0 : i32
        %dma_start3A_1406 = arith.constant 0 : i32
        %dma_start3A_1407 = tpu.memref_slice %arg11[%dma_start3A_1404, %dma_start3A_1405, %dma_start3A_1406] : memref<8x128x16xf32, #tpu.memory_space<vmem>> -> memref<1x128x16xf32, #tpu.memory_space<vmem>>
        %dma_start3A_1408 = tpu.memref_squeeze %dma_start3A_1407 : memref<1x128x16xf32, #tpu.memory_space<vmem>> -> memref<128x16xf32, #tpu.memory_space<vmem>>
        %dma_start3A_1409 = arith.constant 0 : i32
        %dma_start3A_1410 = tpu.memref_slice %arg9[%add3A_1398, %dma_start3A_1409] : memref<160x128xi32, #tpu.memory_space<vmem>> -> memref<1x128xi32, #tpu.memory_space<vmem>>
        %dma_start3A_1411 = tpu.memref_squeeze %dma_start3A_1410 : memref<1x128xi32, #tpu.memory_space<vmem>> -> memref<128xi32, #tpu.memory_space<vmem>>
        %dma_start3A_1412 = arith.constant 0 : i32
        %dma_start3A_1413 = arith.constant 0 : i32
        %dma_start3A_1414 = tpu.memref_slice %arg18[%dma_start3A_1412, %dma_start3A_1413] : memref<10240x16xf32, #tpu.memory_space<vmem_shared>> -> memref<10240x16xf32, #tpu.memory_space<vmem_shared>>
        tpu.enqueue_indirect_dma source(%dma_start3A_1414 : memref<10240x16xf32, #tpu.memory_space<vmem_shared>>) target(%dma_start3A_1408 : memref<128x16xf32, #tpu.memory_space<vmem>>) offsets(%dma_start3A_1411 : memref<128xi32, #tpu.memory_space<vmem>>) semaphore(%arg26 : memref<!tpu.dma_semaphore, #tpu.memory_space<semaphore_mem>>)
      } else {
      }
    }
    %scan3A_1050 = arith.constant 20 : i32
    %barrier3A_1051 = arith.constant 0 : index
    tpu.barrier barrier_id(%barrier3A_1051)
    "tpu.region"() ({
      %run_scoped3A = tpu.sem_alloc : memref<!tpu.dma_semaphore, #tpu.memory_space<semaphore_mem>>
      %dma_start3A_1052 = arith.constant 0 : i32
      %dma_start3A_1053 = tpu.memref_slice %arg8[%mul3A_0, %dma_start3A_1052] : memref<10240x16xf32, #tpu.memory_space<hbm>> -> memref<640x16xf32, #tpu.memory_space<hbm>>
      %dma_start3A_1054 = arith.constant 0 : i32
      %dma_start3A_1055 = tpu.memref_slice %arg16[%mul3A_0, %dma_start3A_1054] : memref<10240x16xf32, #tpu.memory_space<vmem_shared>> -> memref<640x16xf32, #tpu.memory_space<vmem_shared>>
      tpu.enqueue_dma source(%dma_start3A_1055 : memref<640x16xf32, #tpu.memory_space<vmem_shared>>) target(%dma_start3A_1053 : memref<640x16xf32, #tpu.memory_space<hbm>>) target_semaphore(%run_scoped3A : memref<!tpu.dma_semaphore, #tpu.memory_space<semaphore_mem>>)
      %dma_wait3A_1056 = arith.constant 0 : i32
      %dma_wait3A_1057 = tpu.memref_slice %arg8[%mul3A_0, %dma_wait3A_1056] : memref<10240x16xf32, #tpu.memory_space<hbm>> -> memref<640x16xf32, #tpu.memory_space<hbm>>
      %dma_wait3A_1058 = arith.constant 0 : i32
      %dma_wait3A_1059 = tpu.memref_slice %arg16[%mul3A_0, %dma_wait3A_1058] : memref<10240x16xf32, #tpu.memory_space<vmem_shared>> -> memref<640x16xf32, #tpu.memory_space<vmem_shared>>
      tpu.wait_dma2 semaphore(%run_scoped3A : memref<!tpu.dma_semaphore, #tpu.memory_space<semaphore_mem>>) src(%dma_wait3A_1059 : memref<640x16xf32, #tpu.memory_space<vmem_shared>>) dst(%dma_wait3A_1057 : memref<640x16xf32, #tpu.memory_space<hbm>>)
      tpu.yield
    }) : () -> ()
    return
  }
}

module attributes {stable_mosaic.version = 14 : i64} {
  func.func @_mm1_body(%arg0: i32, %arg1: memref<2048x128xf32, #tpu.memory_space<vmem>>, %arg2: memref<128x16xf32, #tpu.memory_space<vmem>>, %arg3: memref<2048x1xf32, #tpu.memory_space<vmem>>, %arg4: memref<1x16xf32, #tpu.memory_space<vmem>>, %arg5: memref<2048x16xf32, #tpu.memory_space<vmem>>, %arg6: memref<2048x16xf32, #tpu.memory_space<vmem>>, %arg7: memref<2048x16xf32, #tpu.memory_space<vmem>>) attributes {dimension_semantics = [#tpu.dimension_semantics<arbitrary>], iteration_bounds = array<i64: 5>, scalar_prefetch = 0 : i64, scratch_operands = 0 : i64, tpu.core_type = #tpu.core_type<tc>, window_params = [{transform_indices = @transform_0, window_bounds = array<i64: 2048, 128>}, {pipeline_mode = #tpu.pipeline_mode<synchronous>, transform_indices = @transform_1, window_bounds = array<i64: 128, 16>}, {transform_indices = @transform_2, window_bounds = array<i64: 2048, 1>}, {pipeline_mode = #tpu.pipeline_mode<synchronous>, transform_indices = @transform_3, window_bounds = array<i64: 1, 16>}, {transform_indices = @transform_4, window_bounds = array<i64: 2048, 16>}, {transform_indices = @transform_5, window_bounds = array<i64: 2048, 16>}, {transform_indices = @transform_6, window_bounds = array<i64: 2048, 16>}]} {
    %get3A = arith.constant 0 : index
    %get3A_0 = arith.constant 0 : index
    %get3A_1 = vector.load %arg1[%get3A, %get3A_0] : memref<2048x128xf32, #tpu.memory_space<vmem>>, vector<2048x128xf32>
    %get3A_2 = arith.constant 0 : index
    %get3A_3 = arith.constant 0 : index
    %get3A_4 = vector.load %arg2[%get3A_2, %get3A_3] : memref<128x16xf32, #tpu.memory_space<vmem>>, vector<128x16xf32>
    %dot_general3A = arith.constant dense<0.000000e+00> : vector<2048x16xf32>
    %dot_general3A_5 = tpu.matmul %get3A_1, %get3A_4, %dot_general3A {dimension_numbers = #tpu.dot_dimension_numbers<[1], [0], [0], [1], [0, 0, 1, 1], [], []>, transpose_lhs_hint = false} : vector<2048x128xf32>, vector<128x16xf32>, vector<2048x16xf32> -> vector<2048x16xf32>
    %get3A_6 = arith.constant 0 : index
    %get3A_7 = arith.constant 0 : index
    %get3A_8 = vector.load %arg3[%get3A_6, %get3A_7] : memref<2048x1xf32, #tpu.memory_space<vmem>>, vector<2048x1xf32>
    %get3A_9 = arith.constant 0 : index
    %get3A_10 = arith.constant 0 : index
    %get3A_11 = vector.load %arg4[%get3A_9, %get3A_10] : memref<1x16xf32, #tpu.memory_space<vmem>>, vector<1x16xf32>
    %add3A = vector.broadcast %get3A_11 : vector<1x16xf32> to vector<2048x16xf32>
    %add3A_12 = arith.addf %dot_general3A_5, %add3A : vector<2048x16xf32>
    %swap3A = arith.constant 0 : index
    %swap3A_13 = arith.constant 0 : index
    %swap3A_14 = vector.load %arg5[%swap3A, %swap3A_13] : memref<2048x16xf32, #tpu.memory_space<vmem>>, vector<2048x16xf32>
    tpu.vector_store %arg5[%swap3A, %swap3A_13], %add3A_12 {strides = array<i32>} : memref<2048x16xf32, #tpu.memory_space<vmem>>, vector<2048x16xf32>,
    %mul3A = vector.broadcast %get3A_8 : vector<2048x1xf32> to vector<2048x16xf32>
    %mul3A_15 = arith.mulf %dot_general3A_5, %mul3A : vector<2048x16xf32>
    %swap3A_16 = arith.constant 0 : index
    %swap3A_17 = arith.constant 0 : index
    %swap3A_18 = vector.load %arg6[%swap3A_16, %swap3A_17] : memref<2048x16xf32, #tpu.memory_space<vmem>>, vector<2048x16xf32>
    tpu.vector_store %arg6[%swap3A_16, %swap3A_17], %mul3A_15 {strides = array<i32>} : memref<2048x16xf32, #tpu.memory_space<vmem>>, vector<2048x16xf32>,
    %broadcast_in_dim3A = vector.shape_cast %get3A_8 : vector<2048x1xf32> to vector<2048x1xf32>
    %broadcast_in_dim3A_19 = vector.broadcast %broadcast_in_dim3A : vector<2048x1xf32> to vector<2048x16xf32>
    %swap3A_20 = arith.constant 0 : index
    %swap3A_21 = arith.constant 0 : index
    %swap3A_22 = vector.load %arg7[%swap3A_20, %swap3A_21] : memref<2048x16xf32, #tpu.memory_space<vmem>>, vector<2048x16xf32>
    tpu.vector_store %arg7[%swap3A_20, %swap3A_21], %broadcast_in_dim3A_19 {strides = array<i32>} : memref<2048x16xf32, #tpu.memory_space<vmem>>, vector<2048x16xf32>,
    return
  }
  func.func @transform_0(%arg0: i32) -> (i32, i32) {
    %c0_i32 = arith.constant 0 : i32
    %c0_i32_0 = arith.constant 0 : i32
    return %arg0, %c0_i32 : i32, i32
  }
  func.func @transform_1(%arg0: i32) -> (i32, i32) {
    %c0_i32 = arith.constant 0 : i32
    %c0_i32_0 = arith.constant 0 : i32
    %c0_i32_1 = arith.constant 0 : i32
    return %c0_i32, %c0_i32_0 : i32, i32
  }
  func.func @transform_2(%arg0: i32) -> (i32, i32) {
    %c0_i32 = arith.constant 0 : i32
    %c0_i32_0 = arith.constant 0 : i32
    return %arg0, %c0_i32 : i32, i32
  }
  func.func @transform_3(%arg0: i32) -> (i32, i32) {
    %c0_i32 = arith.constant 0 : i32
    %c0_i32_0 = arith.constant 0 : i32
    %c0_i32_1 = arith.constant 0 : i32
    return %c0_i32, %c0_i32_0 : i32, i32
  }
  func.func @transform_4(%arg0: i32) -> (i32, i32) {
    %c0_i32 = arith.constant 0 : i32
    %c0_i32_0 = arith.constant 0 : i32
    return %arg0, %c0_i32 : i32, i32
  }
  func.func @transform_5(%arg0: i32) -> (i32, i32) {
    %c0_i32 = arith.constant 0 : i32
    %c0_i32_0 = arith.constant 0 : i32
    return %arg0, %c0_i32 : i32, i32
  }
  func.func @transform_6(%arg0: i32) -> (i32, i32) {
    %c0_i32 = arith.constant 0 : i32
    %c0_i32_0 = arith.constant 0 : i32
    return %arg0, %c0_i32 : i32, i32
  }
}

module attributes {stable_mosaic.version = 14 : i64} {
  func.func @_out_body(%arg0: i32, %arg1: memref<2048x16xf32, #tpu.memory_space<vmem>>, %arg2: memref<2048x16xf32, #tpu.memory_space<vmem>>, %arg3: memref<16x40xf32, #tpu.memory_space<vmem>>, %arg4: memref<1x40xf32, #tpu.memory_space<vmem>>, %arg5: memref<2048x40xf32, #tpu.memory_space<vmem>>) attributes {dimension_semantics = [#tpu.dimension_semantics<arbitrary>], iteration_bounds = array<i64: 5>, scalar_prefetch = 0 : i64, scratch_operands = 0 : i64, tpu.core_type = #tpu.core_type<tc>, window_params = [{transform_indices = @transform_0, window_bounds = array<i64: 2048, 16>}, {transform_indices = @transform_1, window_bounds = array<i64: 2048, 16>}, {pipeline_mode = #tpu.pipeline_mode<synchronous>, transform_indices = @transform_2, window_bounds = array<i64: 16, 40>}, {pipeline_mode = #tpu.pipeline_mode<synchronous>, transform_indices = @transform_3, window_bounds = array<i64: 1, 40>}, {transform_indices = @transform_4, window_bounds = array<i64: 2048, 40>}]} {
    %get3A = arith.constant 0 : index
    %get3A_0 = arith.constant 0 : index
    %get3A_1 = vector.load %arg1[%get3A, %get3A_0] : memref<2048x16xf32, #tpu.memory_space<vmem>>, vector<2048x16xf32>
    %get3A_2 = arith.constant 0 : index
    %get3A_3 = arith.constant 0 : index
    %get3A_4 = vector.load %arg2[%get3A_2, %get3A_3] : memref<2048x16xf32, #tpu.memory_space<vmem>>, vector<2048x16xf32>
    %add3A = arith.addf %get3A_1, %get3A_4 : vector<2048x16xf32>
    %get3A_5 = arith.constant 0 : index
    %get3A_6 = arith.constant 0 : index
    %get3A_7 = vector.load %arg3[%get3A_5, %get3A_6] : memref<16x40xf32, #tpu.memory_space<vmem>>, vector<16x40xf32>
    %dot_general3A = arith.constant dense<0.000000e+00> : vector<2048x40xf32>
    %dot_general3A_8 = tpu.matmul %add3A, %get3A_7, %dot_general3A {dimension_numbers = #tpu.dot_dimension_numbers<[1], [0], [0], [1], [0, 0, 1, 1], [], []>, transpose_lhs_hint = false} : vector<2048x16xf32>, vector<16x40xf32>, vector<2048x40xf32> -> vector<2048x40xf32>
    %get3A_9 = arith.constant 0 : index
    %get3A_10 = arith.constant 0 : index
    %get3A_11 = vector.load %arg4[%get3A_9, %get3A_10] : memref<1x40xf32, #tpu.memory_space<vmem>>, vector<1x40xf32>
    %add3A_12 = vector.broadcast %get3A_11 : vector<1x40xf32> to vector<2048x40xf32>
    %add3A_13 = arith.addf %dot_general3A_8, %add3A_12 : vector<2048x40xf32>
    %reduce_max3A = arith.constant dense<0xFF800000> : vector<2048xf32>
    %reduce_max3A_14 = vector.multi_reduction <maximumf>, %add3A_13, %reduce_max3A [1] : vector<2048x40xf32> to vector<2048xf32>
    %broadcast_in_dim3A = vector.shape_cast %reduce_max3A_14 : vector<2048xf32> to vector<2048x1xf32>
    %sub3A = vector.broadcast %broadcast_in_dim3A : vector<2048x1xf32> to vector<2048x40xf32>
    %sub3A_15 = arith.subf %add3A_13, %sub3A : vector<2048x40xf32>
    %exp3A = math.exp %sub3A_15 : vector<2048x40xf32>
    %reduce_sum3A = arith.constant dense<0.000000e+00> : vector<2048xf32>
    %reduce_sum3A_16 = vector.multi_reduction <add>, %exp3A, %reduce_sum3A [1] : vector<2048x40xf32> to vector<2048xf32>
    %broadcast_in_dim3A_17 = vector.shape_cast %reduce_sum3A_16 : vector<2048xf32> to vector<2048x1xf32>
    %log3A = math.log %broadcast_in_dim3A_17 : vector<2048x1xf32>
    %sub3A_18 = vector.broadcast %log3A : vector<2048x1xf32> to vector<2048x40xf32>
    %sub3A_19 = arith.subf %sub3A_15, %sub3A_18 : vector<2048x40xf32>
    %swap3A = arith.constant 0 : index
    %swap3A_20 = arith.constant 0 : index
    %swap3A_21 = vector.load %arg5[%swap3A, %swap3A_20] : memref<2048x40xf32, #tpu.memory_space<vmem>>, vector<2048x40xf32>
    tpu.vector_store %arg5[%swap3A, %swap3A_20], %sub3A_19 {strides = array<i32>} : memref<2048x40xf32, #tpu.memory_space<vmem>>, vector<2048x40xf32>,
    return
  }
  func.func @transform_0(%arg0: i32) -> (i32, i32) {
    %c0_i32 = arith.constant 0 : i32
    %c0_i32_0 = arith.constant 0 : i32
    return %arg0, %c0_i32 : i32, i32
  }
  func.func @transform_1(%arg0: i32) -> (i32, i32) {
    %c0_i32 = arith.constant 0 : i32
    %c0_i32_0 = arith.constant 0 : i32
    return %arg0, %c0_i32 : i32, i32
  }
  func.func @transform_2(%arg0: i32) -> (i32, i32) {
    %c0_i32 = arith.constant 0 : i32
    %c0_i32_0 = arith.constant 0 : i32
    %c0_i32_1 = arith.constant 0 : i32
    return %c0_i32, %c0_i32_0 : i32, i32
  }
  func.func @transform_3(%arg0: i32) -> (i32, i32) {
    %c0_i32 = arith.constant 0 : i32
    %c0_i32_0 = arith.constant 0 : i32
    %c0_i32_1 = arith.constant 0 : i32
    return %c0_i32, %c0_i32_0 : i32, i32
  }
  func.func @transform_4(%arg0: i32) -> (i32, i32) {
    %c0_i32 = arith.constant 0 : i32
    %c0_i32_0 = arith.constant 0 : i32
    return %arg0, %c0_i32 : i32, i32
  }
}

</mosaic_0001>

<sc_bundles>
// kernel: kernel.5.cloned.1.call-start
scs
__scs_entry_jumppad:
0x0: {  	(pc) =	sbr.rel $0x88, $3  }
0x1: {  	(tag) =	ssettag $0x0;
	lr =	simm.s32 $0x1  }
0x2: {  	[smem:$0x3F9A] =	sst lr;
	_ =	strace $0xD0000000  }
0x3: {  	_ = 	snop  }
0x4: {  	_ = 	snop  }
0x5: {  	_ = 	snop  }
0x6: {  	_ = 	snop  }
0x7: {  	_ = 	snop  }
__scs_overlays_trampoline_lowered:
0x8: {  	[smem:$0x3FA9] =	sst s0  }
0x9: {  	[smem:$0x3FAA] =	sst s1  }
0xa: {  	[smem:$0x3FAB] =	sst s2  }
0xb: {  	[smem:$0x3FAC] =	sst s3  }
0xc: {  	[smem:$0x3FAD] =	sst s4  }
0xd: {  	[smem:$0x3FAE] =	sst s5  }
0xe: {  	[smem:$0x3FAF] =	sst s6  }
0xf: {  	[smem:$0x3FB0] =	sst s7  }
0x10: {  	[smem:$0x3FB1] =	sst s8  }
0x11: {  	[smem:$0x3FB2] =	sst s9;
	s0 =	simm.s32 @!p0 $0x0  }
0x12: {  	s1 =	sld [smem:$0x3F98];
	s0 =	simm.s32 @p0 $0x1  }
0x13: {  	[smem:$0x3FB3] =	sst s0;
	s0 =	simm.s32 @!p1 $0x0  }
0x14: {  	s2 =	sld [smem:$0x3F97];
	s0 =	simm.s32 @p1 $0x1  }
0x15: {  	[smem:$0x3FB4] =	sst s0;
	s0 =	simm.s32 @!p2 $0x0  }
0x16: {  	s3 =	sld [smem:$0x3FDB];
	s0 =	simm.s32 @p2 $0x1  }
0x17: {  	s4 =	simm.s32 $0x1BF5;
	[smem:$0x3FB6] =	sst s0  }
0x18: {  	s0 =	sld [smem:$0x3F99];
	_ =	swait.ge [sflag:s4], $0x0  }
0x19: {  	s7 =	sld [smem:$0x3F9A]  }
0x1a: {  	s8 =	sadd.s32 $0xFFFFE003, lr  }
0x1b: {  	s9 =	sadd.s32 $0xFFFFFEF7, lr;
	s5 =	simm.s32 $0xFFFFFFFF;
	p2 =	slt.u32 s8, $0xFFFFF086  }
0x1c: {  	p1 =	slt.u32 s9, $0xF7A;
	s5 =	simm.s32 @!p2 $0x0  }
0x1d: {  	s5 =	simm.s32 @p1 $0x1;
	p0 =	seq.s32 s7, s2  }
0x1e: {  	s7 =	smul.u32 @!p0 $0xF7A, s2;
	p2 =	seq.s32 @!p0 s5, $0x0  }
0x1f: {  	s9 =	smul.u32 $0xF7A, s1;
	s8 =	simm.s32 @!p0 $0x1BF5;
	p2 =	por !p2, p0  }
0x20: {  	[sflag:s8] =	ssyncset.s32 @!p0 $0xFFFFF086;
	s6 =	sadd.s32 @!p0 s3, s7;
	s7 =	simm.s32 @!p0 $0x108  }
0x21: {  	s3 =	sadd.s32 s3, s9;
	s6 =	sadd.s32 @!p0 $0x88, s6;
	s7 =	simm.s32 @p2 $0x1082  }
0x22: {  	[simem:s7], [sflag:s8] =	dma.local @!p0 [hbm:s6], $0xF7A  }
0x23: {  	s9 =	sor.u32 $0xD0000000, s2;
	s6 =	simm.s32 $0x108;
	_ =	swait.ge @!p0 [sflag:s8], $0x0  }
0x24: {  	s3 =	sadd.s32 $0x88, s3;
	s6 =	simm.s32 @!p1 $0x1082;
	[sflag:s4] =	ssyncset.s32 $0xFFFFF086  }
0x25: {  	[simem:s6], [sflag:s4] =	dma.local [hbm:s3], $0xF7A  }
0x26: {  	[smem:$0x3F9A] =	sst s1;
	(tag) =	ssettag s2;
	_ =	strace s9  }
0x27: {  	s1 =	sld [smem:$0x3FAA]  }
0x28: {  	s2 =	sld [smem:$0x3FAB]  }
0x29: {  	s4 =	sld [smem:$0x3FAD]  }
0x2a: {  	p0 =	seq.s32 s5, $0x0;
	s5 =	sld [smem:$0x3FAE]  }
0x2b: {  	s6 =	sld [smem:$0x3FAF]  }
0x2c: {  	s7 =	sld [smem:$0x3FB0]  }
0x2d: {  	s3 =	simm.s32 $0x108;
	s8 =	sld [smem:$0x3FB1]  }
0x2e: {  	s3 =	simm.s32 @!p0 $0x1082;
	s9 =	sld [smem:$0x3FB2]  }
0x2f: {  	lr =	sadd.s32 s0, s3;
	s0 =	sld [smem:$0x3FA9]  }
0x30: {  	s3 =	sld [smem:$0x3FAC]  }
0x31: {  	[smem:$0x3FB5] =	sst s10  }
0x32: {  	s10 =	sld [smem:$0x3FB3];
	_ =	sdelay $0x3  }
0x33: {  	p0 =	seq.s32 s10, $0x1;
	s10 =	sld [smem:$0x3FB5];
	_ =	sdelay $0x3  }
0x34: {  	[smem:$0x3FB5] =	sst s10  }
0x35: {  	s10 =	sld [smem:$0x3FB4];
	_ =	sdelay $0x3  }
0x36: {  	p1 =	seq.s32 s10, $0x1;
	s10 =	sld [smem:$0x3FB5];
	_ =	sdelay $0x3  }
0x37: {  	[smem:$0x3FB5] =	sst s10  }
0x38: {  	s10 =	sld [smem:$0x3FB6]  }
0x39: {  	_ = 	snop;
	(pc) =	sbr.ind lr, $3  }
0x3a: {  	_ = 	snop  }
0x3b: {  	_ = 	snop  }
0x3c: {  	p2 =	seq.s32 s10, $0x1;
	s10 =	sld [smem:$0x3FB5]  }
0x3d: {  	_ =	shalt  }
0x3e: {  	_ =	shalt  }
0x3f: {  	_ =	shalt  }
0x40: {  	_ =	shalt  }
0x41: {  	_ =	shalt  }
0x42: {  	_ =	shalt  }
0x43: {  	_ =	shalt  }
0x44: {  	_ =	shalt  }
0x45: {  	_ =	shalt  }
0x46: {  	_ =	shalt  }
0x47: {  	_ =	shalt  }
0x48: {  	_ =	shalt  }
0x49: {  	_ =	shalt  }
0x4a: {  	_ =	shalt  }
0x4b: {  	_ =	shalt  }
0x4c: {  	_ =	shalt  }
0x4d: {  	_ =	shalt  }
0x4e: {  	_ =	shalt  }
0x4f: {  	_ =	shalt  }
0x50: {  	_ =	shalt  }
0x51: {  	_ =	shalt  }
0x52: {  	_ =	shalt  }
0x53: {  	_ =	shalt  }
0x54: {  	_ =	shalt  }
0x55: {  	_ =	shalt  }
0x56: {  	_ =	shalt  }
0x57: {  	_ =	shalt  }
0x58: {  	_ =	shalt  }
0x59: {  	_ =	shalt  }
0x5a: {  	_ =	shalt  }
0x5b: {  	_ =	shalt  }
0x5c: {  	_ =	shalt  }
0x5d: {  	_ =	shalt  }
0x5e: {  	_ =	shalt  }
0x5f: {  	_ =	shalt  }
0x60: {  	_ =	shalt  }
0x61: {  	_ =	shalt  }
0x62: {  	_ =	shalt  }
0x63: {  	_ =	shalt  }
0x64: {  	_ =	shalt  }
0x65: {  	_ =	shalt  }
0x66: {  	_ =	shalt  }
0x67: {  	_ =	shalt  }
0x68: {  	_ =	shalt  }
0x69: {  	_ =	shalt  }
0x6a: {  	_ =	shalt  }
0x6b: {  	_ =	shalt  }
0x6c: {  	_ =	shalt  }
0x6d: {  	_ =	shalt  }
0x6e: {  	_ =	shalt  }
0x6f: {  	_ =	shalt  }
0x70: {  	_ =	shalt  }
0x71: {  	_ =	shalt  }
0x72: {  	_ =	shalt  }
0x73: {  	_ =	shalt  }
0x74: {  	_ =	shalt  }
0x75: {  	_ =	shalt  }
0x76: {  	_ =	shalt  }
0x77: {  	_ =	shalt  }
0x78: {  	_ =	shalt  }
0x79: {  	_ =	shalt  }
0x7a: {  	_ =	shalt  }
0x7b: {  	_ =	shalt  }
0x7c: {  	_ =	shalt  }
0x7d: {  	_ =	shalt  }
0x7e: {  	_ =	shalt  }
0x7f: {  	_ =	shalt  }
0x80: {  	_ =	shalt  }
0x81: {  	_ =	shalt  }
0x82: {  	_ =	shalt  }
0x83: {  	_ =	shalt  }
0x84: {  	_ =	shalt  }
0x85: {  	_ =	shalt  }
0x86: {  	_ =	shalt  }
0x87: {  	_ =	shalt  }
.Lfunc_end0:
.L_simem_size_0:
called_computation_lowered:
.L_overlay_start_0:
0x88: {  	s0 =	sld [smem:$0x3FD9]  }
0x89: {  	s1 =	sld [smem:$0x3FFE];
	_ =	sdelay $0x3  }
0x8a: {  	s0 =	sadd.s32 s1, s0  }
0x8b: {  	[smem:$0x3FC1] =	sst s0  }
0x8c: {  	_ = 	snop  }
0x8d: {  	s0 =	sld [smem:$0x3FD0];
	(tm) =	ssettm $0x1  }
0x8e: {  	s16 =	sld [smem:$0x3FFB];
	_ =	sdelay $0x3  }
0x8f: {  	_ =	strace s16  }
0x90: {  	s1 =	sld [smem:$0x3FFC];
	_ =	sdelay $0x3  }
0x91: {  	_ =	strace s1  }
0x92: {  	s1 =	sld [smem:$0x3FFD];
	_ =	sdelay $0x3  }
0x93: {  	_ =	strace s1  }
0x94: {  	_ =	strace $0x8FFFFFFF  }
0x95: {  	s17 =	sld [smem:$0x3FDB];
	_ =	sdelay $0x1  }
0x96: {  	s2 =	simm.s32 $_scs_section_size  }
0x97: {  	s3 =	simm.s32 $_size__tile_overlayer_lowered;
	s4 =	simm.s32 $_tile_overlayer_lowered  }
0x98: {  	s20 =	simm.s32 $0x1BFF;
	s19 =	sshll.u32 s4, $0x1;
	s1 =	sadd.s32 s2, s17  }
0x99: {  	s5 =	simm.s32 $0x0;
	s18 =	sshll.u32 s3, $0x1;
	s3 =	sadd.s32 s19, s1  }
0x9a: {  	[timem:s5], [sflag:s20] =	dma.local [hbm:s3], s18  }
0x9b: {  	_ =	swait.ge [sflag:s20], s18  }
0x9c: {  	s2 =	ssub.s32 $0x0, s18;
	[sflag:s20] =	ssyncset.done $0x0  }
0x9d: {  	[sflag:s20] =	ssyncadd.s32 s2;
	_ =	sdelay $0x1  }
0x9e: {  	s21 =	simm.s32 $0x1B8B  }
0x9f: {  	_ =	swait.ge [sflag:s21], $0x1  }
0xa0: {  	[sflag:s21] =	ssyncset.done $0x0  }
0xa1: {  	s23 =	simm.s32 $0x1B8E;
	s22 =	sld [smem:$0x3FFE];
	[sflag:s21] =	ssyncadd.s32 $0xFFFFFFFF  }
0xa2: {  	s24 =	simm.s32 $execute0_lowered;
	[smem:$0x3FD2] =	sst s23  }
0xa3: {  	s3 =	sshll.u32 s24, $0x1;
	_ =	strace $0x80000046;
	[dreg:$0x1] =	wrdreg $0xFFFFFFFF  }
0xa4: {  	s25 =	simm.s32 $_size_execute0_lowered;
	s1 =	sadd.s32 s1, s3;
	[dreg:$0x0] =	wrdreg $0x0  }
0xa5: {  	s3 =	sshll.u32 s25, $0x1;
	[dreg:$0x2] =	wrdreg s1  }
0xa6: {  	[dreg:$0x3] =	wrdreg s3  }
0xa7: {  	[dreg:$0x4] =	wrdreg $0xC0  }
0xa8: {  	_ =	task [dreg:s5], $0x5FFFF  }
0xa9: {  	[dreg:$0x1] =	wrdreg $0xFFFFFFFF  }
0xaa: {  	[dreg:$0x0] =	wrdreg $0x60  }
0xab: {  	[dreg:$0x2] =	wrdreg s22  }
0xac: {  	[dreg:$0x3] =	wrdreg s0  }
0xad: {  	[dreg:$0x4] =	wrdreg $0x14C000  }
0xae: {  	[dreg:$0x5] =	wrdreg $0x124000  }
0xaf: {  	[dreg:$0x6] =	wrdreg $0x174000  }
0xb0: {  	[dreg:$0x7] =	wrdreg $0x9  }
0xb1: {  	_ =	task.clear_ibuf [dreg:s5], $0x8FFFF;
	_ =	strace $0x90000046  }
0xb2: {  	s26 =	simm.s32 $0x9;
	_ =	strace $0x80000048  }
0xb3: {  	_ =	swait.ge [sflag:s26], $0x1  }
0xb4: {  	[sflag:s26] =	ssyncadd.s32 $0xFFFFFFFF  }
0xb5: {  	_ =	strace $0x90000048  }
0xb6: {  	_ =	sfence  }
0xb7: {  	s28 =	sld [smem:$0x0];
	_ =	sdelay $0x1  }
0xb8: {  	s29 =	srdreg.scid  }
0xb9: {  	s30 =	sshll.u32 s29, $0xD;
	s31 =	sshrl.u32 s29, $0x2  }
0xba: {  	s2 =	sand.u32 $0x4000, s30;
	s1 =	sand.u32 $0x1, s29;
	s0 =	sadd.s32 s31, s28  }
0xbb: {  	s1 =	sor.u32 s2, s1;
	s0 =	sshll.u32 s0, $0x11  }
0xbc: {  	s0 =	sor.u32 s0, s1  }
0xbd: {  	s0 =	sadd.s32 $0x8F2B, s0  }
0xbe: {  	[sflag:s0] =	ssyncadd.remote.s32 $0x1  }
0xbf: {  	_ =	sfence.sel $0xFFFF  }
0xc0: {  	[dreg:$0x0] =	wrdreg $0xFFFFFFFF;
	(pc) =	sbr.abs _section_cstart, $3  }
0xc1: {  	[dreg:$0x1] =	wrdreg $0xFFFFFFFF  }
0xc2: {  	_ =	task.clear_ibuf [dreg:s5], $0x2FFFF;
	_ =	strace $0x9FFFFFFF  }
0xc3: {  	(tm) =	ssettm $0x7FFFFFFF  }
tec
execute0_lowered:
.L_overlay_start_1:
0x0: {  	(tag) =	ssettag $0x1  }
0x1: {  	s7 =	rddreg [dreg:$0x0]  }
0x2: {  	s0 =	rddreg [dreg:$0x1]  }
0x3: {  	s16 =	rddreg [dreg:$0x2]  }
0x4: {  	s4 =	rddreg [dreg:$0x3]  }
0x5: {  	s6 =	stileid.u32;
	s5 =	rddreg [dreg:$0x4]  }
0x6: {  	s17 =	simm.s32 $0x0;
	s15 =	simm.s32 $0x5000;
	s9 =	smul.u32 $0x2800, s6  }
0x7: {  	s1 =	smul.u32 $0xA00, s6;
	[smem:$0x7FF] =	sst s17;
	s8 =	sshll.u32 s6, $0x6  }
0x8: {  	_ =	strace $0x80000047;
	[dreg:$0x7] =	wrdreg s8;
	s19 =	sor.u32 $0x1C03, s8  }
0x9: {  	s3 =	sshrl.u32 s9, $0x3;
	s2 =	sadd.s32 s1, s7;
	s14 =	sadd.s32 s9, s16  }
0xa: {  	[dreg:$0x6] =	wrdreg s3;
	s3 =	sadd.s32 s3, s7;
	s2 =	sadd.s32 $0x10A00, s2  }
0xb: {  	[tilespmem:s17], [sflag:$0x1] =	stream.linear.gather [hbm4b:s2+s17], $0x5000, $0x38;
	[tilespmem:$0x19C00] =	vst v63  }
0xc: {  	s0 =	sadd.s32 s0, s1;
	s1 =	sshrl.u32 s14, $0x3;
	s18 =	sadd.s32 $0xBA00, s3  }
0xd: {  	v0 =	vimm.f32 $0.0e+00;
	[tilespmem:s15], [sflag:$0x2] =	stream.linear.gather [hbm4b:s0+s17], $0x5000, $0x38;
	[tilespmem:$0x19C00] =	vst v63  }
0xe: {  	[spmem:s1], [sflag:s19] =	dma.local [hbm:s18], $0x500;
	[tilespmem:$0xE000] =	vst v0  }
0xf: {  	[tilespmem:$0xE010] =	vst v0  }
0x10: {  	[tilespmem:$0xE020] =	vst v0  }
0x11: {  	[tilespmem:$0xE030] =	vst v0  }
0x12: {  	[tilespmem:$0xE040] =	vst v0  }
0x13: {  	[tilespmem:$0xE050] =	vst v0  }
0x14: {  	[tilespmem:$0xE060] =	vst v0  }
0x15: {  	[tilespmem:$0xE070] =	vst v0  }
0x16: {  	[tilespmem:$0xE080] =	vst v0  }
0x17: {  	[tilespmem:$0xE090] =	vst v0  }
0x18: {  	[tilespmem:$0xE0A0] =	vst v0  }
0x19: {  	[tilespmem:$0xE0B0] =	vst v0  }
0x1a: {  	[tilespmem:$0xE0C0] =	vst v0  }
0x1b: {  	[tilespmem:$0xE0D0] =	vst v0  }
0x1c: {  	[tilespmem:$0xE0E0] =	vst v0  }
0x1d: {  	[tilespmem:$0xE0F0] =	vst v0  }
0x1e: {  	[tilespmem:$0xE100] =	vst v0  }
0x1f: {  	[tilespmem:$0xE110] =	vst v0  }
0x20: {  	[tilespmem:$0xE120] =	vst v0  }
0x21: {  	[tilespmem:$0xE130] =	vst v0  }
0x22: {  	[tilespmem:$0xE140] =	vst v0  }
0x23: {  	[tilespmem:$0xE150] =	vst v0  }
0x24: {  	[tilespmem:$0xE160] =	vst v0  }
0x25: {  	[tilespmem:$0xE170] =	vst v0  }
0x26: {  	[tilespmem:$0xE180] =	vst v0  }
0x27: {  	[tilespmem:$0xE190] =	vst v0  }
0x28: {  	[tilespmem:$0xE1A0] =	vst v0  }
0x29: {  	[tilespmem:$0xE1B0] =	vst v0  }
0x2a: {  	[tilespmem:$0xE1C0] =	vst v0  }
0x2b: {  	[tilespmem:$0xE1D0] =	vst v0  }
0x2c: {  	[tilespmem:$0xE1E0] =	vst v0  }
0x2d: {  	[tilespmem:$0xE1F0] =	vst v0  }
0x2e: {  	[tilespmem:$0xE200] =	vst v0  }
0x2f: {  	[tilespmem:$0xE210] =	vst v0  }
0x30: {  	[tilespmem:$0xE220] =	vst v0  }
0x31: {  	[tilespmem:$0xE230] =	vst v0  }
0x32: {  	[tilespmem:$0xE240] =	vst v0  }
0x33: {  	[tilespmem:$0xE250] =	vst v0  }
0x34: {  	[tilespmem:$0xE260] =	vst v0  }
0x35: {  	[tilespmem:$0xE270] =	vst v0  }
0x36: {  	[tilespmem:$0xE280] =	vst v0  }
0x37: {  	[tilespmem:$0xE290] =	vst v0  }
0x38: {  	[tilespmem:$0xE2A0] =	vst v0  }
0x39: {  	[tilespmem:$0xE2B0] =	vst v0  }
0x3a: {  	[tilespmem:$0xE2C0] =	vst v0  }
0x3b: {  	[tilespmem:$0xE2D0] =	vst v0  }
0x3c: {  	[tilespmem:$0xE2E0] =	vst v0  }
0x3d: {  	[tilespmem:$0xE2F0] =	vst v0  }
0x3e: {  	[tilespmem:$0xE300] =	vst v0  }
0x3f: {  	[tilespmem:$0xE310] =	vst v0  }
0x40: {  	[tilespmem:$0xE320] =	vst v0  }
0x41: {  	[tilespmem:$0xE330] =	vst v0  }
0x42: {  	[tilespmem:$0xE340] =	vst v0  }
0x43: {  	[tilespmem:$0xE350] =	vst v0  }
0x44: {  	[tilespmem:$0xE360] =	vst v0  }
0x45: {  	[tilespmem:$0xE370] =	vst v0  }
0x46: {  	[tilespmem:$0xE380] =	vst v0  }
0x47: {  	[tilespmem:$0xE390] =	vst v0  }
0x48: {  	[tilespmem:$0xE3A0] =	vst v0  }
0x49: {  	[tilespmem:$0xE3B0] =	vst v0  }
0x4a: {  	[tilespmem:$0xE3C0] =	vst v0  }
0x4b: {  	[tilespmem:$0xE3D0] =	vst v0  }
0x4c: {  	[tilespmem:$0xE3E0] =	vst v0  }
0x4d: {  	[tilespmem:$0xE3F0] =	vst v0  }
0x4e: {  	[tilespmem:$0xE400] =	vst v0  }
0x4f: {  	[tilespmem:$0xE410] =	vst v0  }
0x50: {  	[tilespmem:$0xE420] =	vst v0  }
0x51: {  	[tilespmem:$0xE430] =	vst v0  }
0x52: {  	[tilespmem:$0xE440] =	vst v0  }
0x53: {  	[tilespmem:$0xE450] =	vst v0  }
0x54: {  	[tilespmem:$0xE460] =	vst v0  }
0x55: {  	[tilespmem:$0xE470] =	vst v0  }
0x56: {  	[tilespmem:$0xE480] =	vst v0  }
0x57: {  	[tilespmem:$0xE490] =	vst v0  }
0x58: {  	[tilespmem:$0xE4A0] =	vst v0  }
0x59: {  	[tilespmem:$0xE4B0] =	vst v0  }
0x5a: {  	[tilespmem:$0xE4C0] =	vst v0  }
0x5b: {  	[tilespmem:$0xE4D0] =	vst v0  }
0x5c: {  	[tilespmem:$0xE4E0] =	vst v0  }
0x5d: {  	[tilespmem:$0xE4F0] =	vst v0  }
0x5e: {  	[tilespmem:$0xE500] =	vst v0  }
0x5f: {  	[tilespmem:$0xE510] =	vst v0  }
0x60: {  	[tilespmem:$0xE520] =	vst v0  }
0x61: {  	[tilespmem:$0xE530] =	vst v0  }
0x62: {  	[tilespmem:$0xE540] =	vst v0  }
0x63: {  	[tilespmem:$0xE550] =	vst v0  }
0x64: {  	[tilespmem:$0xE560] =	vst v0  }
0x65: {  	[tilespmem:$0xE570] =	vst v0  }
0x66: {  	[tilespmem:$0xE580] =	vst v0  }
0x67: {  	[tilespmem:$0xE590] =	vst v0  }
0x68: {  	[tilespmem:$0xE5A0] =	vst v0  }
0x69: {  	[tilespmem:$0xE5B0] =	vst v0  }
0x6a: {  	[tilespmem:$0xE5C0] =	vst v0  }
0x6b: {  	[tilespmem:$0xE5D0] =	vst v0  }
0x6c: {  	[tilespmem:$0xE5E0] =	vst v0  }
0x6d: {  	[tilespmem:$0xE5F0] =	vst v0  }
0x6e: {  	[tilespmem:$0xE600] =	vst v0  }
0x6f: {  	[tilespmem:$0xE610] =	vst v0  }
0x70: {  	[tilespmem:$0xE620] =	vst v0  }
0x71: {  	[tilespmem:$0xE630] =	vst v0  }
0x72: {  	[tilespmem:$0xE640] =	vst v0  }
0x73: {  	[tilespmem:$0xE650] =	vst v0  }
0x74: {  	[tilespmem:$0xE660] =	vst v0  }
0x75: {  	[tilespmem:$0xE670] =	vst v0  }
0x76: {  	[tilespmem:$0xE680] =	vst v0  }
0x77: {  	[tilespmem:$0xE690] =	vst v0  }
0x78: {  	[tilespmem:$0xE6A0] =	vst v0  }
0x79: {  	[tilespmem:$0xE6B0] =	vst v0  }
0x7a: {  	[tilespmem:$0xE6C0] =	vst v0  }
0x7b: {  	[tilespmem:$0xE6D0] =	vst v0  }
0x7c: {  	[tilespmem:$0xE6E0] =	vst v0  }
0x7d: {  	[tilespmem:$0xE6F0] =	vst v0  }
0x7e: {  	[tilespmem:$0xE700] =	vst v0  }
0x7f: {  	[tilespmem:$0xE710] =	vst v0  }
0x80: {  	[tilespmem:$0xE720] =	vst v0  }
0x81: {  	[tilespmem:$0xE730] =	vst v0  }
0x82: {  	[tilespmem:$0xE740] =	vst v0  }
0x83: {  	[tilespmem:$0xE750] =	vst v0  }
0x84: {  	[tilespmem:$0xE760] =	vst v0  }
0x85: {  	[tilespmem:$0xE770] =	vst v0  }
0x86: {  	[tilespmem:$0xE780] =	vst v0  }
0x87: {  	[tilespmem:$0xE790] =	vst v0  }
0x88: {  	[tilespmem:$0xE7A0] =	vst v0  }
0x89: {  	[tilespmem:$0xE7B0] =	vst v0  }
0x8a: {  	[tilespmem:$0xE7C0] =	vst v0  }
0x8b: {  	s21 =	smul.u32 $0xA000, s6;
	[tilespmem:$0xE7D0] =	vst v0  }
0x8c: {  	s22 =	simm.s32 $0xE000;
	s20 =	sadd.s32 s9, s4;
	[tilespmem:$0xE7E0] =	vst v0;
	[dreg:$0xe] =	wrdreg s9  }
0x8d: {  	s23 =	simm.s32 $0x11;
	s0 =	sshrl.u32 s21, $0x2;
	[tilespmem:$0xE7F0] =	vst v0;
	[dreg:$0x8] =	wrdreg s20  }
0x8e: {  	[spmem:s20] =	stream.linear.scatter [tilespmem:s22], [sflag:$0x11], $0x800, $0x38;
	[tilespmem:$0x19C00] =	vst v63  }
0x8f: {  	s0 =	sadd.s32 s0, s4;
	_ =	swait.ge [sflag:s23], $0x800  }
0x90: {  	s24 =	sadd.s32 $0x800, s0;
	[sflag:s23] =	ssyncset.done $0x0  }
0x91: {  	[dreg:$0xa] =	wrdreg s24;
	[sflag:s23] =	ssyncadd.s32 $0xFFFFF800  }
0x92: {  	[spmem:s24] =	stream.linear.scatter [tilespmem:s22], [sflag:$0x11], $0x800, $0x38;
	[tilespmem:$0x19C00] =	vst v63  }
0x93: {  	_ =	swait.ge [sflag:s23], $0x800  }
0x94: {  	s25 =	sadd.s32 $0x1000, s0;
	[sflag:s23] =	ssyncset.done $0x0  }
0x95: {  	[dreg:$0xb] =	wrdreg s25;
	[sflag:s23] =	ssyncadd.s32 $0xFFFFF800  }
0x96: {  	[spmem:s25] =	stream.linear.scatter [tilespmem:s22], [sflag:$0x11], $0x800, $0x38;
	[tilespmem:$0x19C00] =	vst v63  }
0x97: {  	_ =	swait.ge [sflag:s23], $0x800  }
0x98: {  	s26 =	sadd.s32 $0x1800, s0;
	[sflag:s23] =	ssyncset.done $0x0  }
0x99: {  	[dreg:$0xc] =	wrdreg s26;
	[sflag:s23] =	ssyncadd.s32 $0xFFFFF800  }
0x9a: {  	[spmem:s26] =	stream.linear.scatter [tilespmem:s22], [sflag:$0x11], $0x800, $0x38;
	[tilespmem:$0x19C00] =	vst v63  }
0x9b: {  	_ =	swait.ge [sflag:s23], $0x800  }
0x9c: {  	s0 =	sadd.s32 $0x2000, s0;
	[sflag:s23] =	ssyncset.done $0x0  }
0x9d: {  	[dreg:$0xd] =	wrdreg s0;
	[sflag:s23] =	ssyncadd.s32 $0xFFFFF800  }
0x9e: {  	[spmem:s0] =	stream.linear.scatter [tilespmem:s22], [sflag:$0x11], $0x800, $0x38;
	[tilespmem:$0x19C00] =	vst v63  }
0x9f: {  	_ =	swait.ge [sflag:s23], $0x800  }
0xa0: {  	[sflag:s23] =	ssyncset.done $0x0  }
0xa1: {  	s18 =	simm.s32 $0x1;
	[sflag:s23] =	ssyncadd.s32 $0xFFFFF800  }
0xa2: {  	_ =	swait.ge [sflag:s18], $0x5000  }
0xa3: {  	[sflag:s18] =	ssyncset.done $0x0  }
0xa4: {  	s19 =	simm.s32 $0x2;
	[sflag:s18] =	ssyncadd.s32 $0xFFFFB000  }
0xa5: {  	s28 =	simm.s32 $0xC800;
	_ =	swait.ge [sflag:s19], $0x5000  }
0xa6: {  	s10 =	simm.s32 $0x300;
	s29 =	simm.s32 $0xD000;
	[sflag:s19] =	ssyncset.done $0x0  }
0xa7: {  	s11 =	simm.s32 $0x380;
	s20 =	simm.s32 $0x3;
	[sflag:s19] =	ssyncadd.s32 $0xFFFFB000  }
0xa8: {  	s30 =	simm.s32 $0xD800;
	s31 =	simm.s32 $0x4;
	_ =	swait.ge [sflag:s20], $0x500  }
0xa9: {  	s6 =	simm.s32 $0x180;
	s12 =	sadd.s32 $0x6A00, s7;
	[sflag:s20] =	ssyncset.done $0x0  }
0xaa: {  	s13 =	sadd.s32 $0x1A00, s7;
	s8 =	simm.s32 $0x200;
	[sflag:s20] =	ssyncadd.s32 $0xFFFFFB00  }
0xab: {  	s21 =	simm.s32 $0x80;
	s22 =	simm.s32 $0xA000;
	[bflag:$0x0] =	sbarrier.arrive $0xFFFF  }
0xac: {  	[tilespmem:s22], [sflag:$0x1] =	stream.indirect.gather [spmem:s16], $0x10, s17, s21, $0xb8;
	[tilespmem:$0x19C00] =	vst v63  }
0xad: {  	s14 =	sadd.s32 $0x1AA00, s7;
	s3 =	simm.s32 $0x100;
	s23 =	simm.s32 $0xA800  }
0xae: {  	[tilespmem:s23], [sflag:$0x2] =	stream.indirect.gather [spmem:s16], $0x10, s21, s21, $0xb8;
	[tilespmem:$0x19C00] =	vst v63  }
0xaf: {  	s2 =	simm.s32 $0xF;
	s15 =	sadd.s32 $0x1FA00, s7;
	s24 =	simm.s32 $0xB000  }
0xb0: {  	[tilespmem:s24], [sflag:$0x3] =	stream.indirect.gather [spmem:s16], $0x10, s3, s21, $0xb8;
	[tilespmem:$0x19C00] =	vst v63  }
0xb1: {  	s7 =	simm.s32 $0x6;
	s25 =	simm.s32 $0xB800;
	[dreg:$0x11] =	wrdreg s12  }
0xb2: {  	[tilespmem:s25], [sflag:$0x4] =	stream.indirect.gather [spmem:s16], $0x10, s6, s21, $0xb8;
	[tilespmem:$0x19C00] =	vst v63  }
0xb3: {  	s9 =	simm.s32 $0x280;
	s26 =	simm.s32 $0xC000;
	[dreg:$0x10] =	wrdreg s13  }
0xb4: {  	[tilespmem:s26], [sflag:$0x5] =	stream.indirect.gather [spmem:s16], $0x10, s8, s21, $0xb8;
	[tilespmem:$0x19C00] =	vst v63  }
0xb5: {  	s1 =	simm.s32 $0x5;
	s0 =	simm.s32 $0x7;
	[dreg:$0xf] =	wrdreg s14  }
0xb6: {  	[tilespmem:s28], [sflag:$0x6] =	stream.indirect.gather [spmem:s16], $0x10, s9, s21, $0xb8;
	[tilespmem:$0x19C00] =	vst v63  }
0xb7: {  	[dreg:$0x9] =	wrdreg s15;
	s13 =	simm.s32 $0xD;
	s14 =	simm.s32 $0x10  }
0xb8: {  	[tilespmem:s29], [sflag:$0x7] =	stream.indirect.gather [spmem:s16], $0x10, s10, s21, $0xb8;
	[tilespmem:$0x19C00] =	vst v63  }
0xb9: {  	s3 =	simm.s32 $0x8;
	s6 =	simm.s32 $0xE;
	s8 =	simm.s32 $0x9  }
0xba: {  	[tilespmem:s30], [sflag:$0x8] =	stream.indirect.gather [spmem:s16], $0x10, s11, s21, $0xb8;
	[tilespmem:$0x19C00] =	vst v63  }
0xbb: {  	s9 =	simm.s32 $0xA;
	s10 =	simm.s32 $0xB;
	s11 =	simm.s32 $0xC  }
.LBB2_1:
0xbc: {  	_ =	swait.ge [sflag:s18], $0x800  }
0xbd: {  	s15 =	sshra.s32 s17, $0x2;
	[sflag:s18] =	ssyncset.done $0x0  }
0xbe: {  	s12 =	sadd.s32 $0x5000, s15;
	[sflag:s18] =	ssyncadd.s32 $0xFFFFF800  }
0xbf: {  	[spmem:s4] =	stream.indirect.scatter.add.f32 [tilespmem:s22], [sflag:$0x9], $0x10, s12, s21, $0xb8;
	[tilespmem:$0x19C00] =	vst v63  }
0xc0: {  	_ =	swait.ge [sflag:s19], $0x800  }
0xc1: {  	[sflag:s19] =	ssyncset.done $0x0  }
0xc2: {  	s12 =	sadd.s32 $0x5080, s15;
	[sflag:s19] =	ssyncadd.s32 $0xFFFFF800  }
0xc3: {  	[spmem:s4] =	stream.indirect.scatter.add.f32 [tilespmem:s23], [sflag:$0xA], $0x10, s12, s21, $0xb8;
	[tilespmem:$0x19C00] =	vst v63  }
0xc4: {  	_ =	swait.ge [sflag:s20], $0x800  }
0xc5: {  	[sflag:s20] =	ssyncset.done $0x0  }
0xc6: {  	s12 =	sadd.s32 $0x5100, s15;
	[sflag:s20] =	ssyncadd.s32 $0xFFFFF800  }
0xc7: {  	[spmem:s4] =	stream.indirect.scatter.add.f32 [tilespmem:s24], [sflag:$0xB], $0x10, s12, s21, $0xb8;
	[tilespmem:$0x19C00] =	vst v63  }
0xc8: {  	_ =	swait.ge [sflag:s31], $0x800  }
0xc9: {  	[sflag:s31] =	ssyncset.done $0x0  }
0xca: {  	s12 =	sadd.s32 $0x5180, s15;
	[sflag:s31] =	ssyncadd.s32 $0xFFFFF800  }
0xcb: {  	[spmem:s4] =	stream.indirect.scatter.add.f32 [tilespmem:s25], [sflag:$0xC], $0x10, s12, s21, $0xb8;
	[tilespmem:$0x19C00] =	vst v63  }
0xcc: {  	_ =	swait.ge [sflag:s1], $0x800  }
0xcd: {  	[sflag:s1] =	ssyncset.done $0x0  }
0xce: {  	s12 =	sadd.s32 $0x5200, s15;
	[sflag:s1] =	ssyncadd.s32 $0xFFFFF800  }
0xcf: {  	[spmem:s4] =	stream.indirect.scatter.add.f32 [tilespmem:s26], [sflag:$0xD], $0x10, s12, s21, $0xb8;
	[tilespmem:$0x19C00] =	vst v63  }
0xd0: {  	_ =	swait.ge [sflag:s7], $0x800  }
0xd1: {  	[sflag:s7] =	ssyncset.done $0x0  }
0xd2: {  	s12 =	sadd.s32 $0x5280, s15;
	[sflag:s7] =	ssyncadd.s32 $0xFFFFF800  }
0xd3: {  	[spmem:s4] =	stream.indirect.scatter.add.f32 [tilespmem:s28], [sflag:$0xE], $0x10, s12, s21, $0xb8;
	[tilespmem:$0x19C00] =	vst v63  }
0xd4: {  	_ =	swait.ge [sflag:s0], $0x800  }
0xd5: {  	[sflag:s0] =	ssyncset.done $0x0  }
0xd6: {  	s12 =	sadd.s32 $0x5300, s15;
	[sflag:s0] =	ssyncadd.s32 $0xFFFFF800  }
0xd7: {  	[spmem:s4] =	stream.indirect.scatter.add.f32 [tilespmem:s29], [sflag:$0xF], $0x10, s12, s21, $0xb8;
	[tilespmem:$0x19C00] =	vst v63  }
0xd8: {  	_ =	swait.ge [sflag:s3], $0x800  }
0xd9: {  	p0 =	seq.s32 s17, $0x13000;
	[sflag:s3] =	ssyncset.done $0x0  }
.Ltmp0:
0xda: {  	s12 =	sadd.s32 $0x5380, s15;
	[sflag:s3] =	ssyncadd.s32 $0xFFFFF800;
	(pc) =	sbr.rel @p0 .LBB2_3-.Ltmp0, $4  }
0xdb: {  	[spmem:s4] =	stream.indirect.scatter.add.f32 [tilespmem:s30], [sflag:$0x10], $0x10, s12, s21, $0xb8;
	[tilespmem:$0x19C00] =	vst v63  }
0xdc: {  	_ =	swait.ge [sflag:s8], $0x800  }
0xdd: {  	[sflag:s8] =	ssyncset.done $0x0  }
0xde: {  	[sflag:s8] =	ssyncadd.s32 $0xFFFFF800  }
0xdf: {  	s12 =	sadd.s32 $0x400, s15  }
0xe0: {  	[tilespmem:s22], [sflag:$0x1] =	stream.indirect.gather [spmem:s16], $0x10, s12, s21, $0xb8;
	[tilespmem:$0x19C00] =	vst v63  }
0xe1: {  	_ =	swait.ge [sflag:s9], $0x800  }
0xe2: {  	[sflag:s9] =	ssyncset.done $0x0  }
0xe3: {  	s12 =	sadd.s32 $0x480, s15;
	[sflag:s9] =	ssyncadd.s32 $0xFFFFF800  }
0xe4: {  	[tilespmem:s23], [sflag:$0x2] =	stream.indirect.gather [spmem:s16], $0x10, s12, s21, $0xb8;
	[tilespmem:$0x19C00] =	vst v63  }
0xe5: {  	_ =	swait.ge [sflag:s10], $0x800  }
0xe6: {  	[sflag:s10] =	ssyncset.done $0x0  }
0xe7: {  	s12 =	sadd.s32 $0x500, s15;
	[sflag:s10] =	ssyncadd.s32 $0xFFFFF800  }
0xe8: {  	[tilespmem:s24], [sflag:$0x3] =	stream.indirect.gather [spmem:s16], $0x10, s12, s21, $0xb8;
	[tilespmem:$0x19C00] =	vst v63  }
0xe9: {  	_ =	swait.ge [sflag:s11], $0x800  }
0xea: {  	[sflag:s11] =	ssyncset.done $0x0  }
0xeb: {  	s12 =	sadd.s32 $0x580, s15;
	[sflag:s11] =	ssyncadd.s32 $0xFFFFF800  }
0xec: {  	[tilespmem:s25], [sflag:$0x4] =	stream.indirect.gather [spmem:s16], $0x10, s12, s21, $0xb8;
	[tilespmem:$0x19C00] =	vst v63  }
0xed: {  	_ =	swait.ge [sflag:s13], $0x800  }
0xee: {  	[sflag:s13] =	ssyncset.done $0x0  }
0xef: {  	s12 =	sadd.s32 $0x600, s15;
	[sflag:s13] =	ssyncadd.s32 $0xFFFFF800  }
0xf0: {  	[tilespmem:s26], [sflag:$0x5] =	stream.indirect.gather [spmem:s16], $0x10, s12, s21, $0xb8;
	[tilespmem:$0x19C00] =	vst v63  }
0xf1: {  	_ =	swait.ge [sflag:s6], $0x800  }
0xf2: {  	[sflag:s6] =	ssyncset.done $0x0  }
0xf3: {  	s12 =	sadd.s32 $0x680, s15;
	[sflag:s6] =	ssyncadd.s32 $0xFFFFF800  }
0xf4: {  	[tilespmem:s28], [sflag:$0x6] =	stream.indirect.gather [spmem:s16], $0x10, s12, s21, $0xb8;
	[tilespmem:$0x19C00] =	vst v63  }
0xf5: {  	_ =	swait.ge [sflag:s2], $0x800  }
0xf6: {  	[sflag:s2] =	ssyncset.done $0x0  }
0xf7: {  	s12 =	sadd.s32 $0x700, s15;
	[sflag:s2] =	ssyncadd.s32 $0xFFFFF800  }
0xf8: {  	[tilespmem:s29], [sflag:$0x7] =	stream.indirect.gather [spmem:s16], $0x10, s12, s21, $0xb8;
	[tilespmem:$0x19C00] =	vst v63  }
.Ltmp1:
0xf9: {  	_ = 	snop;
	(pc) =	sbr.rel .LBB2_1-.Ltmp1, $4  }
0xfa: {  	_ =	swait.ge [sflag:s14], $0x800  }
0xfb: {  	[sflag:s14] =	ssyncset.done $0x0  }
0xfc: {  	s17 =	sadd.s32 $0x1000, s17;
	s15 =	sadd.s32 $0x780, s15;
	[sflag:s14] =	ssyncadd.s32 $0xFFFFF800  }
0xfd: {  	[tilespmem:s30], [sflag:$0x8] =	stream.indirect.gather [spmem:s16], $0x10, s15, s21, $0xb8;
	[tilespmem:$0x19C00] =	vst v63  }
.LBB2_3:
0xfe: {  	s0 =	simm.s32 $0xA  }
0xff: {  	_ =	swait.ge [sflag:s0], $0x800  }
0x100: {  	[sflag:s0] =	ssyncset.done $0x0  }
0x101: {  	s19 =	simm.s32 $0xB;
	[sflag:s0] =	ssyncadd.s32 $0xFFFFF800  }
0x102: {  	_ =	swait.ge [sflag:s19], $0x800  }
0x103: {  	[sflag:s19] =	ssyncset.done $0x0  }
0x104: {  	s20 =	simm.s32 $0xC;
	[sflag:s19] =	ssyncadd.s32 $0xFFFFF800  }
0x105: {  	_ =	swait.ge [sflag:s20], $0x800  }
0x106: {  	[sflag:s20] =	ssyncset.done $0x0  }
0x107: {  	s21 =	simm.s32 $0xD;
	[sflag:s20] =	ssyncadd.s32 $0xFFFFF800  }
0x108: {  	_ =	swait.ge [sflag:s21], $0x800  }
0x109: {  	[sflag:s21] =	ssyncset.done $0x0  }
0x10a: {  	s22 =	simm.s32 $0xE;
	[sflag:s21] =	ssyncadd.s32 $0xFFFFF800  }
0x10b: {  	_ =	swait.ge [sflag:s22], $0x800  }
0x10c: {  	[sflag:s22] =	ssyncset.done $0x0  }
0x10d: {  	s23 =	simm.s32 $0xF;
	[sflag:s22] =	ssyncadd.s32 $0xFFFFF800  }
0x10e: {  	_ =	swait.ge [sflag:s23], $0x800  }
0x10f: {  	[sflag:s23] =	ssyncset.done $0x0  }
0x110: {  	s24 =	simm.s32 $0x10;
	[sflag:s23] =	ssyncadd.s32 $0xFFFFF800  }
0x111: {  	_ =	swait.ge [sflag:s24], $0x800  }
0x112: {  	[sflag:s24] =	ssyncset.done $0x0  }
0x113: {  	[sflag:s24] =	ssyncadd.s32 $0xFFFFF800  }
0x114: {  	[bflag:$0x0] =	sbarrier.arrive $0xFFFF  }
0x115: {  	s25 =	simm.s32 $0xE800;
	s26 =	simm.s32 $0x11;
	s1 =	rddreg [dreg:$0x8]  }
0x116: {  	[tilespmem:s25], [sflag:$0x11] =	stream.linear.gather [spmem:s1], $0x1400, $0x38;
	[tilespmem:$0x19C00] =	vst v63  }
0x117: {  	_ =	swait.ge [sflag:s26], $0x1400  }
0x118: {  	s31 =	rddreg [dreg:$0x6]  }
0x119: {  	s2 =	simm.s32 $0x0;
	s10 =	rddreg [dreg:$0x11];
	[sflag:s26] =	ssyncset.done $0x0  }
0x11a: {  	s3 =	simm.s32 $0xFC00;
	s28 =	sadd.s32 s10, s31;
	[sflag:s26] =	ssyncadd.s32 $0xFFFFEC00  }
0x11b: {  	[tilespmem:s3], [sflag:$0x11] =	stream.linear.gather [hbm4b:s28+s2], $0x1400, $0x38;
	[tilespmem:$0x19C00] =	vst v63  }
0x11c: {  	_ =	swait.ge [sflag:s26], $0x1400  }
0x11d: {  	[sflag:s26] =	ssyncset.done $0x0;
	s9 =	rddreg [dreg:$0x10]  }
0x11e: {  	s30 =	simm.s32 $0x11000;
	s29 =	sadd.s32 s9, s31;
	[sflag:s26] =	ssyncadd.s32 $0xFFFFEC00  }
0x11f: {  	[tilespmem:s30], [sflag:$0x11] =	stream.linear.gather [hbm4b:s29+s2], $0x1400, $0x38;
	[tilespmem:$0x19C00] =	vst v63  }
0x120: {  	_ =	swait.ge [sflag:s26], $0x1400  }
0x121: {  	[sflag:s26] =	ssyncset.done $0x0  }
0x122: {  	s16 =	simm.s32 $0x0;
	[sflag:s26] =	ssyncadd.s32 $0xFFFFEC00  }
0x123: {  	v0 =	vld [tilespmem:s16+$0x11070]  }
0x124: {  	v4 =	vld [tilespmem:s16+$0x11030]  }
0x125: {  	v1 =	vld [tilespmem:s16+$0xFC70]  }
0x126: {  	v5 =	vld [tilespmem:s16+$0xFC60]  }
0x127: {  	v8 =	vld [tilespmem:s16+$0x11020]  }
0x128: {  	v6 =	vld [tilespmem:s16+$0xE860]  }
0x129: {  	v2 =	vld [tilespmem:s16+$0xE870]  }
0x12a: {  	v7 =	vld [tilespmem:s16+$0xFC50]  }
0x12b: {  	v10 =	vld [tilespmem:s16+$0x11060]  }
0x12c: {  	v9 =	vld [tilespmem:s16+$0xFC20]  }
0x12d: {  	v11 =	vld [tilespmem:s16+$0x11050]  }
0x12e: {  	v3 =	vld [tilespmem:s16+$0xFC30]  }
0x12f: {  	v13 =	vld [tilespmem:s16+$0xE820]  }
0x130: {  	v1 =	vadd.f32 v1, v2;
	v2 =	vld [tilespmem:s16+$0xE830]  }
0x131: {  	v12 =	vld [tilespmem:s16+$0xE850]  }
0x132: {  	v14 =	vld [tilespmem:s16+$0xFC40];
	v5 =	vadd.f32 v5, v6;
	v1 =	vmax.f32 v1, $0.0e+00  }
0x133: {  	v15 =	vld [tilespmem:s16+$0xE840];
	v0 =	vmul.f32 v0, v1  }
0x134: {  	v63 =	vmax.f32 v5, $0.0e+00;
	v5 =	vld [tilespmem:s16+$0x11040];
	[tilespmem:s16+$0xFC70] =	vst v1  }
0x135: {  	v9 =	vadd.f32 v9, v13;
	v1 =	vld [tilespmem:s16+$0xE800];
	[tilespmem:s16+$0x11070] =	vst v0;
	v0 =	vadd.f32 v3, v2  }
0x136: {  	v7 =	vadd.f32 v7, v12;
	v2 =	vld [tilespmem:s16+$0xFC10]  }
0x137: {  	v13 =	vmax.f32 v9, $0.0e+00;
	[tilespmem:s16+$0xFC60] =	vst v63;
	v3 =	vld [tilespmem:s16+$0xE810];
	v6 =	vmax.f32 v0, $0.0e+00  }
0x138: {  	v7 =	vmax.f32 v7, $0.0e+00;
	[tilespmem:s16+$0xFC20] =	vst v13;
	v8 =	vmul.f32 v8, v13;
	v0 =	vld [tilespmem:s16+$0x11000];
	v9 =	vmul.f32 v4, v6  }
0x139: {  	s1 =	simm.s32 $0x200;
	v11 =	vmul.f32 v11, v7;
	[tilespmem:s16+$0xFC30] =	vst v6;
	v4 =	vmul.f32 v10, v63;
	v6 =	vld [tilespmem:s16+$0xFC00];
	v10 =	vadd.f32 v14, v15  }
.LBB2_4:
0x13a: {  	s0 =	sshra.s32 s1, $0x2;
	p0 =	sne.s32 s1, $0x4E00;
	s1 =	sadd.s32 $0x200, s1;
	v12 =	vld [tilespmem:s16+$0x11010];
	[tilespmem:s16+$0x11030] =	vst v9  }
0x13b: {  	v9 =	vld [tilespmem:s0+$0x11070];
	[tilespmem:s16+$0xFC50] =	vst v7  }
0x13c: {  	v7 =	vmax.f32 v10, $0.0e+00;
	v13 =	vld [tilespmem:s0+$0x11030];
	[tilespmem:s16+$0x11050] =	vst v11  }
0x13d: {  	v10 =	vld [tilespmem:s0+$0xFC70];
	[tilespmem:s16+$0x11020] =	vst v8;
	v5 =	vmul.f32 v5, v7  }
0x13e: {  	v2 =	vadd.f32 v2, v3;
	v8 =	vld [tilespmem:s0+$0xFC60];
	v1 =	vadd.f32 v6, v1;
	[tilespmem:s16+$0x11060] =	vst v4  }
0x13f: {  	v11 =	vld [tilespmem:s0+$0x11020];
	[tilespmem:s16+$0x11040] =	vst v5  }
0x140: {  	v2 =	vmax.f32 v2, $0.0e+00;
	v3 =	vld [tilespmem:s0+$0xE860];
	v1 =	vmax.f32 v1, $0.0e+00;
	[tilespmem:s16+$0xFC40] =	vst v7  }
0x141: {  	v4 =	vld [tilespmem:s0+$0xE870];
	[tilespmem:s16+$0xFC00] =	vst v1;
	v0 =	vmul.f32 v0, v1;
	v1 =	vmul.f32 v12, v2  }
0x142: {  	v5 =	vld [tilespmem:s0+$0xFC50];
	[tilespmem:s16+$0xFC10] =	vst v2  }
0x143: {  	v6 =	vld [tilespmem:s0+$0x11060];
	[tilespmem:s16+$0x11010] =	vst v1  }
0x144: {  	v7 =	vld [tilespmem:s0+$0xFC20];
	[tilespmem:s16+$0x11000] =	vst v0;
	s16 =	smov.u32 s0  }
0x145: {  	v12 =	vld [tilespmem:s16+$0x11050]  }
0x146: {  	v0 =	vld [tilespmem:s16+$0xFC30];
	v1 =	vadd.f32 v10, v4  }
0x147: {  	v2 =	vld [tilespmem:s16+$0xE830]  }
0x148: {  	v4 =	vld [tilespmem:s16+$0xE850];
	v1 =	vmax.f32 v1, $0.0e+00  }
0x149: {  	v10 =	vld [tilespmem:s16+$0xE820];
	[tilespmem:s16+$0xFC70] =	vst v1;
	v1 =	vmul.f32 v9, v1  }
0x14a: {  	v14 =	vld [tilespmem:s16+$0xFC40]  }
0x14b: {  	v15 =	vld [tilespmem:s16+$0xE840];
	[tilespmem:s16+$0x11070] =	vst v1  }
0x14c: {  	v1 =	vld [tilespmem:s16+$0xE800];
	v0 =	vadd.f32 v0, v2  }
.Ltmp2:
0x14d: {  	v2 =	vld [tilespmem:s16+$0xFC10];
	v4 =	vadd.f32 v5, v4;
	v5 =	vadd.f32 v8, v3;
	(pc) =	sbr.rel @p0 .LBB2_4-.Ltmp2, $4  }
0x14e: {  	v3 =	vld [tilespmem:s16+$0xE810];
	v8 =	vadd.f32 v7, v10;
	v9 =	vmax.f32 v0, $0.0e+00  }
0x14f: {  	v0 =	vld [tilespmem:s16+$0x11000];
	[tilespmem:s16+$0xFC30] =	vst v9;
	v7 =	vmax.f32 v4, $0.0e+00;
	v4 =	vmax.f32 v5, $0.0e+00  }
0x150: {  	v9 =	vmul.f32 v13, v9;
	v8 =	vmax.f32 v8, $0.0e+00;
	v5 =	vld [tilespmem:s16+$0x11040];
	[tilespmem:s16+$0xFC60] =	vst v4;
	v4 =	vmul.f32 v6, v4  }
0x151: {  	v10 =	vadd.f32 v14, v15;
	v6 =	vld [tilespmem:s16+$0xFC00];
	[tilespmem:s16+$0xFC20] =	vst v8;
	v8 =	vmul.f32 v11, v8;
	v11 =	vmul.f32 v12, v7  }
0x152: {  	[tilespmem:s16+$0x11030] =	vst v9  }
0x153: {  	[tilespmem:s16+$0xFC50] =	vst v7  }
0x154: {  	v12 =	vld [tilespmem:s16+$0x11010];
	[tilespmem:s16+$0x11060] =	vst v4  }
0x155: {  	[tilespmem:s16+$0x11050] =	vst v11;
	v2 =	vadd.f32 v2, v3  }
0x156: {  	v7 =	vmax.f32 v10, $0.0e+00;
	[tilespmem:s16+$0x11020] =	vst v8  }
0x157: {  	[tilespmem:s16+$0xFC40] =	vst v7;
	v5 =	vmul.f32 v5, v7;
	v2 =	vmax.f32 v2, $0.0e+00;
	v1 =	vadd.f32 v6, v1  }
0x158: {  	[tilespmem:s16+$0xFC10] =	vst v2  }
0x159: {  	[tilespmem:s16+$0x11040] =	vst v5;
	v3 =	vmul.f32 v12, v2;
	v1 =	vmax.f32 v1, $0.0e+00  }
0x15a: {  	[tilespmem:s16+$0xFC00] =	vst v1;
	v0 =	vmul.f32 v0, v1  }
0x15b: {  	s8 =	rddreg [dreg:$0xf];
	s1 =	simm.s32 $0x0;
	[tilespmem:s16+$0x11010] =	vst v3  }
0x15c: {  	s2 =	simm.s32 $0xFC00;
	s25 =	simm.s32 $0x11;
	s0 =	sadd.s32 s8, s31;
	[tilespmem:s16+$0x11000] =	vst v0  }
0x15d: {  	[hbm4b:s0+s1] =	stream.linear.scatter [tilespmem:s2], [sflag:$0x11], $0x1400, $0x38;
	[tilespmem:$0x19C00] =	vst v63  }
0x15e: {  	_ =	swait.ge [sflag:s25], $0x1400  }
0x15f: {  	[sflag:s25] =	ssyncset.done $0x0;
	s7 =	rddreg [dreg:$0xe]  }
0x160: {  	s6 =	simm.s32 $0x11000;
	s3 =	sadd.s32 s7, s5;
	[sflag:s25] =	ssyncadd.s32 $0xFFFFEC00  }
0x161: {  	[spmem:s3] =	stream.linear.scatter [tilespmem:s6], [sflag:$0x11], $0x1400, $0x38;
	[tilespmem:$0x19C00] =	vst v63  }
0x162: {  	_ =	swait.ge [sflag:s25], $0x1400  }
0x163: {  	s12 =	sadd.s32 $0x1400, s7;
	[sflag:s25] =	ssyncset.done $0x0  }
0x164: {  	s28 =	simm.s32 $0xE800;
	s26 =	sadd.s32 s12, s4;
	[sflag:s25] =	ssyncadd.s32 $0xFFFFEC00  }
0x165: {  	[tilespmem:s28], [sflag:$0x11] =	stream.linear.gather [spmem:s26], $0x1400, $0x38;
	[tilespmem:$0x19C00] =	vst v63  }
0x166: {  	_ =	swait.ge [sflag:s25], $0x1400  }
0x167: {  	s16 =	sshrl.u32 s12, $0x3;
	[sflag:s25] =	ssyncset.done $0x0  }
0x168: {  	s29 =	sadd.s32 s10, s16;
	[sflag:s25] =	ssyncadd.s32 $0xFFFFEC00  }
0x169: {  	[tilespmem:s2], [sflag:$0x11] =	stream.linear.gather [hbm4b:s29+s1], $0x1400, $0x38;
	[tilespmem:$0x19C00] =	vst v63  }
0x16a: {  	_ =	swait.ge [sflag:s25], $0x1400  }
0x16b: {  	[sflag:s25] =	ssyncset.done $0x0  }
0x16c: {  	s30 =	sadd.s32 s9, s16;
	[sflag:s25] =	ssyncadd.s32 $0xFFFFEC00  }
0x16d: {  	[tilespmem:s6], [sflag:$0x11] =	stream.linear.gather [hbm4b:s30+s1], $0x1400, $0x38;
	[tilespmem:$0x19C00] =	vst v63  }
0x16e: {  	_ =	swait.ge [sflag:s25], $0x1400  }
0x16f: {  	[sflag:s25] =	ssyncset.done $0x0  }
0x170: {  	s14 =	simm.s32 $0x0;
	[sflag:s25] =	ssyncadd.s32 $0xFFFFEC00  }
0x171: {  	v0 =	vld [tilespmem:s14+$0x11070]  }
0x172: {  	v4 =	vld [tilespmem:s14+$0x11030]  }
0x173: {  	v1 =	vld [tilespmem:s14+$0xFC70]  }
0x174: {  	v5 =	vld [tilespmem:s14+$0xFC60]  }
0x175: {  	v8 =	vld [tilespmem:s14+$0x11020]  }
0x176: {  	v6 =	vld [tilespmem:s14+$0xE860]  }
0x177: {  	v2 =	vld [tilespmem:s14+$0xE870]  }
0x178: {  	v7 =	vld [tilespmem:s14+$0xFC50]  }
0x179: {  	v10 =	vld [tilespmem:s14+$0x11060]  }
0x17a: {  	v9 =	vld [tilespmem:s14+$0xFC20]  }
0x17b: {  	v11 =	vld [tilespmem:s14+$0x11050]  }
0x17c: {  	v3 =	vld [tilespmem:s14+$0xFC30]  }
0x17d: {  	v13 =	vld [tilespmem:s14+$0xE820]  }
0x17e: {  	v1 =	vadd.f32 v1, v2;
	v2 =	vld [tilespmem:s14+$0xE830]  }
0x17f: {  	v62 =	vld [tilespmem:s14+$0xE850]  }
0x180: {  	v14 =	vld [tilespmem:s14+$0xFC40];
	v5 =	vadd.f32 v5, v6;
	v1 =	vmax.f32 v1, $0.0e+00  }
0x181: {  	v15 =	vld [tilespmem:s14+$0xE840];
	v0 =	vmul.f32 v0, v1  }
0x182: {  	v63 =	vmax.f32 v5, $0.0e+00;
	v5 =	vld [tilespmem:s14+$0x11040];
	[tilespmem:s14+$0xFC70] =	vst v1  }
0x183: {  	v9 =	vadd.f32 v9, v13;
	v1 =	vld [tilespmem:s14+$0xE800];
	[tilespmem:s14+$0x11070] =	vst v0;
	v0 =	vadd.f32 v3, v2  }
0x184: {  	v7 =	vadd.f32 v7, v62;
	v2 =	vld [tilespmem:s14+$0xFC10]  }
0x185: {  	v13 =	vmax.f32 v9, $0.0e+00;
	[tilespmem:s14+$0xFC60] =	vst v63;
	v3 =	vld [tilespmem:s14+$0xE810];
	v6 =	vmax.f32 v0, $0.0e+00  }
0x186: {  	v7 =	vmax.f32 v7, $0.0e+00;
	[tilespmem:s14+$0xFC20] =	vst v13;
	v8 =	vmul.f32 v8, v13;
	v0 =	vld [tilespmem:s14+$0x11000];
	v9 =	vmul.f32 v4, v6  }
0x187: {  	s1 =	simm.s32 $0x200;
	v11 =	vmul.f32 v11, v7;
	[tilespmem:s14+$0xFC30] =	vst v6;
	v4 =	vmul.f32 v10, v63;
	v6 =	vld [tilespmem:s14+$0xFC00];
	v10 =	vadd.f32 v14, v15  }
.LBB2_6:
0x188: {  	s0 =	sshra.s32 s1, $0x2;
	p0 =	sne.s32 s1, $0x4E00;
	s1 =	sadd.s32 $0x200, s1;
	v12 =	vld [tilespmem:s14+$0x11010];
	[tilespmem:s14+$0x11030] =	vst v9  }
0x189: {  	v9 =	vld [tilespmem:s0+$0x11070];
	[tilespmem:s14+$0xFC50] =	vst v7  }
0x18a: {  	v7 =	vmax.f32 v10, $0.0e+00;
	v13 =	vld [tilespmem:s0+$0x11030];
	[tilespmem:s14+$0x11050] =	vst v11  }
0x18b: {  	v10 =	vld [tilespmem:s0+$0xFC70];
	[tilespmem:s14+$0x11020] =	vst v8;
	v5 =	vmul.f32 v5, v7  }
0x18c: {  	v2 =	vadd.f32 v2, v3;
	v8 =	vld [tilespmem:s0+$0xFC60];
	v1 =	vadd.f32 v6, v1;
	[tilespmem:s14+$0x11060] =	vst v4  }
0x18d: {  	v11 =	vld [tilespmem:s0+$0x11020];
	[tilespmem:s14+$0x11040] =	vst v5  }
0x18e: {  	v2 =	vmax.f32 v2, $0.0e+00;
	v3 =	vld [tilespmem:s0+$0xE860];
	v1 =	vmax.f32 v1, $0.0e+00;
	[tilespmem:s14+$0xFC40] =	vst v7  }
0x18f: {  	v4 =	vld [tilespmem:s0+$0xE870];
	[tilespmem:s14+$0xFC00] =	vst v1;
	v0 =	vmul.f32 v0, v1;
	v1 =	vmul.f32 v12, v2  }
0x190: {  	v5 =	vld [tilespmem:s0+$0xFC50];
	[tilespmem:s14+$0xFC10] =	vst v2  }
0x191: {  	v6 =	vld [tilespmem:s0+$0x11060];
	[tilespmem:s14+$0x11010] =	vst v1  }
0x192: {  	v7 =	vld [tilespmem:s0+$0xFC20];
	[tilespmem:s14+$0x11000] =	vst v0;
	s14 =	smov.u32 s0  }
0x193: {  	v12 =	vld [tilespmem:s14+$0x11050]  }
0x194: {  	v0 =	vld [tilespmem:s14+$0xFC30];
	v1 =	vadd.f32 v10, v4  }
0x195: {  	v2 =	vld [tilespmem:s14+$0xE830]  }
0x196: {  	v4 =	vld [tilespmem:s14+$0xE850];
	v1 =	vmax.f32 v1, $0.0e+00  }
0x197: {  	v10 =	vld [tilespmem:s14+$0xE820];
	[tilespmem:s14+$0xFC70] =	vst v1;
	v1 =	vmul.f32 v9, v1  }
0x198: {  	v14 =	vld [tilespmem:s14+$0xFC40]  }
0x199: {  	v15 =	vld [tilespmem:s14+$0xE840];
	[tilespmem:s14+$0x11070] =	vst v1  }
0x19a: {  	v1 =	vld [tilespmem:s14+$0xE800];
	v0 =	vadd.f32 v0, v2  }
.Ltmp3:
0x19b: {  	v2 =	vld [tilespmem:s14+$0xFC10];
	v4 =	vadd.f32 v5, v4;
	v5 =	vadd.f32 v8, v3;
	(pc) =	sbr.rel @p0 .LBB2_6-.Ltmp3, $4  }
0x19c: {  	v3 =	vld [tilespmem:s14+$0xE810];
	v8 =	vadd.f32 v7, v10;
	v9 =	vmax.f32 v0, $0.0e+00  }
0x19d: {  	v0 =	vld [tilespmem:s14+$0x11000];
	[tilespmem:s14+$0xFC30] =	vst v9;
	v7 =	vmax.f32 v4, $0.0e+00;
	v4 =	vmax.f32 v5, $0.0e+00  }
0x19e: {  	v9 =	vmul.f32 v13, v9;
	v8 =	vmax.f32 v8, $0.0e+00;
	v5 =	vld [tilespmem:s14+$0x11040];
	[tilespmem:s14+$0xFC60] =	vst v4;
	v4 =	vmul.f32 v6, v4  }
0x19f: {  	v10 =	vadd.f32 v14, v15;
	v6 =	vld [tilespmem:s14+$0xFC00];
	[tilespmem:s14+$0xFC20] =	vst v8;
	v8 =	vmul.f32 v11, v8;
	v11 =	vmul.f32 v12, v7  }
0x1a0: {  	[tilespmem:s14+$0x11030] =	vst v9  }
0x1a1: {  	[tilespmem:s14+$0xFC50] =	vst v7  }
0x1a2: {  	v12 =	vld [tilespmem:s14+$0x11010];
	[tilespmem:s14+$0x11060] =	vst v4  }
0x1a3: {  	[tilespmem:s14+$0x11050] =	vst v11;
	v2 =	vadd.f32 v2, v3  }
0x1a4: {  	v62 =	vmax.f32 v10, $0.0e+00;
	[tilespmem:s14+$0x11020] =	vst v8  }
0x1a5: {  	[tilespmem:s14+$0xFC40] =	vst v62;
	v5 =	vmul.f32 v5, v62;
	v2 =	vmax.f32 v2, $0.0e+00;
	v1 =	vadd.f32 v6, v1  }
0x1a6: {  	[tilespmem:s14+$0xFC10] =	vst v2  }
0x1a7: {  	[tilespmem:s14+$0x11040] =	vst v5;
	v63 =	vmul.f32 v12, v2;
	v1 =	vmax.f32 v1, $0.0e+00  }
0x1a8: {  	[tilespmem:s14+$0xFC00] =	vst v1;
	v0 =	vmul.f32 v0, v1  }
0x1a9: {  	s0 =	sadd.s32 s8, s16;
	[tilespmem:s14+$0x11010] =	vst v63  }
0x1aa: {  	s13 =	simm.s32 $0x0;
	s1 =	simm.s32 $0xFC00;
	s15 =	simm.s32 $0x11;
	[tilespmem:s14+$0x11000] =	vst v0  }
0x1ab: {  	[hbm4b:s0+s13] =	stream.linear.scatter [tilespmem:s1], [sflag:$0x11], $0x1400, $0x38;
	[tilespmem:$0x19C00] =	vst v63  }
0x1ac: {  	_ =	swait.ge [sflag:s15], $0x1400  }
0x1ad: {  	[sflag:s15] =	ssyncset.done $0x0  }
0x1ae: {  	s16 =	sadd.s32 s12, s5;
	s2 =	simm.s32 $0x11000;
	[sflag:s15] =	ssyncadd.s32 $0xFFFFEC00  }
0x1af: {  	[spmem:s16] =	stream.linear.scatter [tilespmem:s2], [sflag:$0x11], $0x1400, $0x38;
	[tilespmem:$0x19C00] =	vst v63  }
0x1b0: {  	_ =	swait.ge [sflag:s15], $0x1400  }
0x1b1: {  	[sflag:s15] =	ssyncset.done $0x0  }
0x1b2: {  	s17 =	simm.s32 $0xE000;
	s18 =	rddreg [dreg:$0x8];
	[sflag:s15] =	ssyncadd.s32 $0xFFFFEC00  }
0x1b3: {  	[spmem:s18] =	stream.linear.scatter [tilespmem:s17], [sflag:$0x11], $0x800, $0x38;
	[tilespmem:$0x19C00] =	vst v63  }
0x1b4: {  	_ =	swait.ge [sflag:s15], $0x800  }
0x1b5: {  	[sflag:s15] =	ssyncset.done $0x0  }
0x1b6: {  	s19 =	rddreg [dreg:$0xa];
	[sflag:s15] =	ssyncadd.s32 $0xFFFFF800  }
0x1b7: {  	[spmem:s19] =	stream.linear.scatter [tilespmem:s17], [sflag:$0x11], $0x800, $0x38;
	[tilespmem:$0x19C00] =	vst v63  }
0x1b8: {  	_ =	swait.ge [sflag:s15], $0x800  }
0x1b9: {  	[sflag:s15] =	ssyncset.done $0x0  }
0x1ba: {  	s20 =	rddreg [dreg:$0xb];
	[sflag:s15] =	ssyncadd.s32 $0xFFFFF800  }
0x1bb: {  	[spmem:s20] =	stream.linear.scatter [tilespmem:s17], [sflag:$0x11], $0x800, $0x38;
	[tilespmem:$0x19C00] =	vst v63  }
0x1bc: {  	_ =	swait.ge [sflag:s15], $0x800  }
0x1bd: {  	[sflag:s15] =	ssyncset.done $0x0  }
0x1be: {  	s21 =	rddreg [dreg:$0xc];
	[sflag:s15] =	ssyncadd.s32 $0xFFFFF800  }
0x1bf: {  	[spmem:s21] =	stream.linear.scatter [tilespmem:s17], [sflag:$0x11], $0x800, $0x38;
	[tilespmem:$0x19C00] =	vst v63  }
0x1c0: {  	_ =	swait.ge [sflag:s15], $0x800  }
0x1c1: {  	s8 =	simm.s32 $0x80;
	[sflag:s15] =	ssyncset.done $0x0  }
0x1c2: {  	s9 =	simm.s32 $0xA000;
	s22 =	rddreg [dreg:$0xd];
	[sflag:s15] =	ssyncadd.s32 $0xFFFFF800  }
0x1c3: {  	[spmem:s22] =	stream.linear.scatter [tilespmem:s17], [sflag:$0x11], $0x800, $0x38;
	[tilespmem:$0x19C00] =	vst v63  }
0x1c4: {  	s10 =	simm.s32 $0xA800;
	s23 =	simm.s32 $0x100;
	_ =	swait.ge [sflag:s15], $0x800  }
0x1c5: {  	s11 =	simm.s32 $0xB000;
	s24 =	simm.s32 $0x180;
	[sflag:s15] =	ssyncset.done $0x0  }
0x1c6: {  	s12 =	simm.s32 $0xB800;
	s25 =	simm.s32 $0x200;
	[sflag:s15] =	ssyncadd.s32 $0xFFFFF800  }
0x1c7: {  	s26 =	simm.s32 $0x280;
	s29 =	simm.s32 $0x300;
	[bflag:$0x0] =	sbarrier.arrive $0xFFFF  }
0x1c8: {  	[tilespmem:s9], [sflag:$0x1] =	stream.indirect.gather [spmem:s5], $0x10, s13, s8, $0xb8;
	[tilespmem:$0x19C00] =	vst v63  }
0x1c9: {  	s30 =	simm.s32 $0x380;
	s7 =	simm.s32 $0x6;
	s3 =	simm.s32 $0x8  }
0x1ca: {  	[tilespmem:s10], [sflag:$0x2] =	stream.indirect.gather [spmem:s5], $0x10, s8, s8, $0xb8;
	[tilespmem:$0x19C00] =	vst v63  }
0x1cb: {  	s6 =	simm.s32 $0xE;
	s28 =	simm.s32 $0x10;
	s14 =	simm.s32 $0xC000  }
0x1cc: {  	[tilespmem:s11], [sflag:$0x3] =	stream.indirect.gather [spmem:s5], $0x10, s23, s8, $0xb8;
	[tilespmem:$0x19C00] =	vst v63  }
0x1cd: {  	s1 =	simm.s32 $0x5;
	s0 =	simm.s32 $0x7;
	s16 =	simm.s32 $0xD000  }
0x1ce: {  	[tilespmem:s12], [sflag:$0x4] =	stream.indirect.gather [spmem:s5], $0x10, s24, s8, $0xb8;
	[tilespmem:$0x19C00] =	vst v63  }
0x1cf: {  	s2 =	simm.s32 $0xF;
	s18 =	simm.s32 $0x1;
	s19 =	simm.s32 $0x2  }
0x1d0: {  	[tilespmem:s14], [sflag:$0x5] =	stream.indirect.gather [spmem:s5], $0x10, s25, s8, $0xb8;
	[tilespmem:$0x19C00] =	vst v63  }
0x1d1: {  	s20 =	simm.s32 $0x3;
	s21 =	simm.s32 $0x4;
	s15 =	simm.s32 $0xC800  }
0x1d2: {  	[tilespmem:s15], [sflag:$0x6] =	stream.indirect.gather [spmem:s5], $0x10, s26, s8, $0xb8;
	[tilespmem:$0x19C00] =	vst v63  }
0x1d3: {  	s17 =	simm.s32 $0xD800;
	s22 =	simm.s32 $0x9;
	s23 =	simm.s32 $0xA  }
0x1d4: {  	[tilespmem:s16], [sflag:$0x7] =	stream.indirect.gather [spmem:s5], $0x10, s29, s8, $0xb8;
	[tilespmem:$0x19C00] =	vst v63  }
0x1d5: {  	s24 =	simm.s32 $0xB;
	s25 =	simm.s32 $0xC;
	s26 =	simm.s32 $0xD  }
0x1d6: {  	[tilespmem:s17], [sflag:$0x8] =	stream.indirect.gather [spmem:s5], $0x10, s30, s8, $0xb8;
	[tilespmem:$0x19C00] =	vst v63  }
.LBB2_8:
0x1d7: {  	_ =	swait.ge [sflag:s18], $0x800  }
0x1d8: {  	s29 =	sshra.s32 s13, $0x2;
	[sflag:s18] =	ssyncset.done $0x0  }
0x1d9: {  	s30 =	sadd.s32 $0x5000, s29;
	[sflag:s18] =	ssyncadd.s32 $0xFFFFF800  }
0x1da: {  	[spmem:s4] =	stream.indirect.scatter.add.f32 [tilespmem:s9], [sflag:$0x9], $0x10, s30, s8, $0xb8;
	[tilespmem:$0x19C00] =	vst v63  }
0x1db: {  	_ =	swait.ge [sflag:s19], $0x800  }
0x1dc: {  	[sflag:s19] =	ssyncset.done $0x0  }
0x1dd: {  	s30 =	sadd.s32 $0x5080, s29;
	[sflag:s19] =	ssyncadd.s32 $0xFFFFF800  }
0x1de: {  	[spmem:s4] =	stream.indirect.scatter.add.f32 [tilespmem:s10], [sflag:$0xA], $0x10, s30, s8, $0xb8;
	[tilespmem:$0x19C00] =	vst v63  }
0x1df: {  	_ =	swait.ge [sflag:s20], $0x800  }
0x1e0: {  	[sflag:s20] =	ssyncset.done $0x0  }
0x1e1: {  	s30 =	sadd.s32 $0x5100, s29;
	[sflag:s20] =	ssyncadd.s32 $0xFFFFF800  }
0x1e2: {  	[spmem:s4] =	stream.indirect.scatter.add.f32 [tilespmem:s11], [sflag:$0xB], $0x10, s30, s8, $0xb8;
	[tilespmem:$0x19C00] =	vst v63  }
0x1e3: {  	_ =	swait.ge [sflag:s21], $0x800  }
0x1e4: {  	[sflag:s21] =	ssyncset.done $0x0  }
0x1e5: {  	s30 =	sadd.s32 $0x5180, s29;
	[sflag:s21] =	ssyncadd.s32 $0xFFFFF800  }
0x1e6: {  	[spmem:s4] =	stream.indirect.scatter.add.f32 [tilespmem:s12], [sflag:$0xC], $0x10, s30, s8, $0xb8;
	[tilespmem:$0x19C00] =	vst v63  }
0x1e7: {  	_ =	swait.ge [sflag:s1], $0x800  }
0x1e8: {  	[sflag:s1] =	ssyncset.done $0x0  }
0x1e9: {  	s30 =	sadd.s32 $0x5200, s29;
	[sflag:s1] =	ssyncadd.s32 $0xFFFFF800  }
0x1ea: {  	[spmem:s4] =	stream.indirect.scatter.add.f32 [tilespmem:s14], [sflag:$0xD], $0x10, s30, s8, $0xb8;
	[tilespmem:$0x19C00] =	vst v63  }
0x1eb: {  	_ =	swait.ge [sflag:s7], $0x800  }
0x1ec: {  	[sflag:s7] =	ssyncset.done $0x0  }
0x1ed: {  	s30 =	sadd.s32 $0x5280, s29;
	[sflag:s7] =	ssyncadd.s32 $0xFFFFF800  }
0x1ee: {  	[spmem:s4] =	stream.indirect.scatter.add.f32 [tilespmem:s15], [sflag:$0xE], $0x10, s30, s8, $0xb8;
	[tilespmem:$0x19C00] =	vst v63  }
0x1ef: {  	_ =	swait.ge [sflag:s0], $0x800  }
0x1f0: {  	[sflag:s0] =	ssyncset.done $0x0  }
0x1f1: {  	s30 =	sadd.s32 $0x5300, s29;
	[sflag:s0] =	ssyncadd.s32 $0xFFFFF800  }
0x1f2: {  	[spmem:s4] =	stream.indirect.scatter.add.f32 [tilespmem:s16], [sflag:$0xF], $0x10, s30, s8, $0xb8;
	[tilespmem:$0x19C00] =	vst v63  }
0x1f3: {  	_ =	swait.ge [sflag:s3], $0x800  }
0x1f4: {  	p0 =	seq.s32 s13, $0x13000;
	[sflag:s3] =	ssyncset.done $0x0  }
.Ltmp4:
0x1f5: {  	s30 =	sadd.s32 $0x5380, s29;
	[sflag:s3] =	ssyncadd.s32 $0xFFFFF800;
	(pc) =	sbr.rel @p0 .LBB2_10-.Ltmp4, $4  }
0x1f6: {  	[spmem:s4] =	stream.indirect.scatter.add.f32 [tilespmem:s17], [sflag:$0x10], $0x10, s30, s8, $0xb8;
	[tilespmem:$0x19C00] =	vst v63  }
0x1f7: {  	_ =	swait.ge [sflag:s22], $0x800  }
0x1f8: {  	[sflag:s22] =	ssyncset.done $0x0  }
0x1f9: {  	[sflag:s22] =	ssyncadd.s32 $0xFFFFF800  }
0x1fa: {  	s30 =	sadd.s32 $0x400, s29  }
0x1fb: {  	[tilespmem:s9], [sflag:$0x1] =	stream.indirect.gather [spmem:s5], $0x10, s30, s8, $0xb8;
	[tilespmem:$0x19C00] =	vst v63  }
0x1fc: {  	_ =	swait.ge [sflag:s23], $0x800  }
0x1fd: {  	[sflag:s23] =	ssyncset.done $0x0  }
0x1fe: {  	s30 =	sadd.s32 $0x480, s29;
	[sflag:s23] =	ssyncadd.s32 $0xFFFFF800  }
0x1ff: {  	[tilespmem:s10], [sflag:$0x2] =	stream.indirect.gather [spmem:s5], $0x10, s30, s8, $0xb8;
	[tilespmem:$0x19C00] =	vst v63  }
0x200: {  	_ =	swait.ge [sflag:s24], $0x800  }
0x201: {  	[sflag:s24] =	ssyncset.done $0x0  }
0x202: {  	s30 =	sadd.s32 $0x500, s29;
	[sflag:s24] =	ssyncadd.s32 $0xFFFFF800  }
0x203: {  	[tilespmem:s11], [sflag:$0x3] =	stream.indirect.gather [spmem:s5], $0x10, s30, s8, $0xb8;
	[tilespmem:$0x19C00] =	vst v63  }
0x204: {  	_ =	swait.ge [sflag:s25], $0x800  }
0x205: {  	[sflag:s25] =	ssyncset.done $0x0  }
0x206: {  	s30 =	sadd.s32 $0x580, s29;
	[sflag:s25] =	ssyncadd.s32 $0xFFFFF800  }
0x207: {  	[tilespmem:s12], [sflag:$0x4] =	stream.indirect.gather [spmem:s5], $0x10, s30, s8, $0xb8;
	[tilespmem:$0x19C00] =	vst v63  }
0x208: {  	_ =	swait.ge [sflag:s26], $0x800  }
0x209: {  	[sflag:s26] =	ssyncset.done $0x0  }
0x20a: {  	s30 =	sadd.s32 $0x600, s29;
	[sflag:s26] =	ssyncadd.s32 $0xFFFFF800  }
0x20b: {  	[tilespmem:s14], [sflag:$0x5] =	stream.indirect.gather [spmem:s5], $0x10, s30, s8, $0xb8;
	[tilespmem:$0x19C00] =	vst v63  }
0x20c: {  	_ =	swait.ge [sflag:s6], $0x800  }
0x20d: {  	[sflag:s6] =	ssyncset.done $0x0  }
0x20e: {  	s30 =	sadd.s32 $0x680, s29;
	[sflag:s6] =	ssyncadd.s32 $0xFFFFF800  }
0x20f: {  	[tilespmem:s15], [sflag:$0x6] =	stream.indirect.gather [spmem:s5], $0x10, s30, s8, $0xb8;
	[tilespmem:$0x19C00] =	vst v63  }
0x210: {  	_ =	swait.ge [sflag:s2], $0x800  }
0x211: {  	[sflag:s2] =	ssyncset.done $0x0  }
0x212: {  	s30 =	sadd.s32 $0x700, s29;
	[sflag:s2] =	ssyncadd.s32 $0xFFFFF800  }
0x213: {  	[tilespmem:s16], [sflag:$0x7] =	stream.indirect.gather [spmem:s5], $0x10, s30, s8, $0xb8;
	[tilespmem:$0x19C00] =	vst v63  }
.Ltmp5:
0x214: {  	_ = 	snop;
	(pc) =	sbr.rel .LBB2_8-.Ltmp5, $4  }
0x215: {  	_ =	swait.ge [sflag:s28], $0x800  }
0x216: {  	[sflag:s28] =	ssyncset.done $0x0  }
0x217: {  	s13 =	sadd.s32 $0x1000, s13;
	s30 =	sadd.s32 $0x780, s29;
	[sflag:s28] =	ssyncadd.s32 $0xFFFFF800  }
0x218: {  	[tilespmem:s17], [sflag:$0x8] =	stream.indirect.gather [spmem:s5], $0x10, s30, s8, $0xb8;
	[tilespmem:$0x19C00] =	vst v63  }
.LBB2_10:
0x219: {  	s0 =	simm.s32 $0xA  }
0x21a: {  	_ =	swait.ge [sflag:s0], $0x800  }
0x21b: {  	[sflag:s0] =	ssyncset.done $0x0  }
0x21c: {  	s22 =	simm.s32 $0xB;
	[sflag:s0] =	ssyncadd.s32 $0xFFFFF800  }
0x21d: {  	_ =	swait.ge [sflag:s22], $0x800  }
0x21e: {  	[sflag:s22] =	ssyncset.done $0x0  }
0x21f: {  	s23 =	simm.s32 $0xC;
	[sflag:s22] =	ssyncadd.s32 $0xFFFFF800  }
0x220: {  	_ =	swait.ge [sflag:s23], $0x800  }
0x221: {  	[sflag:s23] =	ssyncset.done $0x0  }
0x222: {  	s24 =	simm.s32 $0xD;
	[sflag:s23] =	ssyncadd.s32 $0xFFFFF800  }
0x223: {  	_ =	swait.ge [sflag:s24], $0x800  }
0x224: {  	[sflag:s24] =	ssyncset.done $0x0  }
0x225: {  	s25 =	simm.s32 $0xE;
	[sflag:s24] =	ssyncadd.s32 $0xFFFFF800  }
0x226: {  	_ =	swait.ge [sflag:s25], $0x800  }
0x227: {  	[sflag:s25] =	ssyncset.done $0x0  }
0x228: {  	s26 =	simm.s32 $0xF;
	[sflag:s25] =	ssyncadd.s32 $0xFFFFF800  }
0x229: {  	_ =	swait.ge [sflag:s26], $0x800  }
0x22a: {  	[sflag:s26] =	ssyncset.done $0x0  }
0x22b: {  	s28 =	simm.s32 $0x10;
	[sflag:s26] =	ssyncadd.s32 $0xFFFFF800  }
0x22c: {  	_ =	swait.ge [sflag:s28], $0x800  }
0x22d: {  	[sflag:s28] =	ssyncset.done $0x0  }
0x22e: {  	[sflag:s28] =	ssyncadd.s32 $0xFFFFF800  }
0x22f: {  	s29 =	rddreg [dreg:$0x9];
	[bflag:$0x0] =	sbarrier.arrive $0xFFFF  }
0x230: {  	s1 =	rddreg [dreg:$0x7]  }
0x231: {  	s30 =	simm.s32 $0x11;
	s2 =	rddreg [dreg:$0x8]  }
0x232: {  	s0 =	sadd.s32 s29, s31;
	s1 =	sor.u32 $0x1C11, s1;
	s2 =	sshrl.u32 s2, $0x3  }
0x233: {  	[hbm:s0], [sflag:s1] =	dma.local [spmem:s2], $0x500  }
0x234: {  	_ =	swait.ge [sflag:s30], $0x500  }
0x235: {  	[sflag:s30] =	ssyncset.done $0x0  }
0x236: {  	[sflag:s30] =	ssyncadd.s32 $0xFFFFFB00  }
0x237: {  	_ =	sfence.sel $0x180000  }
0x238: {  	[bflag:$0x0] =	sbarrier.arrive $0xFFFF  }
0x239: {  	_ =	strace $0x90000047  }
0x23a: {  	s31 =	stileid.u32;
	[bflag:$0x2] =	sbarrier.arrive $0xFFFF  }
0x23b: {  	p0 =	sne.s32 s31, $0x0;
	s0 =	rddreg [dreg:$0x5]  }
0x23c: {  	s0 =	sadd.s32 @!p0 $0x100000, s0  }
0x23d: {  	[sflag:s0] =	ssyncadd.tile.s32 @!p0 $0x1;
	_ =	shalt  }
.Lfunc_end2:
_tile_overlayer_lowered:
.L_overlay_start_2:
0x23e: {  	(tag) =	ssettag $0x2  }
0x23f: {  	s0 =	rddreg [dreg:$0x0];
	s2 =	stileid.u32  }
0x240: {  	s1 =	rddreg [dreg:$0x1];
	p0 =	sne.s32 s2, $0x0  }
0x241: {  	s3 =	rddreg [dreg:$0x2];
	[bflag:$0x3] =	sbarrier.arrive $0xFFFF;
	s2 =	simm.s32 @!p0 $0x1C11  }
0x242: {  	[timem:s3], [sflag:s2] =	dma.local @!p0 [hbm:s0], s1  }
0x243: {  	s0 =	simm.s32 @!p0 $0x11  }
0x244: {  	_ =	swait.ge @!p0 [sflag:s0], s1  }
0x245: {  	s1 =	ssub.s32 @!p0 $0x0, s1;
	[sflag:s0] =	ssyncset.done @!p0 $0x0  }
0x246: {  	[sflag:s0] =	ssyncadd.s32 @!p0 s1  }
0x247: {  	[bflag:$0x3] =	sbarrier.arrive $0xFFFF  }
0x248: {  	_ =	shalt  }

</sc_bundles>
